<compile_context>
chip_gen: v7x
topology: tpu7x:2x2x1
jax: 0.10.2.dev20260603
libtpu: 0.0.44.dev20260713+nightly
codegen_flags: <defaults>
</compile_context>

<pallas_src>
import functools

import jax
import jax.numpy as jnp
from jax import lax
from jax.experimental import pallas as pl
from jax.experimental.pallas import tpu as pltpu
from jax.experimental.pallas import tpu_sc as plsc

_N, _E, _IN, _H, _OUT, _ED, _G = 10000, 40000, 64, 32, 10, 16, 500

_NW = 32
_EP = _E
_EPW = 1250
_ECH = 125
_EK = _EPW // _ECH
_NPAD = _N
_NP = 10016
_NPW = 313
_NK = 3
_GP = 512
_HX = _H + 16


def _sc_mesh():
    return plsc.VectorSubcoreMesh(
        core_axis_name="c", subcore_axis_name="s", num_cores=2, num_subcores=16
    )


_SC_PARAMS = pltpu.CompilerParams(use_tc_tiling_on_sc=False)



def _make_gather(d):

    @functools.partial(
        pl.kernel,
        out_type=jax.ShapeDtypeStruct((_EP, d), jnp.float32),
        mesh=_sc_mesh(),
        compiler_params=_SC_PARAMS,
        scratch_types=[
            pltpu.VMEM((_EK, _ECH), jnp.int32),
            pltpu.VMEM((_EPW, d), jnp.float32),
            pltpu.SemaphoreType.DMA,
        ],
    )
    def gk(table, idx, out, idx_v, rows_v, sem):
        wid = lax.axis_index("s") * 2 + lax.axis_index("c")
        pltpu.sync_copy(idx.at[wid], idx_v)
        cps = [
            pltpu.async_copy(
                table.at[idx_v.at[j]], rows_v.at[pl.ds(j * _ECH, _ECH)], sem
            )
            for j in range(_EK)
        ]
        for cp in cps:
            cp.wait()
        pltpu.sync_copy(rows_v, out.at[pl.ds(wid * _EPW, _EPW)])

    return gk


def _make_scatter():
    rpt = _NPAD // 16

    @functools.partial(
        pl.kernel,
        out_type=jax.ShapeDtypeStruct((2, _NPAD, _H), jnp.float32),
        mesh=_sc_mesh(),
        compiler_params=_SC_PARAMS,
        scratch_types=[
            pltpu.VMEM((_EK, _ECH), jnp.int32),
            pltpu.VMEM((_EPW, _H), jnp.float32),
            pltpu.VMEM_SHARED((_NPAD, _H), jnp.float32),
            pltpu.SemaphoreType.DMA,
        ],
    )
    def sk(msg, idx, zeros, out, idx_v, rows_v, accum, sem):
        c = lax.axis_index("c")
        s = lax.axis_index("s")
        wid = s * 2 + c
        pltpu.sync_copy(zeros.at[pl.ds(s * rpt, rpt)], accum.at[pl.ds(s * rpt, rpt)])
        pltpu.sync_copy(idx.at[wid], idx_v)
        pltpu.sync_copy(msg.at[pl.ds(wid * _EPW, _EPW)], rows_v)
        plsc.subcore_barrier()
        for j in range(_EK):
            pltpu.sync_copy(
                rows_v.at[pl.ds(j * _ECH, _ECH)], accum.at[idx_v.at[j]], add=True
            )
        plsc.subcore_barrier()
        pltpu.sync_copy(accum.at[pl.ds(s * rpt, rpt)], out.at[c, pl.ds(s * rpt, rpt)])

    return sk


def _make_pool():
    rpt = _GP // 16

    @functools.partial(
        pl.kernel,
        out_type=jax.ShapeDtypeStruct((2, _GP, _HX), jnp.float32),
        mesh=_sc_mesh(),
        compiler_params=_SC_PARAMS,
        scratch_types=[
            pltpu.VMEM((_NK, 128), jnp.int32),
            pltpu.VMEM((_NK * 128, _HX), jnp.float32),
            pltpu.VMEM_SHARED((_GP, _HX), jnp.float32),
            pltpu.SemaphoreType.DMA,
        ],
    )
    def pk(hx, idx, zeros, out, idx_v, rows_v, accum, sem):
        c = lax.axis_index("c")
        s = lax.axis_index("s")
        wid = s * 2 + c
        pltpu.sync_copy(zeros.at[pl.ds(s * rpt, rpt)], accum.at[pl.ds(s * rpt, rpt)])
        pltpu.sync_copy(idx.at[wid], idx_v)
        pltpu.sync_copy(hx.at[pl.ds(wid * _NPW, _NPW)], rows_v.at[pl.ds(0, _NPW)])
        plsc.subcore_barrier()
        for j in range(_NK):
            pltpu.sync_copy(
                rows_v.at[pl.ds(j * 128, 128)], accum.at[idx_v.at[j]], add=True
            )
        plsc.subcore_barrier()
        pltpu.sync_copy(accum.at[pl.ds(s * rpt, rpt)], out.at[c, pl.ds(s * rpt, rpt)])

    return pk



def _edge_call(xs, ea, wall, sel, fold, bm, ic):
    te = 1000
    grid = _EP // te

    def body(xs_ref, ea_ref, w_ref, sel_ref, f_ref, b_ref, o_ref):
        xv = xs_ref[...]
        ev = ea_ref[...]
        s = jnp.dot(ev, sel_ref[...], preferred_element_type=jnp.float32)
        acc = None
        for q in range(4):
            y = jnp.dot(
                xv,
                w_ref[:, 128 * q : 128 * (q + 1)],
                preferred_element_type=jnp.float32,
            )
            z = s[:, 128 * q : 128 * (q + 1)] * y
            acc = z if acc is None else acc + z
        o_ref[...] = jnp.dot(
            acc, f_ref[...], preferred_element_type=jnp.float32
        ) + jnp.dot(xv, b_ref[...], preferred_element_type=jnp.float32)

    return pl.pallas_call(
        body,
        grid=(grid,),
        in_specs=[
            pl.BlockSpec((te, ic), lambda i: (i, 0)),
            pl.BlockSpec((te, _ED), lambda i: (i, 0)),
            pl.BlockSpec((ic, _ED * _H), lambda i: (0, 0)),
            pl.BlockSpec((_ED, _ED * _H), lambda i: (0, 0)),
            pl.BlockSpec((4 * _H, _H), lambda i: (0, 0)),
            pl.BlockSpec((ic, _H), lambda i: (0, 0)),
        ],
        out_specs=pl.BlockSpec((te, _H), lambda i: (i, 0)),
        out_shape=jax.ShapeDtypeStruct((_EP, _H), jnp.float32),
    )(xs, ea, wall, sel, fold, bm)


def _node_call(p, xin, root, bias, ic):
    tn = 2000
    grid = _N // tn

    def body(p_ref, x_ref, r_ref, b_ref, o_ref):
        acc = (
            p_ref[0]
            + p_ref[1]
            + jnp.dot(x_ref[...], r_ref[...], preferred_element_type=jnp.float32)
            + b_ref[...]
        )
        o_ref[...] = jnp.maximum(acc, 0.0)

    return pl.pallas_call(
        body,
        grid=(grid,),
        in_specs=[
            pl.BlockSpec((2, tn, _H), lambda i: (0, i, 0)),
            pl.BlockSpec((tn, ic), lambda i: (i, 0)),
            pl.BlockSpec((ic, _H), lambda i: (0, 0)),
            pl.BlockSpec((1, _H), lambda i: (0, 0)),
        ],
        out_specs=pl.BlockSpec((tn, _H), lambda i: (i, 0)),
        out_shape=jax.ShapeDtypeStruct((_N, _H), jnp.float32),
    )(p, xin, root, bias.reshape(1, _H))


def _node3_call(p, xin, root, bias):
    tn = 2000
    grid = _N // tn

    def body(p_ref, x_ref, r_ref, b_ref, emb_ref, hx_ref):
        emb = (
            p_ref[0]
            + p_ref[1]
            + jnp.dot(x_ref[...], r_ref[...], preferred_element_type=jnp.float32)
            + b_ref[...]
        )
        emb_ref[...] = emb
        hr = jnp.maximum(emb, 0.0)
        hx_ref[...] = jnp.concatenate(
            [hr, jnp.ones((tn, _HX - _H), jnp.float32)], axis=1
        )

    return pl.pallas_call(
        body,
        grid=(grid,),
        in_specs=[
            pl.BlockSpec((2, tn, _H), lambda i: (0, i, 0)),
            pl.BlockSpec((tn, _H), lambda i: (i, 0)),
            pl.BlockSpec((_H, _H), lambda i: (0, 0)),
            pl.BlockSpec((1, _H), lambda i: (0, 0)),
        ],
        out_specs=[
            pl.BlockSpec((tn, _H), lambda i: (i, 0)),
            pl.BlockSpec((tn, _HX), lambda i: (i, 0)),
        ],
        out_shape=[
            jax.ShapeDtypeStruct((_N, _H), jnp.float32),
            jax.ShapeDtypeStruct((_N, _HX), jnp.float32),
        ],
    )(p, xin, root, bias.reshape(1, _H))


def _head_call(pp, P1, pb1, P2, pb2):
    def body(p_ref, w1_ref, b1_ref, w2_ref, b2_ref, o_ref):
        s = p_ref[0] + p_ref[1]
        tot = s[:, : _H]
        cnt = s[:, _H : _H + 1]
        pooled = tot / jnp.maximum(cnt, 1.0)
        t = (
            jnp.dot(pooled, w1_ref[...], preferred_element_type=jnp.float32)
            + b1_ref[...]
        )
        o_ref[...] = (
            jnp.dot(t, w2_ref[...], preferred_element_type=jnp.float32) + b2_ref[...]
        )

    return pl.pallas_call(
        body,
        grid=(1,),
        in_specs=[
            pl.BlockSpec((2, _GP, _HX), lambda i: (0, 0, 0)),
            pl.BlockSpec((_H, _H), lambda i: (0, 0)),
            pl.BlockSpec((1, _H), lambda i: (0, 0)),
            pl.BlockSpec((_H, _OUT), lambda i: (0, 0)),
            pl.BlockSpec((1, _OUT), lambda i: (0, 0)),
        ],
        out_specs=pl.BlockSpec((_GP, _OUT), lambda i: (0, 0)),
        out_shape=jax.ShapeDtypeStruct((_GP, _OUT), jnp.float32),
    )(pp, P1, pb1.reshape(1, _H), P2, pb2.reshape(1, _OUT))



def kernel(x, edge_index, edge_attr, batch,
           We1, be1, root1, bias1,
           We2, be2, root2, bias2,
           root3, bias3,
           P1, pb1, P2, pb2):
    f32 = jnp.float32
    src = edge_index[0].astype(jnp.int32)
    dst = edge_index[1].astype(jnp.int32)
    srcp = src.reshape(_NW, _EK, _ECH)
    dstp = dst.reshape(_NW, _EK, _ECH)
    bat = jnp.pad(
        jnp.pad(batch.astype(jnp.int32), (0, _NP - _N), constant_values=_G)
        .reshape(_NW, _NPW),
        ((0, 0), (0, _NK * 128 - _NPW)),
        constant_values=_G,
    ).reshape(_NW, _NK, 128)
    eap = edge_attr
    zn = jnp.zeros((_NPAD, _H), f32)
    zg = jnp.zeros((_GP, _HX), f32)
    wall1 = We1.reshape(_ED, _IN, _H).transpose(1, 0, 2).reshape(_IN, _ED * _H)
    bm1 = be1.reshape(_IN, _H)
    wall2 = We2.reshape(_ED, _H, _H).transpose(1, 0, 2).reshape(_H, _ED * _H)
    bm2 = be2.reshape(_H, _H)
    sel = jnp.repeat(jnp.eye(_ED, dtype=f32), _H, axis=1)
    fold = jnp.tile(jnp.eye(_H, dtype=f32), (4, 1))

    g64 = _make_gather(_IN)
    g32 = _make_gather(_H)
    sk = _make_scatter()
    pk = _make_pool()

    xs1 = g64(x, srcp)
    m1 = _edge_call(xs1, eap, wall1, sel, fold, bm1, _IN)
    p1 = sk(m1, dstp, zn)
    h1 = _node_call(p1, x, root1, bias1, _IN)

    xs2 = g32(h1, srcp)
    m2 = _edge_call(xs2, eap, wall2, sel, fold, bm2, _H)
    p2 = sk(m2, dstp, zn)
    h2 = _node_call(p2, h1, root2, bias2, _H)

    xs3 = g32(h2, srcp)
    m3 = _edge_call(xs3, eap, wall2, sel, fold, bm2, _H)
    p3 = sk(m3, dstp, zn)
    emb, hext = _node3_call(p3, h2, root3, bias3)

    hxp = jnp.pad(hext, ((0, _NP - _N), (0, 0)))
    pp = pk(hxp, bat, zg)
    out = _head_call(pp, P1, pb1, P2, pb2)[: _G]
    return (emb, out)

# --- scband reference (transcript-rebuilt; emitter-appended) ---
"""Pipeline reference for scband-nnconv-base-53644141527488 (READ-ONLY COPY).

The authoritative reference and input builder live on the scoring server;
editing this copy changes nothing except your own understanding.
"""

import jax, jax.numpy as jnp
import numpy as np

N = 10000
E = 40000
IN = 64
H = 32
OUT = 10
ED = 16
G = 500


def _nnconv(x, src, dst, edge_attr, We, be, root, bias, ic, oc):
    # edge MLP -> per-edge weight matrix [E, ic, oc]
    w = (edge_attr @ We + be).reshape(-1, ic, oc)
    msg = jnp.einsum('ei,eio->eo', x[src], w)
    agg = jax.ops.segment_sum(msg, dst, num_segments=x.shape[0])
    return agg + x @ root + bias


def setup_inputs(seed: int = 0) -> dict:
    key = jax.random.key(seed)
    ks = jax.random.split(key, 20)
    x = jax.random.normal(ks[0], (N, IN), dtype=jnp.float32)
    edge_index = jax.random.randint(ks[1], (2, E), 0, N, dtype=jnp.int64)
    edge_attr = jax.random.normal(ks[2], (E, ED), dtype=jnp.float32)
    batch = jnp.sort(jax.random.randint(ks[3], (N,), 0, G, dtype=jnp.int64))
    s_e = 1.0 / np.sqrt(ED)
    s_in = 1.0 / np.sqrt(IN)
    s_h = 1.0 / np.sqrt(H)
    We1 = jax.random.uniform(ks[4], (ED, IN * H), minval=-s_e, maxval=s_e, dtype=jnp.float32)
    be1 = jax.random.uniform(ks[5], (IN * H,), minval=-s_e, maxval=s_e, dtype=jnp.float32)
    root1 = jax.random.uniform(ks[6], (IN, H), minval=-s_in, maxval=s_in, dtype=jnp.float32)
    bias1 = jnp.zeros((H,), dtype=jnp.float32)
    # conv2 and conv3 share edge_mlp2 but have their own root/bias
    We2 = jax.random.uniform(ks[7], (ED, H * H), minval=-s_e, maxval=s_e, dtype=jnp.float32)
    be2 = jax.random.uniform(ks[8], (H * H,), minval=-s_e, maxval=s_e, dtype=jnp.float32)
    root2 = jax.random.uniform(ks[9], (H, H), minval=-s_h, maxval=s_h, dtype=jnp.float32)
    bias2 = jnp.zeros((H,), dtype=jnp.float32)
    root3 = jax.random.uniform(ks[10], (H, H), minval=-s_h, maxval=s_h, dtype=jnp.float32)
    bias3 = jnp.zeros((H,), dtype=jnp.float32)
    P1 = jax.random.uniform(ks[11], (H, H), minval=-s_h, maxval=s_h, dtype=jnp.float32)
    pb1 = jax.random.uniform(ks[12], (H,), minval=-s_h, maxval=s_h, dtype=jnp.float32)
    P2 = jax.random.uniform(ks[13], (H, OUT), minval=-s_h, maxval=s_h, dtype=jnp.float32)
    pb2 = jax.random.uniform(ks[14], (OUT,), minval=-s_h, maxval=s_h, dtype=jnp.float32)
    return {
        'x': x, 'edge_index': edge_index, 'edge_attr': edge_attr, 'batch': batch,
        'We1': We1, 'be1': be1, 'root1': root1, 'bias1': bias1,
        'We2': We2, 'be2': be2, 'root2': root2, 'bias2': bias2,
        'root3': root3, 'bias3': bias3,
        'P1': P1, 'pb1': pb1, 'P2': P2, 'pb2': pb2,
    }


def reference(x, edge_index, edge_attr, batch,
              We1, be1, root1, bias1,
              We2, be2, root2, bias2,
              root3, bias3,
              P1, pb1, P2, pb2):
    src = edge_index[0]
    dst = edge_index[1]
    h = _nnconv(x, src, dst, edge_attr, We1, be1, root1, bias1, IN, H)
    h = jax.nn.relu(h)  # dropout is identity in eval mode
    h = _nnconv(h, src, dst, edge_attr, We2, be2, root2, bias2, H, H)
    h = jax.nn.relu(h)
    emb = _nnconv(h, src, dst, edge_attr, We2, be2, root3, bias3, H, H)
    h = jax.nn.relu(emb)
    # global_mean_pool
    cnt = jax.ops.segment_sum(jnp.ones((N,), dtype=jnp.float32), batch, num_segments=G)
    pooled = jax.ops.segment_sum(h, batch, num_segments=G) / jnp.clip(cnt, 1.0)[:, None]
    out = (pooled @ P1 + pb1) @ P2 + pb2
    return (emb, out)

if __name__ == "__main__":
    import jax
    _d = setup_inputs()
    print(jax.jit(kernel)(*tuple(_d.values())))

</pallas_src>

<mosaic_0001>
#map = affine_map<(d0, d1) -> (0, 0)>
#map1 = affine_map<(d0, d1) -> (0, 0, 0)>
module attributes {stable_mosaic.version = 14 : i64} {
  func.func @sk(%arg0: i32, %arg1: i32, %arg2: memref<40000x32xf32, #tpu.memory_space<hbm>>, %arg3: memref<32x10x125xi32, #tpu.memory_space<hbm>>, %arg4: memref<10000x32xf32, #tpu.memory_space<hbm>>, %arg5: memref<2x10000x32xf32, #tpu.memory_space<hbm>>, %arg6: memref<10x125xi32, #tpu.memory_space<vmem>>, %arg7: memref<1250x32xf32, #tpu.memory_space<vmem>>, %arg8: memref<10000x32xf32, #tpu.memory_space<vmem_shared>>, %arg9: memref<!tpu.dma_semaphore, #tpu.memory_space<semaphore_mem>>) attributes {dimension_semantics = [#tpu.dimension_semantics<core_parallel>, #tpu.dimension_semantics<subcore_parallel>], iteration_bounds = array<i64: 2, 16>, scalar_prefetch = 0 : i64, scratch_operands = 4 : i64, tpu.core_type = #tpu.core_type<sc_vector_subcore>, window_params = [{transform_indices = #map}, {transform_indices = #map1}, {transform_indices = #map}, {transform_indices = #map1}]} {
    %mul3A = arith.constant 2 : i32
    %mul3A_0 = arith.muli %arg1, %mul3A : i32
    %add3A = arith.addi %mul3A_0, %arg0 : i32
    %mul3A_1 = arith.constant 625 : i32
    %mul3A_2 = arith.muli %arg1, %mul3A_1 : i32
    %mul3A_3 = arith.constant 625 : i32
    %mul3A_4 = arith.muli %arg1, %mul3A_3 : i32
    "tpu.region"() ({
      %run_scoped3A_21 = tpu.sem_alloc : memref<!tpu.dma_semaphore, #tpu.memory_space<semaphore_mem>>
      %dma_start3A = arith.constant 0 : i32
      %dma_start3A_22 = tpu.memref_slice %arg8[%mul3A_4, %dma_start3A] : memref<10000x32xf32, #tpu.memory_space<vmem_shared>> -> memref<625x32xf32, #tpu.memory_space<vmem_shared>>
      %dma_start3A_23 = arith.constant 0 : i32
      %dma_start3A_24 = tpu.memref_slice %arg4[%mul3A_2, %dma_start3A_23] : memref<10000x32xf32, #tpu.memory_space<hbm>> -> memref<625x32xf32, #tpu.memory_space<hbm>>
      tpu.enqueue_dma source(%dma_start3A_24 : memref<625x32xf32, #tpu.memory_space<hbm>>) target(%dma_start3A_22 : memref<625x32xf32, #tpu.memory_space<vmem_shared>>) target_semaphore(%run_scoped3A_21 : memref<!tpu.dma_semaphore, #tpu.memory_space<semaphore_mem>>)
      %dma_wait3A = arith.constant 0 : i32
      %dma_wait3A_25 = tpu.memref_slice %arg8[%mul3A_4, %dma_wait3A] : memref<10000x32xf32, #tpu.memory_space<vmem_shared>> -> memref<625x32xf32, #tpu.memory_space<vmem_shared>>
      %dma_wait3A_26 = arith.constant 0 : i32
      %dma_wait3A_27 = tpu.memref_slice %arg4[%mul3A_2, %dma_wait3A_26] : memref<10000x32xf32, #tpu.memory_space<hbm>> -> memref<625x32xf32, #tpu.memory_space<hbm>>
      tpu.wait_dma2 semaphore(%run_scoped3A_21 : memref<!tpu.dma_semaphore, #tpu.memory_space<semaphore_mem>>) src(%dma_wait3A_27 : memref<625x32xf32, #tpu.memory_space<hbm>>) dst(%dma_wait3A_25 : memref<625x32xf32, #tpu.memory_space<vmem_shared>>)
      tpu.yield
    }) : () -> ()
    "tpu.region"() ({
      %run_scoped3A_21 = tpu.sem_alloc : memref<!tpu.dma_semaphore, #tpu.memory_space<semaphore_mem>>
      %dma_start3A = arith.constant 0 : i32
      %dma_start3A_22 = arith.constant 0 : i32
      %dma_start3A_23 = tpu.memref_slice %arg3[%add3A, %dma_start3A, %dma_start3A_22] : memref<32x10x125xi32, #tpu.memory_space<hbm>> -> memref<1x10x125xi32, #tpu.memory_space<hbm>>
      %dma_start3A_24 = tpu.memref_squeeze %dma_start3A_23 : memref<1x10x125xi32, #tpu.memory_space<hbm>> -> memref<10x125xi32, #tpu.memory_space<hbm>>
      %dma_start3A_25 = arith.constant 0 : i32
      %dma_start3A_26 = arith.constant 0 : i32
      %dma_start3A_27 = tpu.memref_slice %arg3[%add3A, %dma_start3A_25, %dma_start3A_26] : memref<32x10x125xi32, #tpu.memory_space<hbm>> -> memref<1x10x125xi32, #tpu.memory_space<hbm>>
      %dma_start3A_28 = tpu.memref_squeeze %dma_start3A_27 : memref<1x10x125xi32, #tpu.memory_space<hbm>> -> memref<10x125xi32, #tpu.memory_space<hbm>>
      tpu.enqueue_dma source(%dma_start3A_28 : memref<10x125xi32, #tpu.memory_space<hbm>>) target(%arg6 : memref<10x125xi32, #tpu.memory_space<vmem>>) target_semaphore(%run_scoped3A_21 : memref<!tpu.dma_semaphore, #tpu.memory_space<semaphore_mem>>)
      %dma_wait3A = arith.constant 0 : i32
      %dma_wait3A_29 = arith.constant 0 : i32
      %dma_wait3A_30 = tpu.memref_slice %arg3[%add3A, %dma_wait3A, %dma_wait3A_29] : memref<32x10x125xi32, #tpu.memory_space<hbm>> -> memref<1x10x125xi32, #tpu.memory_space<hbm>>
      %dma_wait3A_31 = tpu.memref_squeeze %dma_wait3A_30 : memref<1x10x125xi32, #tpu.memory_space<hbm>> -> memref<10x125xi32, #tpu.memory_space<hbm>>
      %dma_wait3A_32 = arith.constant 0 : i32
      %dma_wait3A_33 = arith.constant 0 : i32
      %dma_wait3A_34 = tpu.memref_slice %arg3[%add3A, %dma_wait3A_32, %dma_wait3A_33] : memref<32x10x125xi32, #tpu.memory_space<hbm>> -> memref<1x10x125xi32, #tpu.memory_space<hbm>>
      %dma_wait3A_35 = tpu.memref_squeeze %dma_wait3A_34 : memref<1x10x125xi32, #tpu.memory_space<hbm>> -> memref<10x125xi32, #tpu.memory_space<hbm>>
      tpu.wait_dma2 semaphore(%run_scoped3A_21 : memref<!tpu.dma_semaphore, #tpu.memory_space<semaphore_mem>>) src(%dma_wait3A_35 : memref<10x125xi32, #tpu.memory_space<hbm>>) dst(%arg6 : memref<10x125xi32, #tpu.memory_space<vmem>>)
      tpu.yield
    }) : () -> ()
    %mul3A_5 = arith.constant 1250 : i32
    %mul3A_6 = arith.muli %add3A, %mul3A_5 : i32
    "tpu.region"() ({
      %run_scoped3A_21 = tpu.sem_alloc : memref<!tpu.dma_semaphore, #tpu.memory_space<semaphore_mem>>
      %dma_start3A = arith.constant 0 : i32
      %dma_start3A_22 = tpu.memref_slice %arg2[%mul3A_6, %dma_start3A] : memref<40000x32xf32, #tpu.memory_space<hbm>> -> memref<1250x32xf32, #tpu.memory_space<hbm>>
      %dma_start3A_23 = arith.constant 0 : i32
      %dma_start3A_24 = tpu.memref_slice %arg2[%mul3A_6, %dma_start3A_23] : memref<40000x32xf32, #tpu.memory_space<hbm>> -> memref<1250x32xf32, #tpu.memory_space<hbm>>
      tpu.enqueue_dma source(%dma_start3A_24 : memref<1250x32xf32, #tpu.memory_space<hbm>>) target(%arg7 : memref<1250x32xf32, #tpu.memory_space<vmem>>) target_semaphore(%run_scoped3A_21 : memref<!tpu.dma_semaphore, #tpu.memory_space<semaphore_mem>>)
      %dma_wait3A = arith.constant 0 : i32
      %dma_wait3A_25 = tpu.memref_slice %arg2[%mul3A_6, %dma_wait3A] : memref<40000x32xf32, #tpu.memory_space<hbm>> -> memref<1250x32xf32, #tpu.memory_space<hbm>>
      %dma_wait3A_26 = arith.constant 0 : i32
      %dma_wait3A_27 = tpu.memref_slice %arg2[%mul3A_6, %dma_wait3A_26] : memref<40000x32xf32, #tpu.memory_space<hbm>> -> memref<1250x32xf32, #tpu.memory_space<hbm>>
      tpu.wait_dma2 semaphore(%run_scoped3A_21 : memref<!tpu.dma_semaphore, #tpu.memory_space<semaphore_mem>>) src(%dma_wait3A_27 : memref<1250x32xf32, #tpu.memory_space<hbm>>) dst(%arg7 : memref<1250x32xf32, #tpu.memory_space<vmem>>)
      tpu.yield
    }) : () -> ()
    %barrier3A = arith.constant 0 : index
    tpu.barrier barrier_id(%barrier3A)
    %run_scoped3A = arith.constant 0 : i32
    "tpu.region"() ({
      %run_scoped3A_21 = tpu.sem_alloc : memref<!tpu.dma_semaphore, #tpu.memory_space<semaphore_mem>>
      %dma_start3A = arith.constant 0 : i32
      %dma_start3A_22 = arith.constant 0 : i32
      %dma_start3A_23 = tpu.memref_slice %arg7[%dma_start3A, %dma_start3A_22] : memref<1250x32xf32, #tpu.memory_space<vmem>> -> memref<125x32xf32, #tpu.memory_space<vmem>>
      %dma_start3A_24 = arith.constant 0 : i32
      %dma_start3A_25 = tpu.memref_slice %arg6[%run_scoped3A, %dma_start3A_24] : memref<10x125xi32, #tpu.memory_space<vmem>> -> memref<1x125xi32, #tpu.memory_space<vmem>>
      %dma_start3A_26 = tpu.memref_squeeze %dma_start3A_25 : memref<1x125xi32, #tpu.memory_space<vmem>> -> memref<125xi32, #tpu.memory_space<vmem>>
      %dma_start3A_27 = arith.constant 0 : i32
      %dma_start3A_28 = arith.constant 0 : i32
      %dma_start3A_29 = tpu.memref_slice %arg8[%dma_start3A_27, %dma_start3A_28] : memref<10000x32xf32, #tpu.memory_space<vmem_shared>> -> memref<10000x32xf32, #tpu.memory_space<vmem_shared>>
      tpu.enqueue_indirect_dma source(%dma_start3A_23 : memref<125x32xf32, #tpu.memory_space<vmem>>) target(%dma_start3A_29 : memref<10000x32xf32, #tpu.memory_space<vmem_shared>>) offsets(%dma_start3A_26 : memref<125xi32, #tpu.memory_space<vmem>>) semaphore(%run_scoped3A_21 : memref<!tpu.dma_semaphore, #tpu.memory_space<semaphore_mem>>) {add = true}
      %dma_wait3A = arith.constant 0 : i32
      %dma_wait3A_30 = arith.constant 0 : i32
      %dma_wait3A_31 = tpu.memref_slice %arg7[%dma_wait3A, %dma_wait3A_30] : memref<1250x32xf32, #tpu.memory_space<vmem>> -> memref<125x32xf32, #tpu.memory_space<vmem>>
      %dma_wait3A_32 = arith.constant 0 : i32
      %dma_wait3A_33 = tpu.memref_slice %arg6[%run_scoped3A, %dma_wait3A_32] : memref<10x125xi32, #tpu.memory_space<vmem>> -> memref<1x125xi32, #tpu.memory_space<vmem>>
      %dma_wait3A_34 = tpu.memref_squeeze %dma_wait3A_33 : memref<1x125xi32, #tpu.memory_space<vmem>> -> memref<125xi32, #tpu.memory_space<vmem>>
      %dma_wait3A_35 = arith.constant 0 : i32
      %dma_wait3A_36 = arith.constant 0 : i32
      %dma_wait3A_37 = tpu.memref_slice %arg8[%dma_wait3A_35, %dma_wait3A_36] : memref<10000x32xf32, #tpu.memory_space<vmem_shared>> -> memref<10000x32xf32, #tpu.memory_space<vmem_shared>>
      tpu.wait_indirect_dma semaphore(%run_scoped3A_21 : memref<!tpu.dma_semaphore, #tpu.memory_space<semaphore_mem>>) src(%dma_wait3A_31 : memref<125x32xf32, #tpu.memory_space<vmem>>) dst(%dma_wait3A_37 : memref<10000x32xf32, #tpu.memory_space<vmem_shared>>)
      tpu.yield
    }) : () -> ()
    %run_scoped3A_7 = arith.constant 1 : i32
    "tpu.region"() ({
      %run_scoped3A_21 = tpu.sem_alloc : memref<!tpu.dma_semaphore, #tpu.memory_space<semaphore_mem>>
      %dma_start3A = arith.constant 125 : i32
      %dma_start3A_22 = arith.constant 0 : i32
      %dma_start3A_23 = tpu.memref_slice %arg7[%dma_start3A, %dma_start3A_22] : memref<1250x32xf32, #tpu.memory_space<vmem>> -> memref<125x32xf32, #tpu.memory_space<vmem>>
      %dma_start3A_24 = arith.constant 0 : i32
      %dma_start3A_25 = tpu.memref_slice %arg6[%run_scoped3A_7, %dma_start3A_24] : memref<10x125xi32, #tpu.memory_space<vmem>> -> memref<1x125xi32, #tpu.memory_space<vmem>>
      %dma_start3A_26 = tpu.memref_squeeze %dma_start3A_25 : memref<1x125xi32, #tpu.memory_space<vmem>> -> memref<125xi32, #tpu.memory_space<vmem>>
      %dma_start3A_27 = arith.constant 0 : i32
      %dma_start3A_28 = arith.constant 0 : i32
      %dma_start3A_29 = tpu.memref_slice %arg8[%dma_start3A_27, %dma_start3A_28] : memref<10000x32xf32, #tpu.memory_space<vmem_shared>> -> memref<10000x32xf32, #tpu.memory_space<vmem_shared>>
      tpu.enqueue_indirect_dma source(%dma_start3A_23 : memref<125x32xf32, #tpu.memory_space<vmem>>) target(%dma_start3A_29 : memref<10000x32xf32, #tpu.memory_space<vmem_shared>>) offsets(%dma_start3A_26 : memref<125xi32, #tpu.memory_space<vmem>>) semaphore(%run_scoped3A_21 : memref<!tpu.dma_semaphore, #tpu.memory_space<semaphore_mem>>) {add = true}
      %dma_wait3A = arith.constant 125 : i32
      %dma_wait3A_30 = arith.constant 0 : i32
      %dma_wait3A_31 = tpu.memref_slice %arg7[%dma_wait3A, %dma_wait3A_30] : memref<1250x32xf32, #tpu.memory_space<vmem>> -> memref<125x32xf32, #tpu.memory_space<vmem>>
      %dma_wait3A_32 = arith.constant 0 : i32
      %dma_wait3A_33 = tpu.memref_slice %arg6[%run_scoped3A_7, %dma_wait3A_32] : memref<10x125xi32, #tpu.memory_space<vmem>> -> memref<1x125xi32, #tpu.memory_space<vmem>>
      %dma_wait3A_34 = tpu.memref_squeeze %dma_wait3A_33 : memref<1x125xi32, #tpu.memory_space<vmem>> -> memref<125xi32, #tpu.memory_space<vmem>>
      %dma_wait3A_35 = arith.constant 0 : i32
      %dma_wait3A_36 = arith.constant 0 : i32
      %dma_wait3A_37 = tpu.memref_slice %arg8[%dma_wait3A_35, %dma_wait3A_36] : memref<10000x32xf32, #tpu.memory_space<vmem_shared>> -> memref<10000x32xf32, #tpu.memory_space<vmem_shared>>
      tpu.wait_indirect_dma semaphore(%run_scoped3A_21 : memref<!tpu.dma_semaphore, #tpu.memory_space<semaphore_mem>>) src(%dma_wait3A_31 : memref<125x32xf32, #tpu.memory_space<vmem>>) dst(%dma_wait3A_37 : memref<10000x32xf32, #tpu.memory_space<vmem_shared>>)
      tpu.yield
    }) : () -> ()
    %run_scoped3A_8 = arith.constant 2 : i32
    "tpu.region"() ({
      %run_scoped3A_21 = tpu.sem_alloc : memref<!tpu.dma_semaphore, #tpu.memory_space<semaphore_mem>>
      %dma_start3A = arith.constant 250 : i32
      %dma_start3A_22 = arith.constant 0 : i32
      %dma_start3A_23 = tpu.memref_slice %arg7[%dma_start3A, %dma_start3A_22] : memref<1250x32xf32, #tpu.memory_space<vmem>> -> memref<125x32xf32, #tpu.memory_space<vmem>>
      %dma_start3A_24 = arith.constant 0 : i32
      %dma_start3A_25 = tpu.memref_slice %arg6[%run_scoped3A_8, %dma_start3A_24] : memref<10x125xi32, #tpu.memory_space<vmem>> -> memref<1x125xi32, #tpu.memory_space<vmem>>
      %dma_start3A_26 = tpu.memref_squeeze %dma_start3A_25 : memref<1x125xi32, #tpu.memory_space<vmem>> -> memref<125xi32, #tpu.memory_space<vmem>>
      %dma_start3A_27 = arith.constant 0 : i32
      %dma_start3A_28 = arith.constant 0 : i32
      %dma_start3A_29 = tpu.memref_slice %arg8[%dma_start3A_27, %dma_start3A_28] : memref<10000x32xf32, #tpu.memory_space<vmem_shared>> -> memref<10000x32xf32, #tpu.memory_space<vmem_shared>>
      tpu.enqueue_indirect_dma source(%dma_start3A_23 : memref<125x32xf32, #tpu.memory_space<vmem>>) target(%dma_start3A_29 : memref<10000x32xf32, #tpu.memory_space<vmem_shared>>) offsets(%dma_start3A_26 : memref<125xi32, #tpu.memory_space<vmem>>) semaphore(%run_scoped3A_21 : memref<!tpu.dma_semaphore, #tpu.memory_space<semaphore_mem>>) {add = true}
      %dma_wait3A = arith.constant 250 : i32
      %dma_wait3A_30 = arith.constant 0 : i32
      %dma_wait3A_31 = tpu.memref_slice %arg7[%dma_wait3A, %dma_wait3A_30] : memref<1250x32xf32, #tpu.memory_space<vmem>> -> memref<125x32xf32, #tpu.memory_space<vmem>>
      %dma_wait3A_32 = arith.constant 0 : i32
      %dma_wait3A_33 = tpu.memref_slice %arg6[%run_scoped3A_8, %dma_wait3A_32] : memref<10x125xi32, #tpu.memory_space<vmem>> -> memref<1x125xi32, #tpu.memory_space<vmem>>
      %dma_wait3A_34 = tpu.memref_squeeze %dma_wait3A_33 : memref<1x125xi32, #tpu.memory_space<vmem>> -> memref<125xi32, #tpu.memory_space<vmem>>
      %dma_wait3A_35 = arith.constant 0 : i32
      %dma_wait3A_36 = arith.constant 0 : i32
      %dma_wait3A_37 = tpu.memref_slice %arg8[%dma_wait3A_35, %dma_wait3A_36] : memref<10000x32xf32, #tpu.memory_space<vmem_shared>> -> memref<10000x32xf32, #tpu.memory_space<vmem_shared>>
      tpu.wait_indirect_dma semaphore(%run_scoped3A_21 : memref<!tpu.dma_semaphore, #tpu.memory_space<semaphore_mem>>) src(%dma_wait3A_31 : memref<125x32xf32, #tpu.memory_space<vmem>>) dst(%dma_wait3A_37 : memref<10000x32xf32, #tpu.memory_space<vmem_shared>>)
      tpu.yield
    }) : () -> ()
    %run_scoped3A_9 = arith.constant 3 : i32
    "tpu.region"() ({
      %run_scoped3A_21 = tpu.sem_alloc : memref<!tpu.dma_semaphore, #tpu.memory_space<semaphore_mem>>
      %dma_start3A = arith.constant 375 : i32
      %dma_start3A_22 = arith.constant 0 : i32
      %dma_start3A_23 = tpu.memref_slice %arg7[%dma_start3A, %dma_start3A_22] : memref<1250x32xf32, #tpu.memory_space<vmem>> -> memref<125x32xf32, #tpu.memory_space<vmem>>
      %dma_start3A_24 = arith.constant 0 : i32
      %dma_start3A_25 = tpu.memref_slice %arg6[%run_scoped3A_9, %dma_start3A_24] : memref<10x125xi32, #tpu.memory_space<vmem>> -> memref<1x125xi32, #tpu.memory_space<vmem>>
      %dma_start3A_26 = tpu.memref_squeeze %dma_start3A_25 : memref<1x125xi32, #tpu.memory_space<vmem>> -> memref<125xi32, #tpu.memory_space<vmem>>
      %dma_start3A_27 = arith.constant 0 : i32
      %dma_start3A_28 = arith.constant 0 : i32
      %dma_start3A_29 = tpu.memref_slice %arg8[%dma_start3A_27, %dma_start3A_28] : memref<10000x32xf32, #tpu.memory_space<vmem_shared>> -> memref<10000x32xf32, #tpu.memory_space<vmem_shared>>
      tpu.enqueue_indirect_dma source(%dma_start3A_23 : memref<125x32xf32, #tpu.memory_space<vmem>>) target(%dma_start3A_29 : memref<10000x32xf32, #tpu.memory_space<vmem_shared>>) offsets(%dma_start3A_26 : memref<125xi32, #tpu.memory_space<vmem>>) semaphore(%run_scoped3A_21 : memref<!tpu.dma_semaphore, #tpu.memory_space<semaphore_mem>>) {add = true}
      %dma_wait3A = arith.constant 375 : i32
      %dma_wait3A_30 = arith.constant 0 : i32
      %dma_wait3A_31 = tpu.memref_slice %arg7[%dma_wait3A, %dma_wait3A_30] : memref<1250x32xf32, #tpu.memory_space<vmem>> -> memref<125x32xf32, #tpu.memory_space<vmem>>
      %dma_wait3A_32 = arith.constant 0 : i32
      %dma_wait3A_33 = tpu.memref_slice %arg6[%run_scoped3A_9, %dma_wait3A_32] : memref<10x125xi32, #tpu.memory_space<vmem>> -> memref<1x125xi32, #tpu.memory_space<vmem>>
      %dma_wait3A_34 = tpu.memref_squeeze %dma_wait3A_33 : memref<1x125xi32, #tpu.memory_space<vmem>> -> memref<125xi32, #tpu.memory_space<vmem>>
      %dma_wait3A_35 = arith.constant 0 : i32
      %dma_wait3A_36 = arith.constant 0 : i32
      %dma_wait3A_37 = tpu.memref_slice %arg8[%dma_wait3A_35, %dma_wait3A_36] : memref<10000x32xf32, #tpu.memory_space<vmem_shared>> -> memref<10000x32xf32, #tpu.memory_space<vmem_shared>>
      tpu.wait_indirect_dma semaphore(%run_scoped3A_21 : memref<!tpu.dma_semaphore, #tpu.memory_space<semaphore_mem>>) src(%dma_wait3A_31 : memref<125x32xf32, #tpu.memory_space<vmem>>) dst(%dma_wait3A_37 : memref<10000x32xf32, #tpu.memory_space<vmem_shared>>)
      tpu.yield
    }) : () -> ()
    %run_scoped3A_10 = arith.constant 4 : i32
    "tpu.region"() ({
      %run_scoped3A_21 = tpu.sem_alloc : memref<!tpu.dma_semaphore, #tpu.memory_space<semaphore_mem>>
      %dma_start3A = arith.constant 500 : i32
      %dma_start3A_22 = arith.constant 0 : i32
      %dma_start3A_23 = tpu.memref_slice %arg7[%dma_start3A, %dma_start3A_22] : memref<1250x32xf32, #tpu.memory_space<vmem>> -> memref<125x32xf32, #tpu.memory_space<vmem>>
      %dma_start3A_24 = arith.constant 0 : i32
      %dma_start3A_25 = tpu.memref_slice %arg6[%run_scoped3A_10, %dma_start3A_24] : memref<10x125xi32, #tpu.memory_space<vmem>> -> memref<1x125xi32, #tpu.memory_space<vmem>>
      %dma_start3A_26 = tpu.memref_squeeze %dma_start3A_25 : memref<1x125xi32, #tpu.memory_space<vmem>> -> memref<125xi32, #tpu.memory_space<vmem>>
      %dma_start3A_27 = arith.constant 0 : i32
      %dma_start3A_28 = arith.constant 0 : i32
      %dma_start3A_29 = tpu.memref_slice %arg8[%dma_start3A_27, %dma_start3A_28] : memref<10000x32xf32, #tpu.memory_space<vmem_shared>> -> memref<10000x32xf32, #tpu.memory_space<vmem_shared>>
      tpu.enqueue_indirect_dma source(%dma_start3A_23 : memref<125x32xf32, #tpu.memory_space<vmem>>) target(%dma_start3A_29 : memref<10000x32xf32, #tpu.memory_space<vmem_shared>>) offsets(%dma_start3A_26 : memref<125xi32, #tpu.memory_space<vmem>>) semaphore(%run_scoped3A_21 : memref<!tpu.dma_semaphore, #tpu.memory_space<semaphore_mem>>) {add = true}
      %dma_wait3A = arith.constant 500 : i32
      %dma_wait3A_30 = arith.constant 0 : i32
      %dma_wait3A_31 = tpu.memref_slice %arg7[%dma_wait3A, %dma_wait3A_30] : memref<1250x32xf32, #tpu.memory_space<vmem>> -> memref<125x32xf32, #tpu.memory_space<vmem>>
      %dma_wait3A_32 = arith.constant 0 : i32
      %dma_wait3A_33 = tpu.memref_slice %arg6[%run_scoped3A_10, %dma_wait3A_32] : memref<10x125xi32, #tpu.memory_space<vmem>> -> memref<1x125xi32, #tpu.memory_space<vmem>>
      %dma_wait3A_34 = tpu.memref_squeeze %dma_wait3A_33 : memref<1x125xi32, #tpu.memory_space<vmem>> -> memref<125xi32, #tpu.memory_space<vmem>>
      %dma_wait3A_35 = arith.constant 0 : i32
      %dma_wait3A_36 = arith.constant 0 : i32
      %dma_wait3A_37 = tpu.memref_slice %arg8[%dma_wait3A_35, %dma_wait3A_36] : memref<10000x32xf32, #tpu.memory_space<vmem_shared>> -> memref<10000x32xf32, #tpu.memory_space<vmem_shared>>
      tpu.wait_indirect_dma semaphore(%run_scoped3A_21 : memref<!tpu.dma_semaphore, #tpu.memory_space<semaphore_mem>>) src(%dma_wait3A_31 : memref<125x32xf32, #tpu.memory_space<vmem>>) dst(%dma_wait3A_37 : memref<10000x32xf32, #tpu.memory_space<vmem_shared>>)
      tpu.yield
    }) : () -> ()
    %run_scoped3A_11 = arith.constant 5 : i32
    "tpu.region"() ({
      %run_scoped3A_21 = tpu.sem_alloc : memref<!tpu.dma_semaphore, #tpu.memory_space<semaphore_mem>>
      %dma_start3A = arith.constant 625 : i32
      %dma_start3A_22 = arith.constant 0 : i32
      %dma_start3A_23 = tpu.memref_slice %arg7[%dma_start3A, %dma_start3A_22] : memref<1250x32xf32, #tpu.memory_space<vmem>> -> memref<125x32xf32, #tpu.memory_space<vmem>>
      %dma_start3A_24 = arith.constant 0 : i32
      %dma_start3A_25 = tpu.memref_slice %arg6[%run_scoped3A_11, %dma_start3A_24] : memref<10x125xi32, #tpu.memory_space<vmem>> -> memref<1x125xi32, #tpu.memory_space<vmem>>
      %dma_start3A_26 = tpu.memref_squeeze %dma_start3A_25 : memref<1x125xi32, #tpu.memory_space<vmem>> -> memref<125xi32, #tpu.memory_space<vmem>>
      %dma_start3A_27 = arith.constant 0 : i32
      %dma_start3A_28 = arith.constant 0 : i32
      %dma_start3A_29 = tpu.memref_slice %arg8[%dma_start3A_27, %dma_start3A_28] : memref<10000x32xf32, #tpu.memory_space<vmem_shared>> -> memref<10000x32xf32, #tpu.memory_space<vmem_shared>>
      tpu.enqueue_indirect_dma source(%dma_start3A_23 : memref<125x32xf32, #tpu.memory_space<vmem>>) target(%dma_start3A_29 : memref<10000x32xf32, #tpu.memory_space<vmem_shared>>) offsets(%dma_start3A_26 : memref<125xi32, #tpu.memory_space<vmem>>) semaphore(%run_scoped3A_21 : memref<!tpu.dma_semaphore, #tpu.memory_space<semaphore_mem>>) {add = true}
      %dma_wait3A = arith.constant 625 : i32
      %dma_wait3A_30 = arith.constant 0 : i32
      %dma_wait3A_31 = tpu.memref_slice %arg7[%dma_wait3A, %dma_wait3A_30] : memref<1250x32xf32, #tpu.memory_space<vmem>> -> memref<125x32xf32, #tpu.memory_space<vmem>>
      %dma_wait3A_32 = arith.constant 0 : i32
      %dma_wait3A_33 = tpu.memref_slice %arg6[%run_scoped3A_11, %dma_wait3A_32] : memref<10x125xi32, #tpu.memory_space<vmem>> -> memref<1x125xi32, #tpu.memory_space<vmem>>
      %dma_wait3A_34 = tpu.memref_squeeze %dma_wait3A_33 : memref<1x125xi32, #tpu.memory_space<vmem>> -> memref<125xi32, #tpu.memory_space<vmem>>
      %dma_wait3A_35 = arith.constant 0 : i32
      %dma_wait3A_36 = arith.constant 0 : i32
      %dma_wait3A_37 = tpu.memref_slice %arg8[%dma_wait3A_35, %dma_wait3A_36] : memref<10000x32xf32, #tpu.memory_space<vmem_shared>> -> memref<10000x32xf32, #tpu.memory_space<vmem_shared>>
      tpu.wait_indirect_dma semaphore(%run_scoped3A_21 : memref<!tpu.dma_semaphore, #tpu.memory_space<semaphore_mem>>) src(%dma_wait3A_31 : memref<125x32xf32, #tpu.memory_space<vmem>>) dst(%dma_wait3A_37 : memref<10000x32xf32, #tpu.memory_space<vmem_shared>>)
      tpu.yield
    }) : () -> ()
    %run_scoped3A_12 = arith.constant 6 : i32
    "tpu.region"() ({
      %run_scoped3A_21 = tpu.sem_alloc : memref<!tpu.dma_semaphore, #tpu.memory_space<semaphore_mem>>
      %dma_start3A = arith.constant 750 : i32
      %dma_start3A_22 = arith.constant 0 : i32
      %dma_start3A_23 = tpu.memref_slice %arg7[%dma_start3A, %dma_start3A_22] : memref<1250x32xf32, #tpu.memory_space<vmem>> -> memref<125x32xf32, #tpu.memory_space<vmem>>
      %dma_start3A_24 = arith.constant 0 : i32
      %dma_start3A_25 = tpu.memref_slice %arg6[%run_scoped3A_12, %dma_start3A_24] : memref<10x125xi32, #tpu.memory_space<vmem>> -> memref<1x125xi32, #tpu.memory_space<vmem>>
      %dma_start3A_26 = tpu.memref_squeeze %dma_start3A_25 : memref<1x125xi32, #tpu.memory_space<vmem>> -> memref<125xi32, #tpu.memory_space<vmem>>
      %dma_start3A_27 = arith.constant 0 : i32
      %dma_start3A_28 = arith.constant 0 : i32
      %dma_start3A_29 = tpu.memref_slice %arg8[%dma_start3A_27, %dma_start3A_28] : memref<10000x32xf32, #tpu.memory_space<vmem_shared>> -> memref<10000x32xf32, #tpu.memory_space<vmem_shared>>
      tpu.enqueue_indirect_dma source(%dma_start3A_23 : memref<125x32xf32, #tpu.memory_space<vmem>>) target(%dma_start3A_29 : memref<10000x32xf32, #tpu.memory_space<vmem_shared>>) offsets(%dma_start3A_26 : memref<125xi32, #tpu.memory_space<vmem>>) semaphore(%run_scoped3A_21 : memref<!tpu.dma_semaphore, #tpu.memory_space<semaphore_mem>>) {add = true}
      %dma_wait3A = arith.constant 750 : i32
      %dma_wait3A_30 = arith.constant 0 : i32
      %dma_wait3A_31 = tpu.memref_slice %arg7[%dma_wait3A, %dma_wait3A_30] : memref<1250x32xf32, #tpu.memory_space<vmem>> -> memref<125x32xf32, #tpu.memory_space<vmem>>
      %dma_wait3A_32 = arith.constant 0 : i32
      %dma_wait3A_33 = tpu.memref_slice %arg6[%run_scoped3A_12, %dma_wait3A_32] : memref<10x125xi32, #tpu.memory_space<vmem>> -> memref<1x125xi32, #tpu.memory_space<vmem>>
      %dma_wait3A_34 = tpu.memref_squeeze %dma_wait3A_33 : memref<1x125xi32, #tpu.memory_space<vmem>> -> memref<125xi32, #tpu.memory_space<vmem>>
      %dma_wait3A_35 = arith.constant 0 : i32
      %dma_wait3A_36 = arith.constant 0 : i32
      %dma_wait3A_37 = tpu.memref_slice %arg8[%dma_wait3A_35, %dma_wait3A_36] : memref<10000x32xf32, #tpu.memory_space<vmem_shared>> -> memref<10000x32xf32, #tpu.memory_space<vmem_shared>>
      tpu.wait_indirect_dma semaphore(%run_scoped3A_21 : memref<!tpu.dma_semaphore, #tpu.memory_space<semaphore_mem>>) src(%dma_wait3A_31 : memref<125x32xf32, #tpu.memory_space<vmem>>) dst(%dma_wait3A_37 : memref<10000x32xf32, #tpu.memory_space<vmem_shared>>)
      tpu.yield
    }) : () -> ()
    %run_scoped3A_13 = arith.constant 7 : i32
    "tpu.region"() ({
      %run_scoped3A_21 = tpu.sem_alloc : memref<!tpu.dma_semaphore, #tpu.memory_space<semaphore_mem>>
      %dma_start3A = arith.constant 875 : i32
      %dma_start3A_22 = arith.constant 0 : i32
      %dma_start3A_23 = tpu.memref_slice %arg7[%dma_start3A, %dma_start3A_22] : memref<1250x32xf32, #tpu.memory_space<vmem>> -> memref<125x32xf32, #tpu.memory_space<vmem>>
      %dma_start3A_24 = arith.constant 0 : i32
      %dma_start3A_25 = tpu.memref_slice %arg6[%run_scoped3A_13, %dma_start3A_24] : memref<10x125xi32, #tpu.memory_space<vmem>> -> memref<1x125xi32, #tpu.memory_space<vmem>>
      %dma_start3A_26 = tpu.memref_squeeze %dma_start3A_25 : memref<1x125xi32, #tpu.memory_space<vmem>> -> memref<125xi32, #tpu.memory_space<vmem>>
      %dma_start3A_27 = arith.constant 0 : i32
      %dma_start3A_28 = arith.constant 0 : i32
      %dma_start3A_29 = tpu.memref_slice %arg8[%dma_start3A_27, %dma_start3A_28] : memref<10000x32xf32, #tpu.memory_space<vmem_shared>> -> memref<10000x32xf32, #tpu.memory_space<vmem_shared>>
      tpu.enqueue_indirect_dma source(%dma_start3A_23 : memref<125x32xf32, #tpu.memory_space<vmem>>) target(%dma_start3A_29 : memref<10000x32xf32, #tpu.memory_space<vmem_shared>>) offsets(%dma_start3A_26 : memref<125xi32, #tpu.memory_space<vmem>>) semaphore(%run_scoped3A_21 : memref<!tpu.dma_semaphore, #tpu.memory_space<semaphore_mem>>) {add = true}
      %dma_wait3A = arith.constant 875 : i32
      %dma_wait3A_30 = arith.constant 0 : i32
      %dma_wait3A_31 = tpu.memref_slice %arg7[%dma_wait3A, %dma_wait3A_30] : memref<1250x32xf32, #tpu.memory_space<vmem>> -> memref<125x32xf32, #tpu.memory_space<vmem>>
      %dma_wait3A_32 = arith.constant 0 : i32
      %dma_wait3A_33 = tpu.memref_slice %arg6[%run_scoped3A_13, %dma_wait3A_32] : memref<10x125xi32, #tpu.memory_space<vmem>> -> memref<1x125xi32, #tpu.memory_space<vmem>>
      %dma_wait3A_34 = tpu.memref_squeeze %dma_wait3A_33 : memref<1x125xi32, #tpu.memory_space<vmem>> -> memref<125xi32, #tpu.memory_space<vmem>>
      %dma_wait3A_35 = arith.constant 0 : i32
      %dma_wait3A_36 = arith.constant 0 : i32
      %dma_wait3A_37 = tpu.memref_slice %arg8[%dma_wait3A_35, %dma_wait3A_36] : memref<10000x32xf32, #tpu.memory_space<vmem_shared>> -> memref<10000x32xf32, #tpu.memory_space<vmem_shared>>
      tpu.wait_indirect_dma semaphore(%run_scoped3A_21 : memref<!tpu.dma_semaphore, #tpu.memory_space<semaphore_mem>>) src(%dma_wait3A_31 : memref<125x32xf32, #tpu.memory_space<vmem>>) dst(%dma_wait3A_37 : memref<10000x32xf32, #tpu.memory_space<vmem_shared>>)
      tpu.yield
    }) : () -> ()
    %run_scoped3A_14 = arith.constant 8 : i32
    "tpu.region"() ({
      %run_scoped3A_21 = tpu.sem_alloc : memref<!tpu.dma_semaphore, #tpu.memory_space<semaphore_mem>>
      %dma_start3A = arith.constant 1000 : i32
      %dma_start3A_22 = arith.constant 0 : i32
      %dma_start3A_23 = tpu.memref_slice %arg7[%dma_start3A, %dma_start3A_22] : memref<1250x32xf32, #tpu.memory_space<vmem>> -> memref<125x32xf32, #tpu.memory_space<vmem>>
      %dma_start3A_24 = arith.constant 0 : i32
      %dma_start3A_25 = tpu.memref_slice %arg6[%run_scoped3A_14, %dma_start3A_24] : memref<10x125xi32, #tpu.memory_space<vmem>> -> memref<1x125xi32, #tpu.memory_space<vmem>>
      %dma_start3A_26 = tpu.memref_squeeze %dma_start3A_25 : memref<1x125xi32, #tpu.memory_space<vmem>> -> memref<125xi32, #tpu.memory_space<vmem>>
      %dma_start3A_27 = arith.constant 0 : i32
      %dma_start3A_28 = arith.constant 0 : i32
      %dma_start3A_29 = tpu.memref_slice %arg8[%dma_start3A_27, %dma_start3A_28] : memref<10000x32xf32, #tpu.memory_space<vmem_shared>> -> memref<10000x32xf32, #tpu.memory_space<vmem_shared>>
      tpu.enqueue_indirect_dma source(%dma_start3A_23 : memref<125x32xf32, #tpu.memory_space<vmem>>) target(%dma_start3A_29 : memref<10000x32xf32, #tpu.memory_space<vmem_shared>>) offsets(%dma_start3A_26 : memref<125xi32, #tpu.memory_space<vmem>>) semaphore(%run_scoped3A_21 : memref<!tpu.dma_semaphore, #tpu.memory_space<semaphore_mem>>) {add = true}
      %dma_wait3A = arith.constant 1000 : i32
      %dma_wait3A_30 = arith.constant 0 : i32
      %dma_wait3A_31 = tpu.memref_slice %arg7[%dma_wait3A, %dma_wait3A_30] : memref<1250x32xf32, #tpu.memory_space<vmem>> -> memref<125x32xf32, #tpu.memory_space<vmem>>
      %dma_wait3A_32 = arith.constant 0 : i32
      %dma_wait3A_33 = tpu.memref_slice %arg6[%run_scoped3A_14, %dma_wait3A_32] : memref<10x125xi32, #tpu.memory_space<vmem>> -> memref<1x125xi32, #tpu.memory_space<vmem>>
      %dma_wait3A_34 = tpu.memref_squeeze %dma_wait3A_33 : memref<1x125xi32, #tpu.memory_space<vmem>> -> memref<125xi32, #tpu.memory_space<vmem>>
      %dma_wait3A_35 = arith.constant 0 : i32
      %dma_wait3A_36 = arith.constant 0 : i32
      %dma_wait3A_37 = tpu.memref_slice %arg8[%dma_wait3A_35, %dma_wait3A_36] : memref<10000x32xf32, #tpu.memory_space<vmem_shared>> -> memref<10000x32xf32, #tpu.memory_space<vmem_shared>>
      tpu.wait_indirect_dma semaphore(%run_scoped3A_21 : memref<!tpu.dma_semaphore, #tpu.memory_space<semaphore_mem>>) src(%dma_wait3A_31 : memref<125x32xf32, #tpu.memory_space<vmem>>) dst(%dma_wait3A_37 : memref<10000x32xf32, #tpu.memory_space<vmem_shared>>)
      tpu.yield
    }) : () -> ()
    %run_scoped3A_15 = arith.constant 9 : i32
    "tpu.region"() ({
      %run_scoped3A_21 = tpu.sem_alloc : memref<!tpu.dma_semaphore, #tpu.memory_space<semaphore_mem>>
      %dma_start3A = arith.constant 1125 : i32
      %dma_start3A_22 = arith.constant 0 : i32
      %dma_start3A_23 = tpu.memref_slice %arg7[%dma_start3A, %dma_start3A_22] : memref<1250x32xf32, #tpu.memory_space<vmem>> -> memref<125x32xf32, #tpu.memory_space<vmem>>
      %dma_start3A_24 = arith.constant 0 : i32
      %dma_start3A_25 = tpu.memref_slice %arg6[%run_scoped3A_15, %dma_start3A_24] : memref<10x125xi32, #tpu.memory_space<vmem>> -> memref<1x125xi32, #tpu.memory_space<vmem>>
      %dma_start3A_26 = tpu.memref_squeeze %dma_start3A_25 : memref<1x125xi32, #tpu.memory_space<vmem>> -> memref<125xi32, #tpu.memory_space<vmem>>
      %dma_start3A_27 = arith.constant 0 : i32
      %dma_start3A_28 = arith.constant 0 : i32
      %dma_start3A_29 = tpu.memref_slice %arg8[%dma_start3A_27, %dma_start3A_28] : memref<10000x32xf32, #tpu.memory_space<vmem_shared>> -> memref<10000x32xf32, #tpu.memory_space<vmem_shared>>
      tpu.enqueue_indirect_dma source(%dma_start3A_23 : memref<125x32xf32, #tpu.memory_space<vmem>>) target(%dma_start3A_29 : memref<10000x32xf32, #tpu.memory_space<vmem_shared>>) offsets(%dma_start3A_26 : memref<125xi32, #tpu.memory_space<vmem>>) semaphore(%run_scoped3A_21 : memref<!tpu.dma_semaphore, #tpu.memory_space<semaphore_mem>>) {add = true}
      %dma_wait3A = arith.constant 1125 : i32
      %dma_wait3A_30 = arith.constant 0 : i32
      %dma_wait3A_31 = tpu.memref_slice %arg7[%dma_wait3A, %dma_wait3A_30] : memref<1250x32xf32, #tpu.memory_space<vmem>> -> memref<125x32xf32, #tpu.memory_space<vmem>>
      %dma_wait3A_32 = arith.constant 0 : i32
      %dma_wait3A_33 = tpu.memref_slice %arg6[%run_scoped3A_15, %dma_wait3A_32] : memref<10x125xi32, #tpu.memory_space<vmem>> -> memref<1x125xi32, #tpu.memory_space<vmem>>
      %dma_wait3A_34 = tpu.memref_squeeze %dma_wait3A_33 : memref<1x125xi32, #tpu.memory_space<vmem>> -> memref<125xi32, #tpu.memory_space<vmem>>
      %dma_wait3A_35 = arith.constant 0 : i32
      %dma_wait3A_36 = arith.constant 0 : i32
      %dma_wait3A_37 = tpu.memref_slice %arg8[%dma_wait3A_35, %dma_wait3A_36] : memref<10000x32xf32, #tpu.memory_space<vmem_shared>> -> memref<10000x32xf32, #tpu.memory_space<vmem_shared>>
      tpu.wait_indirect_dma semaphore(%run_scoped3A_21 : memref<!tpu.dma_semaphore, #tpu.memory_space<semaphore_mem>>) src(%dma_wait3A_31 : memref<125x32xf32, #tpu.memory_space<vmem>>) dst(%dma_wait3A_37 : memref<10000x32xf32, #tpu.memory_space<vmem_shared>>)
      tpu.yield
    }) : () -> ()
    %barrier3A_16 = arith.constant 0 : index
    tpu.barrier barrier_id(%barrier3A_16)
    %mul3A_17 = arith.constant 625 : i32
    %mul3A_18 = arith.muli %arg1, %mul3A_17 : i32
    %mul3A_19 = arith.constant 625 : i32
    %mul3A_20 = arith.muli %arg1, %mul3A_19 : i32
    "tpu.region"() ({
      %run_scoped3A_21 = tpu.sem_alloc : memref<!tpu.dma_semaphore, #tpu.memory_space<semaphore_mem>>
      %dma_start3A = arith.constant 0 : i32
      %dma_start3A_22 = tpu.memref_slice %arg5[%arg0, %mul3A_20, %dma_start3A] : memref<2x10000x32xf32, #tpu.memory_space<hbm>> -> memref<1x625x32xf32, #tpu.memory_space<hbm>>
      %dma_start3A_23 = tpu.memref_squeeze %dma_start3A_22 : memref<1x625x32xf32, #tpu.memory_space<hbm>> -> memref<625x32xf32, #tpu.memory_space<hbm>>
      %dma_start3A_24 = arith.constant 0 : i32
      %dma_start3A_25 = tpu.memref_slice %arg8[%mul3A_18, %dma_start3A_24] : memref<10000x32xf32, #tpu.memory_space<vmem_shared>> -> memref<625x32xf32, #tpu.memory_space<vmem_shared>>
      tpu.enqueue_dma source(%dma_start3A_25 : memref<625x32xf32, #tpu.memory_space<vmem_shared>>) target(%dma_start3A_23 : memref<625x32xf32, #tpu.memory_space<hbm>>) target_semaphore(%run_scoped3A_21 : memref<!tpu.dma_semaphore, #tpu.memory_space<semaphore_mem>>)
      %dma_wait3A = arith.constant 0 : i32
      %dma_wait3A_26 = tpu.memref_slice %arg5[%arg0, %mul3A_20, %dma_wait3A] : memref<2x10000x32xf32, #tpu.memory_space<hbm>> -> memref<1x625x32xf32, #tpu.memory_space<hbm>>
      %dma_wait3A_27 = tpu.memref_squeeze %dma_wait3A_26 : memref<1x625x32xf32, #tpu.memory_space<hbm>> -> memref<625x32xf32, #tpu.memory_space<hbm>>
      %dma_wait3A_28 = arith.constant 0 : i32
      %dma_wait3A_29 = tpu.memref_slice %arg8[%mul3A_18, %dma_wait3A_28] : memref<10000x32xf32, #tpu.memory_space<vmem_shared>> -> memref<625x32xf32, #tpu.memory_space<vmem_shared>>
      tpu.wait_dma2 semaphore(%run_scoped3A_21 : memref<!tpu.dma_semaphore, #tpu.memory_space<semaphore_mem>>) src(%dma_wait3A_29 : memref<625x32xf32, #tpu.memory_space<vmem_shared>>) dst(%dma_wait3A_27 : memref<625x32xf32, #tpu.memory_space<hbm>>)
      tpu.yield
    }) : () -> ()
    return
  }
}

#map = affine_map<(d0, d1) -> (0, 0)>
#map1 = affine_map<(d0, d1) -> (0, 0, 0)>
module attributes {stable_mosaic.version = 14 : i64} {
  func.func @gk(%arg0: i32, %arg1: i32, %arg2: memref<10000x64xf32, #tpu.memory_space<hbm>>, %arg3: memref<32x10x125xi32, #tpu.memory_space<hbm>>, %arg4: memref<40000x64xf32, #tpu.memory_space<hbm>>, %arg5: memref<10x125xi32, #tpu.memory_space<vmem>>, %arg6: memref<1250x64xf32, #tpu.memory_space<vmem>>, %arg7: memref<!tpu.dma_semaphore, #tpu.memory_space<semaphore_mem>>) attributes {dimension_semantics = [#tpu.dimension_semantics<core_parallel>, #tpu.dimension_semantics<subcore_parallel>], iteration_bounds = array<i64: 2, 16>, scalar_prefetch = 0 : i64, scratch_operands = 3 : i64, tpu.core_type = #tpu.core_type<sc_vector_subcore>, window_params = [{transform_indices = #map}, {transform_indices = #map1}, {transform_indices = #map}]} {
    %mul3A = arith.constant 2 : i32
    %mul3A_0 = arith.muli %arg1, %mul3A : i32
    %add3A = arith.addi %mul3A_0, %arg0 : i32
    "tpu.region"() ({
      %run_scoped3A = tpu.sem_alloc : memref<!tpu.dma_semaphore, #tpu.memory_space<semaphore_mem>>
      %dma_start3A_201 = arith.constant 0 : i32
      %dma_start3A_202 = arith.constant 0 : i32
      %dma_start3A_203 = tpu.memref_slice %arg3[%add3A, %dma_start3A_201, %dma_start3A_202] : memref<32x10x125xi32, #tpu.memory_space<hbm>> -> memref<1x10x125xi32, #tpu.memory_space<hbm>>
      %dma_start3A_204 = tpu.memref_squeeze %dma_start3A_203 : memref<1x10x125xi32, #tpu.memory_space<hbm>> -> memref<10x125xi32, #tpu.memory_space<hbm>>
      %dma_start3A_205 = arith.constant 0 : i32
      %dma_start3A_206 = arith.constant 0 : i32
      %dma_start3A_207 = tpu.memref_slice %arg3[%add3A, %dma_start3A_205, %dma_start3A_206] : memref<32x10x125xi32, #tpu.memory_space<hbm>> -> memref<1x10x125xi32, #tpu.memory_space<hbm>>
      %dma_start3A_208 = tpu.memref_squeeze %dma_start3A_207 : memref<1x10x125xi32, #tpu.memory_space<hbm>> -> memref<10x125xi32, #tpu.memory_space<hbm>>
      tpu.enqueue_dma source(%dma_start3A_208 : memref<10x125xi32, #tpu.memory_space<hbm>>) target(%arg5 : memref<10x125xi32, #tpu.memory_space<vmem>>) target_semaphore(%run_scoped3A : memref<!tpu.dma_semaphore, #tpu.memory_space<semaphore_mem>>)
      %dma_wait3A_209 = arith.constant 0 : i32
      %dma_wait3A_210 = arith.constant 0 : i32
      %dma_wait3A_211 = tpu.memref_slice %arg3[%add3A, %dma_wait3A_209, %dma_wait3A_210] : memref<32x10x125xi32, #tpu.memory_space<hbm>> -> memref<1x10x125xi32, #tpu.memory_space<hbm>>
      %dma_wait3A_212 = tpu.memref_squeeze %dma_wait3A_211 : memref<1x10x125xi32, #tpu.memory_space<hbm>> -> memref<10x125xi32, #tpu.memory_space<hbm>>
      %dma_wait3A_213 = arith.constant 0 : i32
      %dma_wait3A_214 = arith.constant 0 : i32
      %dma_wait3A_215 = tpu.memref_slice %arg3[%add3A, %dma_wait3A_213, %dma_wait3A_214] : memref<32x10x125xi32, #tpu.memory_space<hbm>> -> memref<1x10x125xi32, #tpu.memory_space<hbm>>
      %dma_wait3A_216 = tpu.memref_squeeze %dma_wait3A_215 : memref<1x10x125xi32, #tpu.memory_space<hbm>> -> memref<10x125xi32, #tpu.memory_space<hbm>>
      tpu.wait_dma2 semaphore(%run_scoped3A : memref<!tpu.dma_semaphore, #tpu.memory_space<semaphore_mem>>) src(%dma_wait3A_216 : memref<10x125xi32, #tpu.memory_space<hbm>>) dst(%arg5 : memref<10x125xi32, #tpu.memory_space<vmem>>)
      tpu.yield
    }) : () -> ()
    %dma_start3A = arith.constant 0 : i32
    %dma_start3A_1 = arith.constant 0 : i32
    %dma_start3A_2 = arith.constant 0 : i32
    %dma_start3A_3 = tpu.memref_slice %arg6[%dma_start3A_1, %dma_start3A_2] : memref<1250x64xf32, #tpu.memory_space<vmem>> -> memref<125x64xf32, #tpu.memory_space<vmem>>
    %dma_start3A_4 = arith.constant 0 : i32
    %dma_start3A_5 = tpu.memref_slice %arg5[%dma_start3A, %dma_start3A_4] : memref<10x125xi32, #tpu.memory_space<vmem>> -> memref<1x125xi32, #tpu.memory_space<vmem>>
    %dma_start3A_6 = tpu.memref_squeeze %dma_start3A_5 : memref<1x125xi32, #tpu.memory_space<vmem>> -> memref<125xi32, #tpu.memory_space<vmem>>
    %dma_start3A_7 = arith.constant 0 : i32
    %dma_start3A_8 = arith.constant 0 : i32
    %dma_start3A_9 = tpu.memref_slice %arg2[%dma_start3A_7, %dma_start3A_8] : memref<10000x64xf32, #tpu.memory_space<hbm>> -> memref<10000x64xf32, #tpu.memory_space<hbm>>
    tpu.enqueue_indirect_dma source(%dma_start3A_9 : memref<10000x64xf32, #tpu.memory_space<hbm>>) target(%dma_start3A_3 : memref<125x64xf32, #tpu.memory_space<vmem>>) offsets(%dma_start3A_6 : memref<125xi32, #tpu.memory_space<vmem>>) semaphore(%arg7 : memref<!tpu.dma_semaphore, #tpu.memory_space<semaphore_mem>>)
    %dma_start3A_10 = arith.constant 1 : i32
    %dma_start3A_11 = arith.constant 125 : i32
    %dma_start3A_12 = arith.constant 0 : i32
    %dma_start3A_13 = tpu.memref_slice %arg6[%dma_start3A_11, %dma_start3A_12] : memref<1250x64xf32, #tpu.memory_space<vmem>> -> memref<125x64xf32, #tpu.memory_space<vmem>>
    %dma_start3A_14 = arith.constant 0 : i32
    %dma_start3A_15 = tpu.memref_slice %arg5[%dma_start3A_10, %dma_start3A_14] : memref<10x125xi32, #tpu.memory_space<vmem>> -> memref<1x125xi32, #tpu.memory_space<vmem>>
    %dma_start3A_16 = tpu.memref_squeeze %dma_start3A_15 : memref<1x125xi32, #tpu.memory_space<vmem>> -> memref<125xi32, #tpu.memory_space<vmem>>
    %dma_start3A_17 = arith.constant 0 : i32
    %dma_start3A_18 = arith.constant 0 : i32
    %dma_start3A_19 = tpu.memref_slice %arg2[%dma_start3A_17, %dma_start3A_18] : memref<10000x64xf32, #tpu.memory_space<hbm>> -> memref<10000x64xf32, #tpu.memory_space<hbm>>
    tpu.enqueue_indirect_dma source(%dma_start3A_19 : memref<10000x64xf32, #tpu.memory_space<hbm>>) target(%dma_start3A_13 : memref<125x64xf32, #tpu.memory_space<vmem>>) offsets(%dma_start3A_16 : memref<125xi32, #tpu.memory_space<vmem>>) semaphore(%arg7 : memref<!tpu.dma_semaphore, #tpu.memory_space<semaphore_mem>>)
    %dma_start3A_20 = arith.constant 2 : i32
    %dma_start3A_21 = arith.constant 250 : i32
    %dma_start3A_22 = arith.constant 0 : i32
    %dma_start3A_23 = tpu.memref_slice %arg6[%dma_start3A_21, %dma_start3A_22] : memref<1250x64xf32, #tpu.memory_space<vmem>> -> memref<125x64xf32, #tpu.memory_space<vmem>>
    %dma_start3A_24 = arith.constant 0 : i32
    %dma_start3A_25 = tpu.memref_slice %arg5[%dma_start3A_20, %dma_start3A_24] : memref<10x125xi32, #tpu.memory_space<vmem>> -> memref<1x125xi32, #tpu.memory_space<vmem>>
    %dma_start3A_26 = tpu.memref_squeeze %dma_start3A_25 : memref<1x125xi32, #tpu.memory_space<vmem>> -> memref<125xi32, #tpu.memory_space<vmem>>
    %dma_start3A_27 = arith.constant 0 : i32
    %dma_start3A_28 = arith.constant 0 : i32
    %dma_start3A_29 = tpu.memref_slice %arg2[%dma_start3A_27, %dma_start3A_28] : memref<10000x64xf32, #tpu.memory_space<hbm>> -> memref<10000x64xf32, #tpu.memory_space<hbm>>
    tpu.enqueue_indirect_dma source(%dma_start3A_29 : memref<10000x64xf32, #tpu.memory_space<hbm>>) target(%dma_start3A_23 : memref<125x64xf32, #tpu.memory_space<vmem>>) offsets(%dma_start3A_26 : memref<125xi32, #tpu.memory_space<vmem>>) semaphore(%arg7 : memref<!tpu.dma_semaphore, #tpu.memory_space<semaphore_mem>>)
    %dma_start3A_30 = arith.constant 3 : i32
    %dma_start3A_31 = arith.constant 375 : i32
    %dma_start3A_32 = arith.constant 0 : i32
    %dma_start3A_33 = tpu.memref_slice %arg6[%dma_start3A_31, %dma_start3A_32] : memref<1250x64xf32, #tpu.memory_space<vmem>> -> memref<125x64xf32, #tpu.memory_space<vmem>>
    %dma_start3A_34 = arith.constant 0 : i32
    %dma_start3A_35 = tpu.memref_slice %arg5[%dma_start3A_30, %dma_start3A_34] : memref<10x125xi32, #tpu.memory_space<vmem>> -> memref<1x125xi32, #tpu.memory_space<vmem>>
    %dma_start3A_36 = tpu.memref_squeeze %dma_start3A_35 : memref<1x125xi32, #tpu.memory_space<vmem>> -> memref<125xi32, #tpu.memory_space<vmem>>
    %dma_start3A_37 = arith.constant 0 : i32
    %dma_start3A_38 = arith.constant 0 : i32
    %dma_start3A_39 = tpu.memref_slice %arg2[%dma_start3A_37, %dma_start3A_38] : memref<10000x64xf32, #tpu.memory_space<hbm>> -> memref<10000x64xf32, #tpu.memory_space<hbm>>
    tpu.enqueue_indirect_dma source(%dma_start3A_39 : memref<10000x64xf32, #tpu.memory_space<hbm>>) target(%dma_start3A_33 : memref<125x64xf32, #tpu.memory_space<vmem>>) offsets(%dma_start3A_36 : memref<125xi32, #tpu.memory_space<vmem>>) semaphore(%arg7 : memref<!tpu.dma_semaphore, #tpu.memory_space<semaphore_mem>>)
    %dma_start3A_40 = arith.constant 4 : i32
    %dma_start3A_41 = arith.constant 500 : i32
    %dma_start3A_42 = arith.constant 0 : i32
    %dma_start3A_43 = tpu.memref_slice %arg6[%dma_start3A_41, %dma_start3A_42] : memref<1250x64xf32, #tpu.memory_space<vmem>> -> memref<125x64xf32, #tpu.memory_space<vmem>>
    %dma_start3A_44 = arith.constant 0 : i32
    %dma_start3A_45 = tpu.memref_slice %arg5[%dma_start3A_40, %dma_start3A_44] : memref<10x125xi32, #tpu.memory_space<vmem>> -> memref<1x125xi32, #tpu.memory_space<vmem>>
    %dma_start3A_46 = tpu.memref_squeeze %dma_start3A_45 : memref<1x125xi32, #tpu.memory_space<vmem>> -> memref<125xi32, #tpu.memory_space<vmem>>
    %dma_start3A_47 = arith.constant 0 : i32
    %dma_start3A_48 = arith.constant 0 : i32
    %dma_start3A_49 = tpu.memref_slice %arg2[%dma_start3A_47, %dma_start3A_48] : memref<10000x64xf32, #tpu.memory_space<hbm>> -> memref<10000x64xf32, #tpu.memory_space<hbm>>
    tpu.enqueue_indirect_dma source(%dma_start3A_49 : memref<10000x64xf32, #tpu.memory_space<hbm>>) target(%dma_start3A_43 : memref<125x64xf32, #tpu.memory_space<vmem>>) offsets(%dma_start3A_46 : memref<125xi32, #tpu.memory_space<vmem>>) semaphore(%arg7 : memref<!tpu.dma_semaphore, #tpu.memory_space<semaphore_mem>>)
    %dma_start3A_50 = arith.constant 5 : i32
    %dma_start3A_51 = arith.constant 625 : i32
    %dma_start3A_52 = arith.constant 0 : i32
    %dma_start3A_53 = tpu.memref_slice %arg6[%dma_start3A_51, %dma_start3A_52] : memref<1250x64xf32, #tpu.memory_space<vmem>> -> memref<125x64xf32, #tpu.memory_space<vmem>>
    %dma_start3A_54 = arith.constant 0 : i32
    %dma_start3A_55 = tpu.memref_slice %arg5[%dma_start3A_50, %dma_start3A_54] : memref<10x125xi32, #tpu.memory_space<vmem>> -> memref<1x125xi32, #tpu.memory_space<vmem>>
    %dma_start3A_56 = tpu.memref_squeeze %dma_start3A_55 : memref<1x125xi32, #tpu.memory_space<vmem>> -> memref<125xi32, #tpu.memory_space<vmem>>
    %dma_start3A_57 = arith.constant 0 : i32
    %dma_start3A_58 = arith.constant 0 : i32
    %dma_start3A_59 = tpu.memref_slice %arg2[%dma_start3A_57, %dma_start3A_58] : memref<10000x64xf32, #tpu.memory_space<hbm>> -> memref<10000x64xf32, #tpu.memory_space<hbm>>
    tpu.enqueue_indirect_dma source(%dma_start3A_59 : memref<10000x64xf32, #tpu.memory_space<hbm>>) target(%dma_start3A_53 : memref<125x64xf32, #tpu.memory_space<vmem>>) offsets(%dma_start3A_56 : memref<125xi32, #tpu.memory_space<vmem>>) semaphore(%arg7 : memref<!tpu.dma_semaphore, #tpu.memory_space<semaphore_mem>>)
    %dma_start3A_60 = arith.constant 6 : i32
    %dma_start3A_61 = arith.constant 750 : i32
    %dma_start3A_62 = arith.constant 0 : i32
    %dma_start3A_63 = tpu.memref_slice %arg6[%dma_start3A_61, %dma_start3A_62] : memref<1250x64xf32, #tpu.memory_space<vmem>> -> memref<125x64xf32, #tpu.memory_space<vmem>>
    %dma_start3A_64 = arith.constant 0 : i32
    %dma_start3A_65 = tpu.memref_slice %arg5[%dma_start3A_60, %dma_start3A_64] : memref<10x125xi32, #tpu.memory_space<vmem>> -> memref<1x125xi32, #tpu.memory_space<vmem>>
    %dma_start3A_66 = tpu.memref_squeeze %dma_start3A_65 : memref<1x125xi32, #tpu.memory_space<vmem>> -> memref<125xi32, #tpu.memory_space<vmem>>
    %dma_start3A_67 = arith.constant 0 : i32
    %dma_start3A_68 = arith.constant 0 : i32
    %dma_start3A_69 = tpu.memref_slice %arg2[%dma_start3A_67, %dma_start3A_68] : memref<10000x64xf32, #tpu.memory_space<hbm>> -> memref<10000x64xf32, #tpu.memory_space<hbm>>
    tpu.enqueue_indirect_dma source(%dma_start3A_69 : memref<10000x64xf32, #tpu.memory_space<hbm>>) target(%dma_start3A_63 : memref<125x64xf32, #tpu.memory_space<vmem>>) offsets(%dma_start3A_66 : memref<125xi32, #tpu.memory_space<vmem>>) semaphore(%arg7 : memref<!tpu.dma_semaphore, #tpu.memory_space<semaphore_mem>>)
    %dma_start3A_70 = arith.constant 7 : i32
    %dma_start3A_71 = arith.constant 875 : i32
    %dma_start3A_72 = arith.constant 0 : i32
    %dma_start3A_73 = tpu.memref_slice %arg6[%dma_start3A_71, %dma_start3A_72] : memref<1250x64xf32, #tpu.memory_space<vmem>> -> memref<125x64xf32, #tpu.memory_space<vmem>>
    %dma_start3A_74 = arith.constant 0 : i32
    %dma_start3A_75 = tpu.memref_slice %arg5[%dma_start3A_70, %dma_start3A_74] : memref<10x125xi32, #tpu.memory_space<vmem>> -> memref<1x125xi32, #tpu.memory_space<vmem>>
    %dma_start3A_76 = tpu.memref_squeeze %dma_start3A_75 : memref<1x125xi32, #tpu.memory_space<vmem>> -> memref<125xi32, #tpu.memory_space<vmem>>
    %dma_start3A_77 = arith.constant 0 : i32
    %dma_start3A_78 = arith.constant 0 : i32
    %dma_start3A_79 = tpu.memref_slice %arg2[%dma_start3A_77, %dma_start3A_78] : memref<10000x64xf32, #tpu.memory_space<hbm>> -> memref<10000x64xf32, #tpu.memory_space<hbm>>
    tpu.enqueue_indirect_dma source(%dma_start3A_79 : memref<10000x64xf32, #tpu.memory_space<hbm>>) target(%dma_start3A_73 : memref<125x64xf32, #tpu.memory_space<vmem>>) offsets(%dma_start3A_76 : memref<125xi32, #tpu.memory_space<vmem>>) semaphore(%arg7 : memref<!tpu.dma_semaphore, #tpu.memory_space<semaphore_mem>>)
    %dma_start3A_80 = arith.constant 8 : i32
    %dma_start3A_81 = arith.constant 1000 : i32
    %dma_start3A_82 = arith.constant 0 : i32
    %dma_start3A_83 = tpu.memref_slice %arg6[%dma_start3A_81, %dma_start3A_82] : memref<1250x64xf32, #tpu.memory_space<vmem>> -> memref<125x64xf32, #tpu.memory_space<vmem>>
    %dma_start3A_84 = arith.constant 0 : i32
    %dma_start3A_85 = tpu.memref_slice %arg5[%dma_start3A_80, %dma_start3A_84] : memref<10x125xi32, #tpu.memory_space<vmem>> -> memref<1x125xi32, #tpu.memory_space<vmem>>
    %dma_start3A_86 = tpu.memref_squeeze %dma_start3A_85 : memref<1x125xi32, #tpu.memory_space<vmem>> -> memref<125xi32, #tpu.memory_space<vmem>>
    %dma_start3A_87 = arith.constant 0 : i32
    %dma_start3A_88 = arith.constant 0 : i32
    %dma_start3A_89 = tpu.memref_slice %arg2[%dma_start3A_87, %dma_start3A_88] : memref<10000x64xf32, #tpu.memory_space<hbm>> -> memref<10000x64xf32, #tpu.memory_space<hbm>>
    tpu.enqueue_indirect_dma source(%dma_start3A_89 : memref<10000x64xf32, #tpu.memory_space<hbm>>) target(%dma_start3A_83 : memref<125x64xf32, #tpu.memory_space<vmem>>) offsets(%dma_start3A_86 : memref<125xi32, #tpu.memory_space<vmem>>) semaphore(%arg7 : memref<!tpu.dma_semaphore, #tpu.memory_space<semaphore_mem>>)
    %dma_start3A_90 = arith.constant 9 : i32
    %dma_start3A_91 = arith.constant 1125 : i32
    %dma_start3A_92 = arith.constant 0 : i32
    %dma_start3A_93 = tpu.memref_slice %arg6[%dma_start3A_91, %dma_start3A_92] : memref<1250x64xf32, #tpu.memory_space<vmem>> -> memref<125x64xf32, #tpu.memory_space<vmem>>
    %dma_start3A_94 = arith.constant 0 : i32
    %dma_start3A_95 = tpu.memref_slice %arg5[%dma_start3A_90, %dma_start3A_94] : memref<10x125xi32, #tpu.memory_space<vmem>> -> memref<1x125xi32, #tpu.memory_space<vmem>>
    %dma_start3A_96 = tpu.memref_squeeze %dma_start3A_95 : memref<1x125xi32, #tpu.memory_space<vmem>> -> memref<125xi32, #tpu.memory_space<vmem>>
    %dma_start3A_97 = arith.constant 0 : i32
    %dma_start3A_98 = arith.constant 0 : i32
    %dma_start3A_99 = tpu.memref_slice %arg2[%dma_start3A_97, %dma_start3A_98] : memref<10000x64xf32, #tpu.memory_space<hbm>> -> memref<10000x64xf32, #tpu.memory_space<hbm>>
    tpu.enqueue_indirect_dma source(%dma_start3A_99 : memref<10000x64xf32, #tpu.memory_space<hbm>>) target(%dma_start3A_93 : memref<125x64xf32, #tpu.memory_space<vmem>>) offsets(%dma_start3A_96 : memref<125xi32, #tpu.memory_space<vmem>>) semaphore(%arg7 : memref<!tpu.dma_semaphore, #tpu.memory_space<semaphore_mem>>)
    %dma_wait3A = arith.constant 0 : i32
    %dma_wait3A_100 = arith.constant 0 : i32
    %dma_wait3A_101 = arith.constant 0 : i32
    %dma_wait3A_102 = tpu.memref_slice %arg6[%dma_wait3A_100, %dma_wait3A_101] : memref<1250x64xf32, #tpu.memory_space<vmem>> -> memref<125x64xf32, #tpu.memory_space<vmem>>
    %dma_wait3A_103 = arith.constant 0 : i32
    %dma_wait3A_104 = tpu.memref_slice %arg5[%dma_wait3A, %dma_wait3A_103] : memref<10x125xi32, #tpu.memory_space<vmem>> -> memref<1x125xi32, #tpu.memory_space<vmem>>
    %dma_wait3A_105 = tpu.memref_squeeze %dma_wait3A_104 : memref<1x125xi32, #tpu.memory_space<vmem>> -> memref<125xi32, #tpu.memory_space<vmem>>
    %dma_wait3A_106 = arith.constant 0 : i32
    %dma_wait3A_107 = arith.constant 0 : i32
    %dma_wait3A_108 = tpu.memref_slice %arg2[%dma_wait3A_106, %dma_wait3A_107] : memref<10000x64xf32, #tpu.memory_space<hbm>> -> memref<10000x64xf32, #tpu.memory_space<hbm>>
    tpu.wait_indirect_dma semaphore(%arg7 : memref<!tpu.dma_semaphore, #tpu.memory_space<semaphore_mem>>) src(%dma_wait3A_108 : memref<10000x64xf32, #tpu.memory_space<hbm>>) dst(%dma_wait3A_102 : memref<125x64xf32, #tpu.memory_space<vmem>>)
    %dma_wait3A_109 = arith.constant 1 : i32
    %dma_wait3A_110 = arith.constant 125 : i32
    %dma_wait3A_111 = arith.constant 0 : i32
    %dma_wait3A_112 = tpu.memref_slice %arg6[%dma_wait3A_110, %dma_wait3A_111] : memref<1250x64xf32, #tpu.memory_space<vmem>> -> memref<125x64xf32, #tpu.memory_space<vmem>>
    %dma_wait3A_113 = arith.constant 0 : i32
    %dma_wait3A_114 = tpu.memref_slice %arg5[%dma_wait3A_109, %dma_wait3A_113] : memref<10x125xi32, #tpu.memory_space<vmem>> -> memref<1x125xi32, #tpu.memory_space<vmem>>
    %dma_wait3A_115 = tpu.memref_squeeze %dma_wait3A_114 : memref<1x125xi32, #tpu.memory_space<vmem>> -> memref<125xi32, #tpu.memory_space<vmem>>
    %dma_wait3A_116 = arith.constant 0 : i32
    %dma_wait3A_117 = arith.constant 0 : i32
    %dma_wait3A_118 = tpu.memref_slice %arg2[%dma_wait3A_116, %dma_wait3A_117] : memref<10000x64xf32, #tpu.memory_space<hbm>> -> memref<10000x64xf32, #tpu.memory_space<hbm>>
    tpu.wait_indirect_dma semaphore(%arg7 : memref<!tpu.dma_semaphore, #tpu.memory_space<semaphore_mem>>) src(%dma_wait3A_118 : memref<10000x64xf32, #tpu.memory_space<hbm>>) dst(%dma_wait3A_112 : memref<125x64xf32, #tpu.memory_space<vmem>>)
    %dma_wait3A_119 = arith.constant 2 : i32
    %dma_wait3A_120 = arith.constant 250 : i32
    %dma_wait3A_121 = arith.constant 0 : i32
    %dma_wait3A_122 = tpu.memref_slice %arg6[%dma_wait3A_120, %dma_wait3A_121] : memref<1250x64xf32, #tpu.memory_space<vmem>> -> memref<125x64xf32, #tpu.memory_space<vmem>>
    %dma_wait3A_123 = arith.constant 0 : i32
    %dma_wait3A_124 = tpu.memref_slice %arg5[%dma_wait3A_119, %dma_wait3A_123] : memref<10x125xi32, #tpu.memory_space<vmem>> -> memref<1x125xi32, #tpu.memory_space<vmem>>
    %dma_wait3A_125 = tpu.memref_squeeze %dma_wait3A_124 : memref<1x125xi32, #tpu.memory_space<vmem>> -> memref<125xi32, #tpu.memory_space<vmem>>
    %dma_wait3A_126 = arith.constant 0 : i32
    %dma_wait3A_127 = arith.constant 0 : i32
    %dma_wait3A_128 = tpu.memref_slice %arg2[%dma_wait3A_126, %dma_wait3A_127] : memref<10000x64xf32, #tpu.memory_space<hbm>> -> memref<10000x64xf32, #tpu.memory_space<hbm>>
    tpu.wait_indirect_dma semaphore(%arg7 : memref<!tpu.dma_semaphore, #tpu.memory_space<semaphore_mem>>) src(%dma_wait3A_128 : memref<10000x64xf32, #tpu.memory_space<hbm>>) dst(%dma_wait3A_122 : memref<125x64xf32, #tpu.memory_space<vmem>>)
    %dma_wait3A_129 = arith.constant 3 : i32
    %dma_wait3A_130 = arith.constant 375 : i32
    %dma_wait3A_131 = arith.constant 0 : i32
    %dma_wait3A_132 = tpu.memref_slice %arg6[%dma_wait3A_130, %dma_wait3A_131] : memref<1250x64xf32, #tpu.memory_space<vmem>> -> memref<125x64xf32, #tpu.memory_space<vmem>>
    %dma_wait3A_133 = arith.constant 0 : i32
    %dma_wait3A_134 = tpu.memref_slice %arg5[%dma_wait3A_129, %dma_wait3A_133] : memref<10x125xi32, #tpu.memory_space<vmem>> -> memref<1x125xi32, #tpu.memory_space<vmem>>
    %dma_wait3A_135 = tpu.memref_squeeze %dma_wait3A_134 : memref<1x125xi32, #tpu.memory_space<vmem>> -> memref<125xi32, #tpu.memory_space<vmem>>
    %dma_wait3A_136 = arith.constant 0 : i32
    %dma_wait3A_137 = arith.constant 0 : i32
    %dma_wait3A_138 = tpu.memref_slice %arg2[%dma_wait3A_136, %dma_wait3A_137] : memref<10000x64xf32, #tpu.memory_space<hbm>> -> memref<10000x64xf32, #tpu.memory_space<hbm>>
    tpu.wait_indirect_dma semaphore(%arg7 : memref<!tpu.dma_semaphore, #tpu.memory_space<semaphore_mem>>) src(%dma_wait3A_138 : memref<10000x64xf32, #tpu.memory_space<hbm>>) dst(%dma_wait3A_132 : memref<125x64xf32, #tpu.memory_space<vmem>>)
    %dma_wait3A_139 = arith.constant 4 : i32
    %dma_wait3A_140 = arith.constant 500 : i32
    %dma_wait3A_141 = arith.constant 0 : i32
    %dma_wait3A_142 = tpu.memref_slice %arg6[%dma_wait3A_140, %dma_wait3A_141] : memref<1250x64xf32, #tpu.memory_space<vmem>> -> memref<125x64xf32, #tpu.memory_space<vmem>>
    %dma_wait3A_143 = arith.constant 0 : i32
    %dma_wait3A_144 = tpu.memref_slice %arg5[%dma_wait3A_139, %dma_wait3A_143] : memref<10x125xi32, #tpu.memory_space<vmem>> -> memref<1x125xi32, #tpu.memory_space<vmem>>
    %dma_wait3A_145 = tpu.memref_squeeze %dma_wait3A_144 : memref<1x125xi32, #tpu.memory_space<vmem>> -> memref<125xi32, #tpu.memory_space<vmem>>
    %dma_wait3A_146 = arith.constant 0 : i32
    %dma_wait3A_147 = arith.constant 0 : i32
    %dma_wait3A_148 = tpu.memref_slice %arg2[%dma_wait3A_146, %dma_wait3A_147] : memref<10000x64xf32, #tpu.memory_space<hbm>> -> memref<10000x64xf32, #tpu.memory_space<hbm>>
    tpu.wait_indirect_dma semaphore(%arg7 : memref<!tpu.dma_semaphore, #tpu.memory_space<semaphore_mem>>) src(%dma_wait3A_148 : memref<10000x64xf32, #tpu.memory_space<hbm>>) dst(%dma_wait3A_142 : memref<125x64xf32, #tpu.memory_space<vmem>>)
    %dma_wait3A_149 = arith.constant 5 : i32
    %dma_wait3A_150 = arith.constant 625 : i32
    %dma_wait3A_151 = arith.constant 0 : i32
    %dma_wait3A_152 = tpu.memref_slice %arg6[%dma_wait3A_150, %dma_wait3A_151] : memref<1250x64xf32, #tpu.memory_space<vmem>> -> memref<125x64xf32, #tpu.memory_space<vmem>>
    %dma_wait3A_153 = arith.constant 0 : i32
    %dma_wait3A_154 = tpu.memref_slice %arg5[%dma_wait3A_149, %dma_wait3A_153] : memref<10x125xi32, #tpu.memory_space<vmem>> -> memref<1x125xi32, #tpu.memory_space<vmem>>
    %dma_wait3A_155 = tpu.memref_squeeze %dma_wait3A_154 : memref<1x125xi32, #tpu.memory_space<vmem>> -> memref<125xi32, #tpu.memory_space<vmem>>
    %dma_wait3A_156 = arith.constant 0 : i32
    %dma_wait3A_157 = arith.constant 0 : i32
    %dma_wait3A_158 = tpu.memref_slice %arg2[%dma_wait3A_156, %dma_wait3A_157] : memref<10000x64xf32, #tpu.memory_space<hbm>> -> memref<10000x64xf32, #tpu.memory_space<hbm>>
    tpu.wait_indirect_dma semaphore(%arg7 : memref<!tpu.dma_semaphore, #tpu.memory_space<semaphore_mem>>) src(%dma_wait3A_158 : memref<10000x64xf32, #tpu.memory_space<hbm>>) dst(%dma_wait3A_152 : memref<125x64xf32, #tpu.memory_space<vmem>>)
    %dma_wait3A_159 = arith.constant 6 : i32
    %dma_wait3A_160 = arith.constant 750 : i32
    %dma_wait3A_161 = arith.constant 0 : i32
    %dma_wait3A_162 = tpu.memref_slice %arg6[%dma_wait3A_160, %dma_wait3A_161] : memref<1250x64xf32, #tpu.memory_space<vmem>> -> memref<125x64xf32, #tpu.memory_space<vmem>>
    %dma_wait3A_163 = arith.constant 0 : i32
    %dma_wait3A_164 = tpu.memref_slice %arg5[%dma_wait3A_159, %dma_wait3A_163] : memref<10x125xi32, #tpu.memory_space<vmem>> -> memref<1x125xi32, #tpu.memory_space<vmem>>
    %dma_wait3A_165 = tpu.memref_squeeze %dma_wait3A_164 : memref<1x125xi32, #tpu.memory_space<vmem>> -> memref<125xi32, #tpu.memory_space<vmem>>
    %dma_wait3A_166 = arith.constant 0 : i32
    %dma_wait3A_167 = arith.constant 0 : i32
    %dma_wait3A_168 = tpu.memref_slice %arg2[%dma_wait3A_166, %dma_wait3A_167] : memref<10000x64xf32, #tpu.memory_space<hbm>> -> memref<10000x64xf32, #tpu.memory_space<hbm>>
    tpu.wait_indirect_dma semaphore(%arg7 : memref<!tpu.dma_semaphore, #tpu.memory_space<semaphore_mem>>) src(%dma_wait3A_168 : memref<10000x64xf32, #tpu.memory_space<hbm>>) dst(%dma_wait3A_162 : memref<125x64xf32, #tpu.memory_space<vmem>>)
    %dma_wait3A_169 = arith.constant 7 : i32
    %dma_wait3A_170 = arith.constant 875 : i32
    %dma_wait3A_171 = arith.constant 0 : i32
    %dma_wait3A_172 = tpu.memref_slice %arg6[%dma_wait3A_170, %dma_wait3A_171] : memref<1250x64xf32, #tpu.memory_space<vmem>> -> memref<125x64xf32, #tpu.memory_space<vmem>>
    %dma_wait3A_173 = arith.constant 0 : i32
    %dma_wait3A_174 = tpu.memref_slice %arg5[%dma_wait3A_169, %dma_wait3A_173] : memref<10x125xi32, #tpu.memory_space<vmem>> -> memref<1x125xi32, #tpu.memory_space<vmem>>
    %dma_wait3A_175 = tpu.memref_squeeze %dma_wait3A_174 : memref<1x125xi32, #tpu.memory_space<vmem>> -> memref<125xi32, #tpu.memory_space<vmem>>
    %dma_wait3A_176 = arith.constant 0 : i32
    %dma_wait3A_177 = arith.constant 0 : i32
    %dma_wait3A_178 = tpu.memref_slice %arg2[%dma_wait3A_176, %dma_wait3A_177] : memref<10000x64xf32, #tpu.memory_space<hbm>> -> memref<10000x64xf32, #tpu.memory_space<hbm>>
    tpu.wait_indirect_dma semaphore(%arg7 : memref<!tpu.dma_semaphore, #tpu.memory_space<semaphore_mem>>) src(%dma_wait3A_178 : memref<10000x64xf32, #tpu.memory_space<hbm>>) dst(%dma_wait3A_172 : memref<125x64xf32, #tpu.memory_space<vmem>>)
    %dma_wait3A_179 = arith.constant 8 : i32
    %dma_wait3A_180 = arith.constant 1000 : i32
    %dma_wait3A_181 = arith.constant 0 : i32
    %dma_wait3A_182 = tpu.memref_slice %arg6[%dma_wait3A_180, %dma_wait3A_181] : memref<1250x64xf32, #tpu.memory_space<vmem>> -> memref<125x64xf32, #tpu.memory_space<vmem>>
    %dma_wait3A_183 = arith.constant 0 : i32
    %dma_wait3A_184 = tpu.memref_slice %arg5[%dma_wait3A_179, %dma_wait3A_183] : memref<10x125xi32, #tpu.memory_space<vmem>> -> memref<1x125xi32, #tpu.memory_space<vmem>>
    %dma_wait3A_185 = tpu.memref_squeeze %dma_wait3A_184 : memref<1x125xi32, #tpu.memory_space<vmem>> -> memref<125xi32, #tpu.memory_space<vmem>>
    %dma_wait3A_186 = arith.constant 0 : i32
    %dma_wait3A_187 = arith.constant 0 : i32
    %dma_wait3A_188 = tpu.memref_slice %arg2[%dma_wait3A_186, %dma_wait3A_187] : memref<10000x64xf32, #tpu.memory_space<hbm>> -> memref<10000x64xf32, #tpu.memory_space<hbm>>
    tpu.wait_indirect_dma semaphore(%arg7 : memref<!tpu.dma_semaphore, #tpu.memory_space<semaphore_mem>>) src(%dma_wait3A_188 : memref<10000x64xf32, #tpu.memory_space<hbm>>) dst(%dma_wait3A_182 : memref<125x64xf32, #tpu.memory_space<vmem>>)
    %dma_wait3A_189 = arith.constant 9 : i32
    %dma_wait3A_190 = arith.constant 1125 : i32
    %dma_wait3A_191 = arith.constant 0 : i32
    %dma_wait3A_192 = tpu.memref_slice %arg6[%dma_wait3A_190, %dma_wait3A_191] : memref<1250x64xf32, #tpu.memory_space<vmem>> -> memref<125x64xf32, #tpu.memory_space<vmem>>
    %dma_wait3A_193 = arith.constant 0 : i32
    %dma_wait3A_194 = tpu.memref_slice %arg5[%dma_wait3A_189, %dma_wait3A_193] : memref<10x125xi32, #tpu.memory_space<vmem>> -> memref<1x125xi32, #tpu.memory_space<vmem>>
    %dma_wait3A_195 = tpu.memref_squeeze %dma_wait3A_194 : memref<1x125xi32, #tpu.memory_space<vmem>> -> memref<125xi32, #tpu.memory_space<vmem>>
    %dma_wait3A_196 = arith.constant 0 : i32
    %dma_wait3A_197 = arith.constant 0 : i32
    %dma_wait3A_198 = tpu.memref_slice %arg2[%dma_wait3A_196, %dma_wait3A_197] : memref<10000x64xf32, #tpu.memory_space<hbm>> -> memref<10000x64xf32, #tpu.memory_space<hbm>>
    tpu.wait_indirect_dma semaphore(%arg7 : memref<!tpu.dma_semaphore, #tpu.memory_space<semaphore_mem>>) src(%dma_wait3A_198 : memref<10000x64xf32, #tpu.memory_space<hbm>>) dst(%dma_wait3A_192 : memref<125x64xf32, #tpu.memory_space<vmem>>)
    %mul3A_199 = arith.constant 1250 : i32
    %mul3A_200 = arith.muli %add3A, %mul3A_199 : i32
    "tpu.region"() ({
      %run_scoped3A = tpu.sem_alloc : memref<!tpu.dma_semaphore, #tpu.memory_space<semaphore_mem>>
      %dma_start3A_201 = arith.constant 0 : i32
      %dma_start3A_202 = tpu.memref_slice %arg4[%mul3A_200, %dma_start3A_201] : memref<40000x64xf32, #tpu.memory_space<hbm>> -> memref<1250x64xf32, #tpu.memory_space<hbm>>
      %dma_start3A_203 = arith.constant 0 : i32
      %dma_start3A_204 = tpu.memref_slice %arg4[%mul3A_200, %dma_start3A_203] : memref<40000x64xf32, #tpu.memory_space<hbm>> -> memref<1250x64xf32, #tpu.memory_space<hbm>>
      tpu.enqueue_dma source(%arg6 : memref<1250x64xf32, #tpu.memory_space<vmem>>) target(%dma_start3A_204 : memref<1250x64xf32, #tpu.memory_space<hbm>>) target_semaphore(%run_scoped3A : memref<!tpu.dma_semaphore, #tpu.memory_space<semaphore_mem>>)
      %dma_wait3A_205 = arith.constant 0 : i32
      %dma_wait3A_206 = tpu.memref_slice %arg4[%mul3A_200, %dma_wait3A_205] : memref<40000x64xf32, #tpu.memory_space<hbm>> -> memref<1250x64xf32, #tpu.memory_space<hbm>>
      %dma_wait3A_207 = arith.constant 0 : i32
      %dma_wait3A_208 = tpu.memref_slice %arg4[%mul3A_200, %dma_wait3A_207] : memref<40000x64xf32, #tpu.memory_space<hbm>> -> memref<1250x64xf32, #tpu.memory_space<hbm>>
      tpu.wait_dma2 semaphore(%run_scoped3A : memref<!tpu.dma_semaphore, #tpu.memory_space<semaphore_mem>>) src(%arg6 : memref<1250x64xf32, #tpu.memory_space<vmem>>) dst(%dma_wait3A_208 : memref<1250x64xf32, #tpu.memory_space<hbm>>)
      tpu.yield
    }) : () -> ()
    return
  }
}

#map = affine_map<(d0, d1) -> (0, 0)>
#map1 = affine_map<(d0, d1) -> (0, 0, 0)>
module attributes {stable_mosaic.version = 14 : i64} {
  func.func @sk(%arg0: i32, %arg1: i32, %arg2: memref<40000x32xf32, #tpu.memory_space<hbm>>, %arg3: memref<32x10x125xi32, #tpu.memory_space<hbm>>, %arg4: memref<10000x32xf32, #tpu.memory_space<hbm>>, %arg5: memref<2x10000x32xf32, #tpu.memory_space<hbm>>, %arg6: memref<10x125xi32, #tpu.memory_space<vmem>>, %arg7: memref<1250x32xf32, #tpu.memory_space<vmem>>, %arg8: memref<10000x32xf32, #tpu.memory_space<vmem_shared>>, %arg9: memref<!tpu.dma_semaphore, #tpu.memory_space<semaphore_mem>>) attributes {dimension_semantics = [#tpu.dimension_semantics<core_parallel>, #tpu.dimension_semantics<subcore_parallel>], iteration_bounds = array<i64: 2, 16>, scalar_prefetch = 0 : i64, scratch_operands = 4 : i64, tpu.core_type = #tpu.core_type<sc_vector_subcore>, window_params = [{transform_indices = #map}, {transform_indices = #map1}, {transform_indices = #map}, {transform_indices = #map1}]} {
    %mul3A = arith.constant 2 : i32
    %mul3A_0 = arith.muli %arg1, %mul3A : i32
    %add3A = arith.addi %mul3A_0, %arg0 : i32
    %mul3A_1 = arith.constant 625 : i32
    %mul3A_2 = arith.muli %arg1, %mul3A_1 : i32
    %mul3A_3 = arith.constant 625 : i32
    %mul3A_4 = arith.muli %arg1, %mul3A_3 : i32
    "tpu.region"() ({
      %run_scoped3A_21 = tpu.sem_alloc : memref<!tpu.dma_semaphore, #tpu.memory_space<semaphore_mem>>
      %dma_start3A = arith.constant 0 : i32
      %dma_start3A_22 = tpu.memref_slice %arg8[%mul3A_4, %dma_start3A] : memref<10000x32xf32, #tpu.memory_space<vmem_shared>> -> memref<625x32xf32, #tpu.memory_space<vmem_shared>>
      %dma_start3A_23 = arith.constant 0 : i32
      %dma_start3A_24 = tpu.memref_slice %arg4[%mul3A_2, %dma_start3A_23] : memref<10000x32xf32, #tpu.memory_space<hbm>> -> memref<625x32xf32, #tpu.memory_space<hbm>>
      tpu.enqueue_dma source(%dma_start3A_24 : memref<625x32xf32, #tpu.memory_space<hbm>>) target(%dma_start3A_22 : memref<625x32xf32, #tpu.memory_space<vmem_shared>>) target_semaphore(%run_scoped3A_21 : memref<!tpu.dma_semaphore, #tpu.memory_space<semaphore_mem>>)
      %dma_wait3A = arith.constant 0 : i32
      %dma_wait3A_25 = tpu.memref_slice %arg8[%mul3A_4, %dma_wait3A] : memref<10000x32xf32, #tpu.memory_space<vmem_shared>> -> memref<625x32xf32, #tpu.memory_space<vmem_shared>>
      %dma_wait3A_26 = arith.constant 0 : i32
      %dma_wait3A_27 = tpu.memref_slice %arg4[%mul3A_2, %dma_wait3A_26] : memref<10000x32xf32, #tpu.memory_space<hbm>> -> memref<625x32xf32, #tpu.memory_space<hbm>>
      tpu.wait_dma2 semaphore(%run_scoped3A_21 : memref<!tpu.dma_semaphore, #tpu.memory_space<semaphore_mem>>) src(%dma_wait3A_27 : memref<625x32xf32, #tpu.memory_space<hbm>>) dst(%dma_wait3A_25 : memref<625x32xf32, #tpu.memory_space<vmem_shared>>)
      tpu.yield
    }) : () -> ()
    "tpu.region"() ({
      %run_scoped3A_21 = tpu.sem_alloc : memref<!tpu.dma_semaphore, #tpu.memory_space<semaphore_mem>>
      %dma_start3A = arith.constant 0 : i32
      %dma_start3A_22 = arith.constant 0 : i32
      %dma_start3A_23 = tpu.memref_slice %arg3[%add3A, %dma_start3A, %dma_start3A_22] : memref<32x10x125xi32, #tpu.memory_space<hbm>> -> memref<1x10x125xi32, #tpu.memory_space<hbm>>
      %dma_start3A_24 = tpu.memref_squeeze %dma_start3A_23 : memref<1x10x125xi32, #tpu.memory_space<hbm>> -> memref<10x125xi32, #tpu.memory_space<hbm>>
      %dma_start3A_25 = arith.constant 0 : i32
      %dma_start3A_26 = arith.constant 0 : i32
      %dma_start3A_27 = tpu.memref_slice %arg3[%add3A, %dma_start3A_25, %dma_start3A_26] : memref<32x10x125xi32, #tpu.memory_space<hbm>> -> memref<1x10x125xi32, #tpu.memory_space<hbm>>
      %dma_start3A_28 = tpu.memref_squeeze %dma_start3A_27 : memref<1x10x125xi32, #tpu.memory_space<hbm>> -> memref<10x125xi32, #tpu.memory_space<hbm>>
      tpu.enqueue_dma source(%dma_start3A_28 : memref<10x125xi32, #tpu.memory_space<hbm>>) target(%arg6 : memref<10x125xi32, #tpu.memory_space<vmem>>) target_semaphore(%run_scoped3A_21 : memref<!tpu.dma_semaphore, #tpu.memory_space<semaphore_mem>>)
      %dma_wait3A = arith.constant 0 : i32
      %dma_wait3A_29 = arith.constant 0 : i32
      %dma_wait3A_30 = tpu.memref_slice %arg3[%add3A, %dma_wait3A, %dma_wait3A_29] : memref<32x10x125xi32, #tpu.memory_space<hbm>> -> memref<1x10x125xi32, #tpu.memory_space<hbm>>
      %dma_wait3A_31 = tpu.memref_squeeze %dma_wait3A_30 : memref<1x10x125xi32, #tpu.memory_space<hbm>> -> memref<10x125xi32, #tpu.memory_space<hbm>>
      %dma_wait3A_32 = arith.constant 0 : i32
      %dma_wait3A_33 = arith.constant 0 : i32
      %dma_wait3A_34 = tpu.memref_slice %arg3[%add3A, %dma_wait3A_32, %dma_wait3A_33] : memref<32x10x125xi32, #tpu.memory_space<hbm>> -> memref<1x10x125xi32, #tpu.memory_space<hbm>>
      %dma_wait3A_35 = tpu.memref_squeeze %dma_wait3A_34 : memref<1x10x125xi32, #tpu.memory_space<hbm>> -> memref<10x125xi32, #tpu.memory_space<hbm>>
      tpu.wait_dma2 semaphore(%run_scoped3A_21 : memref<!tpu.dma_semaphore, #tpu.memory_space<semaphore_mem>>) src(%dma_wait3A_35 : memref<10x125xi32, #tpu.memory_space<hbm>>) dst(%arg6 : memref<10x125xi32, #tpu.memory_space<vmem>>)
      tpu.yield
    }) : () -> ()
    %mul3A_5 = arith.constant 1250 : i32
    %mul3A_6 = arith.muli %add3A, %mul3A_5 : i32
    "tpu.region"() ({
      %run_scoped3A_21 = tpu.sem_alloc : memref<!tpu.dma_semaphore, #tpu.memory_space<semaphore_mem>>
      %dma_start3A = arith.constant 0 : i32
      %dma_start3A_22 = tpu.memref_slice %arg2[%mul3A_6, %dma_start3A] : memref<40000x32xf32, #tpu.memory_space<hbm>> -> memref<1250x32xf32, #tpu.memory_space<hbm>>
      %dma_start3A_23 = arith.constant 0 : i32
      %dma_start3A_24 = tpu.memref_slice %arg2[%mul3A_6, %dma_start3A_23] : memref<40000x32xf32, #tpu.memory_space<hbm>> -> memref<1250x32xf32, #tpu.memory_space<hbm>>
      tpu.enqueue_dma source(%dma_start3A_24 : memref<1250x32xf32, #tpu.memory_space<hbm>>) target(%arg7 : memref<1250x32xf32, #tpu.memory_space<vmem>>) target_semaphore(%run_scoped3A_21 : memref<!tpu.dma_semaphore, #tpu.memory_space<semaphore_mem>>)
      %dma_wait3A = arith.constant 0 : i32
      %dma_wait3A_25 = tpu.memref_slice %arg2[%mul3A_6, %dma_wait3A] : memref<40000x32xf32, #tpu.memory_space<hbm>> -> memref<1250x32xf32, #tpu.memory_space<hbm>>
      %dma_wait3A_26 = arith.constant 0 : i32
      %dma_wait3A_27 = tpu.memref_slice %arg2[%mul3A_6, %dma_wait3A_26] : memref<40000x32xf32, #tpu.memory_space<hbm>> -> memref<1250x32xf32, #tpu.memory_space<hbm>>
      tpu.wait_dma2 semaphore(%run_scoped3A_21 : memref<!tpu.dma_semaphore, #tpu.memory_space<semaphore_mem>>) src(%dma_wait3A_27 : memref<1250x32xf32, #tpu.memory_space<hbm>>) dst(%arg7 : memref<1250x32xf32, #tpu.memory_space<vmem>>)
      tpu.yield
    }) : () -> ()
    %barrier3A = arith.constant 0 : index
    tpu.barrier barrier_id(%barrier3A)
    %run_scoped3A = arith.constant 0 : i32
    "tpu.region"() ({
      %run_scoped3A_21 = tpu.sem_alloc : memref<!tpu.dma_semaphore, #tpu.memory_space<semaphore_mem>>
      %dma_start3A = arith.constant 0 : i32
      %dma_start3A_22 = arith.constant 0 : i32
      %dma_start3A_23 = tpu.memref_slice %arg7[%dma_start3A, %dma_start3A_22] : memref<1250x32xf32, #tpu.memory_space<vmem>> -> memref<125x32xf32, #tpu.memory_space<vmem>>
      %dma_start3A_24 = arith.constant 0 : i32
      %dma_start3A_25 = tpu.memref_slice %arg6[%run_scoped3A, %dma_start3A_24] : memref<10x125xi32, #tpu.memory_space<vmem>> -> memref<1x125xi32, #tpu.memory_space<vmem>>
      %dma_start3A_26 = tpu.memref_squeeze %dma_start3A_25 : memref<1x125xi32, #tpu.memory_space<vmem>> -> memref<125xi32, #tpu.memory_space<vmem>>
      %dma_start3A_27 = arith.constant 0 : i32
      %dma_start3A_28 = arith.constant 0 : i32
      %dma_start3A_29 = tpu.memref_slice %arg8[%dma_start3A_27, %dma_start3A_28] : memref<10000x32xf32, #tpu.memory_space<vmem_shared>> -> memref<10000x32xf32, #tpu.memory_space<vmem_shared>>
      tpu.enqueue_indirect_dma source(%dma_start3A_23 : memref<125x32xf32, #tpu.memory_space<vmem>>) target(%dma_start3A_29 : memref<10000x32xf32, #tpu.memory_space<vmem_shared>>) offsets(%dma_start3A_26 : memref<125xi32, #tpu.memory_space<vmem>>) semaphore(%run_scoped3A_21 : memref<!tpu.dma_semaphore, #tpu.memory_space<semaphore_mem>>) {add = true}
      %dma_wait3A = arith.constant 0 : i32
      %dma_wait3A_30 = arith.constant 0 : i32
      %dma_wait3A_31 = tpu.memref_slice %arg7[%dma_wait3A, %dma_wait3A_30] : memref<1250x32xf32, #tpu.memory_space<vmem>> -> memref<125x32xf32, #tpu.memory_space<vmem>>
      %dma_wait3A_32 = arith.constant 0 : i32
      %dma_wait3A_33 = tpu.memref_slice %arg6[%run_scoped3A, %dma_wait3A_32] : memref<10x125xi32, #tpu.memory_space<vmem>> -> memref<1x125xi32, #tpu.memory_space<vmem>>
      %dma_wait3A_34 = tpu.memref_squeeze %dma_wait3A_33 : memref<1x125xi32, #tpu.memory_space<vmem>> -> memref<125xi32, #tpu.memory_space<vmem>>
      %dma_wait3A_35 = arith.constant 0 : i32
      %dma_wait3A_36 = arith.constant 0 : i32
      %dma_wait3A_37 = tpu.memref_slice %arg8[%dma_wait3A_35, %dma_wait3A_36] : memref<10000x32xf32, #tpu.memory_space<vmem_shared>> -> memref<10000x32xf32, #tpu.memory_space<vmem_shared>>
      tpu.wait_indirect_dma semaphore(%run_scoped3A_21 : memref<!tpu.dma_semaphore, #tpu.memory_space<semaphore_mem>>) src(%dma_wait3A_31 : memref<125x32xf32, #tpu.memory_space<vmem>>) dst(%dma_wait3A_37 : memref<10000x32xf32, #tpu.memory_space<vmem_shared>>)
      tpu.yield
    }) : () -> ()
    %run_scoped3A_7 = arith.constant 1 : i32
    "tpu.region"() ({
      %run_scoped3A_21 = tpu.sem_alloc : memref<!tpu.dma_semaphore, #tpu.memory_space<semaphore_mem>>
      %dma_start3A = arith.constant 125 : i32
      %dma_start3A_22 = arith.constant 0 : i32
      %dma_start3A_23 = tpu.memref_slice %arg7[%dma_start3A, %dma_start3A_22] : memref<1250x32xf32, #tpu.memory_space<vmem>> -> memref<125x32xf32, #tpu.memory_space<vmem>>
      %dma_start3A_24 = arith.constant 0 : i32
      %dma_start3A_25 = tpu.memref_slice %arg6[%run_scoped3A_7, %dma_start3A_24] : memref<10x125xi32, #tpu.memory_space<vmem>> -> memref<1x125xi32, #tpu.memory_space<vmem>>
      %dma_start3A_26 = tpu.memref_squeeze %dma_start3A_25 : memref<1x125xi32, #tpu.memory_space<vmem>> -> memref<125xi32, #tpu.memory_space<vmem>>
      %dma_start3A_27 = arith.constant 0 : i32
      %dma_start3A_28 = arith.constant 0 : i32
      %dma_start3A_29 = tpu.memref_slice %arg8[%dma_start3A_27, %dma_start3A_28] : memref<10000x32xf32, #tpu.memory_space<vmem_shared>> -> memref<10000x32xf32, #tpu.memory_space<vmem_shared>>
      tpu.enqueue_indirect_dma source(%dma_start3A_23 : memref<125x32xf32, #tpu.memory_space<vmem>>) target(%dma_start3A_29 : memref<10000x32xf32, #tpu.memory_space<vmem_shared>>) offsets(%dma_start3A_26 : memref<125xi32, #tpu.memory_space<vmem>>) semaphore(%run_scoped3A_21 : memref<!tpu.dma_semaphore, #tpu.memory_space<semaphore_mem>>) {add = true}
      %dma_wait3A = arith.constant 125 : i32
      %dma_wait3A_30 = arith.constant 0 : i32
      %dma_wait3A_31 = tpu.memref_slice %arg7[%dma_wait3A, %dma_wait3A_30] : memref<1250x32xf32, #tpu.memory_space<vmem>> -> memref<125x32xf32, #tpu.memory_space<vmem>>
      %dma_wait3A_32 = arith.constant 0 : i32
      %dma_wait3A_33 = tpu.memref_slice %arg6[%run_scoped3A_7, %dma_wait3A_32] : memref<10x125xi32, #tpu.memory_space<vmem>> -> memref<1x125xi32, #tpu.memory_space<vmem>>
      %dma_wait3A_34 = tpu.memref_squeeze %dma_wait3A_33 : memref<1x125xi32, #tpu.memory_space<vmem>> -> memref<125xi32, #tpu.memory_space<vmem>>
      %dma_wait3A_35 = arith.constant 0 : i32
      %dma_wait3A_36 = arith.constant 0 : i32
      %dma_wait3A_37 = tpu.memref_slice %arg8[%dma_wait3A_35, %dma_wait3A_36] : memref<10000x32xf32, #tpu.memory_space<vmem_shared>> -> memref<10000x32xf32, #tpu.memory_space<vmem_shared>>
      tpu.wait_indirect_dma semaphore(%run_scoped3A_21 : memref<!tpu.dma_semaphore, #tpu.memory_space<semaphore_mem>>) src(%dma_wait3A_31 : memref<125x32xf32, #tpu.memory_space<vmem>>) dst(%dma_wait3A_37 : memref<10000x32xf32, #tpu.memory_space<vmem_shared>>)
      tpu.yield
    }) : () -> ()
    %run_scoped3A_8 = arith.constant 2 : i32
    "tpu.region"() ({
      %run_scoped3A_21 = tpu.sem_alloc : memref<!tpu.dma_semaphore, #tpu.memory_space<semaphore_mem>>
      %dma_start3A = arith.constant 250 : i32
      %dma_start3A_22 = arith.constant 0 : i32
      %dma_start3A_23 = tpu.memref_slice %arg7[%dma_start3A, %dma_start3A_22] : memref<1250x32xf32, #tpu.memory_space<vmem>> -> memref<125x32xf32, #tpu.memory_space<vmem>>
      %dma_start3A_24 = arith.constant 0 : i32
      %dma_start3A_25 = tpu.memref_slice %arg6[%run_scoped3A_8, %dma_start3A_24] : memref<10x125xi32, #tpu.memory_space<vmem>> -> memref<1x125xi32, #tpu.memory_space<vmem>>
      %dma_start3A_26 = tpu.memref_squeeze %dma_start3A_25 : memref<1x125xi32, #tpu.memory_space<vmem>> -> memref<125xi32, #tpu.memory_space<vmem>>
      %dma_start3A_27 = arith.constant 0 : i32
      %dma_start3A_28 = arith.constant 0 : i32
      %dma_start3A_29 = tpu.memref_slice %arg8[%dma_start3A_27, %dma_start3A_28] : memref<10000x32xf32, #tpu.memory_space<vmem_shared>> -> memref<10000x32xf32, #tpu.memory_space<vmem_shared>>
      tpu.enqueue_indirect_dma source(%dma_start3A_23 : memref<125x32xf32, #tpu.memory_space<vmem>>) target(%dma_start3A_29 : memref<10000x32xf32, #tpu.memory_space<vmem_shared>>) offsets(%dma_start3A_26 : memref<125xi32, #tpu.memory_space<vmem>>) semaphore(%run_scoped3A_21 : memref<!tpu.dma_semaphore, #tpu.memory_space<semaphore_mem>>) {add = true}
      %dma_wait3A = arith.constant 250 : i32
      %dma_wait3A_30 = arith.constant 0 : i32
      %dma_wait3A_31 = tpu.memref_slice %arg7[%dma_wait3A, %dma_wait3A_30] : memref<1250x32xf32, #tpu.memory_space<vmem>> -> memref<125x32xf32, #tpu.memory_space<vmem>>
      %dma_wait3A_32 = arith.constant 0 : i32
      %dma_wait3A_33 = tpu.memref_slice %arg6[%run_scoped3A_8, %dma_wait3A_32] : memref<10x125xi32, #tpu.memory_space<vmem>> -> memref<1x125xi32, #tpu.memory_space<vmem>>
      %dma_wait3A_34 = tpu.memref_squeeze %dma_wait3A_33 : memref<1x125xi32, #tpu.memory_space<vmem>> -> memref<125xi32, #tpu.memory_space<vmem>>
      %dma_wait3A_35 = arith.constant 0 : i32
      %dma_wait3A_36 = arith.constant 0 : i32
      %dma_wait3A_37 = tpu.memref_slice %arg8[%dma_wait3A_35, %dma_wait3A_36] : memref<10000x32xf32, #tpu.memory_space<vmem_shared>> -> memref<10000x32xf32, #tpu.memory_space<vmem_shared>>
      tpu.wait_indirect_dma semaphore(%run_scoped3A_21 : memref<!tpu.dma_semaphore, #tpu.memory_space<semaphore_mem>>) src(%dma_wait3A_31 : memref<125x32xf32, #tpu.memory_space<vmem>>) dst(%dma_wait3A_37 : memref<10000x32xf32, #tpu.memory_space<vmem_shared>>)
      tpu.yield
    }) : () -> ()
    %run_scoped3A_9 = arith.constant 3 : i32
    "tpu.region"() ({
      %run_scoped3A_21 = tpu.sem_alloc : memref<!tpu.dma_semaphore, #tpu.memory_space<semaphore_mem>>
      %dma_start3A = arith.constant 375 : i32
      %dma_start3A_22 = arith.constant 0 : i32
      %dma_start3A_23 = tpu.memref_slice %arg7[%dma_start3A, %dma_start3A_22] : memref<1250x32xf32, #tpu.memory_space<vmem>> -> memref<125x32xf32, #tpu.memory_space<vmem>>
      %dma_start3A_24 = arith.constant 0 : i32
      %dma_start3A_25 = tpu.memref_slice %arg6[%run_scoped3A_9, %dma_start3A_24] : memref<10x125xi32, #tpu.memory_space<vmem>> -> memref<1x125xi32, #tpu.memory_space<vmem>>
      %dma_start3A_26 = tpu.memref_squeeze %dma_start3A_25 : memref<1x125xi32, #tpu.memory_space<vmem>> -> memref<125xi32, #tpu.memory_space<vmem>>
      %dma_start3A_27 = arith.constant 0 : i32
      %dma_start3A_28 = arith.constant 0 : i32
      %dma_start3A_29 = tpu.memref_slice %arg8[%dma_start3A_27, %dma_start3A_28] : memref<10000x32xf32, #tpu.memory_space<vmem_shared>> -> memref<10000x32xf32, #tpu.memory_space<vmem_shared>>
      tpu.enqueue_indirect_dma source(%dma_start3A_23 : memref<125x32xf32, #tpu.memory_space<vmem>>) target(%dma_start3A_29 : memref<10000x32xf32, #tpu.memory_space<vmem_shared>>) offsets(%dma_start3A_26 : memref<125xi32, #tpu.memory_space<vmem>>) semaphore(%run_scoped3A_21 : memref<!tpu.dma_semaphore, #tpu.memory_space<semaphore_mem>>) {add = true}
      %dma_wait3A = arith.constant 375 : i32
      %dma_wait3A_30 = arith.constant 0 : i32
      %dma_wait3A_31 = tpu.memref_slice %arg7[%dma_wait3A, %dma_wait3A_30] : memref<1250x32xf32, #tpu.memory_space<vmem>> -> memref<125x32xf32, #tpu.memory_space<vmem>>
      %dma_wait3A_32 = arith.constant 0 : i32
      %dma_wait3A_33 = tpu.memref_slice %arg6[%run_scoped3A_9, %dma_wait3A_32] : memref<10x125xi32, #tpu.memory_space<vmem>> -> memref<1x125xi32, #tpu.memory_space<vmem>>
      %dma_wait3A_34 = tpu.memref_squeeze %dma_wait3A_33 : memref<1x125xi32, #tpu.memory_space<vmem>> -> memref<125xi32, #tpu.memory_space<vmem>>
      %dma_wait3A_35 = arith.constant 0 : i32
      %dma_wait3A_36 = arith.constant 0 : i32
      %dma_wait3A_37 = tpu.memref_slice %arg8[%dma_wait3A_35, %dma_wait3A_36] : memref<10000x32xf32, #tpu.memory_space<vmem_shared>> -> memref<10000x32xf32, #tpu.memory_space<vmem_shared>>
      tpu.wait_indirect_dma semaphore(%run_scoped3A_21 : memref<!tpu.dma_semaphore, #tpu.memory_space<semaphore_mem>>) src(%dma_wait3A_31 : memref<125x32xf32, #tpu.memory_space<vmem>>) dst(%dma_wait3A_37 : memref<10000x32xf32, #tpu.memory_space<vmem_shared>>)
      tpu.yield
    }) : () -> ()
    %run_scoped3A_10 = arith.constant 4 : i32
    "tpu.region"() ({
      %run_scoped3A_21 = tpu.sem_alloc : memref<!tpu.dma_semaphore, #tpu.memory_space<semaphore_mem>>
      %dma_start3A = arith.constant 500 : i32
      %dma_start3A_22 = arith.constant 0 : i32
      %dma_start3A_23 = tpu.memref_slice %arg7[%dma_start3A, %dma_start3A_22] : memref<1250x32xf32, #tpu.memory_space<vmem>> -> memref<125x32xf32, #tpu.memory_space<vmem>>
      %dma_start3A_24 = arith.constant 0 : i32
      %dma_start3A_25 = tpu.memref_slice %arg6[%run_scoped3A_10, %dma_start3A_24] : memref<10x125xi32, #tpu.memory_space<vmem>> -> memref<1x125xi32, #tpu.memory_space<vmem>>
      %dma_start3A_26 = tpu.memref_squeeze %dma_start3A_25 : memref<1x125xi32, #tpu.memory_space<vmem>> -> memref<125xi32, #tpu.memory_space<vmem>>
      %dma_start3A_27 = arith.constant 0 : i32
      %dma_start3A_28 = arith.constant 0 : i32
      %dma_start3A_29 = tpu.memref_slice %arg8[%dma_start3A_27, %dma_start3A_28] : memref<10000x32xf32, #tpu.memory_space<vmem_shared>> -> memref<10000x32xf32, #tpu.memory_space<vmem_shared>>
      tpu.enqueue_indirect_dma source(%dma_start3A_23 : memref<125x32xf32, #tpu.memory_space<vmem>>) target(%dma_start3A_29 : memref<10000x32xf32, #tpu.memory_space<vmem_shared>>) offsets(%dma_start3A_26 : memref<125xi32, #tpu.memory_space<vmem>>) semaphore(%run_scoped3A_21 : memref<!tpu.dma_semaphore, #tpu.memory_space<semaphore_mem>>) {add = true}
      %dma_wait3A = arith.constant 500 : i32
      %dma_wait3A_30 = arith.constant 0 : i32
      %dma_wait3A_31 = tpu.memref_slice %arg7[%dma_wait3A, %dma_wait3A_30] : memref<1250x32xf32, #tpu.memory_space<vmem>> -> memref<125x32xf32, #tpu.memory_space<vmem>>
      %dma_wait3A_32 = arith.constant 0 : i32
      %dma_wait3A_33 = tpu.memref_slice %arg6[%run_scoped3A_10, %dma_wait3A_32] : memref<10x125xi32, #tpu.memory_space<vmem>> -> memref<1x125xi32, #tpu.memory_space<vmem>>
      %dma_wait3A_34 = tpu.memref_squeeze %dma_wait3A_33 : memref<1x125xi32, #tpu.memory_space<vmem>> -> memref<125xi32, #tpu.memory_space<vmem>>
      %dma_wait3A_35 = arith.constant 0 : i32
      %dma_wait3A_36 = arith.constant 0 : i32
      %dma_wait3A_37 = tpu.memref_slice %arg8[%dma_wait3A_35, %dma_wait3A_36] : memref<10000x32xf32, #tpu.memory_space<vmem_shared>> -> memref<10000x32xf32, #tpu.memory_space<vmem_shared>>
      tpu.wait_indirect_dma semaphore(%run_scoped3A_21 : memref<!tpu.dma_semaphore, #tpu.memory_space<semaphore_mem>>) src(%dma_wait3A_31 : memref<125x32xf32, #tpu.memory_space<vmem>>) dst(%dma_wait3A_37 : memref<10000x32xf32, #tpu.memory_space<vmem_shared>>)
      tpu.yield
    }) : () -> ()
    %run_scoped3A_11 = arith.constant 5 : i32
    "tpu.region"() ({
      %run_scoped3A_21 = tpu.sem_alloc : memref<!tpu.dma_semaphore, #tpu.memory_space<semaphore_mem>>
      %dma_start3A = arith.constant 625 : i32
      %dma_start3A_22 = arith.constant 0 : i32
      %dma_start3A_23 = tpu.memref_slice %arg7[%dma_start3A, %dma_start3A_22] : memref<1250x32xf32, #tpu.memory_space<vmem>> -> memref<125x32xf32, #tpu.memory_space<vmem>>
      %dma_start3A_24 = arith.constant 0 : i32
      %dma_start3A_25 = tpu.memref_slice %arg6[%run_scoped3A_11, %dma_start3A_24] : memref<10x125xi32, #tpu.memory_space<vmem>> -> memref<1x125xi32, #tpu.memory_space<vmem>>
      %dma_start3A_26 = tpu.memref_squeeze %dma_start3A_25 : memref<1x125xi32, #tpu.memory_space<vmem>> -> memref<125xi32, #tpu.memory_space<vmem>>
      %dma_start3A_27 = arith.constant 0 : i32
      %dma_start3A_28 = arith.constant 0 : i32
      %dma_start3A_29 = tpu.memref_slice %arg8[%dma_start3A_27, %dma_start3A_28] : memref<10000x32xf32, #tpu.memory_space<vmem_shared>> -> memref<10000x32xf32, #tpu.memory_space<vmem_shared>>
      tpu.enqueue_indirect_dma source(%dma_start3A_23 : memref<125x32xf32, #tpu.memory_space<vmem>>) target(%dma_start3A_29 : memref<10000x32xf32, #tpu.memory_space<vmem_shared>>) offsets(%dma_start3A_26 : memref<125xi32, #tpu.memory_space<vmem>>) semaphore(%run_scoped3A_21 : memref<!tpu.dma_semaphore, #tpu.memory_space<semaphore_mem>>) {add = true}
      %dma_wait3A = arith.constant 625 : i32
      %dma_wait3A_30 = arith.constant 0 : i32
      %dma_wait3A_31 = tpu.memref_slice %arg7[%dma_wait3A, %dma_wait3A_30] : memref<1250x32xf32, #tpu.memory_space<vmem>> -> memref<125x32xf32, #tpu.memory_space<vmem>>
      %dma_wait3A_32 = arith.constant 0 : i32
      %dma_wait3A_33 = tpu.memref_slice %arg6[%run_scoped3A_11, %dma_wait3A_32] : memref<10x125xi32, #tpu.memory_space<vmem>> -> memref<1x125xi32, #tpu.memory_space<vmem>>
      %dma_wait3A_34 = tpu.memref_squeeze %dma_wait3A_33 : memref<1x125xi32, #tpu.memory_space<vmem>> -> memref<125xi32, #tpu.memory_space<vmem>>
      %dma_wait3A_35 = arith.constant 0 : i32
      %dma_wait3A_36 = arith.constant 0 : i32
      %dma_wait3A_37 = tpu.memref_slice %arg8[%dma_wait3A_35, %dma_wait3A_36] : memref<10000x32xf32, #tpu.memory_space<vmem_shared>> -> memref<10000x32xf32, #tpu.memory_space<vmem_shared>>
      tpu.wait_indirect_dma semaphore(%run_scoped3A_21 : memref<!tpu.dma_semaphore, #tpu.memory_space<semaphore_mem>>) src(%dma_wait3A_31 : memref<125x32xf32, #tpu.memory_space<vmem>>) dst(%dma_wait3A_37 : memref<10000x32xf32, #tpu.memory_space<vmem_shared>>)
      tpu.yield
    }) : () -> ()
    %run_scoped3A_12 = arith.constant 6 : i32
    "tpu.region"() ({
      %run_scoped3A_21 = tpu.sem_alloc : memref<!tpu.dma_semaphore, #tpu.memory_space<semaphore_mem>>
      %dma_start3A = arith.constant 750 : i32
      %dma_start3A_22 = arith.constant 0 : i32
      %dma_start3A_23 = tpu.memref_slice %arg7[%dma_start3A, %dma_start3A_22] : memref<1250x32xf32, #tpu.memory_space<vmem>> -> memref<125x32xf32, #tpu.memory_space<vmem>>
      %dma_start3A_24 = arith.constant 0 : i32
      %dma_start3A_25 = tpu.memref_slice %arg6[%run_scoped3A_12, %dma_start3A_24] : memref<10x125xi32, #tpu.memory_space<vmem>> -> memref<1x125xi32, #tpu.memory_space<vmem>>
      %dma_start3A_26 = tpu.memref_squeeze %dma_start3A_25 : memref<1x125xi32, #tpu.memory_space<vmem>> -> memref<125xi32, #tpu.memory_space<vmem>>
      %dma_start3A_27 = arith.constant 0 : i32
      %dma_start3A_28 = arith.constant 0 : i32
      %dma_start3A_29 = tpu.memref_slice %arg8[%dma_start3A_27, %dma_start3A_28] : memref<10000x32xf32, #tpu.memory_space<vmem_shared>> -> memref<10000x32xf32, #tpu.memory_space<vmem_shared>>
      tpu.enqueue_indirect_dma source(%dma_start3A_23 : memref<125x32xf32, #tpu.memory_space<vmem>>) target(%dma_start3A_29 : memref<10000x32xf32, #tpu.memory_space<vmem_shared>>) offsets(%dma_start3A_26 : memref<125xi32, #tpu.memory_space<vmem>>) semaphore(%run_scoped3A_21 : memref<!tpu.dma_semaphore, #tpu.memory_space<semaphore_mem>>) {add = true}
      %dma_wait3A = arith.constant 750 : i32
      %dma_wait3A_30 = arith.constant 0 : i32
      %dma_wait3A_31 = tpu.memref_slice %arg7[%dma_wait3A, %dma_wait3A_30] : memref<1250x32xf32, #tpu.memory_space<vmem>> -> memref<125x32xf32, #tpu.memory_space<vmem>>
      %dma_wait3A_32 = arith.constant 0 : i32
      %dma_wait3A_33 = tpu.memref_slice %arg6[%run_scoped3A_12, %dma_wait3A_32] : memref<10x125xi32, #tpu.memory_space<vmem>> -> memref<1x125xi32, #tpu.memory_space<vmem>>
      %dma_wait3A_34 = tpu.memref_squeeze %dma_wait3A_33 : memref<1x125xi32, #tpu.memory_space<vmem>> -> memref<125xi32, #tpu.memory_space<vmem>>
      %dma_wait3A_35 = arith.constant 0 : i32
      %dma_wait3A_36 = arith.constant 0 : i32
      %dma_wait3A_37 = tpu.memref_slice %arg8[%dma_wait3A_35, %dma_wait3A_36] : memref<10000x32xf32, #tpu.memory_space<vmem_shared>> -> memref<10000x32xf32, #tpu.memory_space<vmem_shared>>
      tpu.wait_indirect_dma semaphore(%run_scoped3A_21 : memref<!tpu.dma_semaphore, #tpu.memory_space<semaphore_mem>>) src(%dma_wait3A_31 : memref<125x32xf32, #tpu.memory_space<vmem>>) dst(%dma_wait3A_37 : memref<10000x32xf32, #tpu.memory_space<vmem_shared>>)
      tpu.yield
    }) : () -> ()
    %run_scoped3A_13 = arith.constant 7 : i32
    "tpu.region"() ({
      %run_scoped3A_21 = tpu.sem_alloc : memref<!tpu.dma_semaphore, #tpu.memory_space<semaphore_mem>>
      %dma_start3A = arith.constant 875 : i32
      %dma_start3A_22 = arith.constant 0 : i32
      %dma_start3A_23 = tpu.memref_slice %arg7[%dma_start3A, %dma_start3A_22] : memref<1250x32xf32, #tpu.memory_space<vmem>> -> memref<125x32xf32, #tpu.memory_space<vmem>>
      %dma_start3A_24 = arith.constant 0 : i32
      %dma_start3A_25 = tpu.memref_slice %arg6[%run_scoped3A_13, %dma_start3A_24] : memref<10x125xi32, #tpu.memory_space<vmem>> -> memref<1x125xi32, #tpu.memory_space<vmem>>
      %dma_start3A_26 = tpu.memref_squeeze %dma_start3A_25 : memref<1x125xi32, #tpu.memory_space<vmem>> -> memref<125xi32, #tpu.memory_space<vmem>>
      %dma_start3A_27 = arith.constant 0 : i32
      %dma_start3A_28 = arith.constant 0 : i32
      %dma_start3A_29 = tpu.memref_slice %arg8[%dma_start3A_27, %dma_start3A_28] : memref<10000x32xf32, #tpu.memory_space<vmem_shared>> -> memref<10000x32xf32, #tpu.memory_space<vmem_shared>>
      tpu.enqueue_indirect_dma source(%dma_start3A_23 : memref<125x32xf32, #tpu.memory_space<vmem>>) target(%dma_start3A_29 : memref<10000x32xf32, #tpu.memory_space<vmem_shared>>) offsets(%dma_start3A_26 : memref<125xi32, #tpu.memory_space<vmem>>) semaphore(%run_scoped3A_21 : memref<!tpu.dma_semaphore, #tpu.memory_space<semaphore_mem>>) {add = true}
      %dma_wait3A = arith.constant 875 : i32
      %dma_wait3A_30 = arith.constant 0 : i32
      %dma_wait3A_31 = tpu.memref_slice %arg7[%dma_wait3A, %dma_wait3A_30] : memref<1250x32xf32, #tpu.memory_space<vmem>> -> memref<125x32xf32, #tpu.memory_space<vmem>>
      %dma_wait3A_32 = arith.constant 0 : i32
      %dma_wait3A_33 = tpu.memref_slice %arg6[%run_scoped3A_13, %dma_wait3A_32] : memref<10x125xi32, #tpu.memory_space<vmem>> -> memref<1x125xi32, #tpu.memory_space<vmem>>
      %dma_wait3A_34 = tpu.memref_squeeze %dma_wait3A_33 : memref<1x125xi32, #tpu.memory_space<vmem>> -> memref<125xi32, #tpu.memory_space<vmem>>
      %dma_wait3A_35 = arith.constant 0 : i32
      %dma_wait3A_36 = arith.constant 0 : i32
      %dma_wait3A_37 = tpu.memref_slice %arg8[%dma_wait3A_35, %dma_wait3A_36] : memref<10000x32xf32, #tpu.memory_space<vmem_shared>> -> memref<10000x32xf32, #tpu.memory_space<vmem_shared>>
      tpu.wait_indirect_dma semaphore(%run_scoped3A_21 : memref<!tpu.dma_semaphore, #tpu.memory_space<semaphore_mem>>) src(%dma_wait3A_31 : memref<125x32xf32, #tpu.memory_space<vmem>>) dst(%dma_wait3A_37 : memref<10000x32xf32, #tpu.memory_space<vmem_shared>>)
      tpu.yield
    }) : () -> ()
    %run_scoped3A_14 = arith.constant 8 : i32
    "tpu.region"() ({
      %run_scoped3A_21 = tpu.sem_alloc : memref<!tpu.dma_semaphore, #tpu.memory_space<semaphore_mem>>
      %dma_start3A = arith.constant 1000 : i32
      %dma_start3A_22 = arith.constant 0 : i32
      %dma_start3A_23 = tpu.memref_slice %arg7[%dma_start3A, %dma_start3A_22] : memref<1250x32xf32, #tpu.memory_space<vmem>> -> memref<125x32xf32, #tpu.memory_space<vmem>>
      %dma_start3A_24 = arith.constant 0 : i32
      %dma_start3A_25 = tpu.memref_slice %arg6[%run_scoped3A_14, %dma_start3A_24] : memref<10x125xi32, #tpu.memory_space<vmem>> -> memref<1x125xi32, #tpu.memory_space<vmem>>
      %dma_start3A_26 = tpu.memref_squeeze %dma_start3A_25 : memref<1x125xi32, #tpu.memory_space<vmem>> -> memref<125xi32, #tpu.memory_space<vmem>>
      %dma_start3A_27 = arith.constant 0 : i32
      %dma_start3A_28 = arith.constant 0 : i32
      %dma_start3A_29 = tpu.memref_slice %arg8[%dma_start3A_27, %dma_start3A_28] : memref<10000x32xf32, #tpu.memory_space<vmem_shared>> -> memref<10000x32xf32, #tpu.memory_space<vmem_shared>>
      tpu.enqueue_indirect_dma source(%dma_start3A_23 : memref<125x32xf32, #tpu.memory_space<vmem>>) target(%dma_start3A_29 : memref<10000x32xf32, #tpu.memory_space<vmem_shared>>) offsets(%dma_start3A_26 : memref<125xi32, #tpu.memory_space<vmem>>) semaphore(%run_scoped3A_21 : memref<!tpu.dma_semaphore, #tpu.memory_space<semaphore_mem>>) {add = true}
      %dma_wait3A = arith.constant 1000 : i32
      %dma_wait3A_30 = arith.constant 0 : i32
      %dma_wait3A_31 = tpu.memref_slice %arg7[%dma_wait3A, %dma_wait3A_30] : memref<1250x32xf32, #tpu.memory_space<vmem>> -> memref<125x32xf32, #tpu.memory_space<vmem>>
      %dma_wait3A_32 = arith.constant 0 : i32
      %dma_wait3A_33 = tpu.memref_slice %arg6[%run_scoped3A_14, %dma_wait3A_32] : memref<10x125xi32, #tpu.memory_space<vmem>> -> memref<1x125xi32, #tpu.memory_space<vmem>>
      %dma_wait3A_34 = tpu.memref_squeeze %dma_wait3A_33 : memref<1x125xi32, #tpu.memory_space<vmem>> -> memref<125xi32, #tpu.memory_space<vmem>>
      %dma_wait3A_35 = arith.constant 0 : i32
      %dma_wait3A_36 = arith.constant 0 : i32
      %dma_wait3A_37 = tpu.memref_slice %arg8[%dma_wait3A_35, %dma_wait3A_36] : memref<10000x32xf32, #tpu.memory_space<vmem_shared>> -> memref<10000x32xf32, #tpu.memory_space<vmem_shared>>
      tpu.wait_indirect_dma semaphore(%run_scoped3A_21 : memref<!tpu.dma_semaphore, #tpu.memory_space<semaphore_mem>>) src(%dma_wait3A_31 : memref<125x32xf32, #tpu.memory_space<vmem>>) dst(%dma_wait3A_37 : memref<10000x32xf32, #tpu.memory_space<vmem_shared>>)
      tpu.yield
    }) : () -> ()
    %run_scoped3A_15 = arith.constant 9 : i32
    "tpu.region"() ({
      %run_scoped3A_21 = tpu.sem_alloc : memref<!tpu.dma_semaphore, #tpu.memory_space<semaphore_mem>>
      %dma_start3A = arith.constant 1125 : i32
      %dma_start3A_22 = arith.constant 0 : i32
      %dma_start3A_23 = tpu.memref_slice %arg7[%dma_start3A, %dma_start3A_22] : memref<1250x32xf32, #tpu.memory_space<vmem>> -> memref<125x32xf32, #tpu.memory_space<vmem>>
      %dma_start3A_24 = arith.constant 0 : i32
      %dma_start3A_25 = tpu.memref_slice %arg6[%run_scoped3A_15, %dma_start3A_24] : memref<10x125xi32, #tpu.memory_space<vmem>> -> memref<1x125xi32, #tpu.memory_space<vmem>>
      %dma_start3A_26 = tpu.memref_squeeze %dma_start3A_25 : memref<1x125xi32, #tpu.memory_space<vmem>> -> memref<125xi32, #tpu.memory_space<vmem>>
      %dma_start3A_27 = arith.constant 0 : i32
      %dma_start3A_28 = arith.constant 0 : i32
      %dma_start3A_29 = tpu.memref_slice %arg8[%dma_start3A_27, %dma_start3A_28] : memref<10000x32xf32, #tpu.memory_space<vmem_shared>> -> memref<10000x32xf32, #tpu.memory_space<vmem_shared>>
      tpu.enqueue_indirect_dma source(%dma_start3A_23 : memref<125x32xf32, #tpu.memory_space<vmem>>) target(%dma_start3A_29 : memref<10000x32xf32, #tpu.memory_space<vmem_shared>>) offsets(%dma_start3A_26 : memref<125xi32, #tpu.memory_space<vmem>>) semaphore(%run_scoped3A_21 : memref<!tpu.dma_semaphore, #tpu.memory_space<semaphore_mem>>) {add = true}
      %dma_wait3A = arith.constant 1125 : i32
      %dma_wait3A_30 = arith.constant 0 : i32
      %dma_wait3A_31 = tpu.memref_slice %arg7[%dma_wait3A, %dma_wait3A_30] : memref<1250x32xf32, #tpu.memory_space<vmem>> -> memref<125x32xf32, #tpu.memory_space<vmem>>
      %dma_wait3A_32 = arith.constant 0 : i32
      %dma_wait3A_33 = tpu.memref_slice %arg6[%run_scoped3A_15, %dma_wait3A_32] : memref<10x125xi32, #tpu.memory_space<vmem>> -> memref<1x125xi32, #tpu.memory_space<vmem>>
      %dma_wait3A_34 = tpu.memref_squeeze %dma_wait3A_33 : memref<1x125xi32, #tpu.memory_space<vmem>> -> memref<125xi32, #tpu.memory_space<vmem>>
      %dma_wait3A_35 = arith.constant 0 : i32
      %dma_wait3A_36 = arith.constant 0 : i32
      %dma_wait3A_37 = tpu.memref_slice %arg8[%dma_wait3A_35, %dma_wait3A_36] : memref<10000x32xf32, #tpu.memory_space<vmem_shared>> -> memref<10000x32xf32, #tpu.memory_space<vmem_shared>>
      tpu.wait_indirect_dma semaphore(%run_scoped3A_21 : memref<!tpu.dma_semaphore, #tpu.memory_space<semaphore_mem>>) src(%dma_wait3A_31 : memref<125x32xf32, #tpu.memory_space<vmem>>) dst(%dma_wait3A_37 : memref<10000x32xf32, #tpu.memory_space<vmem_shared>>)
      tpu.yield
    }) : () -> ()
    %barrier3A_16 = arith.constant 0 : index
    tpu.barrier barrier_id(%barrier3A_16)
    %mul3A_17 = arith.constant 625 : i32
    %mul3A_18 = arith.muli %arg1, %mul3A_17 : i32
    %mul3A_19 = arith.constant 625 : i32
    %mul3A_20 = arith.muli %arg1, %mul3A_19 : i32
    "tpu.region"() ({
      %run_scoped3A_21 = tpu.sem_alloc : memref<!tpu.dma_semaphore, #tpu.memory_space<semaphore_mem>>
      %dma_start3A = arith.constant 0 : i32
      %dma_start3A_22 = tpu.memref_slice %arg5[%arg0, %mul3A_20, %dma_start3A] : memref<2x10000x32xf32, #tpu.memory_space<hbm>> -> memref<1x625x32xf32, #tpu.memory_space<hbm>>
      %dma_start3A_23 = tpu.memref_squeeze %dma_start3A_22 : memref<1x625x32xf32, #tpu.memory_space<hbm>> -> memref<625x32xf32, #tpu.memory_space<hbm>>
      %dma_start3A_24 = arith.constant 0 : i32
      %dma_start3A_25 = tpu.memref_slice %arg8[%mul3A_18, %dma_start3A_24] : memref<10000x32xf32, #tpu.memory_space<vmem_shared>> -> memref<625x32xf32, #tpu.memory_space<vmem_shared>>
      tpu.enqueue_dma source(%dma_start3A_25 : memref<625x32xf32, #tpu.memory_space<vmem_shared>>) target(%dma_start3A_23 : memref<625x32xf32, #tpu.memory_space<hbm>>) target_semaphore(%run_scoped3A_21 : memref<!tpu.dma_semaphore, #tpu.memory_space<semaphore_mem>>)
      %dma_wait3A = arith.constant 0 : i32
      %dma_wait3A_26 = tpu.memref_slice %arg5[%arg0, %mul3A_20, %dma_wait3A] : memref<2x10000x32xf32, #tpu.memory_space<hbm>> -> memref<1x625x32xf32, #tpu.memory_space<hbm>>
      %dma_wait3A_27 = tpu.memref_squeeze %dma_wait3A_26 : memref<1x625x32xf32, #tpu.memory_space<hbm>> -> memref<625x32xf32, #tpu.memory_space<hbm>>
      %dma_wait3A_28 = arith.constant 0 : i32
      %dma_wait3A_29 = tpu.memref_slice %arg8[%mul3A_18, %dma_wait3A_28] : memref<10000x32xf32, #tpu.memory_space<vmem_shared>> -> memref<625x32xf32, #tpu.memory_space<vmem_shared>>
      tpu.wait_dma2 semaphore(%run_scoped3A_21 : memref<!tpu.dma_semaphore, #tpu.memory_space<semaphore_mem>>) src(%dma_wait3A_29 : memref<625x32xf32, #tpu.memory_space<vmem_shared>>) dst(%dma_wait3A_27 : memref<625x32xf32, #tpu.memory_space<hbm>>)
      tpu.yield
    }) : () -> ()
    return
  }
}

#map = affine_map<(d0, d1) -> (0, 0)>
#map1 = affine_map<(d0, d1) -> (0, 0, 0)>
module attributes {stable_mosaic.version = 14 : i64} {
  func.func @gk(%arg0: i32, %arg1: i32, %arg2: memref<10000x32xf32, #tpu.memory_space<hbm>>, %arg3: memref<32x10x125xi32, #tpu.memory_space<hbm>>, %arg4: memref<40000x32xf32, #tpu.memory_space<hbm>>, %arg5: memref<10x125xi32, #tpu.memory_space<vmem>>, %arg6: memref<1250x32xf32, #tpu.memory_space<vmem>>, %arg7: memref<!tpu.dma_semaphore, #tpu.memory_space<semaphore_mem>>) attributes {dimension_semantics = [#tpu.dimension_semantics<core_parallel>, #tpu.dimension_semantics<subcore_parallel>], iteration_bounds = array<i64: 2, 16>, scalar_prefetch = 0 : i64, scratch_operands = 3 : i64, tpu.core_type = #tpu.core_type<sc_vector_subcore>, window_params = [{transform_indices = #map}, {transform_indices = #map1}, {transform_indices = #map}]} {
    %mul3A = arith.constant 2 : i32
    %mul3A_0 = arith.muli %arg1, %mul3A : i32
    %add3A = arith.addi %mul3A_0, %arg0 : i32
    "tpu.region"() ({
      %run_scoped3A = tpu.sem_alloc : memref<!tpu.dma_semaphore, #tpu.memory_space<semaphore_mem>>
      %dma_start3A_201 = arith.constant 0 : i32
      %dma_start3A_202 = arith.constant 0 : i32
      %dma_start3A_203 = tpu.memref_slice %arg3[%add3A, %dma_start3A_201, %dma_start3A_202] : memref<32x10x125xi32, #tpu.memory_space<hbm>> -> memref<1x10x125xi32, #tpu.memory_space<hbm>>
      %dma_start3A_204 = tpu.memref_squeeze %dma_start3A_203 : memref<1x10x125xi32, #tpu.memory_space<hbm>> -> memref<10x125xi32, #tpu.memory_space<hbm>>
      %dma_start3A_205 = arith.constant 0 : i32
      %dma_start3A_206 = arith.constant 0 : i32
      %dma_start3A_207 = tpu.memref_slice %arg3[%add3A, %dma_start3A_205, %dma_start3A_206] : memref<32x10x125xi32, #tpu.memory_space<hbm>> -> memref<1x10x125xi32, #tpu.memory_space<hbm>>
      %dma_start3A_208 = tpu.memref_squeeze %dma_start3A_207 : memref<1x10x125xi32, #tpu.memory_space<hbm>> -> memref<10x125xi32, #tpu.memory_space<hbm>>
      tpu.enqueue_dma source(%dma_start3A_208 : memref<10x125xi32, #tpu.memory_space<hbm>>) target(%arg5 : memref<10x125xi32, #tpu.memory_space<vmem>>) target_semaphore(%run_scoped3A : memref<!tpu.dma_semaphore, #tpu.memory_space<semaphore_mem>>)
      %dma_wait3A_209 = arith.constant 0 : i32
      %dma_wait3A_210 = arith.constant 0 : i32
      %dma_wait3A_211 = tpu.memref_slice %arg3[%add3A, %dma_wait3A_209, %dma_wait3A_210] : memref<32x10x125xi32, #tpu.memory_space<hbm>> -> memref<1x10x125xi32, #tpu.memory_space<hbm>>
      %dma_wait3A_212 = tpu.memref_squeeze %dma_wait3A_211 : memref<1x10x125xi32, #tpu.memory_space<hbm>> -> memref<10x125xi32, #tpu.memory_space<hbm>>
      %dma_wait3A_213 = arith.constant 0 : i32
      %dma_wait3A_214 = arith.constant 0 : i32
      %dma_wait3A_215 = tpu.memref_slice %arg3[%add3A, %dma_wait3A_213, %dma_wait3A_214] : memref<32x10x125xi32, #tpu.memory_space<hbm>> -> memref<1x10x125xi32, #tpu.memory_space<hbm>>
      %dma_wait3A_216 = tpu.memref_squeeze %dma_wait3A_215 : memref<1x10x125xi32, #tpu.memory_space<hbm>> -> memref<10x125xi32, #tpu.memory_space<hbm>>
      tpu.wait_dma2 semaphore(%run_scoped3A : memref<!tpu.dma_semaphore, #tpu.memory_space<semaphore_mem>>) src(%dma_wait3A_216 : memref<10x125xi32, #tpu.memory_space<hbm>>) dst(%arg5 : memref<10x125xi32, #tpu.memory_space<vmem>>)
      tpu.yield
    }) : () -> ()
    %dma_start3A = arith.constant 0 : i32
    %dma_start3A_1 = arith.constant 0 : i32
    %dma_start3A_2 = arith.constant 0 : i32
    %dma_start3A_3 = tpu.memref_slice %arg6[%dma_start3A_1, %dma_start3A_2] : memref<1250x32xf32, #tpu.memory_space<vmem>> -> memref<125x32xf32, #tpu.memory_space<vmem>>
    %dma_start3A_4 = arith.constant 0 : i32
    %dma_start3A_5 = tpu.memref_slice %arg5[%dma_start3A, %dma_start3A_4] : memref<10x125xi32, #tpu.memory_space<vmem>> -> memref<1x125xi32, #tpu.memory_space<vmem>>
    %dma_start3A_6 = tpu.memref_squeeze %dma_start3A_5 : memref<1x125xi32, #tpu.memory_space<vmem>> -> memref<125xi32, #tpu.memory_space<vmem>>
    %dma_start3A_7 = arith.constant 0 : i32
    %dma_start3A_8 = arith.constant 0 : i32
    %dma_start3A_9 = tpu.memref_slice %arg2[%dma_start3A_7, %dma_start3A_8] : memref<10000x32xf32, #tpu.memory_space<hbm>> -> memref<10000x32xf32, #tpu.memory_space<hbm>>
    tpu.enqueue_indirect_dma source(%dma_start3A_9 : memref<10000x32xf32, #tpu.memory_space<hbm>>) target(%dma_start3A_3 : memref<125x32xf32, #tpu.memory_space<vmem>>) offsets(%dma_start3A_6 : memref<125xi32, #tpu.memory_space<vmem>>) semaphore(%arg7 : memref<!tpu.dma_semaphore, #tpu.memory_space<semaphore_mem>>)
    %dma_start3A_10 = arith.constant 1 : i32
    %dma_start3A_11 = arith.constant 125 : i32
    %dma_start3A_12 = arith.constant 0 : i32
    %dma_start3A_13 = tpu.memref_slice %arg6[%dma_start3A_11, %dma_start3A_12] : memref<1250x32xf32, #tpu.memory_space<vmem>> -> memref<125x32xf32, #tpu.memory_space<vmem>>
    %dma_start3A_14 = arith.constant 0 : i32
    %dma_start3A_15 = tpu.memref_slice %arg5[%dma_start3A_10, %dma_start3A_14] : memref<10x125xi32, #tpu.memory_space<vmem>> -> memref<1x125xi32, #tpu.memory_space<vmem>>
    %dma_start3A_16 = tpu.memref_squeeze %dma_start3A_15 : memref<1x125xi32, #tpu.memory_space<vmem>> -> memref<125xi32, #tpu.memory_space<vmem>>
    %dma_start3A_17 = arith.constant 0 : i32
    %dma_start3A_18 = arith.constant 0 : i32
    %dma_start3A_19 = tpu.memref_slice %arg2[%dma_start3A_17, %dma_start3A_18] : memref<10000x32xf32, #tpu.memory_space<hbm>> -> memref<10000x32xf32, #tpu.memory_space<hbm>>
    tpu.enqueue_indirect_dma source(%dma_start3A_19 : memref<10000x32xf32, #tpu.memory_space<hbm>>) target(%dma_start3A_13 : memref<125x32xf32, #tpu.memory_space<vmem>>) offsets(%dma_start3A_16 : memref<125xi32, #tpu.memory_space<vmem>>) semaphore(%arg7 : memref<!tpu.dma_semaphore, #tpu.memory_space<semaphore_mem>>)
    %dma_start3A_20 = arith.constant 2 : i32
    %dma_start3A_21 = arith.constant 250 : i32
    %dma_start3A_22 = arith.constant 0 : i32
    %dma_start3A_23 = tpu.memref_slice %arg6[%dma_start3A_21, %dma_start3A_22] : memref<1250x32xf32, #tpu.memory_space<vmem>> -> memref<125x32xf32, #tpu.memory_space<vmem>>
    %dma_start3A_24 = arith.constant 0 : i32
    %dma_start3A_25 = tpu.memref_slice %arg5[%dma_start3A_20, %dma_start3A_24] : memref<10x125xi32, #tpu.memory_space<vmem>> -> memref<1x125xi32, #tpu.memory_space<vmem>>
    %dma_start3A_26 = tpu.memref_squeeze %dma_start3A_25 : memref<1x125xi32, #tpu.memory_space<vmem>> -> memref<125xi32, #tpu.memory_space<vmem>>
    %dma_start3A_27 = arith.constant 0 : i32
    %dma_start3A_28 = arith.constant 0 : i32
    %dma_start3A_29 = tpu.memref_slice %arg2[%dma_start3A_27, %dma_start3A_28] : memref<10000x32xf32, #tpu.memory_space<hbm>> -> memref<10000x32xf32, #tpu.memory_space<hbm>>
    tpu.enqueue_indirect_dma source(%dma_start3A_29 : memref<10000x32xf32, #tpu.memory_space<hbm>>) target(%dma_start3A_23 : memref<125x32xf32, #tpu.memory_space<vmem>>) offsets(%dma_start3A_26 : memref<125xi32, #tpu.memory_space<vmem>>) semaphore(%arg7 : memref<!tpu.dma_semaphore, #tpu.memory_space<semaphore_mem>>)
    %dma_start3A_30 = arith.constant 3 : i32
    %dma_start3A_31 = arith.constant 375 : i32
    %dma_start3A_32 = arith.constant 0 : i32
    %dma_start3A_33 = tpu.memref_slice %arg6[%dma_start3A_31, %dma_start3A_32] : memref<1250x32xf32, #tpu.memory_space<vmem>> -> memref<125x32xf32, #tpu.memory_space<vmem>>
    %dma_start3A_34 = arith.constant 0 : i32
    %dma_start3A_35 = tpu.memref_slice %arg5[%dma_start3A_30, %dma_start3A_34] : memref<10x125xi32, #tpu.memory_space<vmem>> -> memref<1x125xi32, #tpu.memory_space<vmem>>
    %dma_start3A_36 = tpu.memref_squeeze %dma_start3A_35 : memref<1x125xi32, #tpu.memory_space<vmem>> -> memref<125xi32, #tpu.memory_space<vmem>>
    %dma_start3A_37 = arith.constant 0 : i32
    %dma_start3A_38 = arith.constant 0 : i32
    %dma_start3A_39 = tpu.memref_slice %arg2[%dma_start3A_37, %dma_start3A_38] : memref<10000x32xf32, #tpu.memory_space<hbm>> -> memref<10000x32xf32, #tpu.memory_space<hbm>>
    tpu.enqueue_indirect_dma source(%dma_start3A_39 : memref<10000x32xf32, #tpu.memory_space<hbm>>) target(%dma_start3A_33 : memref<125x32xf32, #tpu.memory_space<vmem>>) offsets(%dma_start3A_36 : memref<125xi32, #tpu.memory_space<vmem>>) semaphore(%arg7 : memref<!tpu.dma_semaphore, #tpu.memory_space<semaphore_mem>>)
    %dma_start3A_40 = arith.constant 4 : i32
    %dma_start3A_41 = arith.constant 500 : i32
    %dma_start3A_42 = arith.constant 0 : i32
    %dma_start3A_43 = tpu.memref_slice %arg6[%dma_start3A_41, %dma_start3A_42] : memref<1250x32xf32, #tpu.memory_space<vmem>> -> memref<125x32xf32, #tpu.memory_space<vmem>>
    %dma_start3A_44 = arith.constant 0 : i32
    %dma_start3A_45 = tpu.memref_slice %arg5[%dma_start3A_40, %dma_start3A_44] : memref<10x125xi32, #tpu.memory_space<vmem>> -> memref<1x125xi32, #tpu.memory_space<vmem>>
    %dma_start3A_46 = tpu.memref_squeeze %dma_start3A_45 : memref<1x125xi32, #tpu.memory_space<vmem>> -> memref<125xi32, #tpu.memory_space<vmem>>
    %dma_start3A_47 = arith.constant 0 : i32
    %dma_start3A_48 = arith.constant 0 : i32
    %dma_start3A_49 = tpu.memref_slice %arg2[%dma_start3A_47, %dma_start3A_48] : memref<10000x32xf32, #tpu.memory_space<hbm>> -> memref<10000x32xf32, #tpu.memory_space<hbm>>
    tpu.enqueue_indirect_dma source(%dma_start3A_49 : memref<10000x32xf32, #tpu.memory_space<hbm>>) target(%dma_start3A_43 : memref<125x32xf32, #tpu.memory_space<vmem>>) offsets(%dma_start3A_46 : memref<125xi32, #tpu.memory_space<vmem>>) semaphore(%arg7 : memref<!tpu.dma_semaphore, #tpu.memory_space<semaphore_mem>>)
    %dma_start3A_50 = arith.constant 5 : i32
    %dma_start3A_51 = arith.constant 625 : i32
    %dma_start3A_52 = arith.constant 0 : i32
    %dma_start3A_53 = tpu.memref_slice %arg6[%dma_start3A_51, %dma_start3A_52] : memref<1250x32xf32, #tpu.memory_space<vmem>> -> memref<125x32xf32, #tpu.memory_space<vmem>>
    %dma_start3A_54 = arith.constant 0 : i32
    %dma_start3A_55 = tpu.memref_slice %arg5[%dma_start3A_50, %dma_start3A_54] : memref<10x125xi32, #tpu.memory_space<vmem>> -> memref<1x125xi32, #tpu.memory_space<vmem>>
    %dma_start3A_56 = tpu.memref_squeeze %dma_start3A_55 : memref<1x125xi32, #tpu.memory_space<vmem>> -> memref<125xi32, #tpu.memory_space<vmem>>
    %dma_start3A_57 = arith.constant 0 : i32
    %dma_start3A_58 = arith.constant 0 : i32
    %dma_start3A_59 = tpu.memref_slice %arg2[%dma_start3A_57, %dma_start3A_58] : memref<10000x32xf32, #tpu.memory_space<hbm>> -> memref<10000x32xf32, #tpu.memory_space<hbm>>
    tpu.enqueue_indirect_dma source(%dma_start3A_59 : memref<10000x32xf32, #tpu.memory_space<hbm>>) target(%dma_start3A_53 : memref<125x32xf32, #tpu.memory_space<vmem>>) offsets(%dma_start3A_56 : memref<125xi32, #tpu.memory_space<vmem>>) semaphore(%arg7 : memref<!tpu.dma_semaphore, #tpu.memory_space<semaphore_mem>>)
    %dma_start3A_60 = arith.constant 6 : i32
    %dma_start3A_61 = arith.constant 750 : i32
    %dma_start3A_62 = arith.constant 0 : i32
    %dma_start3A_63 = tpu.memref_slice %arg6[%dma_start3A_61, %dma_start3A_62] : memref<1250x32xf32, #tpu.memory_space<vmem>> -> memref<125x32xf32, #tpu.memory_space<vmem>>
    %dma_start3A_64 = arith.constant 0 : i32
    %dma_start3A_65 = tpu.memref_slice %arg5[%dma_start3A_60, %dma_start3A_64] : memref<10x125xi32, #tpu.memory_space<vmem>> -> memref<1x125xi32, #tpu.memory_space<vmem>>
    %dma_start3A_66 = tpu.memref_squeeze %dma_start3A_65 : memref<1x125xi32, #tpu.memory_space<vmem>> -> memref<125xi32, #tpu.memory_space<vmem>>
    %dma_start3A_67 = arith.constant 0 : i32
    %dma_start3A_68 = arith.constant 0 : i32
    %dma_start3A_69 = tpu.memref_slice %arg2[%dma_start3A_67, %dma_start3A_68] : memref<10000x32xf32, #tpu.memory_space<hbm>> -> memref<10000x32xf32, #tpu.memory_space<hbm>>
    tpu.enqueue_indirect_dma source(%dma_start3A_69 : memref<10000x32xf32, #tpu.memory_space<hbm>>) target(%dma_start3A_63 : memref<125x32xf32, #tpu.memory_space<vmem>>) offsets(%dma_start3A_66 : memref<125xi32, #tpu.memory_space<vmem>>) semaphore(%arg7 : memref<!tpu.dma_semaphore, #tpu.memory_space<semaphore_mem>>)
    %dma_start3A_70 = arith.constant 7 : i32
    %dma_start3A_71 = arith.constant 875 : i32
    %dma_start3A_72 = arith.constant 0 : i32
    %dma_start3A_73 = tpu.memref_slice %arg6[%dma_start3A_71, %dma_start3A_72] : memref<1250x32xf32, #tpu.memory_space<vmem>> -> memref<125x32xf32, #tpu.memory_space<vmem>>
    %dma_start3A_74 = arith.constant 0 : i32
    %dma_start3A_75 = tpu.memref_slice %arg5[%dma_start3A_70, %dma_start3A_74] : memref<10x125xi32, #tpu.memory_space<vmem>> -> memref<1x125xi32, #tpu.memory_space<vmem>>
    %dma_start3A_76 = tpu.memref_squeeze %dma_start3A_75 : memref<1x125xi32, #tpu.memory_space<vmem>> -> memref<125xi32, #tpu.memory_space<vmem>>
    %dma_start3A_77 = arith.constant 0 : i32
    %dma_start3A_78 = arith.constant 0 : i32
    %dma_start3A_79 = tpu.memref_slice %arg2[%dma_start3A_77, %dma_start3A_78] : memref<10000x32xf32, #tpu.memory_space<hbm>> -> memref<10000x32xf32, #tpu.memory_space<hbm>>
    tpu.enqueue_indirect_dma source(%dma_start3A_79 : memref<10000x32xf32, #tpu.memory_space<hbm>>) target(%dma_start3A_73 : memref<125x32xf32, #tpu.memory_space<vmem>>) offsets(%dma_start3A_76 : memref<125xi32, #tpu.memory_space<vmem>>) semaphore(%arg7 : memref<!tpu.dma_semaphore, #tpu.memory_space<semaphore_mem>>)
    %dma_start3A_80 = arith.constant 8 : i32
    %dma_start3A_81 = arith.constant 1000 : i32
    %dma_start3A_82 = arith.constant 0 : i32
    %dma_start3A_83 = tpu.memref_slice %arg6[%dma_start3A_81, %dma_start3A_82] : memref<1250x32xf32, #tpu.memory_space<vmem>> -> memref<125x32xf32, #tpu.memory_space<vmem>>
    %dma_start3A_84 = arith.constant 0 : i32
    %dma_start3A_85 = tpu.memref_slice %arg5[%dma_start3A_80, %dma_start3A_84] : memref<10x125xi32, #tpu.memory_space<vmem>> -> memref<1x125xi32, #tpu.memory_space<vmem>>
    %dma_start3A_86 = tpu.memref_squeeze %dma_start3A_85 : memref<1x125xi32, #tpu.memory_space<vmem>> -> memref<125xi32, #tpu.memory_space<vmem>>
    %dma_start3A_87 = arith.constant 0 : i32
    %dma_start3A_88 = arith.constant 0 : i32
    %dma_start3A_89 = tpu.memref_slice %arg2[%dma_start3A_87, %dma_start3A_88] : memref<10000x32xf32, #tpu.memory_space<hbm>> -> memref<10000x32xf32, #tpu.memory_space<hbm>>
    tpu.enqueue_indirect_dma source(%dma_start3A_89 : memref<10000x32xf32, #tpu.memory_space<hbm>>) target(%dma_start3A_83 : memref<125x32xf32, #tpu.memory_space<vmem>>) offsets(%dma_start3A_86 : memref<125xi32, #tpu.memory_space<vmem>>) semaphore(%arg7 : memref<!tpu.dma_semaphore, #tpu.memory_space<semaphore_mem>>)
    %dma_start3A_90 = arith.constant 9 : i32
    %dma_start3A_91 = arith.constant 1125 : i32
    %dma_start3A_92 = arith.constant 0 : i32
    %dma_start3A_93 = tpu.memref_slice %arg6[%dma_start3A_91, %dma_start3A_92] : memref<1250x32xf32, #tpu.memory_space<vmem>> -> memref<125x32xf32, #tpu.memory_space<vmem>>
    %dma_start3A_94 = arith.constant 0 : i32
    %dma_start3A_95 = tpu.memref_slice %arg5[%dma_start3A_90, %dma_start3A_94] : memref<10x125xi32, #tpu.memory_space<vmem>> -> memref<1x125xi32, #tpu.memory_space<vmem>>
    %dma_start3A_96 = tpu.memref_squeeze %dma_start3A_95 : memref<1x125xi32, #tpu.memory_space<vmem>> -> memref<125xi32, #tpu.memory_space<vmem>>
    %dma_start3A_97 = arith.constant 0 : i32
    %dma_start3A_98 = arith.constant 0 : i32
    %dma_start3A_99 = tpu.memref_slice %arg2[%dma_start3A_97, %dma_start3A_98] : memref<10000x32xf32, #tpu.memory_space<hbm>> -> memref<10000x32xf32, #tpu.memory_space<hbm>>
    tpu.enqueue_indirect_dma source(%dma_start3A_99 : memref<10000x32xf32, #tpu.memory_space<hbm>>) target(%dma_start3A_93 : memref<125x32xf32, #tpu.memory_space<vmem>>) offsets(%dma_start3A_96 : memref<125xi32, #tpu.memory_space<vmem>>) semaphore(%arg7 : memref<!tpu.dma_semaphore, #tpu.memory_space<semaphore_mem>>)
    %dma_wait3A = arith.constant 0 : i32
    %dma_wait3A_100 = arith.constant 0 : i32
    %dma_wait3A_101 = arith.constant 0 : i32
    %dma_wait3A_102 = tpu.memref_slice %arg6[%dma_wait3A_100, %dma_wait3A_101] : memref<1250x32xf32, #tpu.memory_space<vmem>> -> memref<125x32xf32, #tpu.memory_space<vmem>>
    %dma_wait3A_103 = arith.constant 0 : i32
    %dma_wait3A_104 = tpu.memref_slice %arg5[%dma_wait3A, %dma_wait3A_103] : memref<10x125xi32, #tpu.memory_space<vmem>> -> memref<1x125xi32, #tpu.memory_space<vmem>>
    %dma_wait3A_105 = tpu.memref_squeeze %dma_wait3A_104 : memref<1x125xi32, #tpu.memory_space<vmem>> -> memref<125xi32, #tpu.memory_space<vmem>>
    %dma_wait3A_106 = arith.constant 0 : i32
    %dma_wait3A_107 = arith.constant 0 : i32
    %dma_wait3A_108 = tpu.memref_slice %arg2[%dma_wait3A_106, %dma_wait3A_107] : memref<10000x32xf32, #tpu.memory_space<hbm>> -> memref<10000x32xf32, #tpu.memory_space<hbm>>
    tpu.wait_indirect_dma semaphore(%arg7 : memref<!tpu.dma_semaphore, #tpu.memory_space<semaphore_mem>>) src(%dma_wait3A_108 : memref<10000x32xf32, #tpu.memory_space<hbm>>) dst(%dma_wait3A_102 : memref<125x32xf32, #tpu.memory_space<vmem>>)
    %dma_wait3A_109 = arith.constant 1 : i32
    %dma_wait3A_110 = arith.constant 125 : i32
    %dma_wait3A_111 = arith.constant 0 : i32
    %dma_wait3A_112 = tpu.memref_slice %arg6[%dma_wait3A_110, %dma_wait3A_111] : memref<1250x32xf32, #tpu.memory_space<vmem>> -> memref<125x32xf32, #tpu.memory_space<vmem>>
    %dma_wait3A_113 = arith.constant 0 : i32
    %dma_wait3A_114 = tpu.memref_slice %arg5[%dma_wait3A_109, %dma_wait3A_113] : memref<10x125xi32, #tpu.memory_space<vmem>> -> memref<1x125xi32, #tpu.memory_space<vmem>>
    %dma_wait3A_115 = tpu.memref_squeeze %dma_wait3A_114 : memref<1x125xi32, #tpu.memory_space<vmem>> -> memref<125xi32, #tpu.memory_space<vmem>>
    %dma_wait3A_116 = arith.constant 0 : i32
    %dma_wait3A_117 = arith.constant 0 : i32
    %dma_wait3A_118 = tpu.memref_slice %arg2[%dma_wait3A_116, %dma_wait3A_117] : memref<10000x32xf32, #tpu.memory_space<hbm>> -> memref<10000x32xf32, #tpu.memory_space<hbm>>
    tpu.wait_indirect_dma semaphore(%arg7 : memref<!tpu.dma_semaphore, #tpu.memory_space<semaphore_mem>>) src(%dma_wait3A_118 : memref<10000x32xf32, #tpu.memory_space<hbm>>) dst(%dma_wait3A_112 : memref<125x32xf32, #tpu.memory_space<vmem>>)
    %dma_wait3A_119 = arith.constant 2 : i32
    %dma_wait3A_120 = arith.constant 250 : i32
    %dma_wait3A_121 = arith.constant 0 : i32
    %dma_wait3A_122 = tpu.memref_slice %arg6[%dma_wait3A_120, %dma_wait3A_121] : memref<1250x32xf32, #tpu.memory_space<vmem>> -> memref<125x32xf32, #tpu.memory_space<vmem>>
    %dma_wait3A_123 = arith.constant 0 : i32
    %dma_wait3A_124 = tpu.memref_slice %arg5[%dma_wait3A_119, %dma_wait3A_123] : memref<10x125xi32, #tpu.memory_space<vmem>> -> memref<1x125xi32, #tpu.memory_space<vmem>>
    %dma_wait3A_125 = tpu.memref_squeeze %dma_wait3A_124 : memref<1x125xi32, #tpu.memory_space<vmem>> -> memref<125xi32, #tpu.memory_space<vmem>>
    %dma_wait3A_126 = arith.constant 0 : i32
    %dma_wait3A_127 = arith.constant 0 : i32
    %dma_wait3A_128 = tpu.memref_slice %arg2[%dma_wait3A_126, %dma_wait3A_127] : memref<10000x32xf32, #tpu.memory_space<hbm>> -> memref<10000x32xf32, #tpu.memory_space<hbm>>
    tpu.wait_indirect_dma semaphore(%arg7 : memref<!tpu.dma_semaphore, #tpu.memory_space<semaphore_mem>>) src(%dma_wait3A_128 : memref<10000x32xf32, #tpu.memory_space<hbm>>) dst(%dma_wait3A_122 : memref<125x32xf32, #tpu.memory_space<vmem>>)
    %dma_wait3A_129 = arith.constant 3 : i32
    %dma_wait3A_130 = arith.constant 375 : i32
    %dma_wait3A_131 = arith.constant 0 : i32
    %dma_wait3A_132 = tpu.memref_slice %arg6[%dma_wait3A_130, %dma_wait3A_131] : memref<1250x32xf32, #tpu.memory_space<vmem>> -> memref<125x32xf32, #tpu.memory_space<vmem>>
    %dma_wait3A_133 = arith.constant 0 : i32
    %dma_wait3A_134 = tpu.memref_slice %arg5[%dma_wait3A_129, %dma_wait3A_133] : memref<10x125xi32, #tpu.memory_space<vmem>> -> memref<1x125xi32, #tpu.memory_space<vmem>>
    %dma_wait3A_135 = tpu.memref_squeeze %dma_wait3A_134 : memref<1x125xi32, #tpu.memory_space<vmem>> -> memref<125xi32, #tpu.memory_space<vmem>>
    %dma_wait3A_136 = arith.constant 0 : i32
    %dma_wait3A_137 = arith.constant 0 : i32
    %dma_wait3A_138 = tpu.memref_slice %arg2[%dma_wait3A_136, %dma_wait3A_137] : memref<10000x32xf32, #tpu.memory_space<hbm>> -> memref<10000x32xf32, #tpu.memory_space<hbm>>
    tpu.wait_indirect_dma semaphore(%arg7 : memref<!tpu.dma_semaphore, #tpu.memory_space<semaphore_mem>>) src(%dma_wait3A_138 : memref<10000x32xf32, #tpu.memory_space<hbm>>) dst(%dma_wait3A_132 : memref<125x32xf32, #tpu.memory_space<vmem>>)
    %dma_wait3A_139 = arith.constant 4 : i32
    %dma_wait3A_140 = arith.constant 500 : i32
    %dma_wait3A_141 = arith.constant 0 : i32
    %dma_wait3A_142 = tpu.memref_slice %arg6[%dma_wait3A_140, %dma_wait3A_141] : memref<1250x32xf32, #tpu.memory_space<vmem>> -> memref<125x32xf32, #tpu.memory_space<vmem>>
    %dma_wait3A_143 = arith.constant 0 : i32
    %dma_wait3A_144 = tpu.memref_slice %arg5[%dma_wait3A_139, %dma_wait3A_143] : memref<10x125xi32, #tpu.memory_space<vmem>> -> memref<1x125xi32, #tpu.memory_space<vmem>>
    %dma_wait3A_145 = tpu.memref_squeeze %dma_wait3A_144 : memref<1x125xi32, #tpu.memory_space<vmem>> -> memref<125xi32, #tpu.memory_space<vmem>>
    %dma_wait3A_146 = arith.constant 0 : i32
    %dma_wait3A_147 = arith.constant 0 : i32
    %dma_wait3A_148 = tpu.memref_slice %arg2[%dma_wait3A_146, %dma_wait3A_147] : memref<10000x32xf32, #tpu.memory_space<hbm>> -> memref<10000x32xf32, #tpu.memory_space<hbm>>
    tpu.wait_indirect_dma semaphore(%arg7 : memref<!tpu.dma_semaphore, #tpu.memory_space<semaphore_mem>>) src(%dma_wait3A_148 : memref<10000x32xf32, #tpu.memory_space<hbm>>) dst(%dma_wait3A_142 : memref<125x32xf32, #tpu.memory_space<vmem>>)
    %dma_wait3A_149 = arith.constant 5 : i32
    %dma_wait3A_150 = arith.constant 625 : i32
    %dma_wait3A_151 = arith.constant 0 : i32
    %dma_wait3A_152 = tpu.memref_slice %arg6[%dma_wait3A_150, %dma_wait3A_151] : memref<1250x32xf32, #tpu.memory_space<vmem>> -> memref<125x32xf32, #tpu.memory_space<vmem>>
    %dma_wait3A_153 = arith.constant 0 : i32
    %dma_wait3A_154 = tpu.memref_slice %arg5[%dma_wait3A_149, %dma_wait3A_153] : memref<10x125xi32, #tpu.memory_space<vmem>> -> memref<1x125xi32, #tpu.memory_space<vmem>>
    %dma_wait3A_155 = tpu.memref_squeeze %dma_wait3A_154 : memref<1x125xi32, #tpu.memory_space<vmem>> -> memref<125xi32, #tpu.memory_space<vmem>>
    %dma_wait3A_156 = arith.constant 0 : i32
    %dma_wait3A_157 = arith.constant 0 : i32
    %dma_wait3A_158 = tpu.memref_slice %arg2[%dma_wait3A_156, %dma_wait3A_157] : memref<10000x32xf32, #tpu.memory_space<hbm>> -> memref<10000x32xf32, #tpu.memory_space<hbm>>
    tpu.wait_indirect_dma semaphore(%arg7 : memref<!tpu.dma_semaphore, #tpu.memory_space<semaphore_mem>>) src(%dma_wait3A_158 : memref<10000x32xf32, #tpu.memory_space<hbm>>) dst(%dma_wait3A_152 : memref<125x32xf32, #tpu.memory_space<vmem>>)
    %dma_wait3A_159 = arith.constant 6 : i32
    %dma_wait3A_160 = arith.constant 750 : i32
    %dma_wait3A_161 = arith.constant 0 : i32
    %dma_wait3A_162 = tpu.memref_slice %arg6[%dma_wait3A_160, %dma_wait3A_161] : memref<1250x32xf32, #tpu.memory_space<vmem>> -> memref<125x32xf32, #tpu.memory_space<vmem>>
    %dma_wait3A_163 = arith.constant 0 : i32
    %dma_wait3A_164 = tpu.memref_slice %arg5[%dma_wait3A_159, %dma_wait3A_163] : memref<10x125xi32, #tpu.memory_space<vmem>> -> memref<1x125xi32, #tpu.memory_space<vmem>>
    %dma_wait3A_165 = tpu.memref_squeeze %dma_wait3A_164 : memref<1x125xi32, #tpu.memory_space<vmem>> -> memref<125xi32, #tpu.memory_space<vmem>>
    %dma_wait3A_166 = arith.constant 0 : i32
    %dma_wait3A_167 = arith.constant 0 : i32
    %dma_wait3A_168 = tpu.memref_slice %arg2[%dma_wait3A_166, %dma_wait3A_167] : memref<10000x32xf32, #tpu.memory_space<hbm>> -> memref<10000x32xf32, #tpu.memory_space<hbm>>
    tpu.wait_indirect_dma semaphore(%arg7 : memref<!tpu.dma_semaphore, #tpu.memory_space<semaphore_mem>>) src(%dma_wait3A_168 : memref<10000x32xf32, #tpu.memory_space<hbm>>) dst(%dma_wait3A_162 : memref<125x32xf32, #tpu.memory_space<vmem>>)
    %dma_wait3A_169 = arith.constant 7 : i32
    %dma_wait3A_170 = arith.constant 875 : i32
    %dma_wait3A_171 = arith.constant 0 : i32
    %dma_wait3A_172 = tpu.memref_slice %arg6[%dma_wait3A_170, %dma_wait3A_171] : memref<1250x32xf32, #tpu.memory_space<vmem>> -> memref<125x32xf32, #tpu.memory_space<vmem>>
    %dma_wait3A_173 = arith.constant 0 : i32
    %dma_wait3A_174 = tpu.memref_slice %arg5[%dma_wait3A_169, %dma_wait3A_173] : memref<10x125xi32, #tpu.memory_space<vmem>> -> memref<1x125xi32, #tpu.memory_space<vmem>>
    %dma_wait3A_175 = tpu.memref_squeeze %dma_wait3A_174 : memref<1x125xi32, #tpu.memory_space<vmem>> -> memref<125xi32, #tpu.memory_space<vmem>>
    %dma_wait3A_176 = arith.constant 0 : i32
    %dma_wait3A_177 = arith.constant 0 : i32
    %dma_wait3A_178 = tpu.memref_slice %arg2[%dma_wait3A_176, %dma_wait3A_177] : memref<10000x32xf32, #tpu.memory_space<hbm>> -> memref<10000x32xf32, #tpu.memory_space<hbm>>
    tpu.wait_indirect_dma semaphore(%arg7 : memref<!tpu.dma_semaphore, #tpu.memory_space<semaphore_mem>>) src(%dma_wait3A_178 : memref<10000x32xf32, #tpu.memory_space<hbm>>) dst(%dma_wait3A_172 : memref<125x32xf32, #tpu.memory_space<vmem>>)
    %dma_wait3A_179 = arith.constant 8 : i32
    %dma_wait3A_180 = arith.constant 1000 : i32
    %dma_wait3A_181 = arith.constant 0 : i32
    %dma_wait3A_182 = tpu.memref_slice %arg6[%dma_wait3A_180, %dma_wait3A_181] : memref<1250x32xf32, #tpu.memory_space<vmem>> -> memref<125x32xf32, #tpu.memory_space<vmem>>
    %dma_wait3A_183 = arith.constant 0 : i32
    %dma_wait3A_184 = tpu.memref_slice %arg5[%dma_wait3A_179, %dma_wait3A_183] : memref<10x125xi32, #tpu.memory_space<vmem>> -> memref<1x125xi32, #tpu.memory_space<vmem>>
    %dma_wait3A_185 = tpu.memref_squeeze %dma_wait3A_184 : memref<1x125xi32, #tpu.memory_space<vmem>> -> memref<125xi32, #tpu.memory_space<vmem>>
    %dma_wait3A_186 = arith.constant 0 : i32
    %dma_wait3A_187 = arith.constant 0 : i32
    %dma_wait3A_188 = tpu.memref_slice %arg2[%dma_wait3A_186, %dma_wait3A_187] : memref<10000x32xf32, #tpu.memory_space<hbm>> -> memref<10000x32xf32, #tpu.memory_space<hbm>>
    tpu.wait_indirect_dma semaphore(%arg7 : memref<!tpu.dma_semaphore, #tpu.memory_space<semaphore_mem>>) src(%dma_wait3A_188 : memref<10000x32xf32, #tpu.memory_space<hbm>>) dst(%dma_wait3A_182 : memref<125x32xf32, #tpu.memory_space<vmem>>)
    %dma_wait3A_189 = arith.constant 9 : i32
    %dma_wait3A_190 = arith.constant 1125 : i32
    %dma_wait3A_191 = arith.constant 0 : i32
    %dma_wait3A_192 = tpu.memref_slice %arg6[%dma_wait3A_190, %dma_wait3A_191] : memref<1250x32xf32, #tpu.memory_space<vmem>> -> memref<125x32xf32, #tpu.memory_space<vmem>>
    %dma_wait3A_193 = arith.constant 0 : i32
    %dma_wait3A_194 = tpu.memref_slice %arg5[%dma_wait3A_189, %dma_wait3A_193] : memref<10x125xi32, #tpu.memory_space<vmem>> -> memref<1x125xi32, #tpu.memory_space<vmem>>
    %dma_wait3A_195 = tpu.memref_squeeze %dma_wait3A_194 : memref<1x125xi32, #tpu.memory_space<vmem>> -> memref<125xi32, #tpu.memory_space<vmem>>
    %dma_wait3A_196 = arith.constant 0 : i32
    %dma_wait3A_197 = arith.constant 0 : i32
    %dma_wait3A_198 = tpu.memref_slice %arg2[%dma_wait3A_196, %dma_wait3A_197] : memref<10000x32xf32, #tpu.memory_space<hbm>> -> memref<10000x32xf32, #tpu.memory_space<hbm>>
    tpu.wait_indirect_dma semaphore(%arg7 : memref<!tpu.dma_semaphore, #tpu.memory_space<semaphore_mem>>) src(%dma_wait3A_198 : memref<10000x32xf32, #tpu.memory_space<hbm>>) dst(%dma_wait3A_192 : memref<125x32xf32, #tpu.memory_space<vmem>>)
    %mul3A_199 = arith.constant 1250 : i32
    %mul3A_200 = arith.muli %add3A, %mul3A_199 : i32
    "tpu.region"() ({
      %run_scoped3A = tpu.sem_alloc : memref<!tpu.dma_semaphore, #tpu.memory_space<semaphore_mem>>
      %dma_start3A_201 = arith.constant 0 : i32
      %dma_start3A_202 = tpu.memref_slice %arg4[%mul3A_200, %dma_start3A_201] : memref<40000x32xf32, #tpu.memory_space<hbm>> -> memref<1250x32xf32, #tpu.memory_space<hbm>>
      %dma_start3A_203 = arith.constant 0 : i32
      %dma_start3A_204 = tpu.memref_slice %arg4[%mul3A_200, %dma_start3A_203] : memref<40000x32xf32, #tpu.memory_space<hbm>> -> memref<1250x32xf32, #tpu.memory_space<hbm>>
      tpu.enqueue_dma source(%arg6 : memref<1250x32xf32, #tpu.memory_space<vmem>>) target(%dma_start3A_204 : memref<1250x32xf32, #tpu.memory_space<hbm>>) target_semaphore(%run_scoped3A : memref<!tpu.dma_semaphore, #tpu.memory_space<semaphore_mem>>)
      %dma_wait3A_205 = arith.constant 0 : i32
      %dma_wait3A_206 = tpu.memref_slice %arg4[%mul3A_200, %dma_wait3A_205] : memref<40000x32xf32, #tpu.memory_space<hbm>> -> memref<1250x32xf32, #tpu.memory_space<hbm>>
      %dma_wait3A_207 = arith.constant 0 : i32
      %dma_wait3A_208 = tpu.memref_slice %arg4[%mul3A_200, %dma_wait3A_207] : memref<40000x32xf32, #tpu.memory_space<hbm>> -> memref<1250x32xf32, #tpu.memory_space<hbm>>
      tpu.wait_dma2 semaphore(%run_scoped3A : memref<!tpu.dma_semaphore, #tpu.memory_space<semaphore_mem>>) src(%arg6 : memref<1250x32xf32, #tpu.memory_space<vmem>>) dst(%dma_wait3A_208 : memref<1250x32xf32, #tpu.memory_space<hbm>>)
      tpu.yield
    }) : () -> ()
    return
  }
}

#map = affine_map<(d0, d1) -> (0, 0)>
#map1 = affine_map<(d0, d1) -> (0, 0, 0)>
module attributes {stable_mosaic.version = 14 : i64} {
  func.func @gk(%arg0: i32, %arg1: i32, %arg2: memref<10000x32xf32, #tpu.memory_space<hbm>>, %arg3: memref<32x10x125xi32, #tpu.memory_space<hbm>>, %arg4: memref<40000x32xf32, #tpu.memory_space<hbm>>, %arg5: memref<10x125xi32, #tpu.memory_space<vmem>>, %arg6: memref<1250x32xf32, #tpu.memory_space<vmem>>, %arg7: memref<!tpu.dma_semaphore, #tpu.memory_space<semaphore_mem>>) attributes {dimension_semantics = [#tpu.dimension_semantics<core_parallel>, #tpu.dimension_semantics<subcore_parallel>], iteration_bounds = array<i64: 2, 16>, scalar_prefetch = 0 : i64, scratch_operands = 3 : i64, tpu.core_type = #tpu.core_type<sc_vector_subcore>, window_params = [{transform_indices = #map}, {transform_indices = #map1}, {transform_indices = #map}]} {
    %mul3A = arith.constant 2 : i32
    %mul3A_0 = arith.muli %arg1, %mul3A : i32
    %add3A = arith.addi %mul3A_0, %arg0 : i32
    "tpu.region"() ({
      %run_scoped3A = tpu.sem_alloc : memref<!tpu.dma_semaphore, #tpu.memory_space<semaphore_mem>>
      %dma_start3A_201 = arith.constant 0 : i32
      %dma_start3A_202 = arith.constant 0 : i32
      %dma_start3A_203 = tpu.memref_slice %arg3[%add3A, %dma_start3A_201, %dma_start3A_202] : memref<32x10x125xi32, #tpu.memory_space<hbm>> -> memref<1x10x125xi32, #tpu.memory_space<hbm>>
      %dma_start3A_204 = tpu.memref_squeeze %dma_start3A_203 : memref<1x10x125xi32, #tpu.memory_space<hbm>> -> memref<10x125xi32, #tpu.memory_space<hbm>>
      %dma_start3A_205 = arith.constant 0 : i32
      %dma_start3A_206 = arith.constant 0 : i32
      %dma_start3A_207 = tpu.memref_slice %arg3[%add3A, %dma_start3A_205, %dma_start3A_206] : memref<32x10x125xi32, #tpu.memory_space<hbm>> -> memref<1x10x125xi32, #tpu.memory_space<hbm>>
      %dma_start3A_208 = tpu.memref_squeeze %dma_start3A_207 : memref<1x10x125xi32, #tpu.memory_space<hbm>> -> memref<10x125xi32, #tpu.memory_space<hbm>>
      tpu.enqueue_dma source(%dma_start3A_208 : memref<10x125xi32, #tpu.memory_space<hbm>>) target(%arg5 : memref<10x125xi32, #tpu.memory_space<vmem>>) target_semaphore(%run_scoped3A : memref<!tpu.dma_semaphore, #tpu.memory_space<semaphore_mem>>)
      %dma_wait3A_209 = arith.constant 0 : i32
      %dma_wait3A_210 = arith.constant 0 : i32
      %dma_wait3A_211 = tpu.memref_slice %arg3[%add3A, %dma_wait3A_209, %dma_wait3A_210] : memref<32x10x125xi32, #tpu.memory_space<hbm>> -> memref<1x10x125xi32, #tpu.memory_space<hbm>>
      %dma_wait3A_212 = tpu.memref_squeeze %dma_wait3A_211 : memref<1x10x125xi32, #tpu.memory_space<hbm>> -> memref<10x125xi32, #tpu.memory_space<hbm>>
      %dma_wait3A_213 = arith.constant 0 : i32
      %dma_wait3A_214 = arith.constant 0 : i32
      %dma_wait3A_215 = tpu.memref_slice %arg3[%add3A, %dma_wait3A_213, %dma_wait3A_214] : memref<32x10x125xi32, #tpu.memory_space<hbm>> -> memref<1x10x125xi32, #tpu.memory_space<hbm>>
      %dma_wait3A_216 = tpu.memref_squeeze %dma_wait3A_215 : memref<1x10x125xi32, #tpu.memory_space<hbm>> -> memref<10x125xi32, #tpu.memory_space<hbm>>
      tpu.wait_dma2 semaphore(%run_scoped3A : memref<!tpu.dma_semaphore, #tpu.memory_space<semaphore_mem>>) src(%dma_wait3A_216 : memref<10x125xi32, #tpu.memory_space<hbm>>) dst(%arg5 : memref<10x125xi32, #tpu.memory_space<vmem>>)
      tpu.yield
    }) : () -> ()
    %dma_start3A = arith.constant 0 : i32
    %dma_start3A_1 = arith.constant 0 : i32
    %dma_start3A_2 = arith.constant 0 : i32
    %dma_start3A_3 = tpu.memref_slice %arg6[%dma_start3A_1, %dma_start3A_2] : memref<1250x32xf32, #tpu.memory_space<vmem>> -> memref<125x32xf32, #tpu.memory_space<vmem>>
    %dma_start3A_4 = arith.constant 0 : i32
    %dma_start3A_5 = tpu.memref_slice %arg5[%dma_start3A, %dma_start3A_4] : memref<10x125xi32, #tpu.memory_space<vmem>> -> memref<1x125xi32, #tpu.memory_space<vmem>>
    %dma_start3A_6 = tpu.memref_squeeze %dma_start3A_5 : memref<1x125xi32, #tpu.memory_space<vmem>> -> memref<125xi32, #tpu.memory_space<vmem>>
    %dma_start3A_7 = arith.constant 0 : i32
    %dma_start3A_8 = arith.constant 0 : i32
    %dma_start3A_9 = tpu.memref_slice %arg2[%dma_start3A_7, %dma_start3A_8] : memref<10000x32xf32, #tpu.memory_space<hbm>> -> memref<10000x32xf32, #tpu.memory_space<hbm>>
    tpu.enqueue_indirect_dma source(%dma_start3A_9 : memref<10000x32xf32, #tpu.memory_space<hbm>>) target(%dma_start3A_3 : memref<125x32xf32, #tpu.memory_space<vmem>>) offsets(%dma_start3A_6 : memref<125xi32, #tpu.memory_space<vmem>>) semaphore(%arg7 : memref<!tpu.dma_semaphore, #tpu.memory_space<semaphore_mem>>)
    %dma_start3A_10 = arith.constant 1 : i32
    %dma_start3A_11 = arith.constant 125 : i32
    %dma_start3A_12 = arith.constant 0 : i32
    %dma_start3A_13 = tpu.memref_slice %arg6[%dma_start3A_11, %dma_start3A_12] : memref<1250x32xf32, #tpu.memory_space<vmem>> -> memref<125x32xf32, #tpu.memory_space<vmem>>
    %dma_start3A_14 = arith.constant 0 : i32
    %dma_start3A_15 = tpu.memref_slice %arg5[%dma_start3A_10, %dma_start3A_14] : memref<10x125xi32, #tpu.memory_space<vmem>> -> memref<1x125xi32, #tpu.memory_space<vmem>>
    %dma_start3A_16 = tpu.memref_squeeze %dma_start3A_15 : memref<1x125xi32, #tpu.memory_space<vmem>> -> memref<125xi32, #tpu.memory_space<vmem>>
    %dma_start3A_17 = arith.constant 0 : i32
    %dma_start3A_18 = arith.constant 0 : i32
    %dma_start3A_19 = tpu.memref_slice %arg2[%dma_start3A_17, %dma_start3A_18] : memref<10000x32xf32, #tpu.memory_space<hbm>> -> memref<10000x32xf32, #tpu.memory_space<hbm>>
    tpu.enqueue_indirect_dma source(%dma_start3A_19 : memref<10000x32xf32, #tpu.memory_space<hbm>>) target(%dma_start3A_13 : memref<125x32xf32, #tpu.memory_space<vmem>>) offsets(%dma_start3A_16 : memref<125xi32, #tpu.memory_space<vmem>>) semaphore(%arg7 : memref<!tpu.dma_semaphore, #tpu.memory_space<semaphore_mem>>)
    %dma_start3A_20 = arith.constant 2 : i32
    %dma_start3A_21 = arith.constant 250 : i32
    %dma_start3A_22 = arith.constant 0 : i32
    %dma_start3A_23 = tpu.memref_slice %arg6[%dma_start3A_21, %dma_start3A_22] : memref<1250x32xf32, #tpu.memory_space<vmem>> -> memref<125x32xf32, #tpu.memory_space<vmem>>
    %dma_start3A_24 = arith.constant 0 : i32
    %dma_start3A_25 = tpu.memref_slice %arg5[%dma_start3A_20, %dma_start3A_24] : memref<10x125xi32, #tpu.memory_space<vmem>> -> memref<1x125xi32, #tpu.memory_space<vmem>>
    %dma_start3A_26 = tpu.memref_squeeze %dma_start3A_25 : memref<1x125xi32, #tpu.memory_space<vmem>> -> memref<125xi32, #tpu.memory_space<vmem>>
    %dma_start3A_27 = arith.constant 0 : i32
    %dma_start3A_28 = arith.constant 0 : i32
    %dma_start3A_29 = tpu.memref_slice %arg2[%dma_start3A_27, %dma_start3A_28] : memref<10000x32xf32, #tpu.memory_space<hbm>> -> memref<10000x32xf32, #tpu.memory_space<hbm>>
    tpu.enqueue_indirect_dma source(%dma_start3A_29 : memref<10000x32xf32, #tpu.memory_space<hbm>>) target(%dma_start3A_23 : memref<125x32xf32, #tpu.memory_space<vmem>>) offsets(%dma_start3A_26 : memref<125xi32, #tpu.memory_space<vmem>>) semaphore(%arg7 : memref<!tpu.dma_semaphore, #tpu.memory_space<semaphore_mem>>)
    %dma_start3A_30 = arith.constant 3 : i32
    %dma_start3A_31 = arith.constant 375 : i32
    %dma_start3A_32 = arith.constant 0 : i32
    %dma_start3A_33 = tpu.memref_slice %arg6[%dma_start3A_31, %dma_start3A_32] : memref<1250x32xf32, #tpu.memory_space<vmem>> -> memref<125x32xf32, #tpu.memory_space<vmem>>
    %dma_start3A_34 = arith.constant 0 : i32
    %dma_start3A_35 = tpu.memref_slice %arg5[%dma_start3A_30, %dma_start3A_34] : memref<10x125xi32, #tpu.memory_space<vmem>> -> memref<1x125xi32, #tpu.memory_space<vmem>>
    %dma_start3A_36 = tpu.memref_squeeze %dma_start3A_35 : memref<1x125xi32, #tpu.memory_space<vmem>> -> memref<125xi32, #tpu.memory_space<vmem>>
    %dma_start3A_37 = arith.constant 0 : i32
    %dma_start3A_38 = arith.constant 0 : i32
    %dma_start3A_39 = tpu.memref_slice %arg2[%dma_start3A_37, %dma_start3A_38] : memref<10000x32xf32, #tpu.memory_space<hbm>> -> memref<10000x32xf32, #tpu.memory_space<hbm>>
    tpu.enqueue_indirect_dma source(%dma_start3A_39 : memref<10000x32xf32, #tpu.memory_space<hbm>>) target(%dma_start3A_33 : memref<125x32xf32, #tpu.memory_space<vmem>>) offsets(%dma_start3A_36 : memref<125xi32, #tpu.memory_space<vmem>>) semaphore(%arg7 : memref<!tpu.dma_semaphore, #tpu.memory_space<semaphore_mem>>)
    %dma_start3A_40 = arith.constant 4 : i32
    %dma_start3A_41 = arith.constant 500 : i32
    %dma_start3A_42 = arith.constant 0 : i32
    %dma_start3A_43 = tpu.memref_slice %arg6[%dma_start3A_41, %dma_start3A_42] : memref<1250x32xf32, #tpu.memory_space<vmem>> -> memref<125x32xf32, #tpu.memory_space<vmem>>
    %dma_start3A_44 = arith.constant 0 : i32
    %dma_start3A_45 = tpu.memref_slice %arg5[%dma_start3A_40, %dma_start3A_44] : memref<10x125xi32, #tpu.memory_space<vmem>> -> memref<1x125xi32, #tpu.memory_space<vmem>>
    %dma_start3A_46 = tpu.memref_squeeze %dma_start3A_45 : memref<1x125xi32, #tpu.memory_space<vmem>> -> memref<125xi32, #tpu.memory_space<vmem>>
    %dma_start3A_47 = arith.constant 0 : i32
    %dma_start3A_48 = arith.constant 0 : i32
    %dma_start3A_49 = tpu.memref_slice %arg2[%dma_start3A_47, %dma_start3A_48] : memref<10000x32xf32, #tpu.memory_space<hbm>> -> memref<10000x32xf32, #tpu.memory_space<hbm>>
    tpu.enqueue_indirect_dma source(%dma_start3A_49 : memref<10000x32xf32, #tpu.memory_space<hbm>>) target(%dma_start3A_43 : memref<125x32xf32, #tpu.memory_space<vmem>>) offsets(%dma_start3A_46 : memref<125xi32, #tpu.memory_space<vmem>>) semaphore(%arg7 : memref<!tpu.dma_semaphore, #tpu.memory_space<semaphore_mem>>)
    %dma_start3A_50 = arith.constant 5 : i32
    %dma_start3A_51 = arith.constant 625 : i32
    %dma_start3A_52 = arith.constant 0 : i32
    %dma_start3A_53 = tpu.memref_slice %arg6[%dma_start3A_51, %dma_start3A_52] : memref<1250x32xf32, #tpu.memory_space<vmem>> -> memref<125x32xf32, #tpu.memory_space<vmem>>
    %dma_start3A_54 = arith.constant 0 : i32
    %dma_start3A_55 = tpu.memref_slice %arg5[%dma_start3A_50, %dma_start3A_54] : memref<10x125xi32, #tpu.memory_space<vmem>> -> memref<1x125xi32, #tpu.memory_space<vmem>>
    %dma_start3A_56 = tpu.memref_squeeze %dma_start3A_55 : memref<1x125xi32, #tpu.memory_space<vmem>> -> memref<125xi32, #tpu.memory_space<vmem>>
    %dma_start3A_57 = arith.constant 0 : i32
    %dma_start3A_58 = arith.constant 0 : i32
    %dma_start3A_59 = tpu.memref_slice %arg2[%dma_start3A_57, %dma_start3A_58] : memref<10000x32xf32, #tpu.memory_space<hbm>> -> memref<10000x32xf32, #tpu.memory_space<hbm>>
    tpu.enqueue_indirect_dma source(%dma_start3A_59 : memref<10000x32xf32, #tpu.memory_space<hbm>>) target(%dma_start3A_53 : memref<125x32xf32, #tpu.memory_space<vmem>>) offsets(%dma_start3A_56 : memref<125xi32, #tpu.memory_space<vmem>>) semaphore(%arg7 : memref<!tpu.dma_semaphore, #tpu.memory_space<semaphore_mem>>)
    %dma_start3A_60 = arith.constant 6 : i32
    %dma_start3A_61 = arith.constant 750 : i32
    %dma_start3A_62 = arith.constant 0 : i32
    %dma_start3A_63 = tpu.memref_slice %arg6[%dma_start3A_61, %dma_start3A_62] : memref<1250x32xf32, #tpu.memory_space<vmem>> -> memref<125x32xf32, #tpu.memory_space<vmem>>
    %dma_start3A_64 = arith.constant 0 : i32
    %dma_start3A_65 = tpu.memref_slice %arg5[%dma_start3A_60, %dma_start3A_64] : memref<10x125xi32, #tpu.memory_space<vmem>> -> memref<1x125xi32, #tpu.memory_space<vmem>>
    %dma_start3A_66 = tpu.memref_squeeze %dma_start3A_65 : memref<1x125xi32, #tpu.memory_space<vmem>> -> memref<125xi32, #tpu.memory_space<vmem>>
    %dma_start3A_67 = arith.constant 0 : i32
    %dma_start3A_68 = arith.constant 0 : i32
    %dma_start3A_69 = tpu.memref_slice %arg2[%dma_start3A_67, %dma_start3A_68] : memref<10000x32xf32, #tpu.memory_space<hbm>> -> memref<10000x32xf32, #tpu.memory_space<hbm>>
    tpu.enqueue_indirect_dma source(%dma_start3A_69 : memref<10000x32xf32, #tpu.memory_space<hbm>>) target(%dma_start3A_63 : memref<125x32xf32, #tpu.memory_space<vmem>>) offsets(%dma_start3A_66 : memref<125xi32, #tpu.memory_space<vmem>>) semaphore(%arg7 : memref<!tpu.dma_semaphore, #tpu.memory_space<semaphore_mem>>)
    %dma_start3A_70 = arith.constant 7 : i32
    %dma_start3A_71 = arith.constant 875 : i32
    %dma_start3A_72 = arith.constant 0 : i32
    %dma_start3A_73 = tpu.memref_slice %arg6[%dma_start3A_71, %dma_start3A_72] : memref<1250x32xf32, #tpu.memory_space<vmem>> -> memref<125x32xf32, #tpu.memory_space<vmem>>
    %dma_start3A_74 = arith.constant 0 : i32
    %dma_start3A_75 = tpu.memref_slice %arg5[%dma_start3A_70, %dma_start3A_74] : memref<10x125xi32, #tpu.memory_space<vmem>> -> memref<1x125xi32, #tpu.memory_space<vmem>>
    %dma_start3A_76 = tpu.memref_squeeze %dma_start3A_75 : memref<1x125xi32, #tpu.memory_space<vmem>> -> memref<125xi32, #tpu.memory_space<vmem>>
    %dma_start3A_77 = arith.constant 0 : i32
    %dma_start3A_78 = arith.constant 0 : i32
    %dma_start3A_79 = tpu.memref_slice %arg2[%dma_start3A_77, %dma_start3A_78] : memref<10000x32xf32, #tpu.memory_space<hbm>> -> memref<10000x32xf32, #tpu.memory_space<hbm>>
    tpu.enqueue_indirect_dma source(%dma_start3A_79 : memref<10000x32xf32, #tpu.memory_space<hbm>>) target(%dma_start3A_73 : memref<125x32xf32, #tpu.memory_space<vmem>>) offsets(%dma_start3A_76 : memref<125xi32, #tpu.memory_space<vmem>>) semaphore(%arg7 : memref<!tpu.dma_semaphore, #tpu.memory_space<semaphore_mem>>)
    %dma_start3A_80 = arith.constant 8 : i32
    %dma_start3A_81 = arith.constant 1000 : i32
    %dma_start3A_82 = arith.constant 0 : i32
    %dma_start3A_83 = tpu.memref_slice %arg6[%dma_start3A_81, %dma_start3A_82] : memref<1250x32xf32, #tpu.memory_space<vmem>> -> memref<125x32xf32, #tpu.memory_space<vmem>>
    %dma_start3A_84 = arith.constant 0 : i32
    %dma_start3A_85 = tpu.memref_slice %arg5[%dma_start3A_80, %dma_start3A_84] : memref<10x125xi32, #tpu.memory_space<vmem>> -> memref<1x125xi32, #tpu.memory_space<vmem>>
    %dma_start3A_86 = tpu.memref_squeeze %dma_start3A_85 : memref<1x125xi32, #tpu.memory_space<vmem>> -> memref<125xi32, #tpu.memory_space<vmem>>
    %dma_start3A_87 = arith.constant 0 : i32
    %dma_start3A_88 = arith.constant 0 : i32
    %dma_start3A_89 = tpu.memref_slice %arg2[%dma_start3A_87, %dma_start3A_88] : memref<10000x32xf32, #tpu.memory_space<hbm>> -> memref<10000x32xf32, #tpu.memory_space<hbm>>
    tpu.enqueue_indirect_dma source(%dma_start3A_89 : memref<10000x32xf32, #tpu.memory_space<hbm>>) target(%dma_start3A_83 : memref<125x32xf32, #tpu.memory_space<vmem>>) offsets(%dma_start3A_86 : memref<125xi32, #tpu.memory_space<vmem>>) semaphore(%arg7 : memref<!tpu.dma_semaphore, #tpu.memory_space<semaphore_mem>>)
    %dma_start3A_90 = arith.constant 9 : i32
    %dma_start3A_91 = arith.constant 1125 : i32
    %dma_start3A_92 = arith.constant 0 : i32
    %dma_start3A_93 = tpu.memref_slice %arg6[%dma_start3A_91, %dma_start3A_92] : memref<1250x32xf32, #tpu.memory_space<vmem>> -> memref<125x32xf32, #tpu.memory_space<vmem>>
    %dma_start3A_94 = arith.constant 0 : i32
    %dma_start3A_95 = tpu.memref_slice %arg5[%dma_start3A_90, %dma_start3A_94] : memref<10x125xi32, #tpu.memory_space<vmem>> -> memref<1x125xi32, #tpu.memory_space<vmem>>
    %dma_start3A_96 = tpu.memref_squeeze %dma_start3A_95 : memref<1x125xi32, #tpu.memory_space<vmem>> -> memref<125xi32, #tpu.memory_space<vmem>>
    %dma_start3A_97 = arith.constant 0 : i32
    %dma_start3A_98 = arith.constant 0 : i32
    %dma_start3A_99 = tpu.memref_slice %arg2[%dma_start3A_97, %dma_start3A_98] : memref<10000x32xf32, #tpu.memory_space<hbm>> -> memref<10000x32xf32, #tpu.memory_space<hbm>>
    tpu.enqueue_indirect_dma source(%dma_start3A_99 : memref<10000x32xf32, #tpu.memory_space<hbm>>) target(%dma_start3A_93 : memref<125x32xf32, #tpu.memory_space<vmem>>) offsets(%dma_start3A_96 : memref<125xi32, #tpu.memory_space<vmem>>) semaphore(%arg7 : memref<!tpu.dma_semaphore, #tpu.memory_space<semaphore_mem>>)
    %dma_wait3A = arith.constant 0 : i32
    %dma_wait3A_100 = arith.constant 0 : i32
    %dma_wait3A_101 = arith.constant 0 : i32
    %dma_wait3A_102 = tpu.memref_slice %arg6[%dma_wait3A_100, %dma_wait3A_101] : memref<1250x32xf32, #tpu.memory_space<vmem>> -> memref<125x32xf32, #tpu.memory_space<vmem>>
    %dma_wait3A_103 = arith.constant 0 : i32
    %dma_wait3A_104 = tpu.memref_slice %arg5[%dma_wait3A, %dma_wait3A_103] : memref<10x125xi32, #tpu.memory_space<vmem>> -> memref<1x125xi32, #tpu.memory_space<vmem>>
    %dma_wait3A_105 = tpu.memref_squeeze %dma_wait3A_104 : memref<1x125xi32, #tpu.memory_space<vmem>> -> memref<125xi32, #tpu.memory_space<vmem>>
    %dma_wait3A_106 = arith.constant 0 : i32
    %dma_wait3A_107 = arith.constant 0 : i32
    %dma_wait3A_108 = tpu.memref_slice %arg2[%dma_wait3A_106, %dma_wait3A_107] : memref<10000x32xf32, #tpu.memory_space<hbm>> -> memref<10000x32xf32, #tpu.memory_space<hbm>>
    tpu.wait_indirect_dma semaphore(%arg7 : memref<!tpu.dma_semaphore, #tpu.memory_space<semaphore_mem>>) src(%dma_wait3A_108 : memref<10000x32xf32, #tpu.memory_space<hbm>>) dst(%dma_wait3A_102 : memref<125x32xf32, #tpu.memory_space<vmem>>)
    %dma_wait3A_109 = arith.constant 1 : i32
    %dma_wait3A_110 = arith.constant 125 : i32
    %dma_wait3A_111 = arith.constant 0 : i32
    %dma_wait3A_112 = tpu.memref_slice %arg6[%dma_wait3A_110, %dma_wait3A_111] : memref<1250x32xf32, #tpu.memory_space<vmem>> -> memref<125x32xf32, #tpu.memory_space<vmem>>
    %dma_wait3A_113 = arith.constant 0 : i32
    %dma_wait3A_114 = tpu.memref_slice %arg5[%dma_wait3A_109, %dma_wait3A_113] : memref<10x125xi32, #tpu.memory_space<vmem>> -> memref<1x125xi32, #tpu.memory_space<vmem>>
    %dma_wait3A_115 = tpu.memref_squeeze %dma_wait3A_114 : memref<1x125xi32, #tpu.memory_space<vmem>> -> memref<125xi32, #tpu.memory_space<vmem>>
    %dma_wait3A_116 = arith.constant 0 : i32
    %dma_wait3A_117 = arith.constant 0 : i32
    %dma_wait3A_118 = tpu.memref_slice %arg2[%dma_wait3A_116, %dma_wait3A_117] : memref<10000x32xf32, #tpu.memory_space<hbm>> -> memref<10000x32xf32, #tpu.memory_space<hbm>>
    tpu.wait_indirect_dma semaphore(%arg7 : memref<!tpu.dma_semaphore, #tpu.memory_space<semaphore_mem>>) src(%dma_wait3A_118 : memref<10000x32xf32, #tpu.memory_space<hbm>>) dst(%dma_wait3A_112 : memref<125x32xf32, #tpu.memory_space<vmem>>)
    %dma_wait3A_119 = arith.constant 2 : i32
    %dma_wait3A_120 = arith.constant 250 : i32
    %dma_wait3A_121 = arith.constant 0 : i32
    %dma_wait3A_122 = tpu.memref_slice %arg6[%dma_wait3A_120, %dma_wait3A_121] : memref<1250x32xf32, #tpu.memory_space<vmem>> -> memref<125x32xf32, #tpu.memory_space<vmem>>
    %dma_wait3A_123 = arith.constant 0 : i32
    %dma_wait3A_124 = tpu.memref_slice %arg5[%dma_wait3A_119, %dma_wait3A_123] : memref<10x125xi32, #tpu.memory_space<vmem>> -> memref<1x125xi32, #tpu.memory_space<vmem>>
    %dma_wait3A_125 = tpu.memref_squeeze %dma_wait3A_124 : memref<1x125xi32, #tpu.memory_space<vmem>> -> memref<125xi32, #tpu.memory_space<vmem>>
    %dma_wait3A_126 = arith.constant 0 : i32
    %dma_wait3A_127 = arith.constant 0 : i32
    %dma_wait3A_128 = tpu.memref_slice %arg2[%dma_wait3A_126, %dma_wait3A_127] : memref<10000x32xf32, #tpu.memory_space<hbm>> -> memref<10000x32xf32, #tpu.memory_space<hbm>>
    tpu.wait_indirect_dma semaphore(%arg7 : memref<!tpu.dma_semaphore, #tpu.memory_space<semaphore_mem>>) src(%dma_wait3A_128 : memref<10000x32xf32, #tpu.memory_space<hbm>>) dst(%dma_wait3A_122 : memref<125x32xf32, #tpu.memory_space<vmem>>)
    %dma_wait3A_129 = arith.constant 3 : i32
    %dma_wait3A_130 = arith.constant 375 : i32
    %dma_wait3A_131 = arith.constant 0 : i32
    %dma_wait3A_132 = tpu.memref_slice %arg6[%dma_wait3A_130, %dma_wait3A_131] : memref<1250x32xf32, #tpu.memory_space<vmem>> -> memref<125x32xf32, #tpu.memory_space<vmem>>
    %dma_wait3A_133 = arith.constant 0 : i32
    %dma_wait3A_134 = tpu.memref_slice %arg5[%dma_wait3A_129, %dma_wait3A_133] : memref<10x125xi32, #tpu.memory_space<vmem>> -> memref<1x125xi32, #tpu.memory_space<vmem>>
    %dma_wait3A_135 = tpu.memref_squeeze %dma_wait3A_134 : memref<1x125xi32, #tpu.memory_space<vmem>> -> memref<125xi32, #tpu.memory_space<vmem>>
    %dma_wait3A_136 = arith.constant 0 : i32
    %dma_wait3A_137 = arith.constant 0 : i32
    %dma_wait3A_138 = tpu.memref_slice %arg2[%dma_wait3A_136, %dma_wait3A_137] : memref<10000x32xf32, #tpu.memory_space<hbm>> -> memref<10000x32xf32, #tpu.memory_space<hbm>>
    tpu.wait_indirect_dma semaphore(%arg7 : memref<!tpu.dma_semaphore, #tpu.memory_space<semaphore_mem>>) src(%dma_wait3A_138 : memref<10000x32xf32, #tpu.memory_space<hbm>>) dst(%dma_wait3A_132 : memref<125x32xf32, #tpu.memory_space<vmem>>)
    %dma_wait3A_139 = arith.constant 4 : i32
    %dma_wait3A_140 = arith.constant 500 : i32
    %dma_wait3A_141 = arith.constant 0 : i32
    %dma_wait3A_142 = tpu.memref_slice %arg6[%dma_wait3A_140, %dma_wait3A_141] : memref<1250x32xf32, #tpu.memory_space<vmem>> -> memref<125x32xf32, #tpu.memory_space<vmem>>
    %dma_wait3A_143 = arith.constant 0 : i32
    %dma_wait3A_144 = tpu.memref_slice %arg5[%dma_wait3A_139, %dma_wait3A_143] : memref<10x125xi32, #tpu.memory_space<vmem>> -> memref<1x125xi32, #tpu.memory_space<vmem>>
    %dma_wait3A_145 = tpu.memref_squeeze %dma_wait3A_144 : memref<1x125xi32, #tpu.memory_space<vmem>> -> memref<125xi32, #tpu.memory_space<vmem>>
    %dma_wait3A_146 = arith.constant 0 : i32
    %dma_wait3A_147 = arith.constant 0 : i32
    %dma_wait3A_148 = tpu.memref_slice %arg2[%dma_wait3A_146, %dma_wait3A_147] : memref<10000x32xf32, #tpu.memory_space<hbm>> -> memref<10000x32xf32, #tpu.memory_space<hbm>>
    tpu.wait_indirect_dma semaphore(%arg7 : memref<!tpu.dma_semaphore, #tpu.memory_space<semaphore_mem>>) src(%dma_wait3A_148 : memref<10000x32xf32, #tpu.memory_space<hbm>>) dst(%dma_wait3A_142 : memref<125x32xf32, #tpu.memory_space<vmem>>)
    %dma_wait3A_149 = arith.constant 5 : i32
    %dma_wait3A_150 = arith.constant 625 : i32
    %dma_wait3A_151 = arith.constant 0 : i32
    %dma_wait3A_152 = tpu.memref_slice %arg6[%dma_wait3A_150, %dma_wait3A_151] : memref<1250x32xf32, #tpu.memory_space<vmem>> -> memref<125x32xf32, #tpu.memory_space<vmem>>
    %dma_wait3A_153 = arith.constant 0 : i32
    %dma_wait3A_154 = tpu.memref_slice %arg5[%dma_wait3A_149, %dma_wait3A_153] : memref<10x125xi32, #tpu.memory_space<vmem>> -> memref<1x125xi32, #tpu.memory_space<vmem>>
    %dma_wait3A_155 = tpu.memref_squeeze %dma_wait3A_154 : memref<1x125xi32, #tpu.memory_space<vmem>> -> memref<125xi32, #tpu.memory_space<vmem>>
    %dma_wait3A_156 = arith.constant 0 : i32
    %dma_wait3A_157 = arith.constant 0 : i32
    %dma_wait3A_158 = tpu.memref_slice %arg2[%dma_wait3A_156, %dma_wait3A_157] : memref<10000x32xf32, #tpu.memory_space<hbm>> -> memref<10000x32xf32, #tpu.memory_space<hbm>>
    tpu.wait_indirect_dma semaphore(%arg7 : memref<!tpu.dma_semaphore, #tpu.memory_space<semaphore_mem>>) src(%dma_wait3A_158 : memref<10000x32xf32, #tpu.memory_space<hbm>>) dst(%dma_wait3A_152 : memref<125x32xf32, #tpu.memory_space<vmem>>)
    %dma_wait3A_159 = arith.constant 6 : i32
    %dma_wait3A_160 = arith.constant 750 : i32
    %dma_wait3A_161 = arith.constant 0 : i32
    %dma_wait3A_162 = tpu.memref_slice %arg6[%dma_wait3A_160, %dma_wait3A_161] : memref<1250x32xf32, #tpu.memory_space<vmem>> -> memref<125x32xf32, #tpu.memory_space<vmem>>
    %dma_wait3A_163 = arith.constant 0 : i32
    %dma_wait3A_164 = tpu.memref_slice %arg5[%dma_wait3A_159, %dma_wait3A_163] : memref<10x125xi32, #tpu.memory_space<vmem>> -> memref<1x125xi32, #tpu.memory_space<vmem>>
    %dma_wait3A_165 = tpu.memref_squeeze %dma_wait3A_164 : memref<1x125xi32, #tpu.memory_space<vmem>> -> memref<125xi32, #tpu.memory_space<vmem>>
    %dma_wait3A_166 = arith.constant 0 : i32
    %dma_wait3A_167 = arith.constant 0 : i32
    %dma_wait3A_168 = tpu.memref_slice %arg2[%dma_wait3A_166, %dma_wait3A_167] : memref<10000x32xf32, #tpu.memory_space<hbm>> -> memref<10000x32xf32, #tpu.memory_space<hbm>>
    tpu.wait_indirect_dma semaphore(%arg7 : memref<!tpu.dma_semaphore, #tpu.memory_space<semaphore_mem>>) src(%dma_wait3A_168 : memref<10000x32xf32, #tpu.memory_space<hbm>>) dst(%dma_wait3A_162 : memref<125x32xf32, #tpu.memory_space<vmem>>)
    %dma_wait3A_169 = arith.constant 7 : i32
    %dma_wait3A_170 = arith.constant 875 : i32
    %dma_wait3A_171 = arith.constant 0 : i32
    %dma_wait3A_172 = tpu.memref_slice %arg6[%dma_wait3A_170, %dma_wait3A_171] : memref<1250x32xf32, #tpu.memory_space<vmem>> -> memref<125x32xf32, #tpu.memory_space<vmem>>
    %dma_wait3A_173 = arith.constant 0 : i32
    %dma_wait3A_174 = tpu.memref_slice %arg5[%dma_wait3A_169, %dma_wait3A_173] : memref<10x125xi32, #tpu.memory_space<vmem>> -> memref<1x125xi32, #tpu.memory_space<vmem>>
    %dma_wait3A_175 = tpu.memref_squeeze %dma_wait3A_174 : memref<1x125xi32, #tpu.memory_space<vmem>> -> memref<125xi32, #tpu.memory_space<vmem>>
    %dma_wait3A_176 = arith.constant 0 : i32
    %dma_wait3A_177 = arith.constant 0 : i32
    %dma_wait3A_178 = tpu.memref_slice %arg2[%dma_wait3A_176, %dma_wait3A_177] : memref<10000x32xf32, #tpu.memory_space<hbm>> -> memref<10000x32xf32, #tpu.memory_space<hbm>>
    tpu.wait_indirect_dma semaphore(%arg7 : memref<!tpu.dma_semaphore, #tpu.memory_space<semaphore_mem>>) src(%dma_wait3A_178 : memref<10000x32xf32, #tpu.memory_space<hbm>>) dst(%dma_wait3A_172 : memref<125x32xf32, #tpu.memory_space<vmem>>)
    %dma_wait3A_179 = arith.constant 8 : i32
    %dma_wait3A_180 = arith.constant 1000 : i32
    %dma_wait3A_181 = arith.constant 0 : i32
    %dma_wait3A_182 = tpu.memref_slice %arg6[%dma_wait3A_180, %dma_wait3A_181] : memref<1250x32xf32, #tpu.memory_space<vmem>> -> memref<125x32xf32, #tpu.memory_space<vmem>>
    %dma_wait3A_183 = arith.constant 0 : i32
    %dma_wait3A_184 = tpu.memref_slice %arg5[%dma_wait3A_179, %dma_wait3A_183] : memref<10x125xi32, #tpu.memory_space<vmem>> -> memref<1x125xi32, #tpu.memory_space<vmem>>
    %dma_wait3A_185 = tpu.memref_squeeze %dma_wait3A_184 : memref<1x125xi32, #tpu.memory_space<vmem>> -> memref<125xi32, #tpu.memory_space<vmem>>
    %dma_wait3A_186 = arith.constant 0 : i32
    %dma_wait3A_187 = arith.constant 0 : i32
    %dma_wait3A_188 = tpu.memref_slice %arg2[%dma_wait3A_186, %dma_wait3A_187] : memref<10000x32xf32, #tpu.memory_space<hbm>> -> memref<10000x32xf32, #tpu.memory_space<hbm>>
    tpu.wait_indirect_dma semaphore(%arg7 : memref<!tpu.dma_semaphore, #tpu.memory_space<semaphore_mem>>) src(%dma_wait3A_188 : memref<10000x32xf32, #tpu.memory_space<hbm>>) dst(%dma_wait3A_182 : memref<125x32xf32, #tpu.memory_space<vmem>>)
    %dma_wait3A_189 = arith.constant 9 : i32
    %dma_wait3A_190 = arith.constant 1125 : i32
    %dma_wait3A_191 = arith.constant 0 : i32
    %dma_wait3A_192 = tpu.memref_slice %arg6[%dma_wait3A_190, %dma_wait3A_191] : memref<1250x32xf32, #tpu.memory_space<vmem>> -> memref<125x32xf32, #tpu.memory_space<vmem>>
    %dma_wait3A_193 = arith.constant 0 : i32
    %dma_wait3A_194 = tpu.memref_slice %arg5[%dma_wait3A_189, %dma_wait3A_193] : memref<10x125xi32, #tpu.memory_space<vmem>> -> memref<1x125xi32, #tpu.memory_space<vmem>>
    %dma_wait3A_195 = tpu.memref_squeeze %dma_wait3A_194 : memref<1x125xi32, #tpu.memory_space<vmem>> -> memref<125xi32, #tpu.memory_space<vmem>>
    %dma_wait3A_196 = arith.constant 0 : i32
    %dma_wait3A_197 = arith.constant 0 : i32
    %dma_wait3A_198 = tpu.memref_slice %arg2[%dma_wait3A_196, %dma_wait3A_197] : memref<10000x32xf32, #tpu.memory_space<hbm>> -> memref<10000x32xf32, #tpu.memory_space<hbm>>
    tpu.wait_indirect_dma semaphore(%arg7 : memref<!tpu.dma_semaphore, #tpu.memory_space<semaphore_mem>>) src(%dma_wait3A_198 : memref<10000x32xf32, #tpu.memory_space<hbm>>) dst(%dma_wait3A_192 : memref<125x32xf32, #tpu.memory_space<vmem>>)
    %mul3A_199 = arith.constant 1250 : i32
    %mul3A_200 = arith.muli %add3A, %mul3A_199 : i32
    "tpu.region"() ({
      %run_scoped3A = tpu.sem_alloc : memref<!tpu.dma_semaphore, #tpu.memory_space<semaphore_mem>>
      %dma_start3A_201 = arith.constant 0 : i32
      %dma_start3A_202 = tpu.memref_slice %arg4[%mul3A_200, %dma_start3A_201] : memref<40000x32xf32, #tpu.memory_space<hbm>> -> memref<1250x32xf32, #tpu.memory_space<hbm>>
      %dma_start3A_203 = arith.constant 0 : i32
      %dma_start3A_204 = tpu.memref_slice %arg4[%mul3A_200, %dma_start3A_203] : memref<40000x32xf32, #tpu.memory_space<hbm>> -> memref<1250x32xf32, #tpu.memory_space<hbm>>
      tpu.enqueue_dma source(%arg6 : memref<1250x32xf32, #tpu.memory_space<vmem>>) target(%dma_start3A_204 : memref<1250x32xf32, #tpu.memory_space<hbm>>) target_semaphore(%run_scoped3A : memref<!tpu.dma_semaphore, #tpu.memory_space<semaphore_mem>>)
      %dma_wait3A_205 = arith.constant 0 : i32
      %dma_wait3A_206 = tpu.memref_slice %arg4[%mul3A_200, %dma_wait3A_205] : memref<40000x32xf32, #tpu.memory_space<hbm>> -> memref<1250x32xf32, #tpu.memory_space<hbm>>
      %dma_wait3A_207 = arith.constant 0 : i32
      %dma_wait3A_208 = tpu.memref_slice %arg4[%mul3A_200, %dma_wait3A_207] : memref<40000x32xf32, #tpu.memory_space<hbm>> -> memref<1250x32xf32, #tpu.memory_space<hbm>>
      tpu.wait_dma2 semaphore(%run_scoped3A : memref<!tpu.dma_semaphore, #tpu.memory_space<semaphore_mem>>) src(%arg6 : memref<1250x32xf32, #tpu.memory_space<vmem>>) dst(%dma_wait3A_208 : memref<1250x32xf32, #tpu.memory_space<hbm>>)
      tpu.yield
    }) : () -> ()
    return
  }
}

#map = affine_map<(d0, d1) -> (0, 0)>
#map1 = affine_map<(d0, d1) -> (0, 0, 0)>
module attributes {stable_mosaic.version = 14 : i64} {
  func.func @sk(%arg0: i32, %arg1: i32, %arg2: memref<40000x32xf32, #tpu.memory_space<hbm>>, %arg3: memref<32x10x125xi32, #tpu.memory_space<hbm>>, %arg4: memref<10000x32xf32, #tpu.memory_space<hbm>>, %arg5: memref<2x10000x32xf32, #tpu.memory_space<hbm>>, %arg6: memref<10x125xi32, #tpu.memory_space<vmem>>, %arg7: memref<1250x32xf32, #tpu.memory_space<vmem>>, %arg8: memref<10000x32xf32, #tpu.memory_space<vmem_shared>>, %arg9: memref<!tpu.dma_semaphore, #tpu.memory_space<semaphore_mem>>) attributes {dimension_semantics = [#tpu.dimension_semantics<core_parallel>, #tpu.dimension_semantics<subcore_parallel>], iteration_bounds = array<i64: 2, 16>, scalar_prefetch = 0 : i64, scratch_operands = 4 : i64, tpu.core_type = #tpu.core_type<sc_vector_subcore>, window_params = [{transform_indices = #map}, {transform_indices = #map1}, {transform_indices = #map}, {transform_indices = #map1}]} {
    %mul3A = arith.constant 2 : i32
    %mul3A_0 = arith.muli %arg1, %mul3A : i32
    %add3A = arith.addi %mul3A_0, %arg0 : i32
    %mul3A_1 = arith.constant 625 : i32
    %mul3A_2 = arith.muli %arg1, %mul3A_1 : i32
    %mul3A_3 = arith.constant 625 : i32
    %mul3A_4 = arith.muli %arg1, %mul3A_3 : i32
    "tpu.region"() ({
      %run_scoped3A_21 = tpu.sem_alloc : memref<!tpu.dma_semaphore, #tpu.memory_space<semaphore_mem>>
      %dma_start3A = arith.constant 0 : i32
      %dma_start3A_22 = tpu.memref_slice %arg8[%mul3A_4, %dma_start3A] : memref<10000x32xf32, #tpu.memory_space<vmem_shared>> -> memref<625x32xf32, #tpu.memory_space<vmem_shared>>
      %dma_start3A_23 = arith.constant 0 : i32
      %dma_start3A_24 = tpu.memref_slice %arg4[%mul3A_2, %dma_start3A_23] : memref<10000x32xf32, #tpu.memory_space<hbm>> -> memref<625x32xf32, #tpu.memory_space<hbm>>
      tpu.enqueue_dma source(%dma_start3A_24 : memref<625x32xf32, #tpu.memory_space<hbm>>) target(%dma_start3A_22 : memref<625x32xf32, #tpu.memory_space<vmem_shared>>) target_semaphore(%run_scoped3A_21 : memref<!tpu.dma_semaphore, #tpu.memory_space<semaphore_mem>>)
      %dma_wait3A = arith.constant 0 : i32
      %dma_wait3A_25 = tpu.memref_slice %arg8[%mul3A_4, %dma_wait3A] : memref<10000x32xf32, #tpu.memory_space<vmem_shared>> -> memref<625x32xf32, #tpu.memory_space<vmem_shared>>
      %dma_wait3A_26 = arith.constant 0 : i32
      %dma_wait3A_27 = tpu.memref_slice %arg4[%mul3A_2, %dma_wait3A_26] : memref<10000x32xf32, #tpu.memory_space<hbm>> -> memref<625x32xf32, #tpu.memory_space<hbm>>
      tpu.wait_dma2 semaphore(%run_scoped3A_21 : memref<!tpu.dma_semaphore, #tpu.memory_space<semaphore_mem>>) src(%dma_wait3A_27 : memref<625x32xf32, #tpu.memory_space<hbm>>) dst(%dma_wait3A_25 : memref<625x32xf32, #tpu.memory_space<vmem_shared>>)
      tpu.yield
    }) : () -> ()
    "tpu.region"() ({
      %run_scoped3A_21 = tpu.sem_alloc : memref<!tpu.dma_semaphore, #tpu.memory_space<semaphore_mem>>
      %dma_start3A = arith.constant 0 : i32
      %dma_start3A_22 = arith.constant 0 : i32
      %dma_start3A_23 = tpu.memref_slice %arg3[%add3A, %dma_start3A, %dma_start3A_22] : memref<32x10x125xi32, #tpu.memory_space<hbm>> -> memref<1x10x125xi32, #tpu.memory_space<hbm>>
      %dma_start3A_24 = tpu.memref_squeeze %dma_start3A_23 : memref<1x10x125xi32, #tpu.memory_space<hbm>> -> memref<10x125xi32, #tpu.memory_space<hbm>>
      %dma_start3A_25 = arith.constant 0 : i32
      %dma_start3A_26 = arith.constant 0 : i32
      %dma_start3A_27 = tpu.memref_slice %arg3[%add3A, %dma_start3A_25, %dma_start3A_26] : memref<32x10x125xi32, #tpu.memory_space<hbm>> -> memref<1x10x125xi32, #tpu.memory_space<hbm>>
      %dma_start3A_28 = tpu.memref_squeeze %dma_start3A_27 : memref<1x10x125xi32, #tpu.memory_space<hbm>> -> memref<10x125xi32, #tpu.memory_space<hbm>>
      tpu.enqueue_dma source(%dma_start3A_28 : memref<10x125xi32, #tpu.memory_space<hbm>>) target(%arg6 : memref<10x125xi32, #tpu.memory_space<vmem>>) target_semaphore(%run_scoped3A_21 : memref<!tpu.dma_semaphore, #tpu.memory_space<semaphore_mem>>)
      %dma_wait3A = arith.constant 0 : i32
      %dma_wait3A_29 = arith.constant 0 : i32
      %dma_wait3A_30 = tpu.memref_slice %arg3[%add3A, %dma_wait3A, %dma_wait3A_29] : memref<32x10x125xi32, #tpu.memory_space<hbm>> -> memref<1x10x125xi32, #tpu.memory_space<hbm>>
      %dma_wait3A_31 = tpu.memref_squeeze %dma_wait3A_30 : memref<1x10x125xi32, #tpu.memory_space<hbm>> -> memref<10x125xi32, #tpu.memory_space<hbm>>
      %dma_wait3A_32 = arith.constant 0 : i32
      %dma_wait3A_33 = arith.constant 0 : i32
      %dma_wait3A_34 = tpu.memref_slice %arg3[%add3A, %dma_wait3A_32, %dma_wait3A_33] : memref<32x10x125xi32, #tpu.memory_space<hbm>> -> memref<1x10x125xi32, #tpu.memory_space<hbm>>
      %dma_wait3A_35 = tpu.memref_squeeze %dma_wait3A_34 : memref<1x10x125xi32, #tpu.memory_space<hbm>> -> memref<10x125xi32, #tpu.memory_space<hbm>>
      tpu.wait_dma2 semaphore(%run_scoped3A_21 : memref<!tpu.dma_semaphore, #tpu.memory_space<semaphore_mem>>) src(%dma_wait3A_35 : memref<10x125xi32, #tpu.memory_space<hbm>>) dst(%arg6 : memref<10x125xi32, #tpu.memory_space<vmem>>)
      tpu.yield
    }) : () -> ()
    %mul3A_5 = arith.constant 1250 : i32
    %mul3A_6 = arith.muli %add3A, %mul3A_5 : i32
    "tpu.region"() ({
      %run_scoped3A_21 = tpu.sem_alloc : memref<!tpu.dma_semaphore, #tpu.memory_space<semaphore_mem>>
      %dma_start3A = arith.constant 0 : i32
      %dma_start3A_22 = tpu.memref_slice %arg2[%mul3A_6, %dma_start3A] : memref<40000x32xf32, #tpu.memory_space<hbm>> -> memref<1250x32xf32, #tpu.memory_space<hbm>>
      %dma_start3A_23 = arith.constant 0 : i32
      %dma_start3A_24 = tpu.memref_slice %arg2[%mul3A_6, %dma_start3A_23] : memref<40000x32xf32, #tpu.memory_space<hbm>> -> memref<1250x32xf32, #tpu.memory_space<hbm>>
      tpu.enqueue_dma source(%dma_start3A_24 : memref<1250x32xf32, #tpu.memory_space<hbm>>) target(%arg7 : memref<1250x32xf32, #tpu.memory_space<vmem>>) target_semaphore(%run_scoped3A_21 : memref<!tpu.dma_semaphore, #tpu.memory_space<semaphore_mem>>)
      %dma_wait3A = arith.constant 0 : i32
      %dma_wait3A_25 = tpu.memref_slice %arg2[%mul3A_6, %dma_wait3A] : memref<40000x32xf32, #tpu.memory_space<hbm>> -> memref<1250x32xf32, #tpu.memory_space<hbm>>
      %dma_wait3A_26 = arith.constant 0 : i32
      %dma_wait3A_27 = tpu.memref_slice %arg2[%mul3A_6, %dma_wait3A_26] : memref<40000x32xf32, #tpu.memory_space<hbm>> -> memref<1250x32xf32, #tpu.memory_space<hbm>>
      tpu.wait_dma2 semaphore(%run_scoped3A_21 : memref<!tpu.dma_semaphore, #tpu.memory_space<semaphore_mem>>) src(%dma_wait3A_27 : memref<1250x32xf32, #tpu.memory_space<hbm>>) dst(%arg7 : memref<1250x32xf32, #tpu.memory_space<vmem>>)
      tpu.yield
    }) : () -> ()
    %barrier3A = arith.constant 0 : index
    tpu.barrier barrier_id(%barrier3A)
    %run_scoped3A = arith.constant 0 : i32
    "tpu.region"() ({
      %run_scoped3A_21 = tpu.sem_alloc : memref<!tpu.dma_semaphore, #tpu.memory_space<semaphore_mem>>
      %dma_start3A = arith.constant 0 : i32
      %dma_start3A_22 = arith.constant 0 : i32
      %dma_start3A_23 = tpu.memref_slice %arg7[%dma_start3A, %dma_start3A_22] : memref<1250x32xf32, #tpu.memory_space<vmem>> -> memref<125x32xf32, #tpu.memory_space<vmem>>
      %dma_start3A_24 = arith.constant 0 : i32
      %dma_start3A_25 = tpu.memref_slice %arg6[%run_scoped3A, %dma_start3A_24] : memref<10x125xi32, #tpu.memory_space<vmem>> -> memref<1x125xi32, #tpu.memory_space<vmem>>
      %dma_start3A_26 = tpu.memref_squeeze %dma_start3A_25 : memref<1x125xi32, #tpu.memory_space<vmem>> -> memref<125xi32, #tpu.memory_space<vmem>>
      %dma_start3A_27 = arith.constant 0 : i32
      %dma_start3A_28 = arith.constant 0 : i32
      %dma_start3A_29 = tpu.memref_slice %arg8[%dma_start3A_27, %dma_start3A_28] : memref<10000x32xf32, #tpu.memory_space<vmem_shared>> -> memref<10000x32xf32, #tpu.memory_space<vmem_shared>>
      tpu.enqueue_indirect_dma source(%dma_start3A_23 : memref<125x32xf32, #tpu.memory_space<vmem>>) target(%dma_start3A_29 : memref<10000x32xf32, #tpu.memory_space<vmem_shared>>) offsets(%dma_start3A_26 : memref<125xi32, #tpu.memory_space<vmem>>) semaphore(%run_scoped3A_21 : memref<!tpu.dma_semaphore, #tpu.memory_space<semaphore_mem>>) {add = true}
      %dma_wait3A = arith.constant 0 : i32
      %dma_wait3A_30 = arith.constant 0 : i32
      %dma_wait3A_31 = tpu.memref_slice %arg7[%dma_wait3A, %dma_wait3A_30] : memref<1250x32xf32, #tpu.memory_space<vmem>> -> memref<125x32xf32, #tpu.memory_space<vmem>>
      %dma_wait3A_32 = arith.constant 0 : i32
      %dma_wait3A_33 = tpu.memref_slice %arg6[%run_scoped3A, %dma_wait3A_32] : memref<10x125xi32, #tpu.memory_space<vmem>> -> memref<1x125xi32, #tpu.memory_space<vmem>>
      %dma_wait3A_34 = tpu.memref_squeeze %dma_wait3A_33 : memref<1x125xi32, #tpu.memory_space<vmem>> -> memref<125xi32, #tpu.memory_space<vmem>>
      %dma_wait3A_35 = arith.constant 0 : i32
      %dma_wait3A_36 = arith.constant 0 : i32
      %dma_wait3A_37 = tpu.memref_slice %arg8[%dma_wait3A_35, %dma_wait3A_36] : memref<10000x32xf32, #tpu.memory_space<vmem_shared>> -> memref<10000x32xf32, #tpu.memory_space<vmem_shared>>
      tpu.wait_indirect_dma semaphore(%run_scoped3A_21 : memref<!tpu.dma_semaphore, #tpu.memory_space<semaphore_mem>>) src(%dma_wait3A_31 : memref<125x32xf32, #tpu.memory_space<vmem>>) dst(%dma_wait3A_37 : memref<10000x32xf32, #tpu.memory_space<vmem_shared>>)
      tpu.yield
    }) : () -> ()
    %run_scoped3A_7 = arith.constant 1 : i32
    "tpu.region"() ({
      %run_scoped3A_21 = tpu.sem_alloc : memref<!tpu.dma_semaphore, #tpu.memory_space<semaphore_mem>>
      %dma_start3A = arith.constant 125 : i32
      %dma_start3A_22 = arith.constant 0 : i32
      %dma_start3A_23 = tpu.memref_slice %arg7[%dma_start3A, %dma_start3A_22] : memref<1250x32xf32, #tpu.memory_space<vmem>> -> memref<125x32xf32, #tpu.memory_space<vmem>>
      %dma_start3A_24 = arith.constant 0 : i32
      %dma_start3A_25 = tpu.memref_slice %arg6[%run_scoped3A_7, %dma_start3A_24] : memref<10x125xi32, #tpu.memory_space<vmem>> -> memref<1x125xi32, #tpu.memory_space<vmem>>
      %dma_start3A_26 = tpu.memref_squeeze %dma_start3A_25 : memref<1x125xi32, #tpu.memory_space<vmem>> -> memref<125xi32, #tpu.memory_space<vmem>>
      %dma_start3A_27 = arith.constant 0 : i32
      %dma_start3A_28 = arith.constant 0 : i32
      %dma_start3A_29 = tpu.memref_slice %arg8[%dma_start3A_27, %dma_start3A_28] : memref<10000x32xf32, #tpu.memory_space<vmem_shared>> -> memref<10000x32xf32, #tpu.memory_space<vmem_shared>>
      tpu.enqueue_indirect_dma source(%dma_start3A_23 : memref<125x32xf32, #tpu.memory_space<vmem>>) target(%dma_start3A_29 : memref<10000x32xf32, #tpu.memory_space<vmem_shared>>) offsets(%dma_start3A_26 : memref<125xi32, #tpu.memory_space<vmem>>) semaphore(%run_scoped3A_21 : memref<!tpu.dma_semaphore, #tpu.memory_space<semaphore_mem>>) {add = true}
      %dma_wait3A = arith.constant 125 : i32
      %dma_wait3A_30 = arith.constant 0 : i32
      %dma_wait3A_31 = tpu.memref_slice %arg7[%dma_wait3A, %dma_wait3A_30] : memref<1250x32xf32, #tpu.memory_space<vmem>> -> memref<125x32xf32, #tpu.memory_space<vmem>>
      %dma_wait3A_32 = arith.constant 0 : i32
      %dma_wait3A_33 = tpu.memref_slice %arg6[%run_scoped3A_7, %dma_wait3A_32] : memref<10x125xi32, #tpu.memory_space<vmem>> -> memref<1x125xi32, #tpu.memory_space<vmem>>
      %dma_wait3A_34 = tpu.memref_squeeze %dma_wait3A_33 : memref<1x125xi32, #tpu.memory_space<vmem>> -> memref<125xi32, #tpu.memory_space<vmem>>
      %dma_wait3A_35 = arith.constant 0 : i32
      %dma_wait3A_36 = arith.constant 0 : i32
      %dma_wait3A_37 = tpu.memref_slice %arg8[%dma_wait3A_35, %dma_wait3A_36] : memref<10000x32xf32, #tpu.memory_space<vmem_shared>> -> memref<10000x32xf32, #tpu.memory_space<vmem_shared>>
      tpu.wait_indirect_dma semaphore(%run_scoped3A_21 : memref<!tpu.dma_semaphore, #tpu.memory_space<semaphore_mem>>) src(%dma_wait3A_31 : memref<125x32xf32, #tpu.memory_space<vmem>>) dst(%dma_wait3A_37 : memref<10000x32xf32, #tpu.memory_space<vmem_shared>>)
      tpu.yield
    }) : () -> ()
    %run_scoped3A_8 = arith.constant 2 : i32
    "tpu.region"() ({
      %run_scoped3A_21 = tpu.sem_alloc : memref<!tpu.dma_semaphore, #tpu.memory_space<semaphore_mem>>
      %dma_start3A = arith.constant 250 : i32
      %dma_start3A_22 = arith.constant 0 : i32
      %dma_start3A_23 = tpu.memref_slice %arg7[%dma_start3A, %dma_start3A_22] : memref<1250x32xf32, #tpu.memory_space<vmem>> -> memref<125x32xf32, #tpu.memory_space<vmem>>
      %dma_start3A_24 = arith.constant 0 : i32
      %dma_start3A_25 = tpu.memref_slice %arg6[%run_scoped3A_8, %dma_start3A_24] : memref<10x125xi32, #tpu.memory_space<vmem>> -> memref<1x125xi32, #tpu.memory_space<vmem>>
      %dma_start3A_26 = tpu.memref_squeeze %dma_start3A_25 : memref<1x125xi32, #tpu.memory_space<vmem>> -> memref<125xi32, #tpu.memory_space<vmem>>
      %dma_start3A_27 = arith.constant 0 : i32
      %dma_start3A_28 = arith.constant 0 : i32
      %dma_start3A_29 = tpu.memref_slice %arg8[%dma_start3A_27, %dma_start3A_28] : memref<10000x32xf32, #tpu.memory_space<vmem_shared>> -> memref<10000x32xf32, #tpu.memory_space<vmem_shared>>
      tpu.enqueue_indirect_dma source(%dma_start3A_23 : memref<125x32xf32, #tpu.memory_space<vmem>>) target(%dma_start3A_29 : memref<10000x32xf32, #tpu.memory_space<vmem_shared>>) offsets(%dma_start3A_26 : memref<125xi32, #tpu.memory_space<vmem>>) semaphore(%run_scoped3A_21 : memref<!tpu.dma_semaphore, #tpu.memory_space<semaphore_mem>>) {add = true}
      %dma_wait3A = arith.constant 250 : i32
      %dma_wait3A_30 = arith.constant 0 : i32
      %dma_wait3A_31 = tpu.memref_slice %arg7[%dma_wait3A, %dma_wait3A_30] : memref<1250x32xf32, #tpu.memory_space<vmem>> -> memref<125x32xf32, #tpu.memory_space<vmem>>
      %dma_wait3A_32 = arith.constant 0 : i32
      %dma_wait3A_33 = tpu.memref_slice %arg6[%run_scoped3A_8, %dma_wait3A_32] : memref<10x125xi32, #tpu.memory_space<vmem>> -> memref<1x125xi32, #tpu.memory_space<vmem>>
      %dma_wait3A_34 = tpu.memref_squeeze %dma_wait3A_33 : memref<1x125xi32, #tpu.memory_space<vmem>> -> memref<125xi32, #tpu.memory_space<vmem>>
      %dma_wait3A_35 = arith.constant 0 : i32
      %dma_wait3A_36 = arith.constant 0 : i32
      %dma_wait3A_37 = tpu.memref_slice %arg8[%dma_wait3A_35, %dma_wait3A_36] : memref<10000x32xf32, #tpu.memory_space<vmem_shared>> -> memref<10000x32xf32, #tpu.memory_space<vmem_shared>>
      tpu.wait_indirect_dma semaphore(%run_scoped3A_21 : memref<!tpu.dma_semaphore, #tpu.memory_space<semaphore_mem>>) src(%dma_wait3A_31 : memref<125x32xf32, #tpu.memory_space<vmem>>) dst(%dma_wait3A_37 : memref<10000x32xf32, #tpu.memory_space<vmem_shared>>)
      tpu.yield
    }) : () -> ()
    %run_scoped3A_9 = arith.constant 3 : i32
    "tpu.region"() ({
      %run_scoped3A_21 = tpu.sem_alloc : memref<!tpu.dma_semaphore, #tpu.memory_space<semaphore_mem>>
      %dma_start3A = arith.constant 375 : i32
      %dma_start3A_22 = arith.constant 0 : i32
      %dma_start3A_23 = tpu.memref_slice %arg7[%dma_start3A, %dma_start3A_22] : memref<1250x32xf32, #tpu.memory_space<vmem>> -> memref<125x32xf32, #tpu.memory_space<vmem>>
      %dma_start3A_24 = arith.constant 0 : i32
      %dma_start3A_25 = tpu.memref_slice %arg6[%run_scoped3A_9, %dma_start3A_24] : memref<10x125xi32, #tpu.memory_space<vmem>> -> memref<1x125xi32, #tpu.memory_space<vmem>>
      %dma_start3A_26 = tpu.memref_squeeze %dma_start3A_25 : memref<1x125xi32, #tpu.memory_space<vmem>> -> memref<125xi32, #tpu.memory_space<vmem>>
      %dma_start3A_27 = arith.constant 0 : i32
      %dma_start3A_28 = arith.constant 0 : i32
      %dma_start3A_29 = tpu.memref_slice %arg8[%dma_start3A_27, %dma_start3A_28] : memref<10000x32xf32, #tpu.memory_space<vmem_shared>> -> memref<10000x32xf32, #tpu.memory_space<vmem_shared>>
      tpu.enqueue_indirect_dma source(%dma_start3A_23 : memref<125x32xf32, #tpu.memory_space<vmem>>) target(%dma_start3A_29 : memref<10000x32xf32, #tpu.memory_space<vmem_shared>>) offsets(%dma_start3A_26 : memref<125xi32, #tpu.memory_space<vmem>>) semaphore(%run_scoped3A_21 : memref<!tpu.dma_semaphore, #tpu.memory_space<semaphore_mem>>) {add = true}
      %dma_wait3A = arith.constant 375 : i32
      %dma_wait3A_30 = arith.constant 0 : i32
      %dma_wait3A_31 = tpu.memref_slice %arg7[%dma_wait3A, %dma_wait3A_30] : memref<1250x32xf32, #tpu.memory_space<vmem>> -> memref<125x32xf32, #tpu.memory_space<vmem>>
      %dma_wait3A_32 = arith.constant 0 : i32
      %dma_wait3A_33 = tpu.memref_slice %arg6[%run_scoped3A_9, %dma_wait3A_32] : memref<10x125xi32, #tpu.memory_space<vmem>> -> memref<1x125xi32, #tpu.memory_space<vmem>>
      %dma_wait3A_34 = tpu.memref_squeeze %dma_wait3A_33 : memref<1x125xi32, #tpu.memory_space<vmem>> -> memref<125xi32, #tpu.memory_space<vmem>>
      %dma_wait3A_35 = arith.constant 0 : i32
      %dma_wait3A_36 = arith.constant 0 : i32
      %dma_wait3A_37 = tpu.memref_slice %arg8[%dma_wait3A_35, %dma_wait3A_36] : memref<10000x32xf32, #tpu.memory_space<vmem_shared>> -> memref<10000x32xf32, #tpu.memory_space<vmem_shared>>
      tpu.wait_indirect_dma semaphore(%run_scoped3A_21 : memref<!tpu.dma_semaphore, #tpu.memory_space<semaphore_mem>>) src(%dma_wait3A_31 : memref<125x32xf32, #tpu.memory_space<vmem>>) dst(%dma_wait3A_37 : memref<10000x32xf32, #tpu.memory_space<vmem_shared>>)
      tpu.yield
    }) : () -> ()
    %run_scoped3A_10 = arith.constant 4 : i32
    "tpu.region"() ({
      %run_scoped3A_21 = tpu.sem_alloc : memref<!tpu.dma_semaphore, #tpu.memory_space<semaphore_mem>>
      %dma_start3A = arith.constant 500 : i32
      %dma_start3A_22 = arith.constant 0 : i32
      %dma_start3A_23 = tpu.memref_slice %arg7[%dma_start3A, %dma_start3A_22] : memref<1250x32xf32, #tpu.memory_space<vmem>> -> memref<125x32xf32, #tpu.memory_space<vmem>>
      %dma_start3A_24 = arith.constant 0 : i32
      %dma_start3A_25 = tpu.memref_slice %arg6[%run_scoped3A_10, %dma_start3A_24] : memref<10x125xi32, #tpu.memory_space<vmem>> -> memref<1x125xi32, #tpu.memory_space<vmem>>
      %dma_start3A_26 = tpu.memref_squeeze %dma_start3A_25 : memref<1x125xi32, #tpu.memory_space<vmem>> -> memref<125xi32, #tpu.memory_space<vmem>>
      %dma_start3A_27 = arith.constant 0 : i32
      %dma_start3A_28 = arith.constant 0 : i32
      %dma_start3A_29 = tpu.memref_slice %arg8[%dma_start3A_27, %dma_start3A_28] : memref<10000x32xf32, #tpu.memory_space<vmem_shared>> -> memref<10000x32xf32, #tpu.memory_space<vmem_shared>>
      tpu.enqueue_indirect_dma source(%dma_start3A_23 : memref<125x32xf32, #tpu.memory_space<vmem>>) target(%dma_start3A_29 : memref<10000x32xf32, #tpu.memory_space<vmem_shared>>) offsets(%dma_start3A_26 : memref<125xi32, #tpu.memory_space<vmem>>) semaphore(%run_scoped3A_21 : memref<!tpu.dma_semaphore, #tpu.memory_space<semaphore_mem>>) {add = true}
      %dma_wait3A = arith.constant 500 : i32
      %dma_wait3A_30 = arith.constant 0 : i32
      %dma_wait3A_31 = tpu.memref_slice %arg7[%dma_wait3A, %dma_wait3A_30] : memref<1250x32xf32, #tpu.memory_space<vmem>> -> memref<125x32xf32, #tpu.memory_space<vmem>>
      %dma_wait3A_32 = arith.constant 0 : i32
      %dma_wait3A_33 = tpu.memref_slice %arg6[%run_scoped3A_10, %dma_wait3A_32] : memref<10x125xi32, #tpu.memory_space<vmem>> -> memref<1x125xi32, #tpu.memory_space<vmem>>
      %dma_wait3A_34 = tpu.memref_squeeze %dma_wait3A_33 : memref<1x125xi32, #tpu.memory_space<vmem>> -> memref<125xi32, #tpu.memory_space<vmem>>
      %dma_wait3A_35 = arith.constant 0 : i32
      %dma_wait3A_36 = arith.constant 0 : i32
      %dma_wait3A_37 = tpu.memref_slice %arg8[%dma_wait3A_35, %dma_wait3A_36] : memref<10000x32xf32, #tpu.memory_space<vmem_shared>> -> memref<10000x32xf32, #tpu.memory_space<vmem_shared>>
      tpu.wait_indirect_dma semaphore(%run_scoped3A_21 : memref<!tpu.dma_semaphore, #tpu.memory_space<semaphore_mem>>) src(%dma_wait3A_31 : memref<125x32xf32, #tpu.memory_space<vmem>>) dst(%dma_wait3A_37 : memref<10000x32xf32, #tpu.memory_space<vmem_shared>>)
      tpu.yield
    }) : () -> ()
    %run_scoped3A_11 = arith.constant 5 : i32
    "tpu.region"() ({
      %run_scoped3A_21 = tpu.sem_alloc : memref<!tpu.dma_semaphore, #tpu.memory_space<semaphore_mem>>
      %dma_start3A = arith.constant 625 : i32
      %dma_start3A_22 = arith.constant 0 : i32
      %dma_start3A_23 = tpu.memref_slice %arg7[%dma_start3A, %dma_start3A_22] : memref<1250x32xf32, #tpu.memory_space<vmem>> -> memref<125x32xf32, #tpu.memory_space<vmem>>
      %dma_start3A_24 = arith.constant 0 : i32
      %dma_start3A_25 = tpu.memref_slice %arg6[%run_scoped3A_11, %dma_start3A_24] : memref<10x125xi32, #tpu.memory_space<vmem>> -> memref<1x125xi32, #tpu.memory_space<vmem>>
      %dma_start3A_26 = tpu.memref_squeeze %dma_start3A_25 : memref<1x125xi32, #tpu.memory_space<vmem>> -> memref<125xi32, #tpu.memory_space<vmem>>
      %dma_start3A_27 = arith.constant 0 : i32
      %dma_start3A_28 = arith.constant 0 : i32
      %dma_start3A_29 = tpu.memref_slice %arg8[%dma_start3A_27, %dma_start3A_28] : memref<10000x32xf32, #tpu.memory_space<vmem_shared>> -> memref<10000x32xf32, #tpu.memory_space<vmem_shared>>
      tpu.enqueue_indirect_dma source(%dma_start3A_23 : memref<125x32xf32, #tpu.memory_space<vmem>>) target(%dma_start3A_29 : memref<10000x32xf32, #tpu.memory_space<vmem_shared>>) offsets(%dma_start3A_26 : memref<125xi32, #tpu.memory_space<vmem>>) semaphore(%run_scoped3A_21 : memref<!tpu.dma_semaphore, #tpu.memory_space<semaphore_mem>>) {add = true}
      %dma_wait3A = arith.constant 625 : i32
      %dma_wait3A_30 = arith.constant 0 : i32
      %dma_wait3A_31 = tpu.memref_slice %arg7[%dma_wait3A, %dma_wait3A_30] : memref<1250x32xf32, #tpu.memory_space<vmem>> -> memref<125x32xf32, #tpu.memory_space<vmem>>
      %dma_wait3A_32 = arith.constant 0 : i32
      %dma_wait3A_33 = tpu.memref_slice %arg6[%run_scoped3A_11, %dma_wait3A_32] : memref<10x125xi32, #tpu.memory_space<vmem>> -> memref<1x125xi32, #tpu.memory_space<vmem>>
      %dma_wait3A_34 = tpu.memref_squeeze %dma_wait3A_33 : memref<1x125xi32, #tpu.memory_space<vmem>> -> memref<125xi32, #tpu.memory_space<vmem>>
      %dma_wait3A_35 = arith.constant 0 : i32
      %dma_wait3A_36 = arith.constant 0 : i32
      %dma_wait3A_37 = tpu.memref_slice %arg8[%dma_wait3A_35, %dma_wait3A_36] : memref<10000x32xf32, #tpu.memory_space<vmem_shared>> -> memref<10000x32xf32, #tpu.memory_space<vmem_shared>>
      tpu.wait_indirect_dma semaphore(%run_scoped3A_21 : memref<!tpu.dma_semaphore, #tpu.memory_space<semaphore_mem>>) src(%dma_wait3A_31 : memref<125x32xf32, #tpu.memory_space<vmem>>) dst(%dma_wait3A_37 : memref<10000x32xf32, #tpu.memory_space<vmem_shared>>)
      tpu.yield
    }) : () -> ()
    %run_scoped3A_12 = arith.constant 6 : i32
    "tpu.region"() ({
      %run_scoped3A_21 = tpu.sem_alloc : memref<!tpu.dma_semaphore, #tpu.memory_space<semaphore_mem>>
      %dma_start3A = arith.constant 750 : i32
      %dma_start3A_22 = arith.constant 0 : i32
      %dma_start3A_23 = tpu.memref_slice %arg7[%dma_start3A, %dma_start3A_22] : memref<1250x32xf32, #tpu.memory_space<vmem>> -> memref<125x32xf32, #tpu.memory_space<vmem>>
      %dma_start3A_24 = arith.constant 0 : i32
      %dma_start3A_25 = tpu.memref_slice %arg6[%run_scoped3A_12, %dma_start3A_24] : memref<10x125xi32, #tpu.memory_space<vmem>> -> memref<1x125xi32, #tpu.memory_space<vmem>>
      %dma_start3A_26 = tpu.memref_squeeze %dma_start3A_25 : memref<1x125xi32, #tpu.memory_space<vmem>> -> memref<125xi32, #tpu.memory_space<vmem>>
      %dma_start3A_27 = arith.constant 0 : i32
      %dma_start3A_28 = arith.constant 0 : i32
      %dma_start3A_29 = tpu.memref_slice %arg8[%dma_start3A_27, %dma_start3A_28] : memref<10000x32xf32, #tpu.memory_space<vmem_shared>> -> memref<10000x32xf32, #tpu.memory_space<vmem_shared>>
      tpu.enqueue_indirect_dma source(%dma_start3A_23 : memref<125x32xf32, #tpu.memory_space<vmem>>) target(%dma_start3A_29 : memref<10000x32xf32, #tpu.memory_space<vmem_shared>>) offsets(%dma_start3A_26 : memref<125xi32, #tpu.memory_space<vmem>>) semaphore(%run_scoped3A_21 : memref<!tpu.dma_semaphore, #tpu.memory_space<semaphore_mem>>) {add = true}
      %dma_wait3A = arith.constant 750 : i32
      %dma_wait3A_30 = arith.constant 0 : i32
      %dma_wait3A_31 = tpu.memref_slice %arg7[%dma_wait3A, %dma_wait3A_30] : memref<1250x32xf32, #tpu.memory_space<vmem>> -> memref<125x32xf32, #tpu.memory_space<vmem>>
      %dma_wait3A_32 = arith.constant 0 : i32
      %dma_wait3A_33 = tpu.memref_slice %arg6[%run_scoped3A_12, %dma_wait3A_32] : memref<10x125xi32, #tpu.memory_space<vmem>> -> memref<1x125xi32, #tpu.memory_space<vmem>>
      %dma_wait3A_34 = tpu.memref_squeeze %dma_wait3A_33 : memref<1x125xi32, #tpu.memory_space<vmem>> -> memref<125xi32, #tpu.memory_space<vmem>>
      %dma_wait3A_35 = arith.constant 0 : i32
      %dma_wait3A_36 = arith.constant 0 : i32
      %dma_wait3A_37 = tpu.memref_slice %arg8[%dma_wait3A_35, %dma_wait3A_36] : memref<10000x32xf32, #tpu.memory_space<vmem_shared>> -> memref<10000x32xf32, #tpu.memory_space<vmem_shared>>
      tpu.wait_indirect_dma semaphore(%run_scoped3A_21 : memref<!tpu.dma_semaphore, #tpu.memory_space<semaphore_mem>>) src(%dma_wait3A_31 : memref<125x32xf32, #tpu.memory_space<vmem>>) dst(%dma_wait3A_37 : memref<10000x32xf32, #tpu.memory_space<vmem_shared>>)
      tpu.yield
    }) : () -> ()
    %run_scoped3A_13 = arith.constant 7 : i32
    "tpu.region"() ({
      %run_scoped3A_21 = tpu.sem_alloc : memref<!tpu.dma_semaphore, #tpu.memory_space<semaphore_mem>>
      %dma_start3A = arith.constant 875 : i32
      %dma_start3A_22 = arith.constant 0 : i32
      %dma_start3A_23 = tpu.memref_slice %arg7[%dma_start3A, %dma_start3A_22] : memref<1250x32xf32, #tpu.memory_space<vmem>> -> memref<125x32xf32, #tpu.memory_space<vmem>>
      %dma_start3A_24 = arith.constant 0 : i32
      %dma_start3A_25 = tpu.memref_slice %arg6[%run_scoped3A_13, %dma_start3A_24] : memref<10x125xi32, #tpu.memory_space<vmem>> -> memref<1x125xi32, #tpu.memory_space<vmem>>
      %dma_start3A_26 = tpu.memref_squeeze %dma_start3A_25 : memref<1x125xi32, #tpu.memory_space<vmem>> -> memref<125xi32, #tpu.memory_space<vmem>>
      %dma_start3A_27 = arith.constant 0 : i32
      %dma_start3A_28 = arith.constant 0 : i32
      %dma_start3A_29 = tpu.memref_slice %arg8[%dma_start3A_27, %dma_start3A_28] : memref<10000x32xf32, #tpu.memory_space<vmem_shared>> -> memref<10000x32xf32, #tpu.memory_space<vmem_shared>>
      tpu.enqueue_indirect_dma source(%dma_start3A_23 : memref<125x32xf32, #tpu.memory_space<vmem>>) target(%dma_start3A_29 : memref<10000x32xf32, #tpu.memory_space<vmem_shared>>) offsets(%dma_start3A_26 : memref<125xi32, #tpu.memory_space<vmem>>) semaphore(%run_scoped3A_21 : memref<!tpu.dma_semaphore, #tpu.memory_space<semaphore_mem>>) {add = true}
      %dma_wait3A = arith.constant 875 : i32
      %dma_wait3A_30 = arith.constant 0 : i32
      %dma_wait3A_31 = tpu.memref_slice %arg7[%dma_wait3A, %dma_wait3A_30] : memref<1250x32xf32, #tpu.memory_space<vmem>> -> memref<125x32xf32, #tpu.memory_space<vmem>>
      %dma_wait3A_32 = arith.constant 0 : i32
      %dma_wait3A_33 = tpu.memref_slice %arg6[%run_scoped3A_13, %dma_wait3A_32] : memref<10x125xi32, #tpu.memory_space<vmem>> -> memref<1x125xi32, #tpu.memory_space<vmem>>
      %dma_wait3A_34 = tpu.memref_squeeze %dma_wait3A_33 : memref<1x125xi32, #tpu.memory_space<vmem>> -> memref<125xi32, #tpu.memory_space<vmem>>
      %dma_wait3A_35 = arith.constant 0 : i32
      %dma_wait3A_36 = arith.constant 0 : i32
      %dma_wait3A_37 = tpu.memref_slice %arg8[%dma_wait3A_35, %dma_wait3A_36] : memref<10000x32xf32, #tpu.memory_space<vmem_shared>> -> memref<10000x32xf32, #tpu.memory_space<vmem_shared>>
      tpu.wait_indirect_dma semaphore(%run_scoped3A_21 : memref<!tpu.dma_semaphore, #tpu.memory_space<semaphore_mem>>) src(%dma_wait3A_31 : memref<125x32xf32, #tpu.memory_space<vmem>>) dst(%dma_wait3A_37 : memref<10000x32xf32, #tpu.memory_space<vmem_shared>>)
      tpu.yield
    }) : () -> ()
    %run_scoped3A_14 = arith.constant 8 : i32
    "tpu.region"() ({
      %run_scoped3A_21 = tpu.sem_alloc : memref<!tpu.dma_semaphore, #tpu.memory_space<semaphore_mem>>
      %dma_start3A = arith.constant 1000 : i32
      %dma_start3A_22 = arith.constant 0 : i32
      %dma_start3A_23 = tpu.memref_slice %arg7[%dma_start3A, %dma_start3A_22] : memref<1250x32xf32, #tpu.memory_space<vmem>> -> memref<125x32xf32, #tpu.memory_space<vmem>>
      %dma_start3A_24 = arith.constant 0 : i32
      %dma_start3A_25 = tpu.memref_slice %arg6[%run_scoped3A_14, %dma_start3A_24] : memref<10x125xi32, #tpu.memory_space<vmem>> -> memref<1x125xi32, #tpu.memory_space<vmem>>
      %dma_start3A_26 = tpu.memref_squeeze %dma_start3A_25 : memref<1x125xi32, #tpu.memory_space<vmem>> -> memref<125xi32, #tpu.memory_space<vmem>>
      %dma_start3A_27 = arith.constant 0 : i32
      %dma_start3A_28 = arith.constant 0 : i32
      %dma_start3A_29 = tpu.memref_slice %arg8[%dma_start3A_27, %dma_start3A_28] : memref<10000x32xf32, #tpu.memory_space<vmem_shared>> -> memref<10000x32xf32, #tpu.memory_space<vmem_shared>>
      tpu.enqueue_indirect_dma source(%dma_start3A_23 : memref<125x32xf32, #tpu.memory_space<vmem>>) target(%dma_start3A_29 : memref<10000x32xf32, #tpu.memory_space<vmem_shared>>) offsets(%dma_start3A_26 : memref<125xi32, #tpu.memory_space<vmem>>) semaphore(%run_scoped3A_21 : memref<!tpu.dma_semaphore, #tpu.memory_space<semaphore_mem>>) {add = true}
      %dma_wait3A = arith.constant 1000 : i32
      %dma_wait3A_30 = arith.constant 0 : i32
      %dma_wait3A_31 = tpu.memref_slice %arg7[%dma_wait3A, %dma_wait3A_30] : memref<1250x32xf32, #tpu.memory_space<vmem>> -> memref<125x32xf32, #tpu.memory_space<vmem>>
      %dma_wait3A_32 = arith.constant 0 : i32
      %dma_wait3A_33 = tpu.memref_slice %arg6[%run_scoped3A_14, %dma_wait3A_32] : memref<10x125xi32, #tpu.memory_space<vmem>> -> memref<1x125xi32, #tpu.memory_space<vmem>>
      %dma_wait3A_34 = tpu.memref_squeeze %dma_wait3A_33 : memref<1x125xi32, #tpu.memory_space<vmem>> -> memref<125xi32, #tpu.memory_space<vmem>>
      %dma_wait3A_35 = arith.constant 0 : i32
      %dma_wait3A_36 = arith.constant 0 : i32
      %dma_wait3A_37 = tpu.memref_slice %arg8[%dma_wait3A_35, %dma_wait3A_36] : memref<10000x32xf32, #tpu.memory_space<vmem_shared>> -> memref<10000x32xf32, #tpu.memory_space<vmem_shared>>
      tpu.wait_indirect_dma semaphore(%run_scoped3A_21 : memref<!tpu.dma_semaphore, #tpu.memory_space<semaphore_mem>>) src(%dma_wait3A_31 : memref<125x32xf32, #tpu.memory_space<vmem>>) dst(%dma_wait3A_37 : memref<10000x32xf32, #tpu.memory_space<vmem_shared>>)
      tpu.yield
    }) : () -> ()
    %run_scoped3A_15 = arith.constant 9 : i32
    "tpu.region"() ({
      %run_scoped3A_21 = tpu.sem_alloc : memref<!tpu.dma_semaphore, #tpu.memory_space<semaphore_mem>>
      %dma_start3A = arith.constant 1125 : i32
      %dma_start3A_22 = arith.constant 0 : i32
      %dma_start3A_23 = tpu.memref_slice %arg7[%dma_start3A, %dma_start3A_22] : memref<1250x32xf32, #tpu.memory_space<vmem>> -> memref<125x32xf32, #tpu.memory_space<vmem>>
      %dma_start3A_24 = arith.constant 0 : i32
      %dma_start3A_25 = tpu.memref_slice %arg6[%run_scoped3A_15, %dma_start3A_24] : memref<10x125xi32, #tpu.memory_space<vmem>> -> memref<1x125xi32, #tpu.memory_space<vmem>>
      %dma_start3A_26 = tpu.memref_squeeze %dma_start3A_25 : memref<1x125xi32, #tpu.memory_space<vmem>> -> memref<125xi32, #tpu.memory_space<vmem>>
      %dma_start3A_27 = arith.constant 0 : i32
      %dma_start3A_28 = arith.constant 0 : i32
      %dma_start3A_29 = tpu.memref_slice %arg8[%dma_start3A_27, %dma_start3A_28] : memref<10000x32xf32, #tpu.memory_space<vmem_shared>> -> memref<10000x32xf32, #tpu.memory_space<vmem_shared>>
      tpu.enqueue_indirect_dma source(%dma_start3A_23 : memref<125x32xf32, #tpu.memory_space<vmem>>) target(%dma_start3A_29 : memref<10000x32xf32, #tpu.memory_space<vmem_shared>>) offsets(%dma_start3A_26 : memref<125xi32, #tpu.memory_space<vmem>>) semaphore(%run_scoped3A_21 : memref<!tpu.dma_semaphore, #tpu.memory_space<semaphore_mem>>) {add = true}
      %dma_wait3A = arith.constant 1125 : i32
      %dma_wait3A_30 = arith.constant 0 : i32
      %dma_wait3A_31 = tpu.memref_slice %arg7[%dma_wait3A, %dma_wait3A_30] : memref<1250x32xf32, #tpu.memory_space<vmem>> -> memref<125x32xf32, #tpu.memory_space<vmem>>
      %dma_wait3A_32 = arith.constant 0 : i32
      %dma_wait3A_33 = tpu.memref_slice %arg6[%run_scoped3A_15, %dma_wait3A_32] : memref<10x125xi32, #tpu.memory_space<vmem>> -> memref<1x125xi32, #tpu.memory_space<vmem>>
      %dma_wait3A_34 = tpu.memref_squeeze %dma_wait3A_33 : memref<1x125xi32, #tpu.memory_space<vmem>> -> memref<125xi32, #tpu.memory_space<vmem>>
      %dma_wait3A_35 = arith.constant 0 : i32
      %dma_wait3A_36 = arith.constant 0 : i32
      %dma_wait3A_37 = tpu.memref_slice %arg8[%dma_wait3A_35, %dma_wait3A_36] : memref<10000x32xf32, #tpu.memory_space<vmem_shared>> -> memref<10000x32xf32, #tpu.memory_space<vmem_shared>>
      tpu.wait_indirect_dma semaphore(%run_scoped3A_21 : memref<!tpu.dma_semaphore, #tpu.memory_space<semaphore_mem>>) src(%dma_wait3A_31 : memref<125x32xf32, #tpu.memory_space<vmem>>) dst(%dma_wait3A_37 : memref<10000x32xf32, #tpu.memory_space<vmem_shared>>)
      tpu.yield
    }) : () -> ()
    %barrier3A_16 = arith.constant 0 : index
    tpu.barrier barrier_id(%barrier3A_16)
    %mul3A_17 = arith.constant 625 : i32
    %mul3A_18 = arith.muli %arg1, %mul3A_17 : i32
    %mul3A_19 = arith.constant 625 : i32
    %mul3A_20 = arith.muli %arg1, %mul3A_19 : i32
    "tpu.region"() ({
      %run_scoped3A_21 = tpu.sem_alloc : memref<!tpu.dma_semaphore, #tpu.memory_space<semaphore_mem>>
      %dma_start3A = arith.constant 0 : i32
      %dma_start3A_22 = tpu.memref_slice %arg5[%arg0, %mul3A_20, %dma_start3A] : memref<2x10000x32xf32, #tpu.memory_space<hbm>> -> memref<1x625x32xf32, #tpu.memory_space<hbm>>
      %dma_start3A_23 = tpu.memref_squeeze %dma_start3A_22 : memref<1x625x32xf32, #tpu.memory_space<hbm>> -> memref<625x32xf32, #tpu.memory_space<hbm>>
      %dma_start3A_24 = arith.constant 0 : i32
      %dma_start3A_25 = tpu.memref_slice %arg8[%mul3A_18, %dma_start3A_24] : memref<10000x32xf32, #tpu.memory_space<vmem_shared>> -> memref<625x32xf32, #tpu.memory_space<vmem_shared>>
      tpu.enqueue_dma source(%dma_start3A_25 : memref<625x32xf32, #tpu.memory_space<vmem_shared>>) target(%dma_start3A_23 : memref<625x32xf32, #tpu.memory_space<hbm>>) target_semaphore(%run_scoped3A_21 : memref<!tpu.dma_semaphore, #tpu.memory_space<semaphore_mem>>)
      %dma_wait3A = arith.constant 0 : i32
      %dma_wait3A_26 = tpu.memref_slice %arg5[%arg0, %mul3A_20, %dma_wait3A] : memref<2x10000x32xf32, #tpu.memory_space<hbm>> -> memref<1x625x32xf32, #tpu.memory_space<hbm>>
      %dma_wait3A_27 = tpu.memref_squeeze %dma_wait3A_26 : memref<1x625x32xf32, #tpu.memory_space<hbm>> -> memref<625x32xf32, #tpu.memory_space<hbm>>
      %dma_wait3A_28 = arith.constant 0 : i32
      %dma_wait3A_29 = tpu.memref_slice %arg8[%mul3A_18, %dma_wait3A_28] : memref<10000x32xf32, #tpu.memory_space<vmem_shared>> -> memref<625x32xf32, #tpu.memory_space<vmem_shared>>
      tpu.wait_dma2 semaphore(%run_scoped3A_21 : memref<!tpu.dma_semaphore, #tpu.memory_space<semaphore_mem>>) src(%dma_wait3A_29 : memref<625x32xf32, #tpu.memory_space<vmem_shared>>) dst(%dma_wait3A_27 : memref<625x32xf32, #tpu.memory_space<hbm>>)
      tpu.yield
    }) : () -> ()
    return
  }
}

#map = affine_map<(d0, d1) -> (0, 0)>
#map1 = affine_map<(d0, d1) -> (0, 0, 0)>
module attributes {stable_mosaic.version = 14 : i64} {
  func.func @pk(%arg0: i32, %arg1: i32, %arg2: memref<10016x48xf32, #tpu.memory_space<hbm>>, %arg3: memref<32x3x128xi32, #tpu.memory_space<hbm>>, %arg4: memref<512x48xf32, #tpu.memory_space<hbm>>, %arg5: memref<2x512x48xf32, #tpu.memory_space<hbm>>, %arg6: memref<3x128xi32, #tpu.memory_space<vmem>>, %arg7: memref<384x48xf32, #tpu.memory_space<vmem>>, %arg8: memref<512x48xf32, #tpu.memory_space<vmem_shared>>, %arg9: memref<!tpu.dma_semaphore, #tpu.memory_space<semaphore_mem>>) attributes {dimension_semantics = [#tpu.dimension_semantics<core_parallel>, #tpu.dimension_semantics<subcore_parallel>], iteration_bounds = array<i64: 2, 16>, scalar_prefetch = 0 : i64, scratch_operands = 4 : i64, tpu.core_type = #tpu.core_type<sc_vector_subcore>, window_params = [{transform_indices = #map}, {transform_indices = #map1}, {transform_indices = #map}, {transform_indices = #map1}]} {
    %mul3A = arith.constant 2 : i32
    %mul3A_0 = arith.muli %arg1, %mul3A : i32
    %add3A = arith.addi %mul3A_0, %arg0 : i32
    %mul3A_1 = arith.constant 32 : i32
    %mul3A_2 = arith.muli %arg1, %mul3A_1 : i32
    %mul3A_3 = arith.constant 32 : i32
    %mul3A_4 = arith.muli %arg1, %mul3A_3 : i32
    "tpu.region"() ({
      %run_scoped3A_14 = tpu.sem_alloc : memref<!tpu.dma_semaphore, #tpu.memory_space<semaphore_mem>>
      %dma_start3A = arith.constant 0 : i32
      %dma_start3A_15 = tpu.memref_slice %arg8[%mul3A_4, %dma_start3A] : memref<512x48xf32, #tpu.memory_space<vmem_shared>> -> memref<32x48xf32, #tpu.memory_space<vmem_shared>>
      %dma_start3A_16 = arith.constant 0 : i32
      %dma_start3A_17 = tpu.memref_slice %arg4[%mul3A_2, %dma_start3A_16] : memref<512x48xf32, #tpu.memory_space<hbm>> -> memref<32x48xf32, #tpu.memory_space<hbm>>
      tpu.enqueue_dma source(%dma_start3A_17 : memref<32x48xf32, #tpu.memory_space<hbm>>) target(%dma_start3A_15 : memref<32x48xf32, #tpu.memory_space<vmem_shared>>) target_semaphore(%run_scoped3A_14 : memref<!tpu.dma_semaphore, #tpu.memory_space<semaphore_mem>>)
      %dma_wait3A = arith.constant 0 : i32
      %dma_wait3A_18 = tpu.memref_slice %arg8[%mul3A_4, %dma_wait3A] : memref<512x48xf32, #tpu.memory_space<vmem_shared>> -> memref<32x48xf32, #tpu.memory_space<vmem_shared>>
      %dma_wait3A_19 = arith.constant 0 : i32
      %dma_wait3A_20 = tpu.memref_slice %arg4[%mul3A_2, %dma_wait3A_19] : memref<512x48xf32, #tpu.memory_space<hbm>> -> memref<32x48xf32, #tpu.memory_space<hbm>>
      tpu.wait_dma2 semaphore(%run_scoped3A_14 : memref<!tpu.dma_semaphore, #tpu.memory_space<semaphore_mem>>) src(%dma_wait3A_20 : memref<32x48xf32, #tpu.memory_space<hbm>>) dst(%dma_wait3A_18 : memref<32x48xf32, #tpu.memory_space<vmem_shared>>)
      tpu.yield
    }) : () -> ()
    "tpu.region"() ({
      %run_scoped3A_14 = tpu.sem_alloc : memref<!tpu.dma_semaphore, #tpu.memory_space<semaphore_mem>>
      %dma_start3A = arith.constant 0 : i32
      %dma_start3A_15 = arith.constant 0 : i32
      %dma_start3A_16 = tpu.memref_slice %arg3[%add3A, %dma_start3A, %dma_start3A_15] : memref<32x3x128xi32, #tpu.memory_space<hbm>> -> memref<1x3x128xi32, #tpu.memory_space<hbm>>
      %dma_start3A_17 = tpu.memref_squeeze %dma_start3A_16 : memref<1x3x128xi32, #tpu.memory_space<hbm>> -> memref<3x128xi32, #tpu.memory_space<hbm>>
      %dma_start3A_18 = arith.constant 0 : i32
      %dma_start3A_19 = arith.constant 0 : i32
      %dma_start3A_20 = tpu.memref_slice %arg3[%add3A, %dma_start3A_18, %dma_start3A_19] : memref<32x3x128xi32, #tpu.memory_space<hbm>> -> memref<1x3x128xi32, #tpu.memory_space<hbm>>
      %dma_start3A_21 = tpu.memref_squeeze %dma_start3A_20 : memref<1x3x128xi32, #tpu.memory_space<hbm>> -> memref<3x128xi32, #tpu.memory_space<hbm>>
      tpu.enqueue_dma source(%dma_start3A_21 : memref<3x128xi32, #tpu.memory_space<hbm>>) target(%arg6 : memref<3x128xi32, #tpu.memory_space<vmem>>) target_semaphore(%run_scoped3A_14 : memref<!tpu.dma_semaphore, #tpu.memory_space<semaphore_mem>>)
      %dma_wait3A = arith.constant 0 : i32
      %dma_wait3A_22 = arith.constant 0 : i32
      %dma_wait3A_23 = tpu.memref_slice %arg3[%add3A, %dma_wait3A, %dma_wait3A_22] : memref<32x3x128xi32, #tpu.memory_space<hbm>> -> memref<1x3x128xi32, #tpu.memory_space<hbm>>
      %dma_wait3A_24 = tpu.memref_squeeze %dma_wait3A_23 : memref<1x3x128xi32, #tpu.memory_space<hbm>> -> memref<3x128xi32, #tpu.memory_space<hbm>>
      %dma_wait3A_25 = arith.constant 0 : i32
      %dma_wait3A_26 = arith.constant 0 : i32
      %dma_wait3A_27 = tpu.memref_slice %arg3[%add3A, %dma_wait3A_25, %dma_wait3A_26] : memref<32x3x128xi32, #tpu.memory_space<hbm>> -> memref<1x3x128xi32, #tpu.memory_space<hbm>>
      %dma_wait3A_28 = tpu.memref_squeeze %dma_wait3A_27 : memref<1x3x128xi32, #tpu.memory_space<hbm>> -> memref<3x128xi32, #tpu.memory_space<hbm>>
      tpu.wait_dma2 semaphore(%run_scoped3A_14 : memref<!tpu.dma_semaphore, #tpu.memory_space<semaphore_mem>>) src(%dma_wait3A_28 : memref<3x128xi32, #tpu.memory_space<hbm>>) dst(%arg6 : memref<3x128xi32, #tpu.memory_space<vmem>>)
      tpu.yield
    }) : () -> ()
    %mul3A_5 = arith.constant 313 : i32
    %mul3A_6 = arith.muli %add3A, %mul3A_5 : i32
    "tpu.region"() ({
      %run_scoped3A_14 = tpu.sem_alloc : memref<!tpu.dma_semaphore, #tpu.memory_space<semaphore_mem>>
      %dma_start3A = arith.constant 0 : i32
      %dma_start3A_15 = arith.constant 0 : i32
      %dma_start3A_16 = tpu.memref_slice %arg7[%dma_start3A, %dma_start3A_15] : memref<384x48xf32, #tpu.memory_space<vmem>> -> memref<313x48xf32, #tpu.memory_space<vmem>>
      %dma_start3A_17 = arith.constant 0 : i32
      %dma_start3A_18 = tpu.memref_slice %arg2[%mul3A_6, %dma_start3A_17] : memref<10016x48xf32, #tpu.memory_space<hbm>> -> memref<313x48xf32, #tpu.memory_space<hbm>>
      %dma_start3A_19 = arith.constant 0 : i32
      %dma_start3A_20 = arith.constant 0 : i32
      %dma_start3A_21 = tpu.memref_slice %arg7[%dma_start3A_19, %dma_start3A_20] : memref<384x48xf32, #tpu.memory_space<vmem>> -> memref<313x48xf32, #tpu.memory_space<vmem>>
      %dma_start3A_22 = arith.constant 0 : i32
      %dma_start3A_23 = tpu.memref_slice %arg2[%mul3A_6, %dma_start3A_22] : memref<10016x48xf32, #tpu.memory_space<hbm>> -> memref<313x48xf32, #tpu.memory_space<hbm>>
      tpu.enqueue_dma source(%dma_start3A_23 : memref<313x48xf32, #tpu.memory_space<hbm>>) target(%dma_start3A_21 : memref<313x48xf32, #tpu.memory_space<vmem>>) target_semaphore(%run_scoped3A_14 : memref<!tpu.dma_semaphore, #tpu.memory_space<semaphore_mem>>)
      %dma_wait3A = arith.constant 0 : i32
      %dma_wait3A_24 = arith.constant 0 : i32
      %dma_wait3A_25 = tpu.memref_slice %arg7[%dma_wait3A, %dma_wait3A_24] : memref<384x48xf32, #tpu.memory_space<vmem>> -> memref<313x48xf32, #tpu.memory_space<vmem>>
      %dma_wait3A_26 = arith.constant 0 : i32
      %dma_wait3A_27 = tpu.memref_slice %arg2[%mul3A_6, %dma_wait3A_26] : memref<10016x48xf32, #tpu.memory_space<hbm>> -> memref<313x48xf32, #tpu.memory_space<hbm>>
      %dma_wait3A_28 = arith.constant 0 : i32
      %dma_wait3A_29 = arith.constant 0 : i32
      %dma_wait3A_30 = tpu.memref_slice %arg7[%dma_wait3A_28, %dma_wait3A_29] : memref<384x48xf32, #tpu.memory_space<vmem>> -> memref<313x48xf32, #tpu.memory_space<vmem>>
      %dma_wait3A_31 = arith.constant 0 : i32
      %dma_wait3A_32 = tpu.memref_slice %arg2[%mul3A_6, %dma_wait3A_31] : memref<10016x48xf32, #tpu.memory_space<hbm>> -> memref<313x48xf32, #tpu.memory_space<hbm>>
      tpu.wait_dma2 semaphore(%run_scoped3A_14 : memref<!tpu.dma_semaphore, #tpu.memory_space<semaphore_mem>>) src(%dma_wait3A_32 : memref<313x48xf32, #tpu.memory_space<hbm>>) dst(%dma_wait3A_30 : memref<313x48xf32, #tpu.memory_space<vmem>>)
      tpu.yield
    }) : () -> ()
    %barrier3A = arith.constant 0 : index
    tpu.barrier barrier_id(%barrier3A)
    %run_scoped3A = arith.constant 0 : i32
    "tpu.region"() ({
      %run_scoped3A_14 = tpu.sem_alloc : memref<!tpu.dma_semaphore, #tpu.memory_space<semaphore_mem>>
      %dma_start3A = arith.constant 0 : i32
      %dma_start3A_15 = arith.constant 0 : i32
      %dma_start3A_16 = tpu.memref_slice %arg7[%dma_start3A, %dma_start3A_15] : memref<384x48xf32, #tpu.memory_space<vmem>> -> memref<128x48xf32, #tpu.memory_space<vmem>>
      %dma_start3A_17 = arith.constant 0 : i32
      %dma_start3A_18 = tpu.memref_slice %arg6[%run_scoped3A, %dma_start3A_17] : memref<3x128xi32, #tpu.memory_space<vmem>> -> memref<1x128xi32, #tpu.memory_space<vmem>>
      %dma_start3A_19 = tpu.memref_squeeze %dma_start3A_18 : memref<1x128xi32, #tpu.memory_space<vmem>> -> memref<128xi32, #tpu.memory_space<vmem>>
      %dma_start3A_20 = arith.constant 0 : i32
      %dma_start3A_21 = arith.constant 0 : i32
      %dma_start3A_22 = tpu.memref_slice %arg8[%dma_start3A_20, %dma_start3A_21] : memref<512x48xf32, #tpu.memory_space<vmem_shared>> -> memref<512x48xf32, #tpu.memory_space<vmem_shared>>
      tpu.enqueue_indirect_dma source(%dma_start3A_16 : memref<128x48xf32, #tpu.memory_space<vmem>>) target(%dma_start3A_22 : memref<512x48xf32, #tpu.memory_space<vmem_shared>>) offsets(%dma_start3A_19 : memref<128xi32, #tpu.memory_space<vmem>>) semaphore(%run_scoped3A_14 : memref<!tpu.dma_semaphore, #tpu.memory_space<semaphore_mem>>) {add = true}
      %dma_wait3A = arith.constant 0 : i32
      %dma_wait3A_23 = arith.constant 0 : i32
      %dma_wait3A_24 = tpu.memref_slice %arg7[%dma_wait3A, %dma_wait3A_23] : memref<384x48xf32, #tpu.memory_space<vmem>> -> memref<128x48xf32, #tpu.memory_space<vmem>>
      %dma_wait3A_25 = arith.constant 0 : i32
      %dma_wait3A_26 = tpu.memref_slice %arg6[%run_scoped3A, %dma_wait3A_25] : memref<3x128xi32, #tpu.memory_space<vmem>> -> memref<1x128xi32, #tpu.memory_space<vmem>>
      %dma_wait3A_27 = tpu.memref_squeeze %dma_wait3A_26 : memref<1x128xi32, #tpu.memory_space<vmem>> -> memref<128xi32, #tpu.memory_space<vmem>>
      %dma_wait3A_28 = arith.constant 0 : i32
      %dma_wait3A_29 = arith.constant 0 : i32
      %dma_wait3A_30 = tpu.memref_slice %arg8[%dma_wait3A_28, %dma_wait3A_29] : memref<512x48xf32, #tpu.memory_space<vmem_shared>> -> memref<512x48xf32, #tpu.memory_space<vmem_shared>>
      tpu.wait_indirect_dma semaphore(%run_scoped3A_14 : memref<!tpu.dma_semaphore, #tpu.memory_space<semaphore_mem>>) src(%dma_wait3A_24 : memref<128x48xf32, #tpu.memory_space<vmem>>) dst(%dma_wait3A_30 : memref<512x48xf32, #tpu.memory_space<vmem_shared>>)
      tpu.yield
    }) : () -> ()
    %run_scoped3A_7 = arith.constant 1 : i32
    "tpu.region"() ({
      %run_scoped3A_14 = tpu.sem_alloc : memref<!tpu.dma_semaphore, #tpu.memory_space<semaphore_mem>>
      %dma_start3A = arith.constant 128 : i32
      %dma_start3A_15 = arith.constant 0 : i32
      %dma_start3A_16 = tpu.memref_slice %arg7[%dma_start3A, %dma_start3A_15] : memref<384x48xf32, #tpu.memory_space<vmem>> -> memref<128x48xf32, #tpu.memory_space<vmem>>
      %dma_start3A_17 = arith.constant 0 : i32
      %dma_start3A_18 = tpu.memref_slice %arg6[%run_scoped3A_7, %dma_start3A_17] : memref<3x128xi32, #tpu.memory_space<vmem>> -> memref<1x128xi32, #tpu.memory_space<vmem>>
      %dma_start3A_19 = tpu.memref_squeeze %dma_start3A_18 : memref<1x128xi32, #tpu.memory_space<vmem>> -> memref<128xi32, #tpu.memory_space<vmem>>
      %dma_start3A_20 = arith.constant 0 : i32
      %dma_start3A_21 = arith.constant 0 : i32
      %dma_start3A_22 = tpu.memref_slice %arg8[%dma_start3A_20, %dma_start3A_21] : memref<512x48xf32, #tpu.memory_space<vmem_shared>> -> memref<512x48xf32, #tpu.memory_space<vmem_shared>>
      tpu.enqueue_indirect_dma source(%dma_start3A_16 : memref<128x48xf32, #tpu.memory_space<vmem>>) target(%dma_start3A_22 : memref<512x48xf32, #tpu.memory_space<vmem_shared>>) offsets(%dma_start3A_19 : memref<128xi32, #tpu.memory_space<vmem>>) semaphore(%run_scoped3A_14 : memref<!tpu.dma_semaphore, #tpu.memory_space<semaphore_mem>>) {add = true}
      %dma_wait3A = arith.constant 128 : i32
      %dma_wait3A_23 = arith.constant 0 : i32
      %dma_wait3A_24 = tpu.memref_slice %arg7[%dma_wait3A, %dma_wait3A_23] : memref<384x48xf32, #tpu.memory_space<vmem>> -> memref<128x48xf32, #tpu.memory_space<vmem>>
      %dma_wait3A_25 = arith.constant 0 : i32
      %dma_wait3A_26 = tpu.memref_slice %arg6[%run_scoped3A_7, %dma_wait3A_25] : memref<3x128xi32, #tpu.memory_space<vmem>> -> memref<1x128xi32, #tpu.memory_space<vmem>>
      %dma_wait3A_27 = tpu.memref_squeeze %dma_wait3A_26 : memref<1x128xi32, #tpu.memory_space<vmem>> -> memref<128xi32, #tpu.memory_space<vmem>>
      %dma_wait3A_28 = arith.constant 0 : i32
      %dma_wait3A_29 = arith.constant 0 : i32
      %dma_wait3A_30 = tpu.memref_slice %arg8[%dma_wait3A_28, %dma_wait3A_29] : memref<512x48xf32, #tpu.memory_space<vmem_shared>> -> memref<512x48xf32, #tpu.memory_space<vmem_shared>>
      tpu.wait_indirect_dma semaphore(%run_scoped3A_14 : memref<!tpu.dma_semaphore, #tpu.memory_space<semaphore_mem>>) src(%dma_wait3A_24 : memref<128x48xf32, #tpu.memory_space<vmem>>) dst(%dma_wait3A_30 : memref<512x48xf32, #tpu.memory_space<vmem_shared>>)
      tpu.yield
    }) : () -> ()
    %run_scoped3A_8 = arith.constant 2 : i32
    "tpu.region"() ({
      %run_scoped3A_14 = tpu.sem_alloc : memref<!tpu.dma_semaphore, #tpu.memory_space<semaphore_mem>>
      %dma_start3A = arith.constant 256 : i32
      %dma_start3A_15 = arith.constant 0 : i32
      %dma_start3A_16 = tpu.memref_slice %arg7[%dma_start3A, %dma_start3A_15] : memref<384x48xf32, #tpu.memory_space<vmem>> -> memref<128x48xf32, #tpu.memory_space<vmem>>
      %dma_start3A_17 = arith.constant 0 : i32
      %dma_start3A_18 = tpu.memref_slice %arg6[%run_scoped3A_8, %dma_start3A_17] : memref<3x128xi32, #tpu.memory_space<vmem>> -> memref<1x128xi32, #tpu.memory_space<vmem>>
      %dma_start3A_19 = tpu.memref_squeeze %dma_start3A_18 : memref<1x128xi32, #tpu.memory_space<vmem>> -> memref<128xi32, #tpu.memory_space<vmem>>
      %dma_start3A_20 = arith.constant 0 : i32
      %dma_start3A_21 = arith.constant 0 : i32
      %dma_start3A_22 = tpu.memref_slice %arg8[%dma_start3A_20, %dma_start3A_21] : memref<512x48xf32, #tpu.memory_space<vmem_shared>> -> memref<512x48xf32, #tpu.memory_space<vmem_shared>>
      tpu.enqueue_indirect_dma source(%dma_start3A_16 : memref<128x48xf32, #tpu.memory_space<vmem>>) target(%dma_start3A_22 : memref<512x48xf32, #tpu.memory_space<vmem_shared>>) offsets(%dma_start3A_19 : memref<128xi32, #tpu.memory_space<vmem>>) semaphore(%run_scoped3A_14 : memref<!tpu.dma_semaphore, #tpu.memory_space<semaphore_mem>>) {add = true}
      %dma_wait3A = arith.constant 256 : i32
      %dma_wait3A_23 = arith.constant 0 : i32
      %dma_wait3A_24 = tpu.memref_slice %arg7[%dma_wait3A, %dma_wait3A_23] : memref<384x48xf32, #tpu.memory_space<vmem>> -> memref<128x48xf32, #tpu.memory_space<vmem>>
      %dma_wait3A_25 = arith.constant 0 : i32
      %dma_wait3A_26 = tpu.memref_slice %arg6[%run_scoped3A_8, %dma_wait3A_25] : memref<3x128xi32, #tpu.memory_space<vmem>> -> memref<1x128xi32, #tpu.memory_space<vmem>>
      %dma_wait3A_27 = tpu.memref_squeeze %dma_wait3A_26 : memref<1x128xi32, #tpu.memory_space<vmem>> -> memref<128xi32, #tpu.memory_space<vmem>>
      %dma_wait3A_28 = arith.constant 0 : i32
      %dma_wait3A_29 = arith.constant 0 : i32
      %dma_wait3A_30 = tpu.memref_slice %arg8[%dma_wait3A_28, %dma_wait3A_29] : memref<512x48xf32, #tpu.memory_space<vmem_shared>> -> memref<512x48xf32, #tpu.memory_space<vmem_shared>>
      tpu.wait_indirect_dma semaphore(%run_scoped3A_14 : memref<!tpu.dma_semaphore, #tpu.memory_space<semaphore_mem>>) src(%dma_wait3A_24 : memref<128x48xf32, #tpu.memory_space<vmem>>) dst(%dma_wait3A_30 : memref<512x48xf32, #tpu.memory_space<vmem_shared>>)
      tpu.yield
    }) : () -> ()
    %barrier3A_9 = arith.constant 0 : index
    tpu.barrier barrier_id(%barrier3A_9)
    %mul3A_10 = arith.constant 32 : i32
    %mul3A_11 = arith.muli %arg1, %mul3A_10 : i32
    %mul3A_12 = arith.constant 32 : i32
    %mul3A_13 = arith.muli %arg1, %mul3A_12 : i32
    "tpu.region"() ({
      %run_scoped3A_14 = tpu.sem_alloc : memref<!tpu.dma_semaphore, #tpu.memory_space<semaphore_mem>>
      %dma_start3A = arith.constant 0 : i32
      %dma_start3A_15 = tpu.memref_slice %arg5[%arg0, %mul3A_13, %dma_start3A] : memref<2x512x48xf32, #tpu.memory_space<hbm>> -> memref<1x32x48xf32, #tpu.memory_space<hbm>>
      %dma_start3A_16 = tpu.memref_squeeze %dma_start3A_15 : memref<1x32x48xf32, #tpu.memory_space<hbm>> -> memref<32x48xf32, #tpu.memory_space<hbm>>
      %dma_start3A_17 = arith.constant 0 : i32
      %dma_start3A_18 = tpu.memref_slice %arg8[%mul3A_11, %dma_start3A_17] : memref<512x48xf32, #tpu.memory_space<vmem_shared>> -> memref<32x48xf32, #tpu.memory_space<vmem_shared>>
      tpu.enqueue_dma source(%dma_start3A_18 : memref<32x48xf32, #tpu.memory_space<vmem_shared>>) target(%dma_start3A_16 : memref<32x48xf32, #tpu.memory_space<hbm>>) target_semaphore(%run_scoped3A_14 : memref<!tpu.dma_semaphore, #tpu.memory_space<semaphore_mem>>)
      %dma_wait3A = arith.constant 0 : i32
      %dma_wait3A_19 = tpu.memref_slice %arg5[%arg0, %mul3A_13, %dma_wait3A] : memref<2x512x48xf32, #tpu.memory_space<hbm>> -> memref<1x32x48xf32, #tpu.memory_space<hbm>>
      %dma_wait3A_20 = tpu.memref_squeeze %dma_wait3A_19 : memref<1x32x48xf32, #tpu.memory_space<hbm>> -> memref<32x48xf32, #tpu.memory_space<hbm>>
      %dma_wait3A_21 = arith.constant 0 : i32
      %dma_wait3A_22 = tpu.memref_slice %arg8[%mul3A_11, %dma_wait3A_21] : memref<512x48xf32, #tpu.memory_space<vmem_shared>> -> memref<32x48xf32, #tpu.memory_space<vmem_shared>>
      tpu.wait_dma2 semaphore(%run_scoped3A_14 : memref<!tpu.dma_semaphore, #tpu.memory_space<semaphore_mem>>) src(%dma_wait3A_22 : memref<32x48xf32, #tpu.memory_space<vmem_shared>>) dst(%dma_wait3A_20 : memref<32x48xf32, #tpu.memory_space<hbm>>)
      tpu.yield
    }) : () -> ()
    return
  }
}

module attributes {stable_mosaic.version = 14 : i64} {
  func.func @body(%arg0: i32, %arg1: memref<1000x64xf32, #tpu.memory_space<vmem>>, %arg2: memref<1000x16xf32, #tpu.memory_space<vmem>>, %arg3: memref<64x512xf32, #tpu.memory_space<vmem>>, %arg4: memref<16x512xf32, #tpu.memory_space<vmem>>, %arg5: memref<128x32xf32, #tpu.memory_space<vmem>>, %arg6: memref<64x32xf32, #tpu.memory_space<vmem>>, %arg7: memref<1000x32xf32, #tpu.memory_space<vmem>>) attributes {dimension_semantics = [#tpu.dimension_semantics<arbitrary>], iteration_bounds = array<i64: 40>, scalar_prefetch = 0 : i64, scratch_operands = 0 : i64, tpu.core_type = #tpu.core_type<tc>, window_params = [{transform_indices = @transform_0, window_bounds = array<i64: 1000, 64>}, {transform_indices = @transform_1, window_bounds = array<i64: 1000, 16>}, {pipeline_mode = #tpu.pipeline_mode<synchronous>, transform_indices = @transform_2, window_bounds = array<i64: 64, 512>}, {pipeline_mode = #tpu.pipeline_mode<synchronous>, transform_indices = @transform_3, window_bounds = array<i64: 16, 512>}, {pipeline_mode = #tpu.pipeline_mode<synchronous>, transform_indices = @transform_4, window_bounds = array<i64: 128, 32>}, {pipeline_mode = #tpu.pipeline_mode<synchronous>, transform_indices = @transform_5, window_bounds = array<i64: 64, 32>}, {transform_indices = @transform_6, window_bounds = array<i64: 1000, 32>}]} {
    %get3A = arith.constant 0 : index
    %get3A_0 = arith.constant 0 : index
    %get3A_1 = vector.load %arg1[%get3A, %get3A_0] : memref<1000x64xf32, #tpu.memory_space<vmem>>, vector<1000x64xf32>
    %get3A_2 = arith.constant 0 : index
    %get3A_3 = arith.constant 0 : index
    %get3A_4 = vector.load %arg2[%get3A_2, %get3A_3] : memref<1000x16xf32, #tpu.memory_space<vmem>>, vector<1000x16xf32>
    %get3A_5 = arith.constant 0 : index
    %get3A_6 = arith.constant 0 : index
    %get3A_7 = vector.load %arg4[%get3A_5, %get3A_6] : memref<16x512xf32, #tpu.memory_space<vmem>>, vector<16x512xf32>
    %dot_general3A = arith.constant dense<0.000000e+00> : vector<1000x512xf32>
    %dot_general3A_8 = tpu.matmul %get3A_4, %get3A_7, %dot_general3A {dimension_numbers = #tpu.dot_dimension_numbers<[1], [0], [0], [1], [0, 0, 1, 1], [], []>, transpose_lhs_hint = false} : vector<1000x16xf32>, vector<16x512xf32>, vector<1000x512xf32> -> vector<1000x512xf32>
    %get3A_9 = arith.constant 0 : index
    %get3A_10 = arith.constant 0 : index
    %get3A_11 = vector.load %arg3[%get3A_9, %get3A_10] : memref<64x512xf32, #tpu.memory_space<vmem>>, vector<64x128xf32>
    %dot_general3A_12 = arith.constant dense<0.000000e+00> : vector<1000x128xf32>
    %dot_general3A_13 = tpu.matmul %get3A_1, %get3A_11, %dot_general3A_12 {dimension_numbers = #tpu.dot_dimension_numbers<[1], [0], [0], [1], [0, 0, 1, 1], [], []>, transpose_lhs_hint = false} : vector<1000x64xf32>, vector<64x128xf32>, vector<1000x128xf32> -> vector<1000x128xf32>
    %slice3A = vector.extract_strided_slice %dot_general3A_8 {offsets = [0, 0], sizes = [1000, 128], strides = [1, 1]} : vector<1000x512xf32> to vector<1000x128xf32>
    %mul3A = arith.mulf %slice3A, %dot_general3A_13 : vector<1000x128xf32>
    %get3A_14 = arith.constant 0 : index
    %get3A_15 = arith.constant 128 : index
    %get3A_16 = vector.load %arg3[%get3A_14, %get3A_15] : memref<64x512xf32, #tpu.memory_space<vmem>>, vector<64x128xf32>
    %dot_general3A_17 = arith.constant dense<0.000000e+00> : vector<1000x128xf32>
    %dot_general3A_18 = tpu.matmul %get3A_1, %get3A_16, %dot_general3A_17 {dimension_numbers = #tpu.dot_dimension_numbers<[1], [0], [0], [1], [0, 0, 1, 1], [], []>, transpose_lhs_hint = false} : vector<1000x64xf32>, vector<64x128xf32>, vector<1000x128xf32> -> vector<1000x128xf32>
    %slice3A_19 = vector.extract_strided_slice %dot_general3A_8 {offsets = [0, 128], sizes = [1000, 128], strides = [1, 1]} : vector<1000x512xf32> to vector<1000x128xf32>
    %mul3A_20 = arith.mulf %slice3A_19, %dot_general3A_18 : vector<1000x128xf32>
    %add3A = arith.addf %mul3A, %mul3A_20 : vector<1000x128xf32>
    %get3A_21 = arith.constant 0 : index
    %get3A_22 = arith.constant 256 : index
    %get3A_23 = vector.load %arg3[%get3A_21, %get3A_22] : memref<64x512xf32, #tpu.memory_space<vmem>>, vector<64x128xf32>
    %dot_general3A_24 = arith.constant dense<0.000000e+00> : vector<1000x128xf32>
    %dot_general3A_25 = tpu.matmul %get3A_1, %get3A_23, %dot_general3A_24 {dimension_numbers = #tpu.dot_dimension_numbers<[1], [0], [0], [1], [0, 0, 1, 1], [], []>, transpose_lhs_hint = false} : vector<1000x64xf32>, vector<64x128xf32>, vector<1000x128xf32> -> vector<1000x128xf32>
    %slice3A_26 = vector.extract_strided_slice %dot_general3A_8 {offsets = [0, 256], sizes = [1000, 128], strides = [1, 1]} : vector<1000x512xf32> to vector<1000x128xf32>
    %mul3A_27 = arith.mulf %slice3A_26, %dot_general3A_25 : vector<1000x128xf32>
    %add3A_28 = arith.addf %add3A, %mul3A_27 : vector<1000x128xf32>
    %get3A_29 = arith.constant 0 : index
    %get3A_30 = arith.constant 384 : index
    %get3A_31 = vector.load %arg3[%get3A_29, %get3A_30] : memref<64x512xf32, #tpu.memory_space<vmem>>, vector<64x128xf32>
    %dot_general3A_32 = arith.constant dense<0.000000e+00> : vector<1000x128xf32>
    %dot_general3A_33 = tpu.matmul %get3A_1, %get3A_31, %dot_general3A_32 {dimension_numbers = #tpu.dot_dimension_numbers<[1], [0], [0], [1], [0, 0, 1, 1], [], []>, transpose_lhs_hint = false} : vector<1000x64xf32>, vector<64x128xf32>, vector<1000x128xf32> -> vector<1000x128xf32>
    %slice3A_34 = vector.extract_strided_slice %dot_general3A_8 {offsets = [0, 384], sizes = [1000, 128], strides = [1, 1]} : vector<1000x512xf32> to vector<1000x128xf32>
    %mul3A_35 = arith.mulf %slice3A_34, %dot_general3A_33 : vector<1000x128xf32>
    %add3A_36 = arith.addf %add3A_28, %mul3A_35 : vector<1000x128xf32>
    %get3A_37 = arith.constant 0 : index
    %get3A_38 = arith.constant 0 : index
    %get3A_39 = vector.load %arg5[%get3A_37, %get3A_38] : memref<128x32xf32, #tpu.memory_space<vmem>>, vector<128x32xf32>
    %dot_general3A_40 = arith.constant dense<0.000000e+00> : vector<1000x32xf32>
    %dot_general3A_41 = tpu.matmul %add3A_36, %get3A_39, %dot_general3A_40 {dimension_numbers = #tpu.dot_dimension_numbers<[1], [0], [0], [1], [0, 0, 1, 1], [], []>, transpose_lhs_hint = false} : vector<1000x128xf32>, vector<128x32xf32>, vector<1000x32xf32> -> vector<1000x32xf32>
    %get3A_42 = arith.constant 0 : index
    %get3A_43 = arith.constant 0 : index
    %get3A_44 = vector.load %arg6[%get3A_42, %get3A_43] : memref<64x32xf32, #tpu.memory_space<vmem>>, vector<64x32xf32>
    %dot_general3A_45 = arith.constant dense<0.000000e+00> : vector<1000x32xf32>
    %dot_general3A_46 = tpu.matmul %get3A_1, %get3A_44, %dot_general3A_45 {dimension_numbers = #tpu.dot_dimension_numbers<[1], [0], [0], [1], [0, 0, 1, 1], [], []>, transpose_lhs_hint = false} : vector<1000x64xf32>, vector<64x32xf32>, vector<1000x32xf32> -> vector<1000x32xf32>
    %add3A_47 = arith.addf %dot_general3A_41, %dot_general3A_46 : vector<1000x32xf32>
    %swap3A = arith.constant 0 : index
    %swap3A_48 = arith.constant 0 : index
    %swap3A_49 = vector.load %arg7[%swap3A, %swap3A_48] : memref<1000x32xf32, #tpu.memory_space<vmem>>, vector<1000x32xf32>
    tpu.vector_store %arg7[%swap3A, %swap3A_48], %add3A_47 {strides = array<i32>} : memref<1000x32xf32, #tpu.memory_space<vmem>>, vector<1000x32xf32>,
    return
  }
  func.func @transform_0(%arg0: i32) -> (i32, i32) {
    %c0_i32 = arith.constant 0 : i32
    %c0_i32_0 = arith.constant 0 : i32
    return %arg0, %c0_i32 : i32, i32
  }
  func.func @transform_1(%arg0: i32) -> (i32, i32) {
    %c0_i32 = arith.constant 0 : i32
    %c0_i32_0 = arith.constant 0 : i32
    return %arg0, %c0_i32 : i32, i32
  }
  func.func @transform_2(%arg0: i32) -> (i32, i32) {
    %c0_i32 = arith.constant 0 : i32
    %c0_i32_0 = arith.constant 0 : i32
    %c0_i32_1 = arith.constant 0 : i32
    return %c0_i32, %c0_i32_0 : i32, i32
  }
  func.func @transform_3(%arg0: i32) -> (i32, i32) {
    %c0_i32 = arith.constant 0 : i32
    %c0_i32_0 = arith.constant 0 : i32
    %c0_i32_1 = arith.constant 0 : i32
    return %c0_i32, %c0_i32_0 : i32, i32
  }
  func.func @transform_4(%arg0: i32) -> (i32, i32) {
    %c0_i32 = arith.constant 0 : i32
    %c0_i32_0 = arith.constant 0 : i32
    %c0_i32_1 = arith.constant 0 : i32
    return %c0_i32, %c0_i32_0 : i32, i32
  }
  func.func @transform_5(%arg0: i32) -> (i32, i32) {
    %c0_i32 = arith.constant 0 : i32
    %c0_i32_0 = arith.constant 0 : i32
    %c0_i32_1 = arith.constant 0 : i32
    return %c0_i32, %c0_i32_0 : i32, i32
  }
  func.func @transform_6(%arg0: i32) -> (i32, i32) {
    %c0_i32 = arith.constant 0 : i32
    %c0_i32_0 = arith.constant 0 : i32
    return %arg0, %c0_i32 : i32, i32
  }
}

module attributes {stable_mosaic.version = 14 : i64} {
  func.func @body(%arg0: i32, %arg1: memref<2x2000x32xf32, #tpu.memory_space<vmem>>, %arg2: memref<2000x64xf32, #tpu.memory_space<vmem>>, %arg3: memref<64x32xf32, #tpu.memory_space<vmem>>, %arg4: memref<1x32xf32, #tpu.memory_space<vmem>>, %arg5: memref<2000x32xf32, #tpu.memory_space<vmem>>) attributes {dimension_semantics = [#tpu.dimension_semantics<arbitrary>], iteration_bounds = array<i64: 5>, scalar_prefetch = 0 : i64, scratch_operands = 0 : i64, tpu.core_type = #tpu.core_type<tc>, window_params = [{transform_indices = @transform_0, window_bounds = array<i64: 2, 2000, 32>}, {transform_indices = @transform_1, window_bounds = array<i64: 2000, 64>}, {pipeline_mode = #tpu.pipeline_mode<synchronous>, transform_indices = @transform_2, window_bounds = array<i64: 64, 32>}, {pipeline_mode = #tpu.pipeline_mode<synchronous>, transform_indices = @transform_3, window_bounds = array<i64: 1, 32>}, {transform_indices = @transform_4, window_bounds = array<i64: 2000, 32>}]} {
    %get3A = arith.constant 0 : index
    %get3A_0 = arith.constant 0 : index
    %get3A_1 = arith.constant 0 : index
    %get3A_2 = vector.load %arg1[%get3A, %get3A_0, %get3A_1] : memref<2x2000x32xf32, #tpu.memory_space<vmem>>, vector<1x2000x32xf32>
    %get3A_3 = vector.shape_cast %get3A_2 : vector<1x2000x32xf32> to vector<2000x32xf32>
    %get3A_4 = arith.constant 1 : index
    %get3A_5 = arith.constant 0 : index
    %get3A_6 = arith.constant 0 : index
    %get3A_7 = vector.load %arg1[%get3A_4, %get3A_5, %get3A_6] : memref<2x2000x32xf32, #tpu.memory_space<vmem>>, vector<1x2000x32xf32>
    %get3A_8 = vector.shape_cast %get3A_7 : vector<1x2000x32xf32> to vector<2000x32xf32>
    %add3A = arith.addf %get3A_3, %get3A_8 : vector<2000x32xf32>
    %get3A_9 = arith.constant 0 : index
    %get3A_10 = arith.constant 0 : index
    %get3A_11 = vector.load %arg2[%get3A_9, %get3A_10] : memref<2000x64xf32, #tpu.memory_space<vmem>>, vector<2000x64xf32>
    %get3A_12 = arith.constant 0 : index
    %get3A_13 = arith.constant 0 : index
    %get3A_14 = vector.load %arg3[%get3A_12, %get3A_13] : memref<64x32xf32, #tpu.memory_space<vmem>>, vector<64x32xf32>
    %dot_general3A = arith.constant dense<0.000000e+00> : vector<2000x32xf32>
    %dot_general3A_15 = tpu.matmul %get3A_11, %get3A_14, %dot_general3A {dimension_numbers = #tpu.dot_dimension_numbers<[1], [0], [0], [1], [0, 0, 1, 1], [], []>, transpose_lhs_hint = false} : vector<2000x64xf32>, vector<64x32xf32>, vector<2000x32xf32> -> vector<2000x32xf32>
    %add3A_16 = arith.addf %add3A, %dot_general3A_15 : vector<2000x32xf32>
    %get3A_17 = arith.constant 0 : index
    %get3A_18 = arith.constant 0 : index
    %get3A_19 = vector.load %arg4[%get3A_17, %get3A_18] : memref<1x32xf32, #tpu.memory_space<vmem>>, vector<1x32xf32>
    %add3A_20 = vector.broadcast %get3A_19 : vector<1x32xf32> to vector<2000x32xf32>
    %add3A_21 = arith.addf %add3A_16, %add3A_20 : vector<2000x32xf32>
    %max3A = arith.constant 0.000000e+00 : f32
    %max3A_22 = vector.broadcast %max3A : f32 to vector<2000x32xf32>
    %max3A_23 = arith.maximumf %add3A_21, %max3A_22 : vector<2000x32xf32>
    %swap3A = arith.constant 0 : index
    %swap3A_24 = arith.constant 0 : index
    %swap3A_25 = vector.load %arg5[%swap3A, %swap3A_24] : memref<2000x32xf32, #tpu.memory_space<vmem>>, vector<2000x32xf32>
    tpu.vector_store %arg5[%swap3A, %swap3A_24], %max3A_23 {strides = array<i32>} : memref<2000x32xf32, #tpu.memory_space<vmem>>, vector<2000x32xf32>,
    return
  }
  func.func @transform_0(%arg0: i32) -> (i32, i32, i32) {
    %c0_i32 = arith.constant 0 : i32
    %c0_i32_0 = arith.constant 0 : i32
    %c0_i32_1 = arith.constant 0 : i32
    return %c0_i32, %arg0, %c0_i32_0 : i32, i32, i32
  }
  func.func @transform_1(%arg0: i32) -> (i32, i32) {
    %c0_i32 = arith.constant 0 : i32
    %c0_i32_0 = arith.constant 0 : i32
    return %arg0, %c0_i32 : i32, i32
  }
  func.func @transform_2(%arg0: i32) -> (i32, i32) {
    %c0_i32 = arith.constant 0 : i32
    %c0_i32_0 = arith.constant 0 : i32
    %c0_i32_1 = arith.constant 0 : i32
    return %c0_i32, %c0_i32_0 : i32, i32
  }
  func.func @transform_3(%arg0: i32) -> (i32, i32) {
    %c0_i32 = arith.constant 0 : i32
    %c0_i32_0 = arith.constant 0 : i32
    %c0_i32_1 = arith.constant 0 : i32
    return %c0_i32, %c0_i32_0 : i32, i32
  }
  func.func @transform_4(%arg0: i32) -> (i32, i32) {
    %c0_i32 = arith.constant 0 : i32
    %c0_i32_0 = arith.constant 0 : i32
    return %arg0, %c0_i32 : i32, i32
  }
}

module attributes {stable_mosaic.version = 14 : i64} {
  func.func @body(%arg0: i32, %arg1: memref<1000x32xf32, #tpu.memory_space<vmem>>, %arg2: memref<1000x16xf32, #tpu.memory_space<vmem>>, %arg3: memref<32x512xf32, #tpu.memory_space<vmem>>, %arg4: memref<16x512xf32, #tpu.memory_space<vmem>>, %arg5: memref<128x32xf32, #tpu.memory_space<vmem>>, %arg6: memref<32x32xf32, #tpu.memory_space<vmem>>, %arg7: memref<1000x32xf32, #tpu.memory_space<vmem>>) attributes {dimension_semantics = [#tpu.dimension_semantics<arbitrary>], iteration_bounds = array<i64: 40>, scalar_prefetch = 0 : i64, scratch_operands = 0 : i64, tpu.core_type = #tpu.core_type<tc>, window_params = [{transform_indices = @transform_0, window_bounds = array<i64: 1000, 32>}, {transform_indices = @transform_1, window_bounds = array<i64: 1000, 16>}, {pipeline_mode = #tpu.pipeline_mode<synchronous>, transform_indices = @transform_2, window_bounds = array<i64: 32, 512>}, {pipeline_mode = #tpu.pipeline_mode<synchronous>, transform_indices = @transform_3, window_bounds = array<i64: 16, 512>}, {pipeline_mode = #tpu.pipeline_mode<synchronous>, transform_indices = @transform_4, window_bounds = array<i64: 128, 32>}, {pipeline_mode = #tpu.pipeline_mode<synchronous>, transform_indices = @transform_5, window_bounds = array<i64: 32, 32>}, {transform_indices = @transform_6, window_bounds = array<i64: 1000, 32>}]} {
    %get3A = arith.constant 0 : index
    %get3A_0 = arith.constant 0 : index
    %get3A_1 = vector.load %arg1[%get3A, %get3A_0] : memref<1000x32xf32, #tpu.memory_space<vmem>>, vector<1000x32xf32>
    %get3A_2 = arith.constant 0 : index
    %get3A_3 = arith.constant 0 : index
    %get3A_4 = vector.load %arg2[%get3A_2, %get3A_3] : memref<1000x16xf32, #tpu.memory_space<vmem>>, vector<1000x16xf32>
    %get3A_5 = arith.constant 0 : index
    %get3A_6 = arith.constant 0 : index
    %get3A_7 = vector.load %arg4[%get3A_5, %get3A_6] : memref<16x512xf32, #tpu.memory_space<vmem>>, vector<16x512xf32>
    %dot_general3A = arith.constant dense<0.000000e+00> : vector<1000x512xf32>
    %dot_general3A_8 = tpu.matmul %get3A_4, %get3A_7, %dot_general3A {dimension_numbers = #tpu.dot_dimension_numbers<[1], [0], [0], [1], [0, 0, 1, 1], [], []>, transpose_lhs_hint = false} : vector<1000x16xf32>, vector<16x512xf32>, vector<1000x512xf32> -> vector<1000x512xf32>
    %get3A_9 = arith.constant 0 : index
    %get3A_10 = arith.constant 0 : index
    %get3A_11 = vector.load %arg3[%get3A_9, %get3A_10] : memref<32x512xf32, #tpu.memory_space<vmem>>, vector<32x128xf32>
    %dot_general3A_12 = arith.constant dense<0.000000e+00> : vector<1000x128xf32>
    %dot_general3A_13 = tpu.matmul %get3A_1, %get3A_11, %dot_general3A_12 {dimension_numbers = #tpu.dot_dimension_numbers<[1], [0], [0], [1], [0, 0, 1, 1], [], []>, transpose_lhs_hint = false} : vector<1000x32xf32>, vector<32x128xf32>, vector<1000x128xf32> -> vector<1000x128xf32>
    %slice3A = vector.extract_strided_slice %dot_general3A_8 {offsets = [0, 0], sizes = [1000, 128], strides = [1, 1]} : vector<1000x512xf32> to vector<1000x128xf32>
    %mul3A = arith.mulf %slice3A, %dot_general3A_13 : vector<1000x128xf32>
    %get3A_14 = arith.constant 0 : index
    %get3A_15 = arith.constant 128 : index
    %get3A_16 = vector.load %arg3[%get3A_14, %get3A_15] : memref<32x512xf32, #tpu.memory_space<vmem>>, vector<32x128xf32>
    %dot_general3A_17 = arith.constant dense<0.000000e+00> : vector<1000x128xf32>
    %dot_general3A_18 = tpu.matmul %get3A_1, %get3A_16, %dot_general3A_17 {dimension_numbers = #tpu.dot_dimension_numbers<[1], [0], [0], [1], [0, 0, 1, 1], [], []>, transpose_lhs_hint = false} : vector<1000x32xf32>, vector<32x128xf32>, vector<1000x128xf32> -> vector<1000x128xf32>
    %slice3A_19 = vector.extract_strided_slice %dot_general3A_8 {offsets = [0, 128], sizes = [1000, 128], strides = [1, 1]} : vector<1000x512xf32> to vector<1000x128xf32>
    %mul3A_20 = arith.mulf %slice3A_19, %dot_general3A_18 : vector<1000x128xf32>
    %add3A = arith.addf %mul3A, %mul3A_20 : vector<1000x128xf32>
    %get3A_21 = arith.constant 0 : index
    %get3A_22 = arith.constant 256 : index
    %get3A_23 = vector.load %arg3[%get3A_21, %get3A_22] : memref<32x512xf32, #tpu.memory_space<vmem>>, vector<32x128xf32>
    %dot_general3A_24 = arith.constant dense<0.000000e+00> : vector<1000x128xf32>
    %dot_general3A_25 = tpu.matmul %get3A_1, %get3A_23, %dot_general3A_24 {dimension_numbers = #tpu.dot_dimension_numbers<[1], [0], [0], [1], [0, 0, 1, 1], [], []>, transpose_lhs_hint = false} : vector<1000x32xf32>, vector<32x128xf32>, vector<1000x128xf32> -> vector<1000x128xf32>
    %slice3A_26 = vector.extract_strided_slice %dot_general3A_8 {offsets = [0, 256], sizes = [1000, 128], strides = [1, 1]} : vector<1000x512xf32> to vector<1000x128xf32>
    %mul3A_27 = arith.mulf %slice3A_26, %dot_general3A_25 : vector<1000x128xf32>
    %add3A_28 = arith.addf %add3A, %mul3A_27 : vector<1000x128xf32>
    %get3A_29 = arith.constant 0 : index
    %get3A_30 = arith.constant 384 : index
    %get3A_31 = vector.load %arg3[%get3A_29, %get3A_30] : memref<32x512xf32, #tpu.memory_space<vmem>>, vector<32x128xf32>
    %dot_general3A_32 = arith.constant dense<0.000000e+00> : vector<1000x128xf32>
    %dot_general3A_33 = tpu.matmul %get3A_1, %get3A_31, %dot_general3A_32 {dimension_numbers = #tpu.dot_dimension_numbers<[1], [0], [0], [1], [0, 0, 1, 1], [], []>, transpose_lhs_hint = false} : vector<1000x32xf32>, vector<32x128xf32>, vector<1000x128xf32> -> vector<1000x128xf32>
    %slice3A_34 = vector.extract_strided_slice %dot_general3A_8 {offsets = [0, 384], sizes = [1000, 128], strides = [1, 1]} : vector<1000x512xf32> to vector<1000x128xf32>
    %mul3A_35 = arith.mulf %slice3A_34, %dot_general3A_33 : vector<1000x128xf32>
    %add3A_36 = arith.addf %add3A_28, %mul3A_35 : vector<1000x128xf32>
    %get3A_37 = arith.constant 0 : index
    %get3A_38 = arith.constant 0 : index
    %get3A_39 = vector.load %arg5[%get3A_37, %get3A_38] : memref<128x32xf32, #tpu.memory_space<vmem>>, vector<128x32xf32>
    %dot_general3A_40 = arith.constant dense<0.000000e+00> : vector<1000x32xf32>
    %dot_general3A_41 = tpu.matmul %add3A_36, %get3A_39, %dot_general3A_40 {dimension_numbers = #tpu.dot_dimension_numbers<[1], [0], [0], [1], [0, 0, 1, 1], [], []>, transpose_lhs_hint = false} : vector<1000x128xf32>, vector<128x32xf32>, vector<1000x32xf32> -> vector<1000x32xf32>
    %get3A_42 = arith.constant 0 : index
    %get3A_43 = arith.constant 0 : index
    %get3A_44 = vector.load %arg6[%get3A_42, %get3A_43] : memref<32x32xf32, #tpu.memory_space<vmem>>, vector<32x32xf32>
    %dot_general3A_45 = arith.constant dense<0.000000e+00> : vector<1000x32xf32>
    %dot_general3A_46 = tpu.matmul %get3A_1, %get3A_44, %dot_general3A_45 {dimension_numbers = #tpu.dot_dimension_numbers<[1], [0], [0], [1], [0, 0, 1, 1], [], []>, transpose_lhs_hint = false} : vector<1000x32xf32>, vector<32x32xf32>, vector<1000x32xf32> -> vector<1000x32xf32>
    %add3A_47 = arith.addf %dot_general3A_41, %dot_general3A_46 : vector<1000x32xf32>
    %swap3A = arith.constant 0 : index
    %swap3A_48 = arith.constant 0 : index
    %swap3A_49 = vector.load %arg7[%swap3A, %swap3A_48] : memref<1000x32xf32, #tpu.memory_space<vmem>>, vector<1000x32xf32>
    tpu.vector_store %arg7[%swap3A, %swap3A_48], %add3A_47 {strides = array<i32>} : memref<1000x32xf32, #tpu.memory_space<vmem>>, vector<1000x32xf32>,
    return
  }
  func.func @transform_0(%arg0: i32) -> (i32, i32) {
    %c0_i32 = arith.constant 0 : i32
    %c0_i32_0 = arith.constant 0 : i32
    return %arg0, %c0_i32 : i32, i32
  }
  func.func @transform_1(%arg0: i32) -> (i32, i32) {
    %c0_i32 = arith.constant 0 : i32
    %c0_i32_0 = arith.constant 0 : i32
    return %arg0, %c0_i32 : i32, i32
  }
  func.func @transform_2(%arg0: i32) -> (i32, i32) {
    %c0_i32 = arith.constant 0 : i32
    %c0_i32_0 = arith.constant 0 : i32
    %c0_i32_1 = arith.constant 0 : i32
    return %c0_i32, %c0_i32_0 : i32, i32
  }
  func.func @transform_3(%arg0: i32) -> (i32, i32) {
    %c0_i32 = arith.constant 0 : i32
    %c0_i32_0 = arith.constant 0 : i32
    %c0_i32_1 = arith.constant 0 : i32
    return %c0_i32, %c0_i32_0 : i32, i32
  }
  func.func @transform_4(%arg0: i32) -> (i32, i32) {
    %c0_i32 = arith.constant 0 : i32
    %c0_i32_0 = arith.constant 0 : i32
    %c0_i32_1 = arith.constant 0 : i32
    return %c0_i32, %c0_i32_0 : i32, i32
  }
  func.func @transform_5(%arg0: i32) -> (i32, i32) {
    %c0_i32 = arith.constant 0 : i32
    %c0_i32_0 = arith.constant 0 : i32
    %c0_i32_1 = arith.constant 0 : i32
    return %c0_i32, %c0_i32_0 : i32, i32
  }
  func.func @transform_6(%arg0: i32) -> (i32, i32) {
    %c0_i32 = arith.constant 0 : i32
    %c0_i32_0 = arith.constant 0 : i32
    return %arg0, %c0_i32 : i32, i32
  }
}

module attributes {stable_mosaic.version = 14 : i64} {
  func.func @body(%arg0: i32, %arg1: memref<2x2000x32xf32, #tpu.memory_space<vmem>>, %arg2: memref<2000x32xf32, #tpu.memory_space<vmem>>, %arg3: memref<32x32xf32, #tpu.memory_space<vmem>>, %arg4: memref<1x32xf32, #tpu.memory_space<vmem>>, %arg5: memref<2000x32xf32, #tpu.memory_space<vmem>>) attributes {dimension_semantics = [#tpu.dimension_semantics<arbitrary>], iteration_bounds = array<i64: 5>, scalar_prefetch = 0 : i64, scratch_operands = 0 : i64, tpu.core_type = #tpu.core_type<tc>, window_params = [{transform_indices = @transform_0, window_bounds = array<i64: 2, 2000, 32>}, {transform_indices = @transform_1, window_bounds = array<i64: 2000, 32>}, {pipeline_mode = #tpu.pipeline_mode<synchronous>, transform_indices = @transform_2, window_bounds = array<i64: 32, 32>}, {pipeline_mode = #tpu.pipeline_mode<synchronous>, transform_indices = @transform_3, window_bounds = array<i64: 1, 32>}, {transform_indices = @transform_4, window_bounds = array<i64: 2000, 32>}]} {
    %get3A = arith.constant 0 : index
    %get3A_0 = arith.constant 0 : index
    %get3A_1 = arith.constant 0 : index
    %get3A_2 = vector.load %arg1[%get3A, %get3A_0, %get3A_1] : memref<2x2000x32xf32, #tpu.memory_space<vmem>>, vector<1x2000x32xf32>
    %get3A_3 = vector.shape_cast %get3A_2 : vector<1x2000x32xf32> to vector<2000x32xf32>
    %get3A_4 = arith.constant 1 : index
    %get3A_5 = arith.constant 0 : index
    %get3A_6 = arith.constant 0 : index
    %get3A_7 = vector.load %arg1[%get3A_4, %get3A_5, %get3A_6] : memref<2x2000x32xf32, #tpu.memory_space<vmem>>, vector<1x2000x32xf32>
    %get3A_8 = vector.shape_cast %get3A_7 : vector<1x2000x32xf32> to vector<2000x32xf32>
    %add3A = arith.addf %get3A_3, %get3A_8 : vector<2000x32xf32>
    %get3A_9 = arith.constant 0 : index
    %get3A_10 = arith.constant 0 : index
    %get3A_11 = vector.load %arg2[%get3A_9, %get3A_10] : memref<2000x32xf32, #tpu.memory_space<vmem>>, vector<2000x32xf32>
    %get3A_12 = arith.constant 0 : index
    %get3A_13 = arith.constant 0 : index
    %get3A_14 = vector.load %arg3[%get3A_12, %get3A_13] : memref<32x32xf32, #tpu.memory_space<vmem>>, vector<32x32xf32>
    %dot_general3A = arith.constant dense<0.000000e+00> : vector<2000x32xf32>
    %dot_general3A_15 = tpu.matmul %get3A_11, %get3A_14, %dot_general3A {dimension_numbers = #tpu.dot_dimension_numbers<[1], [0], [0], [1], [0, 0, 1, 1], [], []>, transpose_lhs_hint = false} : vector<2000x32xf32>, vector<32x32xf32>, vector<2000x32xf32> -> vector<2000x32xf32>
    %add3A_16 = arith.addf %add3A, %dot_general3A_15 : vector<2000x32xf32>
    %get3A_17 = arith.constant 0 : index
    %get3A_18 = arith.constant 0 : index
    %get3A_19 = vector.load %arg4[%get3A_17, %get3A_18] : memref<1x32xf32, #tpu.memory_space<vmem>>, vector<1x32xf32>
    %add3A_20 = vector.broadcast %get3A_19 : vector<1x32xf32> to vector<2000x32xf32>
    %add3A_21 = arith.addf %add3A_16, %add3A_20 : vector<2000x32xf32>
    %max3A = arith.constant 0.000000e+00 : f32
    %max3A_22 = vector.broadcast %max3A : f32 to vector<2000x32xf32>
    %max3A_23 = arith.maximumf %add3A_21, %max3A_22 : vector<2000x32xf32>
    %swap3A = arith.constant 0 : index
    %swap3A_24 = arith.constant 0 : index
    %swap3A_25 = vector.load %arg5[%swap3A, %swap3A_24] : memref<2000x32xf32, #tpu.memory_space<vmem>>, vector<2000x32xf32>
    tpu.vector_store %arg5[%swap3A, %swap3A_24], %max3A_23 {strides = array<i32>} : memref<2000x32xf32, #tpu.memory_space<vmem>>, vector<2000x32xf32>,
    return
  }
  func.func @transform_0(%arg0: i32) -> (i32, i32, i32) {
    %c0_i32 = arith.constant 0 : i32
    %c0_i32_0 = arith.constant 0 : i32
    %c0_i32_1 = arith.constant 0 : i32
    return %c0_i32, %arg0, %c0_i32_0 : i32, i32, i32
  }
  func.func @transform_1(%arg0: i32) -> (i32, i32) {
    %c0_i32 = arith.constant 0 : i32
    %c0_i32_0 = arith.constant 0 : i32
    return %arg0, %c0_i32 : i32, i32
  }
  func.func @transform_2(%arg0: i32) -> (i32, i32) {
    %c0_i32 = arith.constant 0 : i32
    %c0_i32_0 = arith.constant 0 : i32
    %c0_i32_1 = arith.constant 0 : i32
    return %c0_i32, %c0_i32_0 : i32, i32
  }
  func.func @transform_3(%arg0: i32) -> (i32, i32) {
    %c0_i32 = arith.constant 0 : i32
    %c0_i32_0 = arith.constant 0 : i32
    %c0_i32_1 = arith.constant 0 : i32
    return %c0_i32, %c0_i32_0 : i32, i32
  }
  func.func @transform_4(%arg0: i32) -> (i32, i32) {
    %c0_i32 = arith.constant 0 : i32
    %c0_i32_0 = arith.constant 0 : i32
    return %arg0, %c0_i32 : i32, i32
  }
}

module attributes {stable_mosaic.version = 14 : i64} {
  func.func @body(%arg0: i32, %arg1: memref<2x2000x32xf32, #tpu.memory_space<vmem>>, %arg2: memref<2000x32xf32, #tpu.memory_space<vmem>>, %arg3: memref<32x32xf32, #tpu.memory_space<vmem>>, %arg4: memref<1x32xf32, #tpu.memory_space<vmem>>, %arg5: memref<2000x32xf32, #tpu.memory_space<vmem>>, %arg6: memref<2000x48xf32, #tpu.memory_space<vmem>>) attributes {dimension_semantics = [#tpu.dimension_semantics<arbitrary>], iteration_bounds = array<i64: 5>, scalar_prefetch = 0 : i64, scratch_operands = 0 : i64, tpu.core_type = #tpu.core_type<tc>, window_params = [{transform_indices = @transform_0, window_bounds = array<i64: 2, 2000, 32>}, {transform_indices = @transform_1, window_bounds = array<i64: 2000, 32>}, {pipeline_mode = #tpu.pipeline_mode<synchronous>, transform_indices = @transform_2, window_bounds = array<i64: 32, 32>}, {pipeline_mode = #tpu.pipeline_mode<synchronous>, transform_indices = @transform_3, window_bounds = array<i64: 1, 32>}, {transform_indices = @transform_4, window_bounds = array<i64: 2000, 32>}, {transform_indices = @transform_5, window_bounds = array<i64: 2000, 48>}]} {
    %get3A = arith.constant 0 : index
    %get3A_0 = arith.constant 0 : index
    %get3A_1 = arith.constant 0 : index
    %get3A_2 = vector.load %arg1[%get3A, %get3A_0, %get3A_1] : memref<2x2000x32xf32, #tpu.memory_space<vmem>>, vector<1x2000x32xf32>
    %get3A_3 = vector.shape_cast %get3A_2 : vector<1x2000x32xf32> to vector<2000x32xf32>
    %get3A_4 = arith.constant 1 : index
    %get3A_5 = arith.constant 0 : index
    %get3A_6 = arith.constant 0 : index
    %get3A_7 = vector.load %arg1[%get3A_4, %get3A_5, %get3A_6] : memref<2x2000x32xf32, #tpu.memory_space<vmem>>, vector<1x2000x32xf32>
    %get3A_8 = vector.shape_cast %get3A_7 : vector<1x2000x32xf32> to vector<2000x32xf32>
    %add3A = arith.addf %get3A_3, %get3A_8 : vector<2000x32xf32>
    %get3A_9 = arith.constant 0 : index
    %get3A_10 = arith.constant 0 : index
    %get3A_11 = vector.load %arg2[%get3A_9, %get3A_10] : memref<2000x32xf32, #tpu.memory_space<vmem>>, vector<2000x32xf32>
    %get3A_12 = arith.constant 0 : index
    %get3A_13 = arith.constant 0 : index
    %get3A_14 = vector.load %arg3[%get3A_12, %get3A_13] : memref<32x32xf32, #tpu.memory_space<vmem>>, vector<32x32xf32>
    %dot_general3A = arith.constant dense<0.000000e+00> : vector<2000x32xf32>
    %dot_general3A_15 = tpu.matmul %get3A_11, %get3A_14, %dot_general3A {dimension_numbers = #tpu.dot_dimension_numbers<[1], [0], [0], [1], [0, 0, 1, 1], [], []>, transpose_lhs_hint = false} : vector<2000x32xf32>, vector<32x32xf32>, vector<2000x32xf32> -> vector<2000x32xf32>
    %add3A_16 = arith.addf %add3A, %dot_general3A_15 : vector<2000x32xf32>
    %get3A_17 = arith.constant 0 : index
    %get3A_18 = arith.constant 0 : index
    %get3A_19 = vector.load %arg4[%get3A_17, %get3A_18] : memref<1x32xf32, #tpu.memory_space<vmem>>, vector<1x32xf32>
    %add3A_20 = vector.broadcast %get3A_19 : vector<1x32xf32> to vector<2000x32xf32>
    %add3A_21 = arith.addf %add3A_16, %add3A_20 : vector<2000x32xf32>
    %swap3A = arith.constant 0 : index
    %swap3A_22 = arith.constant 0 : index
    %swap3A_23 = vector.load %arg5[%swap3A, %swap3A_22] : memref<2000x32xf32, #tpu.memory_space<vmem>>, vector<2000x32xf32>
    tpu.vector_store %arg5[%swap3A, %swap3A_22], %add3A_21 {strides = array<i32>} : memref<2000x32xf32, #tpu.memory_space<vmem>>, vector<2000x32xf32>,
    %max3A = arith.constant 0.000000e+00 : f32
    %max3A_24 = vector.broadcast %max3A : f32 to vector<2000x32xf32>
    %max3A_25 = arith.maximumf %add3A_21, %max3A_24 : vector<2000x32xf32>
    %broadcast_in_dim3A = arith.constant 1.000000e+00 : f32
    %broadcast_in_dim3A_26 = vector.broadcast %broadcast_in_dim3A : f32 to vector<2000x16xf32>
    %concatenate3A = tpu.concatenate %max3A_25, %broadcast_in_dim3A_26 in 1 : vector<2000x32xf32>, vector<2000x16xf32> -> vector<2000x48xf32>
    %swap3A_27 = arith.constant 0 : index
    %swap3A_28 = arith.constant 0 : index
    %swap3A_29 = vector.load %arg6[%swap3A_27, %swap3A_28] : memref<2000x48xf32, #tpu.memory_space<vmem>>, vector<2000x48xf32>
    tpu.vector_store %arg6[%swap3A_27, %swap3A_28], %concatenate3A {strides = array<i32>} : memref<2000x48xf32, #tpu.memory_space<vmem>>, vector<2000x48xf32>,
    return
  }
  func.func @transform_0(%arg0: i32) -> (i32, i32, i32) {
    %c0_i32 = arith.constant 0 : i32
    %c0_i32_0 = arith.constant 0 : i32
    %c0_i32_1 = arith.constant 0 : i32
    return %c0_i32, %arg0, %c0_i32_0 : i32, i32, i32
  }
  func.func @transform_1(%arg0: i32) -> (i32, i32) {
    %c0_i32 = arith.constant 0 : i32
    %c0_i32_0 = arith.constant 0 : i32
    return %arg0, %c0_i32 : i32, i32
  }
  func.func @transform_2(%arg0: i32) -> (i32, i32) {
    %c0_i32 = arith.constant 0 : i32
    %c0_i32_0 = arith.constant 0 : i32
    %c0_i32_1 = arith.constant 0 : i32
    return %c0_i32, %c0_i32_0 : i32, i32
  }
  func.func @transform_3(%arg0: i32) -> (i32, i32) {
    %c0_i32 = arith.constant 0 : i32
    %c0_i32_0 = arith.constant 0 : i32
    %c0_i32_1 = arith.constant 0 : i32
    return %c0_i32, %c0_i32_0 : i32, i32
  }
  func.func @transform_4(%arg0: i32) -> (i32, i32) {
    %c0_i32 = arith.constant 0 : i32
    %c0_i32_0 = arith.constant 0 : i32
    return %arg0, %c0_i32 : i32, i32
  }
  func.func @transform_5(%arg0: i32) -> (i32, i32) {
    %c0_i32 = arith.constant 0 : i32
    %c0_i32_0 = arith.constant 0 : i32
    return %arg0, %c0_i32 : i32, i32
  }
}

module attributes {stable_mosaic.version = 14 : i64} {
  func.func @body(%arg0: i32, %arg1: memref<2x512x48xf32, #tpu.memory_space<vmem>>, %arg2: memref<32x32xf32, #tpu.memory_space<vmem>>, %arg3: memref<1x32xf32, #tpu.memory_space<vmem>>, %arg4: memref<32x10xf32, #tpu.memory_space<vmem>>, %arg5: memref<1x10xf32, #tpu.memory_space<vmem>>, %arg6: memref<512x10xf32, #tpu.memory_space<vmem>>) attributes {dimension_semantics = [#tpu.dimension_semantics<arbitrary>], iteration_bounds = array<i64: 1>, scalar_prefetch = 0 : i64, scratch_operands = 0 : i64, tpu.core_type = #tpu.core_type<tc>, window_params = [{pipeline_mode = #tpu.pipeline_mode<synchronous>, transform_indices = @transform_0, window_bounds = array<i64: 2, 512, 48>}, {pipeline_mode = #tpu.pipeline_mode<synchronous>, transform_indices = @transform_1, window_bounds = array<i64: 32, 32>}, {pipeline_mode = #tpu.pipeline_mode<synchronous>, transform_indices = @transform_2, window_bounds = array<i64: 1, 32>}, {pipeline_mode = #tpu.pipeline_mode<synchronous>, transform_indices = @transform_3, window_bounds = array<i64: 32, 10>}, {pipeline_mode = #tpu.pipeline_mode<synchronous>, transform_indices = @transform_4, window_bounds = array<i64: 1, 10>}, {pipeline_mode = #tpu.pipeline_mode<synchronous>, transform_indices = @transform_5, window_bounds = array<i64: 512, 10>}]} {
    %get3A = arith.constant 0 : index
    %get3A_0 = arith.constant 0 : index
    %get3A_1 = arith.constant 0 : index
    %get3A_2 = vector.load %arg1[%get3A, %get3A_0, %get3A_1] : memref<2x512x48xf32, #tpu.memory_space<vmem>>, vector<1x512x48xf32>
    %get3A_3 = vector.shape_cast %get3A_2 : vector<1x512x48xf32> to vector<512x48xf32>
    %get3A_4 = arith.constant 1 : index
    %get3A_5 = arith.constant 0 : index
    %get3A_6 = arith.constant 0 : index
    %get3A_7 = vector.load %arg1[%get3A_4, %get3A_5, %get3A_6] : memref<2x512x48xf32, #tpu.memory_space<vmem>>, vector<1x512x48xf32>
    %get3A_8 = vector.shape_cast %get3A_7 : vector<1x512x48xf32> to vector<512x48xf32>
    %add3A = arith.addf %get3A_3, %get3A_8 : vector<512x48xf32>
    %slice3A = vector.extract_strided_slice %add3A {offsets = [0, 0], sizes = [512, 32], strides = [1, 1]} : vector<512x48xf32> to vector<512x32xf32>
    %slice3A_9 = vector.extract_strided_slice %add3A {offsets = [0, 32], sizes = [512, 1], strides = [1, 1]} : vector<512x48xf32> to vector<512x1xf32>
    %max3A = arith.constant 1.000000e+00 : f32
    %max3A_10 = vector.broadcast %max3A : f32 to vector<512x1xf32>
    %max3A_11 = arith.maximumf %slice3A_9, %max3A_10 : vector<512x1xf32>
    %div3A = vector.broadcast %max3A_11 : vector<512x1xf32> to vector<512x32xf32>
    %div3A_12 = arith.divf %slice3A, %div3A : vector<512x32xf32>
    %get3A_13 = arith.constant 0 : index
    %get3A_14 = arith.constant 0 : index
    %get3A_15 = vector.load %arg2[%get3A_13, %get3A_14] : memref<32x32xf32, #tpu.memory_space<vmem>>, vector<32x32xf32>
    %dot_general3A = arith.constant dense<0.000000e+00> : vector<512x32xf32>
    %dot_general3A_16 = tpu.matmul %div3A_12, %get3A_15, %dot_general3A {dimension_numbers = #tpu.dot_dimension_numbers<[1], [0], [0], [1], [0, 0, 1, 1], [], []>, transpose_lhs_hint = false} : vector<512x32xf32>, vector<32x32xf32>, vector<512x32xf32> -> vector<512x32xf32>
    %get3A_17 = arith.constant 0 : index
    %get3A_18 = arith.constant 0 : index
    %get3A_19 = vector.load %arg3[%get3A_17, %get3A_18] : memref<1x32xf32, #tpu.memory_space<vmem>>, vector<1x32xf32>
    %add3A_20 = vector.broadcast %get3A_19 : vector<1x32xf32> to vector<512x32xf32>
    %add3A_21 = arith.addf %dot_general3A_16, %add3A_20 : vector<512x32xf32>
    %get3A_22 = arith.constant 0 : index
    %get3A_23 = arith.constant 0 : index
    %get3A_24 = vector.load %arg4[%get3A_22, %get3A_23] : memref<32x10xf32, #tpu.memory_space<vmem>>, vector<32x10xf32>
    %dot_general3A_25 = arith.constant dense<0.000000e+00> : vector<512x10xf32>
    %dot_general3A_26 = tpu.matmul %add3A_21, %get3A_24, %dot_general3A_25 {dimension_numbers = #tpu.dot_dimension_numbers<[1], [0], [0], [1], [0, 0, 1, 1], [], []>, transpose_lhs_hint = false} : vector<512x32xf32>, vector<32x10xf32>, vector<512x10xf32> -> vector<512x10xf32>
    %get3A_27 = arith.constant 0 : index
    %get3A_28 = arith.constant 0 : index
    %get3A_29 = vector.load %arg5[%get3A_27, %get3A_28] : memref<1x10xf32, #tpu.memory_space<vmem>>, vector<1x10xf32>
    %add3A_30 = vector.broadcast %get3A_29 : vector<1x10xf32> to vector<512x10xf32>
    %add3A_31 = arith.addf %dot_general3A_26, %add3A_30 : vector<512x10xf32>
    %swap3A = arith.constant 0 : index
    %swap3A_32 = arith.constant 0 : index
    %swap3A_33 = vector.load %arg6[%swap3A, %swap3A_32] : memref<512x10xf32, #tpu.memory_space<vmem>>, vector<512x10xf32>
    tpu.vector_store %arg6[%swap3A, %swap3A_32], %add3A_31 {strides = array<i32>} : memref<512x10xf32, #tpu.memory_space<vmem>>, vector<512x10xf32>,
    return
  }
  func.func @transform_0(%arg0: i32) -> (i32, i32, i32) {
    %c0_i32 = arith.constant 0 : i32
    %c0_i32_0 = arith.constant 0 : i32
    %c0_i32_1 = arith.constant 0 : i32
    %c0_i32_2 = arith.constant 0 : i32
    return %c0_i32, %c0_i32_0, %c0_i32_1 : i32, i32, i32
  }
  func.func @transform_1(%arg0: i32) -> (i32, i32) {
    %c0_i32 = arith.constant 0 : i32
    %c0_i32_0 = arith.constant 0 : i32
    %c0_i32_1 = arith.constant 0 : i32
    return %c0_i32, %c0_i32_0 : i32, i32
  }
  func.func @transform_2(%arg0: i32) -> (i32, i32) {
    %c0_i32 = arith.constant 0 : i32
    %c0_i32_0 = arith.constant 0 : i32
    %c0_i32_1 = arith.constant 0 : i32
    return %c0_i32, %c0_i32_0 : i32, i32
  }
  func.func @transform_3(%arg0: i32) -> (i32, i32) {
    %c0_i32 = arith.constant 0 : i32
    %c0_i32_0 = arith.constant 0 : i32
    %c0_i32_1 = arith.constant 0 : i32
    return %c0_i32, %c0_i32_0 : i32, i32
  }
  func.func @transform_4(%arg0: i32) -> (i32, i32) {
    %c0_i32 = arith.constant 0 : i32
    %c0_i32_0 = arith.constant 0 : i32
    %c0_i32_1 = arith.constant 0 : i32
    return %c0_i32, %c0_i32_0 : i32, i32
  }
  func.func @transform_5(%arg0: i32) -> (i32, i32) {
    %c0_i32 = arith.constant 0 : i32
    %c0_i32_0 = arith.constant 0 : i32
    %c0_i32_1 = arith.constant 0 : i32
    return %c0_i32, %c0_i32_0 : i32, i32
  }
}

</mosaic_0001>

<sc_bundles>
// kernel: kernel.16.cloned.1.call-start
scs
__scs_entry_jumppad:
0x0: {  	(pc) =	sbr.rel $0x88, $3  }
0x1: {  	(tag) =	ssettag $0x0;
	lr =	simm.s32 $0x1  }
0x2: {  	[smem:$0x3F8F] =	sst lr;
	_ =	strace $0xD0000000  }
0x3: {  	_ = 	snop  }
0x4: {  	_ = 	snop  }
0x5: {  	_ = 	snop  }
0x6: {  	_ = 	snop  }
0x7: {  	_ = 	snop  }
__scs_overlays_trampoline_lowered:
0x8: {  	[smem:$0x3F9E] =	sst s0  }
0x9: {  	[smem:$0x3F9F] =	sst s1  }
0xa: {  	[smem:$0x3FA0] =	sst s2  }
0xb: {  	[smem:$0x3FA1] =	sst s3  }
0xc: {  	[smem:$0x3FA2] =	sst s4  }
0xd: {  	[smem:$0x3FA3] =	sst s5  }
0xe: {  	[smem:$0x3FA4] =	sst s6  }
0xf: {  	[smem:$0x3FA5] =	sst s7  }
0x10: {  	[smem:$0x3FA6] =	sst s8  }
0x11: {  	[smem:$0x3FA7] =	sst s9;
	s0 =	simm.s32 @!p0 $0x0  }
0x12: {  	s1 =	sld [smem:$0x3F8D];
	s0 =	simm.s32 @p0 $0x1  }
0x13: {  	[smem:$0x3FA8] =	sst s0;
	s0 =	simm.s32 @!p1 $0x0  }
0x14: {  	s2 =	sld [smem:$0x3F8C];
	s0 =	simm.s32 @p1 $0x1  }
0x15: {  	[smem:$0x3FA9] =	sst s0;
	s0 =	simm.s32 @!p2 $0x0  }
0x16: {  	s3 =	sld [smem:$0x3FDB];
	s0 =	simm.s32 @p2 $0x1  }
0x17: {  	s4 =	simm.s32 $0x1BF5;
	[smem:$0x3FAB] =	sst s0  }
0x18: {  	s0 =	sld [smem:$0x3F8E];
	_ =	swait.ge [sflag:s4], $0x0  }
0x19: {  	s7 =	sld [smem:$0x3F8F]  }
0x1a: {  	s8 =	sadd.s32 $0xFFFFE003, lr  }
0x1b: {  	s9 =	sadd.s32 $0xFFFFFEF7, lr;
	s5 =	simm.s32 $0xFFFFFFFF;
	p2 =	slt.u32 s8, $0xFFFFF086  }
0x1c: {  	p1 =	slt.u32 s9, $0xF7A;
	s5 =	simm.s32 @!p2 $0x0  }
0x1d: {  	s5 =	simm.s32 @p1 $0x1;
	p0 =	seq.s32 s7, s2  }
0x1e: {  	s7 =	smul.u32 @!p0 $0xF7A, s2;
	p2 =	seq.s32 @!p0 s5, $0x0  }
0x1f: {  	s9 =	smul.u32 $0xF7A, s1;
	s8 =	simm.s32 @!p0 $0x1BF5;
	p2 =	por !p2, p0  }
0x20: {  	[sflag:s8] =	ssyncset.s32 @!p0 $0xFFFFF086;
	s6 =	sadd.s32 @!p0 s3, s7;
	s7 =	simm.s32 @!p0 $0x108  }
0x21: {  	s3 =	sadd.s32 s3, s9;
	s6 =	sadd.s32 @!p0 $0x88, s6;
	s7 =	simm.s32 @p2 $0x1082  }
0x22: {  	[simem:s7], [sflag:s8] =	dma.local @!p0 [hbm:s6], $0xF7A  }
0x23: {  	s9 =	sor.u32 $0xD0000000, s2;
	s6 =	simm.s32 $0x108;
	_ =	swait.ge @!p0 [sflag:s8], $0x0  }
0x24: {  	s3 =	sadd.s32 $0x88, s3;
	s6 =	simm.s32 @!p1 $0x1082;
	[sflag:s4] =	ssyncset.s32 $0xFFFFF086  }
0x25: {  	[simem:s6], [sflag:s4] =	dma.local [hbm:s3], $0xF7A  }
0x26: {  	[smem:$0x3F8F] =	sst s1;
	(tag) =	ssettag s2;
	_ =	strace s9  }
0x27: {  	s1 =	sld [smem:$0x3F9F]  }
0x28: {  	s2 =	sld [smem:$0x3FA0]  }
0x29: {  	s4 =	sld [smem:$0x3FA2]  }
0x2a: {  	p0 =	seq.s32 s5, $0x0;
	s5 =	sld [smem:$0x3FA3]  }
0x2b: {  	s6 =	sld [smem:$0x3FA4]  }
0x2c: {  	s7 =	sld [smem:$0x3FA5]  }
0x2d: {  	s3 =	simm.s32 $0x108;
	s8 =	sld [smem:$0x3FA6]  }
0x2e: {  	s3 =	simm.s32 @!p0 $0x1082;
	s9 =	sld [smem:$0x3FA7]  }
0x2f: {  	lr =	sadd.s32 s0, s3;
	s0 =	sld [smem:$0x3F9E]  }
0x30: {  	s3 =	sld [smem:$0x3FA1]  }
0x31: {  	[smem:$0x3FAA] =	sst s10  }
0x32: {  	s10 =	sld [smem:$0x3FA8];
	_ =	sdelay $0x3  }
0x33: {  	p0 =	seq.s32 s10, $0x1;
	s10 =	sld [smem:$0x3FAA];
	_ =	sdelay $0x3  }
0x34: {  	[smem:$0x3FAA] =	sst s10  }
0x35: {  	s10 =	sld [smem:$0x3FA9];
	_ =	sdelay $0x3  }
0x36: {  	p1 =	seq.s32 s10, $0x1;
	s10 =	sld [smem:$0x3FAA];
	_ =	sdelay $0x3  }
0x37: {  	[smem:$0x3FAA] =	sst s10  }
0x38: {  	s10 =	sld [smem:$0x3FAB]  }
0x39: {  	_ = 	snop;
	(pc) =	sbr.ind lr, $3  }
0x3a: {  	_ = 	snop  }
0x3b: {  	_ = 	snop  }
0x3c: {  	p2 =	seq.s32 s10, $0x1;
	s10 =	sld [smem:$0x3FAA]  }
0x3d: {  	_ =	shalt  }
0x3e: {  	_ =	shalt  }
0x3f: {  	_ =	shalt  }
0x40: {  	_ =	shalt  }
0x41: {  	_ =	shalt  }
0x42: {  	_ =	shalt  }
0x43: {  	_ =	shalt  }
0x44: {  	_ =	shalt  }
0x45: {  	_ =	shalt  }
0x46: {  	_ =	shalt  }
0x47: {  	_ =	shalt  }
0x48: {  	_ =	shalt  }
0x49: {  	_ =	shalt  }
0x4a: {  	_ =	shalt  }
0x4b: {  	_ =	shalt  }
0x4c: {  	_ =	shalt  }
0x4d: {  	_ =	shalt  }
0x4e: {  	_ =	shalt  }
0x4f: {  	_ =	shalt  }
0x50: {  	_ =	shalt  }
0x51: {  	_ =	shalt  }
0x52: {  	_ =	shalt  }
0x53: {  	_ =	shalt  }
0x54: {  	_ =	shalt  }
0x55: {  	_ =	shalt  }
0x56: {  	_ =	shalt  }
0x57: {  	_ =	shalt  }
0x58: {  	_ =	shalt  }
0x59: {  	_ =	shalt  }
0x5a: {  	_ =	shalt  }
0x5b: {  	_ =	shalt  }
0x5c: {  	_ =	shalt  }
0x5d: {  	_ =	shalt  }
0x5e: {  	_ =	shalt  }
0x5f: {  	_ =	shalt  }
0x60: {  	_ =	shalt  }
0x61: {  	_ =	shalt  }
0x62: {  	_ =	shalt  }
0x63: {  	_ =	shalt  }
0x64: {  	_ =	shalt  }
0x65: {  	_ =	shalt  }
0x66: {  	_ =	shalt  }
0x67: {  	_ =	shalt  }
0x68: {  	_ =	shalt  }
0x69: {  	_ =	shalt  }
0x6a: {  	_ =	shalt  }
0x6b: {  	_ =	shalt  }
0x6c: {  	_ =	shalt  }
0x6d: {  	_ =	shalt  }
0x6e: {  	_ =	shalt  }
0x6f: {  	_ =	shalt  }
0x70: {  	_ =	shalt  }
0x71: {  	_ =	shalt  }
0x72: {  	_ =	shalt  }
0x73: {  	_ =	shalt  }
0x74: {  	_ =	shalt  }
0x75: {  	_ =	shalt  }
0x76: {  	_ =	shalt  }
0x77: {  	_ =	shalt  }
0x78: {  	_ =	shalt  }
0x79: {  	_ =	shalt  }
0x7a: {  	_ =	shalt  }
0x7b: {  	_ =	shalt  }
0x7c: {  	_ =	shalt  }
0x7d: {  	_ =	shalt  }
0x7e: {  	_ =	shalt  }
0x7f: {  	_ =	shalt  }
0x80: {  	_ =	shalt  }
0x81: {  	_ =	shalt  }
0x82: {  	_ =	shalt  }
0x83: {  	_ =	shalt  }
0x84: {  	_ =	shalt  }
0x85: {  	_ =	shalt  }
0x86: {  	_ =	shalt  }
0x87: {  	_ =	shalt  }
.Lfunc_end0:
.L_simem_size_0:
called_computation_lowered:
.L_overlay_start_0:
0x88: {  	s2 =	sld [smem:$0x3FD9]  }
0x89: {  	s3 =	sld [smem:$0x3FFE];
	_ =	sdelay $0x1  }
0x8a: {  	s1 =	srdreg.scid  }
0x8b: {  	s0 =	sand.u32 $0x1, s1  }
0x8c: {  	s16 =	sshll.u32 s0, $0xA;
	s2 =	sadd.s32 s3, s2  }
0x8d: {  	s2 =	sadd.s32 s2, s16  }
0x8e: {  	[smem:$0x3FB6] =	sst s2  }
0x8f: {  	_ = 	snop  }
0x90: {  	(tm) =	ssettm $0x1  }
0x91: {  	s17 =	sld [smem:$0x3FFB];
	_ =	sdelay $0x3  }
0x92: {  	_ =	strace s17  }
0x93: {  	s2 =	sld [smem:$0x3FFC];
	_ =	sdelay $0x3  }
0x94: {  	_ =	strace s2  }
0x95: {  	s2 =	sld [smem:$0x3FFD];
	_ =	sdelay $0x3  }
0x96: {  	_ =	strace s2  }
0x97: {  	_ =	strace $0x8FFFFFFF  }
0x98: {  	s18 =	sld [smem:$0x3FDB];
	_ =	sdelay $0x1  }
0x99: {  	s19 =	simm.s32 $_scs_section_size  }
0x9a: {  	s4 =	simm.s32 $_size__tile_overlayer_lowered;
	s5 =	simm.s32 $_tile_overlayer_lowered  }
0x9b: {  	s22 =	simm.s32 $0x1BFF;
	s21 =	sshll.u32 s5, $0x1;
	s2 =	sadd.s32 s19, s18  }
0x9c: {  	s6 =	simm.s32 $0x0;
	s20 =	sshll.u32 s4, $0x1;
	s4 =	sadd.s32 s21, s2  }
0x9d: {  	[timem:s6], [sflag:s22] =	dma.local [hbm:s4], s20  }
0x9e: {  	_ =	swait.ge [sflag:s22], s20  }
0x9f: {  	s3 =	ssub.s32 $0x0, s20;
	[sflag:s22] =	ssyncset.done $0x0  }
0xa0: {  	[sflag:s22] =	ssyncadd.s32 s3;
	_ =	sdelay $0x1  }
0xa1: {  	s23 =	simm.s32 $0x1B8B  }
0xa2: {  	_ =	swait.ge [sflag:s23], $0x1  }
0xa3: {  	[sflag:s23] =	ssyncset.done $0x0  }
0xa4: {  	s25 =	simm.s32 $0x1B8E;
	s24 =	sld [smem:$0x3FFE];
	[sflag:s23] =	ssyncadd.s32 $0xFFFFFFFF  }
0xa5: {  	s26 =	simm.s32 $execute0_lowered;
	[smem:$0x3FD2] =	sst s25  }
0xa6: {  	s4 =	sshll.u32 s26, $0x1;
	_ =	strace $0x80000046;
	[dreg:$0x1] =	wrdreg $0xFFFFFFFF  }
0xa7: {  	s28 =	simm.s32 $_size_execute0_lowered;
	s2 =	sadd.s32 s2, s4;
	[dreg:$0x0] =	wrdreg $0x0  }
0xa8: {  	s4 =	sshll.u32 s28, $0x1;
	[dreg:$0x2] =	wrdreg s2  }
0xa9: {  	[dreg:$0x3] =	wrdreg s4  }
0xaa: {  	[dreg:$0x4] =	wrdreg $0xC0  }
0xab: {  	_ =	task [dreg:s6], $0x5FFFF  }
0xac: {  	[dreg:$0x1] =	wrdreg $0xFFFFFFFF  }
0xad: {  	[dreg:$0x0] =	wrdreg $0x60  }
0xae: {  	[dreg:$0x2] =	wrdreg s24  }
0xaf: {  	[dreg:$0x3] =	wrdreg $0x9  }
0xb0: {  	_ =	task.clear_ibuf [dreg:s6], $0x4FFFF;
	_ =	strace $0x90000046  }
0xb1: {  	s29 =	simm.s32 $0x9;
	_ =	strace $0x80000048  }
0xb2: {  	_ =	swait.ge [sflag:s29], $0x1  }
0xb3: {  	[sflag:s29] =	ssyncadd.s32 $0xFFFFFFFF  }
0xb4: {  	_ =	strace $0x90000048  }
0xb5: {  	_ =	sfence  }
0xb6: {  	s30 =	sld [smem:$0x0];
	_ =	sdelay $0x2  }
0xb7: {  	s31 =	sshll.u32 s1, $0xD;
	s1 =	sshrl.u32 s1, $0x2  }
0xb8: {  	s3 =	sand.u32 $0x4000, s31;
	s1 =	sadd.s32 s1, s30  }
0xb9: {  	s0 =	sor.u32 s3, s0;
	s1 =	sshll.u32 s1, $0x11  }
0xba: {  	s0 =	sor.u32 s1, s0  }
0xbb: {  	s0 =	sadd.s32 $0x8F2B, s0  }
0xbc: {  	[sflag:s0] =	ssyncadd.remote.s32 $0x1  }
0xbd: {  	_ =	sfence.sel $0xFFFF  }
0xbe: {  	[dreg:$0x0] =	wrdreg $0xFFFFFFFF;
	(pc) =	sbr.abs _section_cstart, $3  }
0xbf: {  	[dreg:$0x1] =	wrdreg $0xFFFFFFFF  }
0xc0: {  	_ =	task.clear_ibuf [dreg:s6], $0x2FFFF;
	_ =	strace $0x9FFFFFFF  }
0xc1: {  	(tm) =	ssettm $0x7FFFFFFF  }
tec
execute0_lowered:
.L_overlay_start_1:
0x0: {  	(tag) =	ssettag $0x1  }
0x1: {  	s1 =	srdreg.scid;
	s0 =	stileid.u32  }
0x2: {  	s29 =	sand.u32 $0x1, s1;
	s31 =	sshll.u32 s0, $0x1  }
0x3: {  	s30 =	sor.u32 s29, s31  }
0x4: {  	s28 =	rddreg [dreg:$0x0];
	s3 =	smul.u32 $0xA0, s30  }
0x5: {  	s2 =	simm.s32 $0x0;
	s1 =	rddreg [dreg:$0x1]  }
0x6: {  	[smem:$0x7FF] =	sst s2;
	s3 =	sadd.s32 s3, s28  }
0x7: {  	_ =	strace $0x80000047;
	s4 =	sadd.s32 $0x4000, s3;
	s3 =	simm.s32 $0x2  }
0x8: {  	[tilespmem:s2], [sflag:$0x2] =	stream.linear.gather [hbm4b:s4+s2], $0x500, $0x38;
	[tilespmem:$0x13D80] =	vst v63  }
0x9: {  	_ =	swait.ge [sflag:s3], $0x500  }
0xa: {  	s6 =	simm.s32 $0x7D;
	[sflag:s3] =	ssyncset.done $0x0  }
0xb: {  	s7 =	simm.s32 $0x500;
	s5 =	sadd.s32 $0x2C600, s28;
	[sflag:s3] =	ssyncadd.s32 $0xFFFFFB00  }
0xc: {  	[tilespmem:s7], [sflag:$0x1] =	stream.indirect.gather [hbm4b:s5+s6], $0x40, s2, s6, $0xb8;
	[tilespmem:$0x13D80] =	vst v63  }
0xd: {  	s8 =	simm.s32 $0x80;
	s9 =	simm.s32 $0x2440  }
0xe: {  	[tilespmem:s9], [sflag:$0x1] =	stream.indirect.gather [hbm4b:s5+s6], $0x40, s8, s6, $0xb8;
	[tilespmem:$0x13D80] =	vst v63  }
0xf: {  	s10 =	simm.s32 $0x100;
	s11 =	simm.s32 $0x4380  }
0x10: {  	[tilespmem:s11], [sflag:$0x1] =	stream.indirect.gather [hbm4b:s5+s6], $0x40, s10, s6, $0xb8;
	[tilespmem:$0x13D80] =	vst v63  }
0x11: {  	s12 =	simm.s32 $0x180;
	s13 =	simm.s32 $0x62C0  }
0x12: {  	[tilespmem:s13], [sflag:$0x1] =	stream.indirect.gather [hbm4b:s5+s6], $0x40, s12, s6, $0xb8;
	[tilespmem:$0x13D80] =	vst v63  }
0x13: {  	s14 =	simm.s32 $0x200;
	s15 =	simm.s32 $0x8200  }
0x14: {  	[tilespmem:s15], [sflag:$0x1] =	stream.indirect.gather [hbm4b:s5+s6], $0x40, s14, s6, $0xb8;
	[tilespmem:$0x13D80] =	vst v63  }
0x15: {  	s16 =	simm.s32 $0x280;
	s17 =	simm.s32 $0xA140  }
0x16: {  	[tilespmem:s17], [sflag:$0x1] =	stream.indirect.gather [hbm4b:s5+s6], $0x40, s16, s6, $0xb8;
	[tilespmem:$0x13D80] =	vst v63  }
0x17: {  	s18 =	simm.s32 $0x300;
	s19 =	simm.s32 $0xC080  }
0x18: {  	[tilespmem:s19], [sflag:$0x1] =	stream.indirect.gather [hbm4b:s5+s6], $0x40, s18, s6, $0xb8;
	[tilespmem:$0x13D80] =	vst v63  }
0x19: {  	s20 =	simm.s32 $0x380;
	s21 =	simm.s32 $0xDFC0  }
0x1a: {  	[tilespmem:s21], [sflag:$0x1] =	stream.indirect.gather [hbm4b:s5+s6], $0x40, s20, s6, $0xb8;
	[tilespmem:$0x13D80] =	vst v63  }
0x1b: {  	s22 =	simm.s32 $0x400;
	s23 =	simm.s32 $0xFF00  }
0x1c: {  	[tilespmem:s23], [sflag:$0x1] =	stream.indirect.gather [hbm4b:s5+s6], $0x40, s22, s6, $0xb8;
	[tilespmem:$0x13D80] =	vst v63  }
0x1d: {  	s24 =	simm.s32 $0x480;
	s25 =	simm.s32 $0x11E40;
	s26 =	simm.s32 $0x1  }
0x1e: {  	[tilespmem:s25], [sflag:$0x1] =	stream.indirect.gather [hbm4b:s5+s6], $0x40, s24, s6, $0xb8;
	[tilespmem:$0x13D80] =	vst v63  }
0x1f: {  	_ =	swait.ge [sflag:s26], $0x1F40  }
0x20: {  	[sflag:s26] =	ssyncset.done $0x0  }
0x21: {  	[sflag:s26] =	ssyncadd.s32 $0xFFFFE0C0  }
0x22: {  	_ =	swait.ge [sflag:s26], $0x1F40  }
0x23: {  	[sflag:s26] =	ssyncset.done $0x0  }
0x24: {  	[sflag:s26] =	ssyncadd.s32 $0xFFFFE0C0  }
0x25: {  	_ =	swait.ge [sflag:s26], $0x1F40  }
0x26: {  	[sflag:s26] =	ssyncset.done $0x0  }
0x27: {  	[sflag:s26] =	ssyncadd.s32 $0xFFFFE0C0  }
0x28: {  	_ =	swait.ge [sflag:s26], $0x1F40  }
0x29: {  	[sflag:s26] =	ssyncset.done $0x0  }
0x2a: {  	[sflag:s26] =	ssyncadd.s32 $0xFFFFE0C0  }
0x2b: {  	_ =	swait.ge [sflag:s26], $0x1F40  }
0x2c: {  	[sflag:s26] =	ssyncset.done $0x0  }
0x2d: {  	[sflag:s26] =	ssyncadd.s32 $0xFFFFE0C0  }
0x2e: {  	_ =	swait.ge [sflag:s26], $0x1F40  }
0x2f: {  	[sflag:s26] =	ssyncset.done $0x0  }
0x30: {  	[sflag:s26] =	ssyncadd.s32 $0xFFFFE0C0  }
0x31: {  	_ =	swait.ge [sflag:s26], $0x1F40  }
0x32: {  	[sflag:s26] =	ssyncset.done $0x0  }
0x33: {  	[sflag:s26] =	ssyncadd.s32 $0xFFFFE0C0  }
0x34: {  	_ =	swait.ge [sflag:s26], $0x1F40  }
0x35: {  	[sflag:s26] =	ssyncset.done $0x0  }
0x36: {  	s29 =	ssub.s32 $0x2, s29;
	[sflag:s26] =	ssyncadd.s32 $0xFFFFE0C0  }
0x37: {  	s31 =	sshrl.u32 s29, $0x1;
	_ =	swait.ge [sflag:s26], $0x1F40  }
0x38: {  	s29 =	ssub.s32 s29, s31;
	[sflag:s26] =	ssyncset.done $0x0  }
0x39: {  	s30 =	smul.u32 $0x2710, s30;
	s29 =	smax.u32 s29, $0x1;
	[sflag:s26] =	ssyncadd.s32 $0xFFFFE0C0  }
0x3a: {  	p0 =	sne.s32 s29, $0x1;
	_ =	swait.ge [sflag:s26], $0x1F40  }
.Ltmp0:
0x3b: {  	s28 =	sadd.s32 s30, s28;
	[sflag:s26] =	ssyncset.done $0x0;
	(pc) =	sbr.rel @!p0 .LBB2_2-.Ltmp0, $4  }
0x3c: {  	s28 =	sadd.s32 $0x40000, s28;
	[sflag:s26] =	ssyncadd.s32 $0xFFFFE0C0  }
0x3d: {  	[hbm4b:s28+s2] =	stream.linear.scatter [tilespmem:s7], [sflag:$0x2], $0x13880, $0x38;
	[tilespmem:$0x13D80] =	vst v63  }
0x3e: {  	_ =	swait.ge [sflag:s3], $0x13880  }
0x3f: {  	s29 =	sadd.s32 $0xFFFFFFFF, s29;
	[sflag:s3] =	ssyncset.done $0x0  }
.LBB2_1:
0x40: {  	p0 =	sne.s32 s29, $0x1;
	s29 =	sadd.s32 $0xFFFFFFFF, s29;
	[sflag:s3] =	ssyncadd.s32 $0xFFFEC780  }
0x41: {  	[tilespmem:s2], [sflag:$0x2] =	stream.linear.gather [hbm4b:s4+s2], $0x500, $0x38;
	[tilespmem:$0x13D80] =	vst v63  }
0x42: {  	_ =	swait.ge [sflag:s3], $0x500  }
0x43: {  	[sflag:s3] =	ssyncset.done $0x0  }
0x44: {  	[sflag:s3] =	ssyncadd.s32 $0xFFFFFB00  }
0x45: {  	[tilespmem:s7], [sflag:$0x1] =	stream.indirect.gather [hbm4b:s5+s6], $0x40, s2, s6, $0xb8;
	[tilespmem:$0x13D80] =	vst v63  }
0x46: {  	_ = 	snop  }
0x47: {  	[tilespmem:s9], [sflag:$0x1] =	stream.indirect.gather [hbm4b:s5+s6], $0x40, s8, s6, $0xb8;
	[tilespmem:$0x13D80] =	vst v63  }
0x48: {  	_ = 	snop  }
0x49: {  	[tilespmem:s11], [sflag:$0x1] =	stream.indirect.gather [hbm4b:s5+s6], $0x40, s10, s6, $0xb8;
	[tilespmem:$0x13D80] =	vst v63  }
0x4a: {  	_ = 	snop  }
0x4b: {  	[tilespmem:s13], [sflag:$0x1] =	stream.indirect.gather [hbm4b:s5+s6], $0x40, s12, s6, $0xb8;
	[tilespmem:$0x13D80] =	vst v63  }
0x4c: {  	_ = 	snop  }
0x4d: {  	[tilespmem:s15], [sflag:$0x1] =	stream.indirect.gather [hbm4b:s5+s6], $0x40, s14, s6, $0xb8;
	[tilespmem:$0x13D80] =	vst v63  }
0x4e: {  	_ = 	snop  }
0x4f: {  	[tilespmem:s17], [sflag:$0x1] =	stream.indirect.gather [hbm4b:s5+s6], $0x40, s16, s6, $0xb8;
	[tilespmem:$0x13D80] =	vst v63  }
0x50: {  	_ = 	snop  }
0x51: {  	[tilespmem:s19], [sflag:$0x1] =	stream.indirect.gather [hbm4b:s5+s6], $0x40, s18, s6, $0xb8;
	[tilespmem:$0x13D80] =	vst v63  }
0x52: {  	_ = 	snop  }
0x53: {  	[tilespmem:s21], [sflag:$0x1] =	stream.indirect.gather [hbm4b:s5+s6], $0x40, s20, s6, $0xb8;
	[tilespmem:$0x13D80] =	vst v63  }
0x54: {  	_ = 	snop  }
0x55: {  	[tilespmem:s23], [sflag:$0x1] =	stream.indirect.gather [hbm4b:s5+s6], $0x40, s22, s6, $0xb8;
	[tilespmem:$0x13D80] =	vst v63  }
0x56: {  	_ = 	snop  }
0x57: {  	[tilespmem:s25], [sflag:$0x1] =	stream.indirect.gather [hbm4b:s5+s6], $0x40, s24, s6, $0xb8;
	[tilespmem:$0x13D80] =	vst v63  }
0x58: {  	_ =	swait.ge [sflag:s26], $0x1F40  }
0x59: {  	[sflag:s26] =	ssyncset.done $0x0  }
0x5a: {  	[sflag:s26] =	ssyncadd.s32 $0xFFFFE0C0  }
0x5b: {  	_ =	swait.ge [sflag:s26], $0x1F40  }
0x5c: {  	[sflag:s26] =	ssyncset.done $0x0  }
0x5d: {  	[sflag:s26] =	ssyncadd.s32 $0xFFFFE0C0  }
0x5e: {  	_ =	swait.ge [sflag:s26], $0x1F40  }
0x5f: {  	[sflag:s26] =	ssyncset.done $0x0  }
0x60: {  	[sflag:s26] =	ssyncadd.s32 $0xFFFFE0C0  }
0x61: {  	_ =	swait.ge [sflag:s26], $0x1F40  }
0x62: {  	[sflag:s26] =	ssyncset.done $0x0  }
0x63: {  	[sflag:s26] =	ssyncadd.s32 $0xFFFFE0C0  }
0x64: {  	_ =	swait.ge [sflag:s26], $0x1F40  }
0x65: {  	[sflag:s26] =	ssyncset.done $0x0  }
0x66: {  	[sflag:s26] =	ssyncadd.s32 $0xFFFFE0C0  }
0x67: {  	_ =	swait.ge [sflag:s26], $0x1F40  }
0x68: {  	[sflag:s26] =	ssyncset.done $0x0  }
0x69: {  	[sflag:s26] =	ssyncadd.s32 $0xFFFFE0C0  }
0x6a: {  	_ =	swait.ge [sflag:s26], $0x1F40  }
0x6b: {  	[sflag:s26] =	ssyncset.done $0x0  }
0x6c: {  	[sflag:s26] =	ssyncadd.s32 $0xFFFFE0C0  }
0x6d: {  	_ =	swait.ge [sflag:s26], $0x1F40  }
0x6e: {  	[sflag:s26] =	ssyncset.done $0x0  }
0x6f: {  	[sflag:s26] =	ssyncadd.s32 $0xFFFFE0C0  }
0x70: {  	_ =	swait.ge [sflag:s26], $0x1F40  }
0x71: {  	[sflag:s26] =	ssyncset.done $0x0  }
0x72: {  	[sflag:s26] =	ssyncadd.s32 $0xFFFFE0C0  }
0x73: {  	_ =	swait.ge [sflag:s26], $0x1F40  }
.Ltmp1:
0x74: {  	[sflag:s26] =	ssyncset.done $0x0;
	(pc) =	sbr.rel @p0 .LBB2_1-.Ltmp1, $4  }
0x75: {  	[sflag:s26] =	ssyncadd.s32 $0xFFFFE0C0  }
0x76: {  	[hbm4b:s28+s2] =	stream.linear.scatter [tilespmem:s7], [sflag:$0x2], $0x13880, $0x38;
	[tilespmem:$0x13D80] =	vst v63  }
0x77: {  	_ =	swait.ge [sflag:s3], $0x13880  }
0x78: {  	[sflag:s3] =	ssyncset.done $0x0  }
.LBB2_2:
0x79: {  	[sflag:s3] =	ssyncadd.s32 $0xFFFEC780  }
0x7a: {  	_ =	sfence.sel $0x180000  }
0x7b: {  	[bflag:$0x0] =	sbarrier.arrive $0xFFFF  }
0x7c: {  	p0 =	sne.s32 s0, $0x0;
	_ =	strace $0x90000047  }
0x7d: {  	s0 =	sadd.s32 @!p0 $0x100000, s1;
	[bflag:$0x2] =	sbarrier.arrive $0xFFFF  }
0x7e: {  	[sflag:s0] =	ssyncadd.tile.s32 @!p0 $0x1;
	_ =	shalt  }
.Lfunc_end2:
_tile_overlayer_lowered:
.L_overlay_start_2:
0x7f: {  	(tag) =	ssettag $0x2  }
0x80: {  	s0 =	rddreg [dreg:$0x0];
	s2 =	stileid.u32  }
0x81: {  	s1 =	rddreg [dreg:$0x1];
	p0 =	sne.s32 s2, $0x0  }
0x82: {  	s3 =	rddreg [dreg:$0x2];
	[bflag:$0x3] =	sbarrier.arrive $0xFFFF;
	s2 =	simm.s32 @!p0 $0x1C02  }
0x83: {  	[timem:s3], [sflag:s2] =	dma.local @!p0 [hbm:s0], s1  }
0x84: {  	s0 =	simm.s32 @!p0 $0x2  }
0x85: {  	_ =	swait.ge @!p0 [sflag:s0], s1  }
0x86: {  	s1 =	ssub.s32 @!p0 $0x0, s1;
	[sflag:s0] =	ssyncset.done @!p0 $0x0  }
0x87: {  	[sflag:s0] =	ssyncadd.s32 @!p0 s1  }
0x88: {  	[bflag:$0x3] =	sbarrier.arrive $0xFFFF  }
0x89: {  	_ =	shalt  }

// kernel: kernel.19.cloned.1.call-start
scs
__scs_entry_jumppad:
0x0: {  	(pc) =	sbr.rel $0x88, $3  }
0x1: {  	(tag) =	ssettag $0x0;
	lr =	simm.s32 $0x1  }
0x2: {  	[smem:$0x3F8F] =	sst lr;
	_ =	strace $0xD0000000  }
0x3: {  	_ = 	snop  }
0x4: {  	_ = 	snop  }
0x5: {  	_ = 	snop  }
0x6: {  	_ = 	snop  }
0x7: {  	_ = 	snop  }
__scs_overlays_trampoline_lowered:
0x8: {  	[smem:$0x3F9E] =	sst s0  }
0x9: {  	[smem:$0x3F9F] =	sst s1  }
0xa: {  	[smem:$0x3FA0] =	sst s2  }
0xb: {  	[smem:$0x3FA1] =	sst s3  }
0xc: {  	[smem:$0x3FA2] =	sst s4  }
0xd: {  	[smem:$0x3FA3] =	sst s5  }
0xe: {  	[smem:$0x3FA4] =	sst s6  }
0xf: {  	[smem:$0x3FA5] =	sst s7  }
0x10: {  	[smem:$0x3FA6] =	sst s8  }
0x11: {  	[smem:$0x3FA7] =	sst s9;
	s0 =	simm.s32 @!p0 $0x0  }
0x12: {  	s1 =	sld [smem:$0x3F8D];
	s0 =	simm.s32 @p0 $0x1  }
0x13: {  	[smem:$0x3FA8] =	sst s0;
	s0 =	simm.s32 @!p1 $0x0  }
0x14: {  	s2 =	sld [smem:$0x3F8C];
	s0 =	simm.s32 @p1 $0x1  }
0x15: {  	[smem:$0x3FA9] =	sst s0;
	s0 =	simm.s32 @!p2 $0x0  }
0x16: {  	s3 =	sld [smem:$0x3FDB];
	s0 =	simm.s32 @p2 $0x1  }
0x17: {  	s4 =	simm.s32 $0x1BF5;
	[smem:$0x3FAB] =	sst s0  }
0x18: {  	s0 =	sld [smem:$0x3F8E];
	_ =	swait.ge [sflag:s4], $0x0  }
0x19: {  	s7 =	sld [smem:$0x3F8F]  }
0x1a: {  	s8 =	sadd.s32 $0xFFFFE003, lr  }
0x1b: {  	s9 =	sadd.s32 $0xFFFFFEF7, lr;
	s5 =	simm.s32 $0xFFFFFFFF;
	p2 =	slt.u32 s8, $0xFFFFF086  }
0x1c: {  	p1 =	slt.u32 s9, $0xF7A;
	s5 =	simm.s32 @!p2 $0x0  }
0x1d: {  	s5 =	simm.s32 @p1 $0x1;
	p0 =	seq.s32 s7, s2  }
0x1e: {  	s7 =	smul.u32 @!p0 $0xF7A, s2;
	p2 =	seq.s32 @!p0 s5, $0x0  }
0x1f: {  	s9 =	smul.u32 $0xF7A, s1;
	s8 =	simm.s32 @!p0 $0x1BF5;
	p2 =	por !p2, p0  }
0x20: {  	[sflag:s8] =	ssyncset.s32 @!p0 $0xFFFFF086;
	s6 =	sadd.s32 @!p0 s3, s7;
	s7 =	simm.s32 @!p0 $0x108  }
0x21: {  	s3 =	sadd.s32 s3, s9;
	s6 =	sadd.s32 @!p0 $0x88, s6;
	s7 =	simm.s32 @p2 $0x1082  }
0x22: {  	[simem:s7], [sflag:s8] =	dma.local @!p0 [hbm:s6], $0xF7A  }
0x23: {  	s9 =	sor.u32 $0xD0000000, s2;
	s6 =	simm.s32 $0x108;
	_ =	swait.ge @!p0 [sflag:s8], $0x0  }
0x24: {  	s3 =	sadd.s32 $0x88, s3;
	s6 =	simm.s32 @!p1 $0x1082;
	[sflag:s4] =	ssyncset.s32 $0xFFFFF086  }
0x25: {  	[simem:s6], [sflag:s4] =	dma.local [hbm:s3], $0xF7A  }
0x26: {  	[smem:$0x3F8F] =	sst s1;
	(tag) =	ssettag s2;
	_ =	strace s9  }
0x27: {  	s1 =	sld [smem:$0x3F9F]  }
0x28: {  	s2 =	sld [smem:$0x3FA0]  }
0x29: {  	s4 =	sld [smem:$0x3FA2]  }
0x2a: {  	p0 =	seq.s32 s5, $0x0;
	s5 =	sld [smem:$0x3FA3]  }
0x2b: {  	s6 =	sld [smem:$0x3FA4]  }
0x2c: {  	s7 =	sld [smem:$0x3FA5]  }
0x2d: {  	s3 =	simm.s32 $0x108;
	s8 =	sld [smem:$0x3FA6]  }
0x2e: {  	s3 =	simm.s32 @!p0 $0x1082;
	s9 =	sld [smem:$0x3FA7]  }
0x2f: {  	lr =	sadd.s32 s0, s3;
	s0 =	sld [smem:$0x3F9E]  }
0x30: {  	s3 =	sld [smem:$0x3FA1]  }
0x31: {  	[smem:$0x3FAA] =	sst s10  }
0x32: {  	s10 =	sld [smem:$0x3FA8];
	_ =	sdelay $0x3  }
0x33: {  	p0 =	seq.s32 s10, $0x1;
	s10 =	sld [smem:$0x3FAA];
	_ =	sdelay $0x3  }
0x34: {  	[smem:$0x3FAA] =	sst s10  }
0x35: {  	s10 =	sld [smem:$0x3FA9];
	_ =	sdelay $0x3  }
0x36: {  	p1 =	seq.s32 s10, $0x1;
	s10 =	sld [smem:$0x3FAA];
	_ =	sdelay $0x3  }
0x37: {  	[smem:$0x3FAA] =	sst s10  }
0x38: {  	s10 =	sld [smem:$0x3FAB]  }
0x39: {  	_ = 	snop;
	(pc) =	sbr.ind lr, $3  }
0x3a: {  	_ = 	snop  }
0x3b: {  	_ = 	snop  }
0x3c: {  	p2 =	seq.s32 s10, $0x1;
	s10 =	sld [smem:$0x3FAA]  }
0x3d: {  	_ =	shalt  }
0x3e: {  	_ =	shalt  }
0x3f: {  	_ =	shalt  }
0x40: {  	_ =	shalt  }
0x41: {  	_ =	shalt  }
0x42: {  	_ =	shalt  }
0x43: {  	_ =	shalt  }
0x44: {  	_ =	shalt  }
0x45: {  	_ =	shalt  }
0x46: {  	_ =	shalt  }
0x47: {  	_ =	shalt  }
0x48: {  	_ =	shalt  }
0x49: {  	_ =	shalt  }
0x4a: {  	_ =	shalt  }
0x4b: {  	_ =	shalt  }
0x4c: {  	_ =	shalt  }
0x4d: {  	_ =	shalt  }
0x4e: {  	_ =	shalt  }
0x4f: {  	_ =	shalt  }
0x50: {  	_ =	shalt  }
0x51: {  	_ =	shalt  }
0x52: {  	_ =	shalt  }
0x53: {  	_ =	shalt  }
0x54: {  	_ =	shalt  }
0x55: {  	_ =	shalt  }
0x56: {  	_ =	shalt  }
0x57: {  	_ =	shalt  }
0x58: {  	_ =	shalt  }
0x59: {  	_ =	shalt  }
0x5a: {  	_ =	shalt  }
0x5b: {  	_ =	shalt  }
0x5c: {  	_ =	shalt  }
0x5d: {  	_ =	shalt  }
0x5e: {  	_ =	shalt  }
0x5f: {  	_ =	shalt  }
0x60: {  	_ =	shalt  }
0x61: {  	_ =	shalt  }
0x62: {  	_ =	shalt  }
0x63: {  	_ =	shalt  }
0x64: {  	_ =	shalt  }
0x65: {  	_ =	shalt  }
0x66: {  	_ =	shalt  }
0x67: {  	_ =	shalt  }
0x68: {  	_ =	shalt  }
0x69: {  	_ =	shalt  }
0x6a: {  	_ =	shalt  }
0x6b: {  	_ =	shalt  }
0x6c: {  	_ =	shalt  }
0x6d: {  	_ =	shalt  }
0x6e: {  	_ =	shalt  }
0x6f: {  	_ =	shalt  }
0x70: {  	_ =	shalt  }
0x71: {  	_ =	shalt  }
0x72: {  	_ =	shalt  }
0x73: {  	_ =	shalt  }
0x74: {  	_ =	shalt  }
0x75: {  	_ =	shalt  }
0x76: {  	_ =	shalt  }
0x77: {  	_ =	shalt  }
0x78: {  	_ =	shalt  }
0x79: {  	_ =	shalt  }
0x7a: {  	_ =	shalt  }
0x7b: {  	_ =	shalt  }
0x7c: {  	_ =	shalt  }
0x7d: {  	_ =	shalt  }
0x7e: {  	_ =	shalt  }
0x7f: {  	_ =	shalt  }
0x80: {  	_ =	shalt  }
0x81: {  	_ =	shalt  }
0x82: {  	_ =	shalt  }
0x83: {  	_ =	shalt  }
0x84: {  	_ =	shalt  }
0x85: {  	_ =	shalt  }
0x86: {  	_ =	shalt  }
0x87: {  	_ =	shalt  }
.Lfunc_end0:
.L_simem_size_0:
called_computation.1_lowered:
.L_overlay_start_0:
0x88: {  	s2 =	sld [smem:$0x3FD9]  }
0x89: {  	s3 =	sld [smem:$0x3FFE];
	_ =	sdelay $0x1  }
0x8a: {  	s1 =	srdreg.scid  }
0x8b: {  	s0 =	sand.u32 $0x1, s1  }
0x8c: {  	s14 =	sshll.u32 s0, $0xA;
	s2 =	sadd.s32 s3, s2  }
0x8d: {  	s2 =	sadd.s32 s2, s14  }
0x8e: {  	[smem:$0x3FB6] =	sst s2  }
0x8f: {  	_ = 	snop  }
0x90: {  	s2 =	sld [smem:$0x3FD0];
	_ =	sdelay $0x2  }
0x91: {  	s15 =	simm.s32 $0xA;
	s4 =	simm.s32 $0x10  }
0x92: {  	[smem:s4], [sflag:s15] =	dma.local [hbm:s2], $0x1  }
0x93: {  	_ =	swait.eq [sflag:s15], $0x1  }
0x94: {  	[sflag:s15] =	ssyncset.done $0x0  }
0x95: {  	[sflag:s15] =	ssyncadd.s32 $0xFFFFFFFF  }
0x96: {  	s16 =	sld [smem:$0x10];
	(tm) =	ssettm $0x1  }
0x97: {  	s17 =	sld [smem:$0x3FFB];
	_ =	sdelay $0x3  }
0x98: {  	_ =	strace s17  }
0x99: {  	s3 =	sld [smem:$0x3FFC];
	_ =	sdelay $0x3  }
0x9a: {  	_ =	strace s3  }
0x9b: {  	s3 =	sld [smem:$0x3FFD];
	_ =	sdelay $0x3  }
0x9c: {  	_ =	strace s3  }
0x9d: {  	_ =	strace $0x8FFFFFFF  }
0x9e: {  	s18 =	sld [smem:$0x3FDB];
	_ =	sdelay $0x1  }
0x9f: {  	s19 =	simm.s32 $_scs_section_size  }
0xa0: {  	s5 =	simm.s32 $_size__tile_overlayer_lowered;
	s6 =	simm.s32 $_tile_overlayer_lowered  }
0xa1: {  	s22 =	simm.s32 $0x1BFF;
	s21 =	sshll.u32 s6, $0x1;
	s3 =	sadd.s32 s19, s18  }
0xa2: {  	s7 =	simm.s32 $0x0;
	s20 =	sshll.u32 s5, $0x1;
	s5 =	sadd.s32 s21, s3  }
0xa3: {  	[timem:s7], [sflag:s22] =	dma.local [hbm:s5], s20  }
0xa4: {  	_ =	swait.ge [sflag:s22], s20  }
0xa5: {  	s4 =	ssub.s32 $0x0, s20;
	[sflag:s22] =	ssyncset.done $0x0  }
0xa6: {  	[sflag:s22] =	ssyncadd.s32 s4;
	_ =	sdelay $0x1  }
0xa7: {  	s23 =	simm.s32 $0x1B8B  }
0xa8: {  	_ =	swait.ge [sflag:s23], $0x1  }
0xa9: {  	[sflag:s23] =	ssyncset.done $0x0  }
0xaa: {  	s25 =	simm.s32 $0x1B8E;
	s24 =	sld [smem:$0x3FFE];
	[sflag:s23] =	ssyncadd.s32 $0xFFFFFFFF  }
0xab: {  	s26 =	simm.s32 $execute0_lowered;
	[smem:$0x3FD2] =	sst s25  }
0xac: {  	s5 =	sshll.u32 s26, $0x1;
	_ =	strace $0x80000049;
	[dreg:$0x1] =	wrdreg $0xFFFFFFFF  }
0xad: {  	s28 =	simm.s32 $_size_execute0_lowered;
	s3 =	sadd.s32 s3, s5;
	[dreg:$0x0] =	wrdreg $0x0  }
0xae: {  	s5 =	sshll.u32 s28, $0x1;
	[dreg:$0x2] =	wrdreg s3  }
0xaf: {  	[dreg:$0x3] =	wrdreg s5  }
0xb0: {  	[dreg:$0x4] =	wrdreg $0xC0  }
0xb1: {  	_ =	task [dreg:s7], $0x5FFFF  }
0xb2: {  	[dreg:$0x1] =	wrdreg $0xFFFFFFFF  }
0xb3: {  	[dreg:$0x0] =	wrdreg $0x60  }
0xb4: {  	[dreg:$0x2] =	wrdreg s24  }
0xb5: {  	[dreg:$0x3] =	wrdreg s16  }
0xb6: {  	[dreg:$0x4] =	wrdreg $0xA1400  }
0xb7: {  	[dreg:$0x5] =	wrdreg $0x9  }
0xb8: {  	_ =	task.clear_ibuf [dreg:s7], $0x6FFFF;
	_ =	strace $0x90000049  }
0xb9: {  	s29 =	simm.s32 $0x9;
	_ =	strace $0x8000004B  }
0xba: {  	_ =	swait.ge [sflag:s29], $0x1  }
0xbb: {  	[sflag:s29] =	ssyncadd.s32 $0xFFFFFFFF  }
0xbc: {  	_ =	strace $0x9000004B  }
0xbd: {  	_ =	sfence  }
0xbe: {  	s30 =	sld [smem:$0x0];
	_ =	sdelay $0x2  }
0xbf: {  	s31 =	sshll.u32 s1, $0xD;
	s1 =	sshrl.u32 s1, $0x2  }
0xc0: {  	s3 =	sand.u32 $0x4000, s31;
	s1 =	sadd.s32 s1, s30  }
0xc1: {  	s0 =	sor.u32 s3, s0;
	s1 =	sshll.u32 s1, $0x11  }
0xc2: {  	s0 =	sor.u32 s1, s0  }
0xc3: {  	s0 =	sadd.s32 $0x8F2B, s0  }
0xc4: {  	[sflag:s0] =	ssyncadd.remote.s32 $0x1  }
0xc5: {  	_ =	sfence.sel $0xFFFF  }
0xc6: {  	[dreg:$0x0] =	wrdreg $0xFFFFFFFF;
	(pc) =	sbr.abs _section_cstart, $3  }
0xc7: {  	[dreg:$0x1] =	wrdreg $0xFFFFFFFF  }
0xc8: {  	_ =	task.clear_ibuf [dreg:s7], $0x2FFFF;
	_ =	strace $0x9FFFFFFF  }
0xc9: {  	(tm) =	ssettm $0x7FFFFFFF  }
tec
execute0_lowered:
.L_overlay_start_1:
0x0: {  	(tag) =	ssettag $0x1  }
0x1: {  	s30 =	rddreg [dreg:$0x0]  }
0x2: {  	s1 =	rddreg [dreg:$0x1]  }
0x3: {  	s0 =	stileid.u32;
	s2 =	rddreg [dreg:$0x2]  }
0x4: {  	s3 =	simm.s32 $0x0;
	s5 =	srdreg.scid;
	s31 =	smul.u32 $0x4E20, s0  }
0x5: {  	[smem:$0x7FF] =	sst s3;
	s22 =	sshll.u32 s0, $0x1;
	s24 =	sshll.u32 s0, $0x6  }
0x6: {  	_ =	strace $0x8000004A;
	s4 =	sshrl.u32 s31, $0x3;
	s23 =	sadd.s32 s31, s2  }
0x7: {  	s4 =	sadd.s32 s1, s4;
	s1 =	sand.u32 $0x1, s5;
	s5 =	sor.u32 $0x1C01, s24  }
0x8: {  	s6 =	sshrl.u32 s23, $0x3;
	[dreg:$0x4] =	wrdreg s4;
	s7 =	sor.u32 s1, s22  }
0x9: {  	s4 =	simm.s32 $0x1;
	s8 =	rddreg [dreg:$0x4];
	s9 =	smul.u32 $0xA0, s7  }
0xa: {  	[spmem:s6], [sflag:s5] =	dma.local [hbm:s8], $0x9C4  }
0xb: {  	_ =	swait.ge [sflag:s4], $0x9C4  }
0xc: {  	s25 =	sadd.s32 s9, s30;
	[sflag:s4] =	ssyncset.done $0x0  }
0xd: {  	s26 =	smul.u32 $0x1388, s7;
	s7 =	sadd.s32 $0x12A600, s25;
	[sflag:s4] =	ssyncadd.s32 $0xFFFFF63C  }
0xe: {  	[tilespmem:s3], [sflag:$0x1] =	stream.linear.gather [hbm4b:s7+s3], $0x500, $0x38;
	[tilespmem:$0xEF60] =	vst v63  }
0xf: {  	_ =	swait.ge [sflag:s4], $0x500  }
0x10: {  	s0 =	sadd.s32 s26, s30;
	[sflag:s4] =	ssyncset.done $0x0  }
0x11: {  	s9 =	simm.s32 $0x500;
	s8 =	sadd.s32 $0x2C600, s0;
	[sflag:s4] =	ssyncadd.s32 $0xFFFFFB00  }
0x12: {  	[tilespmem:s9], [sflag:$0x1] =	stream.linear.gather [hbm4b:s8+s3], $0x9C40, $0x38;
	[tilespmem:$0xEF60] =	vst v63  }
0x13: {  	_ =	swait.ge [sflag:s4], $0x9C40  }
0x14: {  	[sflag:s4] =	ssyncset.done $0x0  }
0x15: {  	[sflag:s4] =	ssyncadd.s32 $0xFFFF63C0  }
0x16: {  	s10 =	simm.s32 $0x7D;
	[bflag:$0x0] =	sbarrier.arrive $0xFFFF  }
0x17: {  	[spmem:s2] =	stream.indirect.scatter.add.f32 [tilespmem:s9], [sflag:$0x1], $0x20, s3, s10, $0xb8;
	[tilespmem:$0xEF60] =	vst v63  }
0x18: {  	_ =	swait.ge [sflag:s4], $0xFA0  }
0x19: {  	[sflag:s4] =	ssyncset.done $0x0  }
0x1a: {  	s11 =	simm.s32 $0x80;
	s12 =	simm.s32 $0x14A0;
	[sflag:s4] =	ssyncadd.s32 $0xFFFFF060  }
0x1b: {  	[spmem:s2] =	stream.indirect.scatter.add.f32 [tilespmem:s12], [sflag:$0x1], $0x20, s11, s10, $0xb8;
	[tilespmem:$0xEF60] =	vst v63  }
0x1c: {  	_ =	swait.ge [sflag:s4], $0xFA0  }
0x1d: {  	[sflag:s4] =	ssyncset.done $0x0  }
0x1e: {  	s13 =	simm.s32 $0x100;
	s14 =	simm.s32 $0x2440;
	[sflag:s4] =	ssyncadd.s32 $0xFFFFF060  }
0x1f: {  	[spmem:s2] =	stream.indirect.scatter.add.f32 [tilespmem:s14], [sflag:$0x1], $0x20, s13, s10, $0xb8;
	[tilespmem:$0xEF60] =	vst v63  }
0x20: {  	_ =	swait.ge [sflag:s4], $0xFA0  }
0x21: {  	[sflag:s4] =	ssyncset.done $0x0  }
0x22: {  	s15 =	simm.s32 $0x180;
	s16 =	simm.s32 $0x33E0;
	[sflag:s4] =	ssyncadd.s32 $0xFFFFF060  }
0x23: {  	[spmem:s2] =	stream.indirect.scatter.add.f32 [tilespmem:s16], [sflag:$0x1], $0x20, s15, s10, $0xb8;
	[tilespmem:$0xEF60] =	vst v63  }
0x24: {  	_ =	swait.ge [sflag:s4], $0xFA0  }
0x25: {  	[sflag:s4] =	ssyncset.done $0x0  }
0x26: {  	s17 =	simm.s32 $0x200;
	s18 =	simm.s32 $0x4380;
	[sflag:s4] =	ssyncadd.s32 $0xFFFFF060  }
0x27: {  	[spmem:s2] =	stream.indirect.scatter.add.f32 [tilespmem:s18], [sflag:$0x1], $0x20, s17, s10, $0xb8;
	[tilespmem:$0xEF60] =	vst v63  }
0x28: {  	_ =	swait.ge [sflag:s4], $0xFA0  }
0x29: {  	[sflag:s4] =	ssyncset.done $0x0  }
0x2a: {  	s19 =	simm.s32 $0x280;
	s20 =	simm.s32 $0x5320;
	[sflag:s4] =	ssyncadd.s32 $0xFFFFF060  }
0x2b: {  	[spmem:s2] =	stream.indirect.scatter.add.f32 [tilespmem:s20], [sflag:$0x1], $0x20, s19, s10, $0xb8;
	[tilespmem:$0xEF60] =	vst v63  }
0x2c: {  	_ =	swait.ge [sflag:s4], $0xFA0  }
0x2d: {  	[sflag:s4] =	ssyncset.done $0x0  }
0x2e: {  	s21 =	simm.s32 $0x300;
	s22 =	simm.s32 $0x62C0;
	[sflag:s4] =	ssyncadd.s32 $0xFFFFF060  }
0x2f: {  	[spmem:s2] =	stream.indirect.scatter.add.f32 [tilespmem:s22], [sflag:$0x1], $0x20, s21, s10, $0xb8;
	[tilespmem:$0xEF60] =	vst v63  }
0x30: {  	_ =	swait.ge [sflag:s4], $0xFA0  }
0x31: {  	[sflag:s4] =	ssyncset.done $0x0  }
0x32: {  	s23 =	simm.s32 $0x380;
	s24 =	simm.s32 $0x7260;
	[sflag:s4] =	ssyncadd.s32 $0xFFFFF060  }
0x33: {  	[spmem:s2] =	stream.indirect.scatter.add.f32 [tilespmem:s24], [sflag:$0x1], $0x20, s23, s10, $0xb8;
	[tilespmem:$0xEF60] =	vst v63  }
0x34: {  	_ =	swait.ge [sflag:s4], $0xFA0  }
0x35: {  	s26 =	simm.s32 $0x8200;
	s25 =	simm.s32 $0x400;
	[sflag:s4] =	ssyncset.done $0x0  }
0x36: {  	s0 =	smul.u32 $0x4E200, s1;
	s1 =	ssub.s32 $0x2, s1;
	[sflag:s4] =	ssyncadd.s32 $0xFFFFF060  }
0x37: {  	[spmem:s2] =	stream.indirect.scatter.add.f32 [tilespmem:s26], [sflag:$0x1], $0x20, s25, s10, $0xb8;
	[tilespmem:$0xEF60] =	vst v63  }
0x38: {  	s0 =	sadd.s32 s31, s0;
	s31 =	sshrl.u32 s1, $0x1;
	_ =	swait.ge [sflag:s4], $0xFA0  }
0x39: {  	s28 =	simm.s32 $0x480;
	s1 =	ssub.s32 s1, s31;
	[sflag:s4] =	ssyncset.done $0x0  }
0x3a: {  	s29 =	simm.s32 $0x91A0;
	s1 =	smax.u32 s1, $0x1;
	[sflag:s4] =	ssyncadd.s32 $0xFFFFF060  }
0x3b: {  	[spmem:s2] =	stream.indirect.scatter.add.f32 [tilespmem:s29], [sflag:$0x1], $0x20, s28, s10, $0xb8;
	[tilespmem:$0xEF60] =	vst v63  }
0x3c: {  	p0 =	sne.s32 s1, $0x1;
	_ =	swait.ge [sflag:s4], $0xFA0  }
.Ltmp0:
0x3d: {  	s0 =	sshrl.u32 s0, $0x3;
	[sflag:s4] =	ssyncset.done $0x0;
	(pc) =	sbr.rel @!p0 .LBB2_2-.Ltmp0, $4  }
0x3e: {  	s0 =	sadd.s32 s0, s30;
	[sflag:s4] =	ssyncadd.s32 $0xFFFFF060  }
0x3f: {  	s30 =	sadd.s32 $0x53800, s0;
	[bflag:$0x0] =	sbarrier.arrive $0xFFFF  }
0x40: {  	[hbm:s30], [sflag:s5] =	dma.local [spmem:s6], $0x9C4  }
0x41: {  	s31 =	sadd.s32 $0xFFFFFFFF, s1;
	_ =	swait.ge [sflag:s4], $0x9C4  }
.LBB2_1:
0x42: {  	[sflag:s4] =	ssyncset.done $0x0  }
0x43: {  	s0 =	rddreg [dreg:$0x4];
	[sflag:s4] =	ssyncadd.s32 $0xFFFFF63C  }
0x44: {  	[spmem:s6], [sflag:s5] =	dma.local [hbm:s0], $0x9C4  }
0x45: {  	_ =	swait.ge [sflag:s4], $0x9C4  }
0x46: {  	[sflag:s4] =	ssyncset.done $0x0  }
0x47: {  	[sflag:s4] =	ssyncadd.s32 $0xFFFFF63C  }
0x48: {  	[tilespmem:s3], [sflag:$0x1] =	stream.linear.gather [hbm4b:s7+s3], $0x500, $0x38;
	[tilespmem:$0xEF60] =	vst v63  }
0x49: {  	_ =	swait.ge [sflag:s4], $0x500  }
0x4a: {  	[sflag:s4] =	ssyncset.done $0x0  }
0x4b: {  	[sflag:s4] =	ssyncadd.s32 $0xFFFFFB00  }
0x4c: {  	[tilespmem:s9], [sflag:$0x1] =	stream.linear.gather [hbm4b:s8+s3], $0x9C40, $0x38;
	[tilespmem:$0xEF60] =	vst v63  }
0x4d: {  	_ =	swait.ge [sflag:s4], $0x9C40  }
0x4e: {  	[sflag:s4] =	ssyncset.done $0x0  }
0x4f: {  	[sflag:s4] =	ssyncadd.s32 $0xFFFF63C0  }
0x50: {  	[bflag:$0x0] =	sbarrier.arrive $0xFFFF  }
0x51: {  	[spmem:s2] =	stream.indirect.scatter.add.f32 [tilespmem:s9], [sflag:$0x1], $0x20, s3, s10, $0xb8;
	[tilespmem:$0xEF60] =	vst v63  }
0x52: {  	_ =	swait.ge [sflag:s4], $0xFA0  }
0x53: {  	[sflag:s4] =	ssyncset.done $0x0  }
0x54: {  	[sflag:s4] =	ssyncadd.s32 $0xFFFFF060  }
0x55: {  	[spmem:s2] =	stream.indirect.scatter.add.f32 [tilespmem:s12], [sflag:$0x1], $0x20, s11, s10, $0xb8;
	[tilespmem:$0xEF60] =	vst v63  }
0x56: {  	_ =	swait.ge [sflag:s4], $0xFA0  }
0x57: {  	[sflag:s4] =	ssyncset.done $0x0  }
0x58: {  	[sflag:s4] =	ssyncadd.s32 $0xFFFFF060  }
0x59: {  	[spmem:s2] =	stream.indirect.scatter.add.f32 [tilespmem:s14], [sflag:$0x1], $0x20, s13, s10, $0xb8;
	[tilespmem:$0xEF60] =	vst v63  }
0x5a: {  	_ =	swait.ge [sflag:s4], $0xFA0  }
0x5b: {  	[sflag:s4] =	ssyncset.done $0x0  }
0x5c: {  	[sflag:s4] =	ssyncadd.s32 $0xFFFFF060  }
0x5d: {  	[spmem:s2] =	stream.indirect.scatter.add.f32 [tilespmem:s16], [sflag:$0x1], $0x20, s15, s10, $0xb8;
	[tilespmem:$0xEF60] =	vst v63  }
0x5e: {  	_ =	swait.ge [sflag:s4], $0xFA0  }
0x5f: {  	[sflag:s4] =	ssyncset.done $0x0  }
0x60: {  	[sflag:s4] =	ssyncadd.s32 $0xFFFFF060  }
0x61: {  	[spmem:s2] =	stream.indirect.scatter.add.f32 [tilespmem:s18], [sflag:$0x1], $0x20, s17, s10, $0xb8;
	[tilespmem:$0xEF60] =	vst v63  }
0x62: {  	_ =	swait.ge [sflag:s4], $0xFA0  }
0x63: {  	[sflag:s4] =	ssyncset.done $0x0  }
0x64: {  	[sflag:s4] =	ssyncadd.s32 $0xFFFFF060  }
0x65: {  	[spmem:s2] =	stream.indirect.scatter.add.f32 [tilespmem:s20], [sflag:$0x1], $0x20, s19, s10, $0xb8;
	[tilespmem:$0xEF60] =	vst v63  }
0x66: {  	_ =	swait.ge [sflag:s4], $0xFA0  }
0x67: {  	[sflag:s4] =	ssyncset.done $0x0  }
0x68: {  	[sflag:s4] =	ssyncadd.s32 $0xFFFFF060  }
0x69: {  	[spmem:s2] =	stream.indirect.scatter.add.f32 [tilespmem:s22], [sflag:$0x1], $0x20, s21, s10, $0xb8;
	[tilespmem:$0xEF60] =	vst v63  }
0x6a: {  	_ =	swait.ge [sflag:s4], $0xFA0  }
0x6b: {  	[sflag:s4] =	ssyncset.done $0x0  }
0x6c: {  	[sflag:s4] =	ssyncadd.s32 $0xFFFFF060  }
0x6d: {  	[spmem:s2] =	stream.indirect.scatter.add.f32 [tilespmem:s24], [sflag:$0x1], $0x20, s23, s10, $0xb8;
	[tilespmem:$0xEF60] =	vst v63  }
0x6e: {  	_ =	swait.ge [sflag:s4], $0xFA0  }
0x6f: {  	[sflag:s4] =	ssyncset.done $0x0  }
0x70: {  	[sflag:s4] =	ssyncadd.s32 $0xFFFFF060  }
0x71: {  	[spmem:s2] =	stream.indirect.scatter.add.f32 [tilespmem:s26], [sflag:$0x1], $0x20, s25, s10, $0xb8;
	[tilespmem:$0xEF60] =	vst v63  }
0x72: {  	_ =	swait.ge [sflag:s4], $0xFA0  }
0x73: {  	[sflag:s4] =	ssyncset.done $0x0  }
0x74: {  	[sflag:s4] =	ssyncadd.s32 $0xFFFFF060  }
0x75: {  	[spmem:s2] =	stream.indirect.scatter.add.f32 [tilespmem:s29], [sflag:$0x1], $0x20, s28, s10, $0xb8;
	[tilespmem:$0xEF60] =	vst v63  }
0x76: {  	p0 =	sne.s32 s31, $0x1;
	_ =	swait.ge [sflag:s4], $0xFA0  }
.Ltmp1:
0x77: {  	[sflag:s4] =	ssyncset.done $0x0;
	(pc) =	sbr.rel @p0 .LBB2_1-.Ltmp1, $4  }
0x78: {  	[sflag:s4] =	ssyncadd.s32 $0xFFFFF060  }
0x79: {  	[bflag:$0x0] =	sbarrier.arrive $0xFFFF  }
0x7a: {  	[hbm:s30], [sflag:s5] =	dma.local [spmem:s6], $0x9C4  }
0x7b: {  	s31 =	sadd.s32 $0xFFFFFFFF, s31;
	_ =	swait.ge [sflag:s4], $0x9C4  }
.LBB2_2:
0x7c: {  	[sflag:s4] =	ssyncset.done $0x0  }
0x7d: {  	[sflag:s4] =	ssyncadd.s32 $0xFFFFF63C  }
0x7e: {  	_ =	sfence.sel $0x180000  }
0x7f: {  	[bflag:$0x0] =	sbarrier.arrive $0xFFFF  }
0x80: {  	_ =	strace $0x9000004A  }
0x81: {  	s0 =	stileid.u32;
	[bflag:$0x2] =	sbarrier.arrive $0xFFFF  }
0x82: {  	p0 =	sne.s32 s0, $0x0;
	s0 =	rddreg [dreg:$0x3]  }
0x83: {  	s0 =	sadd.s32 @!p0 $0x100000, s0  }
0x84: {  	[sflag:s0] =	ssyncadd.tile.s32 @!p0 $0x1;
	_ =	shalt  }
.Lfunc_end2:
_tile_overlayer_lowered:
.L_overlay_start_2:
0x85: {  	(tag) =	ssettag $0x2  }
0x86: {  	s0 =	rddreg [dreg:$0x0];
	s2 =	stileid.u32  }
0x87: {  	s1 =	rddreg [dreg:$0x1];
	p0 =	sne.s32 s2, $0x0  }
0x88: {  	s3 =	rddreg [dreg:$0x2];
	[bflag:$0x3] =	sbarrier.arrive $0xFFFF;
	s2 =	simm.s32 @!p0 $0x1C01  }
0x89: {  	[timem:s3], [sflag:s2] =	dma.local @!p0 [hbm:s0], s1  }
0x8a: {  	s0 =	simm.s32 @!p0 $0x1  }
0x8b: {  	_ =	swait.ge @!p0 [sflag:s0], s1  }
0x8c: {  	s1 =	ssub.s32 @!p0 $0x0, s1;
	[sflag:s0] =	ssyncset.done @!p0 $0x0  }
0x8d: {  	[sflag:s0] =	ssyncadd.s32 @!p0 s1  }
0x8e: {  	[bflag:$0x3] =	sbarrier.arrive $0xFFFF  }
0x8f: {  	_ =	shalt  }

// kernel: kernel.22.cloned.1.call-start
scs
__scs_entry_jumppad:
0x0: {  	(pc) =	sbr.rel $0x88, $3  }
0x1: {  	(tag) =	ssettag $0x0;
	lr =	simm.s32 $0x1  }
0x2: {  	[smem:$0x3F8F] =	sst lr;
	_ =	strace $0xD0000000  }
0x3: {  	_ = 	snop  }
0x4: {  	_ = 	snop  }
0x5: {  	_ = 	snop  }
0x6: {  	_ = 	snop  }
0x7: {  	_ = 	snop  }
__scs_overlays_trampoline_lowered:
0x8: {  	[smem:$0x3F9E] =	sst s0  }
0x9: {  	[smem:$0x3F9F] =	sst s1  }
0xa: {  	[smem:$0x3FA0] =	sst s2  }
0xb: {  	[smem:$0x3FA1] =	sst s3  }
0xc: {  	[smem:$0x3FA2] =	sst s4  }
0xd: {  	[smem:$0x3FA3] =	sst s5  }
0xe: {  	[smem:$0x3FA4] =	sst s6  }
0xf: {  	[smem:$0x3FA5] =	sst s7  }
0x10: {  	[smem:$0x3FA6] =	sst s8  }
0x11: {  	[smem:$0x3FA7] =	sst s9;
	s0 =	simm.s32 @!p0 $0x0  }
0x12: {  	s1 =	sld [smem:$0x3F8D];
	s0 =	simm.s32 @p0 $0x1  }
0x13: {  	[smem:$0x3FA8] =	sst s0;
	s0 =	simm.s32 @!p1 $0x0  }
0x14: {  	s2 =	sld [smem:$0x3F8C];
	s0 =	simm.s32 @p1 $0x1  }
0x15: {  	[smem:$0x3FA9] =	sst s0;
	s0 =	simm.s32 @!p2 $0x0  }
0x16: {  	s3 =	sld [smem:$0x3FDB];
	s0 =	simm.s32 @p2 $0x1  }
0x17: {  	s4 =	simm.s32 $0x1BF5;
	[smem:$0x3FAB] =	sst s0  }
0x18: {  	s0 =	sld [smem:$0x3F8E];
	_ =	swait.ge [sflag:s4], $0x0  }
0x19: {  	s7 =	sld [smem:$0x3F8F]  }
0x1a: {  	s8 =	sadd.s32 $0xFFFFE003, lr  }
0x1b: {  	s9 =	sadd.s32 $0xFFFFFEF7, lr;
	s5 =	simm.s32 $0xFFFFFFFF;
	p2 =	slt.u32 s8, $0xFFFFF086  }
0x1c: {  	p1 =	slt.u32 s9, $0xF7A;
	s5 =	simm.s32 @!p2 $0x0  }
0x1d: {  	s5 =	simm.s32 @p1 $0x1;
	p0 =	seq.s32 s7, s2  }
0x1e: {  	s7 =	smul.u32 @!p0 $0xF7A, s2;
	p2 =	seq.s32 @!p0 s5, $0x0  }
0x1f: {  	s9 =	smul.u32 $0xF7A, s1;
	s8 =	simm.s32 @!p0 $0x1BF5;
	p2 =	por !p2, p0  }
0x20: {  	[sflag:s8] =	ssyncset.s32 @!p0 $0xFFFFF086;
	s6 =	sadd.s32 @!p0 s3, s7;
	s7 =	simm.s32 @!p0 $0x108  }
0x21: {  	s3 =	sadd.s32 s3, s9;
	s6 =	sadd.s32 @!p0 $0x88, s6;
	s7 =	simm.s32 @p2 $0x1082  }
0x22: {  	[simem:s7], [sflag:s8] =	dma.local @!p0 [hbm:s6], $0xF7A  }
0x23: {  	s9 =	sor.u32 $0xD0000000, s2;
	s6 =	simm.s32 $0x108;
	_ =	swait.ge @!p0 [sflag:s8], $0x0  }
0x24: {  	s3 =	sadd.s32 $0x88, s3;
	s6 =	simm.s32 @!p1 $0x1082;
	[sflag:s4] =	ssyncset.s32 $0xFFFFF086  }
0x25: {  	[simem:s6], [sflag:s4] =	dma.local [hbm:s3], $0xF7A  }
0x26: {  	[smem:$0x3F8F] =	sst s1;
	(tag) =	ssettag s2;
	_ =	strace s9  }
0x27: {  	s1 =	sld [smem:$0x3F9F]  }
0x28: {  	s2 =	sld [smem:$0x3FA0]  }
0x29: {  	s4 =	sld [smem:$0x3FA2]  }
0x2a: {  	p0 =	seq.s32 s5, $0x0;
	s5 =	sld [smem:$0x3FA3]  }
0x2b: {  	s6 =	sld [smem:$0x3FA4]  }
0x2c: {  	s7 =	sld [smem:$0x3FA5]  }
0x2d: {  	s3 =	simm.s32 $0x108;
	s8 =	sld [smem:$0x3FA6]  }
0x2e: {  	s3 =	simm.s32 @!p0 $0x1082;
	s9 =	sld [smem:$0x3FA7]  }
0x2f: {  	lr =	sadd.s32 s0, s3;
	s0 =	sld [smem:$0x3F9E]  }
0x30: {  	s3 =	sld [smem:$0x3FA1]  }
0x31: {  	[smem:$0x3FAA] =	sst s10  }
0x32: {  	s10 =	sld [smem:$0x3FA8];
	_ =	sdelay $0x3  }
0x33: {  	p0 =	seq.s32 s10, $0x1;
	s10 =	sld [smem:$0x3FAA];
	_ =	sdelay $0x3  }
0x34: {  	[smem:$0x3FAA] =	sst s10  }
0x35: {  	s10 =	sld [smem:$0x3FA9];
	_ =	sdelay $0x3  }
0x36: {  	p1 =	seq.s32 s10, $0x1;
	s10 =	sld [smem:$0x3FAA];
	_ =	sdelay $0x3  }
0x37: {  	[smem:$0x3FAA] =	sst s10  }
0x38: {  	s10 =	sld [smem:$0x3FAB]  }
0x39: {  	_ = 	snop;
	(pc) =	sbr.ind lr, $3  }
0x3a: {  	_ = 	snop  }
0x3b: {  	_ = 	snop  }
0x3c: {  	p2 =	seq.s32 s10, $0x1;
	s10 =	sld [smem:$0x3FAA]  }
0x3d: {  	_ =	shalt  }
0x3e: {  	_ =	shalt  }
0x3f: {  	_ =	shalt  }
0x40: {  	_ =	shalt  }
0x41: {  	_ =	shalt  }
0x42: {  	_ =	shalt  }
0x43: {  	_ =	shalt  }
0x44: {  	_ =	shalt  }
0x45: {  	_ =	shalt  }
0x46: {  	_ =	shalt  }
0x47: {  	_ =	shalt  }
0x48: {  	_ =	shalt  }
0x49: {  	_ =	shalt  }
0x4a: {  	_ =	shalt  }
0x4b: {  	_ =	shalt  }
0x4c: {  	_ =	shalt  }
0x4d: {  	_ =	shalt  }
0x4e: {  	_ =	shalt  }
0x4f: {  	_ =	shalt  }
0x50: {  	_ =	shalt  }
0x51: {  	_ =	shalt  }
0x52: {  	_ =	shalt  }
0x53: {  	_ =	shalt  }
0x54: {  	_ =	shalt  }
0x55: {  	_ =	shalt  }
0x56: {  	_ =	shalt  }
0x57: {  	_ =	shalt  }
0x58: {  	_ =	shalt  }
0x59: {  	_ =	shalt  }
0x5a: {  	_ =	shalt  }
0x5b: {  	_ =	shalt  }
0x5c: {  	_ =	shalt  }
0x5d: {  	_ =	shalt  }
0x5e: {  	_ =	shalt  }
0x5f: {  	_ =	shalt  }
0x60: {  	_ =	shalt  }
0x61: {  	_ =	shalt  }
0x62: {  	_ =	shalt  }
0x63: {  	_ =	shalt  }
0x64: {  	_ =	shalt  }
0x65: {  	_ =	shalt  }
0x66: {  	_ =	shalt  }
0x67: {  	_ =	shalt  }
0x68: {  	_ =	shalt  }
0x69: {  	_ =	shalt  }
0x6a: {  	_ =	shalt  }
0x6b: {  	_ =	shalt  }
0x6c: {  	_ =	shalt  }
0x6d: {  	_ =	shalt  }
0x6e: {  	_ =	shalt  }
0x6f: {  	_ =	shalt  }
0x70: {  	_ =	shalt  }
0x71: {  	_ =	shalt  }
0x72: {  	_ =	shalt  }
0x73: {  	_ =	shalt  }
0x74: {  	_ =	shalt  }
0x75: {  	_ =	shalt  }
0x76: {  	_ =	shalt  }
0x77: {  	_ =	shalt  }
0x78: {  	_ =	shalt  }
0x79: {  	_ =	shalt  }
0x7a: {  	_ =	shalt  }
0x7b: {  	_ =	shalt  }
0x7c: {  	_ =	shalt  }
0x7d: {  	_ =	shalt  }
0x7e: {  	_ =	shalt  }
0x7f: {  	_ =	shalt  }
0x80: {  	_ =	shalt  }
0x81: {  	_ =	shalt  }
0x82: {  	_ =	shalt  }
0x83: {  	_ =	shalt  }
0x84: {  	_ =	shalt  }
0x85: {  	_ =	shalt  }
0x86: {  	_ =	shalt  }
0x87: {  	_ =	shalt  }
.Lfunc_end0:
.L_simem_size_0:
called_computation.2_lowered:
.L_overlay_start_0:
0x88: {  	s2 =	sld [smem:$0x3FD9]  }
0x89: {  	s3 =	sld [smem:$0x3FFE];
	_ =	sdelay $0x1  }
0x8a: {  	s1 =	srdreg.scid  }
0x8b: {  	s0 =	sand.u32 $0x1, s1  }
0x8c: {  	s16 =	sshll.u32 s0, $0xA;
	s2 =	sadd.s32 s3, s2  }
0x8d: {  	s2 =	sadd.s32 s2, s16  }
0x8e: {  	[smem:$0x3FB6] =	sst s2  }
0x8f: {  	_ = 	snop  }
0x90: {  	(tm) =	ssettm $0x1  }
0x91: {  	s17 =	sld [smem:$0x3FFB];
	_ =	sdelay $0x3  }
0x92: {  	_ =	strace s17  }
0x93: {  	s2 =	sld [smem:$0x3FFC];
	_ =	sdelay $0x3  }
0x94: {  	_ =	strace s2  }
0x95: {  	s2 =	sld [smem:$0x3FFD];
	_ =	sdelay $0x3  }
0x96: {  	_ =	strace s2  }
0x97: {  	_ =	strace $0x8FFFFFFF  }
0x98: {  	s18 =	sld [smem:$0x3FDB];
	_ =	sdelay $0x1  }
0x99: {  	s19 =	simm.s32 $_scs_section_size  }
0x9a: {  	s4 =	simm.s32 $_size__tile_overlayer_lowered;
	s5 =	simm.s32 $_tile_overlayer_lowered  }
0x9b: {  	s22 =	simm.s32 $0x1BFF;
	s21 =	sshll.u32 s5, $0x1;
	s2 =	sadd.s32 s19, s18  }
0x9c: {  	s6 =	simm.s32 $0x0;
	s20 =	sshll.u32 s4, $0x1;
	s4 =	sadd.s32 s21, s2  }
0x9d: {  	[timem:s6], [sflag:s22] =	dma.local [hbm:s4], s20  }
0x9e: {  	_ =	swait.ge [sflag:s22], s20  }
0x9f: {  	s3 =	ssub.s32 $0x0, s20;
	[sflag:s22] =	ssyncset.done $0x0  }
0xa0: {  	[sflag:s22] =	ssyncadd.s32 s3;
	_ =	sdelay $0x1  }
0xa1: {  	s23 =	simm.s32 $0x1B8B  }
0xa2: {  	_ =	swait.ge [sflag:s23], $0x1  }
0xa3: {  	[sflag:s23] =	ssyncset.done $0x0  }
0xa4: {  	s25 =	simm.s32 $0x1B8E;
	s24 =	sld [smem:$0x3FFE];
	[sflag:s23] =	ssyncadd.s32 $0xFFFFFFFF  }
0xa5: {  	s26 =	simm.s32 $execute0_lowered;
	[smem:$0x3FD2] =	sst s25  }
0xa6: {  	s4 =	sshll.u32 s26, $0x1;
	_ =	strace $0x8000004C;
	[dreg:$0x1] =	wrdreg $0xFFFFFFFF  }
0xa7: {  	s28 =	simm.s32 $_size_execute0_lowered;
	s2 =	sadd.s32 s2, s4;
	[dreg:$0x0] =	wrdreg $0x0  }
0xa8: {  	s4 =	sshll.u32 s28, $0x1;
	[dreg:$0x2] =	wrdreg s2  }
0xa9: {  	[dreg:$0x3] =	wrdreg s4  }
0xaa: {  	[dreg:$0x4] =	wrdreg $0xC0  }
0xab: {  	_ =	task [dreg:s6], $0x5FFFF  }
0xac: {  	[dreg:$0x1] =	wrdreg $0xFFFFFFFF  }
0xad: {  	[dreg:$0x0] =	wrdreg $0x60  }
0xae: {  	[dreg:$0x2] =	wrdreg s24  }
0xaf: {  	[dreg:$0x3] =	wrdreg $0x9  }
0xb0: {  	_ =	task.clear_ibuf [dreg:s6], $0x4FFFF;
	_ =	strace $0x9000004C  }
0xb1: {  	s29 =	simm.s32 $0x9;
	_ =	strace $0x8000004E  }
0xb2: {  	_ =	swait.ge [sflag:s29], $0x1  }
0xb3: {  	[sflag:s29] =	ssyncadd.s32 $0xFFFFFFFF  }
0xb4: {  	_ =	strace $0x9000004E  }
0xb5: {  	_ =	sfence  }
0xb6: {  	s30 =	sld [smem:$0x0];
	_ =	sdelay $0x2  }
0xb7: {  	s31 =	sshll.u32 s1, $0xD;
	s1 =	sshrl.u32 s1, $0x2  }
0xb8: {  	s3 =	sand.u32 $0x4000, s31;
	s1 =	sadd.s32 s1, s30  }
0xb9: {  	s0 =	sor.u32 s3, s0;
	s1 =	sshll.u32 s1, $0x11  }
0xba: {  	s0 =	sor.u32 s1, s0  }
0xbb: {  	s0 =	sadd.s32 $0x8F2B, s0  }
0xbc: {  	[sflag:s0] =	ssyncadd.remote.s32 $0x1  }
0xbd: {  	_ =	sfence.sel $0xFFFF  }
0xbe: {  	[dreg:$0x0] =	wrdreg $0xFFFFFFFF;
	(pc) =	sbr.abs _section_cstart, $3  }
0xbf: {  	[dreg:$0x1] =	wrdreg $0xFFFFFFFF  }
0xc0: {  	_ =	task.clear_ibuf [dreg:s6], $0x2FFFF;
	_ =	strace $0x9FFFFFFF  }
0xc1: {  	(tm) =	ssettm $0x7FFFFFFF  }
tec
execute0_lowered:
.L_overlay_start_1:
0x0: {  	(tag) =	ssettag $0x1  }
0x1: {  	s1 =	srdreg.scid;
	s0 =	stileid.u32  }
0x2: {  	s29 =	sand.u32 $0x1, s1;
	s31 =	sshll.u32 s0, $0x1  }
0x3: {  	s30 =	sor.u32 s29, s31  }
0x4: {  	s28 =	rddreg [dreg:$0x0];
	s3 =	smul.u32 $0xA0, s30  }
0x5: {  	s2 =	simm.s32 $0x0;
	s1 =	rddreg [dreg:$0x1]  }
0x6: {  	[smem:$0x7FF] =	sst s2;
	s3 =	sadd.s32 s3, s28  }
0x7: {  	_ =	strace $0x8000004D;
	s4 =	sadd.s32 $0x4000, s3;
	s3 =	simm.s32 $0x2  }
0x8: {  	[tilespmem:s2], [sflag:$0x2] =	stream.linear.gather [hbm4b:s4+s2], $0x500, $0x38;
	[tilespmem:$0xA140] =	vst v63  }
0x9: {  	_ =	swait.ge [sflag:s3], $0x500  }
0xa: {  	s6 =	simm.s32 $0x7D;
	[sflag:s3] =	ssyncset.done $0x0  }
0xb: {  	s7 =	simm.s32 $0x500;
	s5 =	sadd.s32 $0x5400, s28;
	[sflag:s3] =	ssyncadd.s32 $0xFFFFFB00  }
0xc: {  	[tilespmem:s7], [sflag:$0x1] =	stream.indirect.gather [hbm4b:s5+s6], $0x20, s2, s6, $0xb8;
	[tilespmem:$0xA140] =	vst v63  }
0xd: {  	s8 =	simm.s32 $0x80;
	s9 =	simm.s32 $0x14A0  }
0xe: {  	[tilespmem:s9], [sflag:$0x1] =	stream.indirect.gather [hbm4b:s5+s6], $0x20, s8, s6, $0xb8;
	[tilespmem:$0xA140] =	vst v63  }
0xf: {  	s10 =	simm.s32 $0x100;
	s11 =	simm.s32 $0x2440  }
0x10: {  	[tilespmem:s11], [sflag:$0x1] =	stream.indirect.gather [hbm4b:s5+s6], $0x20, s10, s6, $0xb8;
	[tilespmem:$0xA140] =	vst v63  }
0x11: {  	s12 =	simm.s32 $0x180;
	s13 =	simm.s32 $0x33E0  }
0x12: {  	[tilespmem:s13], [sflag:$0x1] =	stream.indirect.gather [hbm4b:s5+s6], $0x20, s12, s6, $0xb8;
	[tilespmem:$0xA140] =	vst v63  }
0x13: {  	s14 =	simm.s32 $0x200;
	s15 =	simm.s32 $0x4380  }
0x14: {  	[tilespmem:s15], [sflag:$0x1] =	stream.indirect.gather [hbm4b:s5+s6], $0x20, s14, s6, $0xb8;
	[tilespmem:$0xA140] =	vst v63  }
0x15: {  	s16 =	simm.s32 $0x280;
	s17 =	simm.s32 $0x5320  }
0x16: {  	[tilespmem:s17], [sflag:$0x1] =	stream.indirect.gather [hbm4b:s5+s6], $0x20, s16, s6, $0xb8;
	[tilespmem:$0xA140] =	vst v63  }
0x17: {  	s18 =	simm.s32 $0x300;
	s19 =	simm.s32 $0x62C0  }
0x18: {  	[tilespmem:s19], [sflag:$0x1] =	stream.indirect.gather [hbm4b:s5+s6], $0x20, s18, s6, $0xb8;
	[tilespmem:$0xA140] =	vst v63  }
0x19: {  	s20 =	simm.s32 $0x380;
	s21 =	simm.s32 $0x7260  }
0x1a: {  	[tilespmem:s21], [sflag:$0x1] =	stream.indirect.gather [hbm4b:s5+s6], $0x20, s20, s6, $0xb8;
	[tilespmem:$0xA140] =	vst v63  }
0x1b: {  	s22 =	simm.s32 $0x400;
	s23 =	simm.s32 $0x8200  }
0x1c: {  	[tilespmem:s23], [sflag:$0x1] =	stream.indirect.gather [hbm4b:s5+s6], $0x20, s22, s6, $0xb8;
	[tilespmem:$0xA140] =	vst v63  }
0x1d: {  	s24 =	simm.s32 $0x480;
	s25 =	simm.s32 $0x91A0;
	s26 =	simm.s32 $0x1  }
0x1e: {  	[tilespmem:s25], [sflag:$0x1] =	stream.indirect.gather [hbm4b:s5+s6], $0x20, s24, s6, $0xb8;
	[tilespmem:$0xA140] =	vst v63  }
0x1f: {  	_ =	swait.ge [sflag:s26], $0xFA0  }
0x20: {  	[sflag:s26] =	ssyncset.done $0x0  }
0x21: {  	[sflag:s26] =	ssyncadd.s32 $0xFFFFF060  }
0x22: {  	_ =	swait.ge [sflag:s26], $0xFA0  }
0x23: {  	[sflag:s26] =	ssyncset.done $0x0  }
0x24: {  	[sflag:s26] =	ssyncadd.s32 $0xFFFFF060  }
0x25: {  	_ =	swait.ge [sflag:s26], $0xFA0  }
0x26: {  	[sflag:s26] =	ssyncset.done $0x0  }
0x27: {  	[sflag:s26] =	ssyncadd.s32 $0xFFFFF060  }
0x28: {  	_ =	swait.ge [sflag:s26], $0xFA0  }
0x29: {  	[sflag:s26] =	ssyncset.done $0x0  }
0x2a: {  	[sflag:s26] =	ssyncadd.s32 $0xFFFFF060  }
0x2b: {  	_ =	swait.ge [sflag:s26], $0xFA0  }
0x2c: {  	[sflag:s26] =	ssyncset.done $0x0  }
0x2d: {  	[sflag:s26] =	ssyncadd.s32 $0xFFFFF060  }
0x2e: {  	_ =	swait.ge [sflag:s26], $0xFA0  }
0x2f: {  	[sflag:s26] =	ssyncset.done $0x0  }
0x30: {  	[sflag:s26] =	ssyncadd.s32 $0xFFFFF060  }
0x31: {  	_ =	swait.ge [sflag:s26], $0xFA0  }
0x32: {  	[sflag:s26] =	ssyncset.done $0x0  }
0x33: {  	[sflag:s26] =	ssyncadd.s32 $0xFFFFF060  }
0x34: {  	_ =	swait.ge [sflag:s26], $0xFA0  }
0x35: {  	[sflag:s26] =	ssyncset.done $0x0  }
0x36: {  	s29 =	ssub.s32 $0x2, s29;
	[sflag:s26] =	ssyncadd.s32 $0xFFFFF060  }
0x37: {  	s31 =	sshrl.u32 s29, $0x1;
	_ =	swait.ge [sflag:s26], $0xFA0  }
0x38: {  	s29 =	ssub.s32 s29, s31;
	[sflag:s26] =	ssyncset.done $0x0  }
0x39: {  	s30 =	smul.u32 $0x1388, s30;
	s29 =	smax.u32 s29, $0x1;
	[sflag:s26] =	ssyncadd.s32 $0xFFFFF060  }
0x3a: {  	p0 =	sne.s32 s29, $0x1;
	_ =	swait.ge [sflag:s26], $0xFA0  }
.Ltmp0:
0x3b: {  	s28 =	sadd.s32 s30, s28;
	[sflag:s26] =	ssyncset.done $0x0;
	(pc) =	sbr.rel @!p0 .LBB2_2-.Ltmp0, $4  }
0x3c: {  	s28 =	sadd.s32 $0xF200, s28;
	[sflag:s26] =	ssyncadd.s32 $0xFFFFF060  }
0x3d: {  	[hbm4b:s28+s2] =	stream.linear.scatter [tilespmem:s7], [sflag:$0x2], $0x9C40, $0x38;
	[tilespmem:$0xA140] =	vst v63  }
0x3e: {  	_ =	swait.ge [sflag:s3], $0x9C40  }
0x3f: {  	s29 =	sadd.s32 $0xFFFFFFFF, s29;
	[sflag:s3] =	ssyncset.done $0x0  }
.LBB2_1:
0x40: {  	p0 =	sne.s32 s29, $0x1;
	s29 =	sadd.s32 $0xFFFFFFFF, s29;
	[sflag:s3] =	ssyncadd.s32 $0xFFFF63C0  }
0x41: {  	[tilespmem:s2], [sflag:$0x2] =	stream.linear.gather [hbm4b:s4+s2], $0x500, $0x38;
	[tilespmem:$0xA140] =	vst v63  }
0x42: {  	_ =	swait.ge [sflag:s3], $0x500  }
0x43: {  	[sflag:s3] =	ssyncset.done $0x0  }
0x44: {  	[sflag:s3] =	ssyncadd.s32 $0xFFFFFB00  }
0x45: {  	[tilespmem:s7], [sflag:$0x1] =	stream.indirect.gather [hbm4b:s5+s6], $0x20, s2, s6, $0xb8;
	[tilespmem:$0xA140] =	vst v63  }
0x46: {  	_ = 	snop  }
0x47: {  	[tilespmem:s9], [sflag:$0x1] =	stream.indirect.gather [hbm4b:s5+s6], $0x20, s8, s6, $0xb8;
	[tilespmem:$0xA140] =	vst v63  }
0x48: {  	_ = 	snop  }
0x49: {  	[tilespmem:s11], [sflag:$0x1] =	stream.indirect.gather [hbm4b:s5+s6], $0x20, s10, s6, $0xb8;
	[tilespmem:$0xA140] =	vst v63  }
0x4a: {  	_ = 	snop  }
0x4b: {  	[tilespmem:s13], [sflag:$0x1] =	stream.indirect.gather [hbm4b:s5+s6], $0x20, s12, s6, $0xb8;
	[tilespmem:$0xA140] =	vst v63  }
0x4c: {  	_ = 	snop  }
0x4d: {  	[tilespmem:s15], [sflag:$0x1] =	stream.indirect.gather [hbm4b:s5+s6], $0x20, s14, s6, $0xb8;
	[tilespmem:$0xA140] =	vst v63  }
0x4e: {  	_ = 	snop  }
0x4f: {  	[tilespmem:s17], [sflag:$0x1] =	stream.indirect.gather [hbm4b:s5+s6], $0x20, s16, s6, $0xb8;
	[tilespmem:$0xA140] =	vst v63  }
0x50: {  	_ = 	snop  }
0x51: {  	[tilespmem:s19], [sflag:$0x1] =	stream.indirect.gather [hbm4b:s5+s6], $0x20, s18, s6, $0xb8;
	[tilespmem:$0xA140] =	vst v63  }
0x52: {  	_ = 	snop  }
0x53: {  	[tilespmem:s21], [sflag:$0x1] =	stream.indirect.gather [hbm4b:s5+s6], $0x20, s20, s6, $0xb8;
	[tilespmem:$0xA140] =	vst v63  }
0x54: {  	_ = 	snop  }
0x55: {  	[tilespmem:s23], [sflag:$0x1] =	stream.indirect.gather [hbm4b:s5+s6], $0x20, s22, s6, $0xb8;
	[tilespmem:$0xA140] =	vst v63  }
0x56: {  	_ = 	snop  }
0x57: {  	[tilespmem:s25], [sflag:$0x1] =	stream.indirect.gather [hbm4b:s5+s6], $0x20, s24, s6, $0xb8;
	[tilespmem:$0xA140] =	vst v63  }
0x58: {  	_ =	swait.ge [sflag:s26], $0xFA0  }
0x59: {  	[sflag:s26] =	ssyncset.done $0x0  }
0x5a: {  	[sflag:s26] =	ssyncadd.s32 $0xFFFFF060  }
0x5b: {  	_ =	swait.ge [sflag:s26], $0xFA0  }
0x5c: {  	[sflag:s26] =	ssyncset.done $0x0  }
0x5d: {  	[sflag:s26] =	ssyncadd.s32 $0xFFFFF060  }
0x5e: {  	_ =	swait.ge [sflag:s26], $0xFA0  }
0x5f: {  	[sflag:s26] =	ssyncset.done $0x0  }
0x60: {  	[sflag:s26] =	ssyncadd.s32 $0xFFFFF060  }
0x61: {  	_ =	swait.ge [sflag:s26], $0xFA0  }
0x62: {  	[sflag:s26] =	ssyncset.done $0x0  }
0x63: {  	[sflag:s26] =	ssyncadd.s32 $0xFFFFF060  }
0x64: {  	_ =	swait.ge [sflag:s26], $0xFA0  }
0x65: {  	[sflag:s26] =	ssyncset.done $0x0  }
0x66: {  	[sflag:s26] =	ssyncadd.s32 $0xFFFFF060  }
0x67: {  	_ =	swait.ge [sflag:s26], $0xFA0  }
0x68: {  	[sflag:s26] =	ssyncset.done $0x0  }
0x69: {  	[sflag:s26] =	ssyncadd.s32 $0xFFFFF060  }
0x6a: {  	_ =	swait.ge [sflag:s26], $0xFA0  }
0x6b: {  	[sflag:s26] =	ssyncset.done $0x0  }
0x6c: {  	[sflag:s26] =	ssyncadd.s32 $0xFFFFF060  }
0x6d: {  	_ =	swait.ge [sflag:s26], $0xFA0  }
0x6e: {  	[sflag:s26] =	ssyncset.done $0x0  }
0x6f: {  	[sflag:s26] =	ssyncadd.s32 $0xFFFFF060  }
0x70: {  	_ =	swait.ge [sflag:s26], $0xFA0  }
0x71: {  	[sflag:s26] =	ssyncset.done $0x0  }
0x72: {  	[sflag:s26] =	ssyncadd.s32 $0xFFFFF060  }
0x73: {  	_ =	swait.ge [sflag:s26], $0xFA0  }
.Ltmp1:
0x74: {  	[sflag:s26] =	ssyncset.done $0x0;
	(pc) =	sbr.rel @p0 .LBB2_1-.Ltmp1, $4  }
0x75: {  	[sflag:s26] =	ssyncadd.s32 $0xFFFFF060  }
0x76: {  	[hbm4b:s28+s2] =	stream.linear.scatter [tilespmem:s7], [sflag:$0x2], $0x9C40, $0x38;
	[tilespmem:$0xA140] =	vst v63  }
0x77: {  	_ =	swait.ge [sflag:s3], $0x9C40  }
0x78: {  	[sflag:s3] =	ssyncset.done $0x0  }
.LBB2_2:
0x79: {  	[sflag:s3] =	ssyncadd.s32 $0xFFFF63C0  }
0x7a: {  	_ =	sfence.sel $0x180000  }
0x7b: {  	[bflag:$0x0] =	sbarrier.arrive $0xFFFF  }
0x7c: {  	p0 =	sne.s32 s0, $0x0;
	_ =	strace $0x9000004D  }
0x7d: {  	s0 =	sadd.s32 @!p0 $0x100000, s1;
	[bflag:$0x2] =	sbarrier.arrive $0xFFFF  }
0x7e: {  	[sflag:s0] =	ssyncadd.tile.s32 @!p0 $0x1;
	_ =	shalt  }
.Lfunc_end2:
_tile_overlayer_lowered:
.L_overlay_start_2:
0x7f: {  	(tag) =	ssettag $0x2  }
0x80: {  	s0 =	rddreg [dreg:$0x0];
	s2 =	stileid.u32  }
0x81: {  	s1 =	rddreg [dreg:$0x1];
	p0 =	sne.s32 s2, $0x0  }
0x82: {  	s3 =	rddreg [dreg:$0x2];
	[bflag:$0x3] =	sbarrier.arrive $0xFFFF;
	s2 =	simm.s32 @!p0 $0x1C02  }
0x83: {  	[timem:s3], [sflag:s2] =	dma.local @!p0 [hbm:s0], s1  }
0x84: {  	s0 =	simm.s32 @!p0 $0x2  }
0x85: {  	_ =	swait.ge @!p0 [sflag:s0], s1  }
0x86: {  	s1 =	ssub.s32 @!p0 $0x0, s1;
	[sflag:s0] =	ssyncset.done @!p0 $0x0  }
0x87: {  	[sflag:s0] =	ssyncadd.s32 @!p0 s1  }
0x88: {  	[bflag:$0x3] =	sbarrier.arrive $0xFFFF  }
0x89: {  	_ =	shalt  }

// kernel: kernel.25.cloned.1.call-start
scs
__scs_entry_jumppad:
0x0: {  	(pc) =	sbr.rel $0x88, $3  }
0x1: {  	(tag) =	ssettag $0x0;
	lr =	simm.s32 $0x1  }
0x2: {  	[smem:$0x3F8F] =	sst lr;
	_ =	strace $0xD0000000  }
0x3: {  	_ = 	snop  }
0x4: {  	_ = 	snop  }
0x5: {  	_ = 	snop  }
0x6: {  	_ = 	snop  }
0x7: {  	_ = 	snop  }
__scs_overlays_trampoline_lowered:
0x8: {  	[smem:$0x3F9E] =	sst s0  }
0x9: {  	[smem:$0x3F9F] =	sst s1  }
0xa: {  	[smem:$0x3FA0] =	sst s2  }
0xb: {  	[smem:$0x3FA1] =	sst s3  }
0xc: {  	[smem:$0x3FA2] =	sst s4  }
0xd: {  	[smem:$0x3FA3] =	sst s5  }
0xe: {  	[smem:$0x3FA4] =	sst s6  }
0xf: {  	[smem:$0x3FA5] =	sst s7  }
0x10: {  	[smem:$0x3FA6] =	sst s8  }
0x11: {  	[smem:$0x3FA7] =	sst s9;
	s0 =	simm.s32 @!p0 $0x0  }
0x12: {  	s1 =	sld [smem:$0x3F8D];
	s0 =	simm.s32 @p0 $0x1  }
0x13: {  	[smem:$0x3FA8] =	sst s0;
	s0 =	simm.s32 @!p1 $0x0  }
0x14: {  	s2 =	sld [smem:$0x3F8C];
	s0 =	simm.s32 @p1 $0x1  }
0x15: {  	[smem:$0x3FA9] =	sst s0;
	s0 =	simm.s32 @!p2 $0x0  }
0x16: {  	s3 =	sld [smem:$0x3FDB];
	s0 =	simm.s32 @p2 $0x1  }
0x17: {  	s4 =	simm.s32 $0x1BF5;
	[smem:$0x3FAB] =	sst s0  }
0x18: {  	s0 =	sld [smem:$0x3F8E];
	_ =	swait.ge [sflag:s4], $0x0  }
0x19: {  	s7 =	sld [smem:$0x3F8F]  }
0x1a: {  	s8 =	sadd.s32 $0xFFFFE003, lr  }
0x1b: {  	s9 =	sadd.s32 $0xFFFFFEF7, lr;
	s5 =	simm.s32 $0xFFFFFFFF;
	p2 =	slt.u32 s8, $0xFFFFF086  }
0x1c: {  	p1 =	slt.u32 s9, $0xF7A;
	s5 =	simm.s32 @!p2 $0x0  }
0x1d: {  	s5 =	simm.s32 @p1 $0x1;
	p0 =	seq.s32 s7, s2  }
0x1e: {  	s7 =	smul.u32 @!p0 $0xF7A, s2;
	p2 =	seq.s32 @!p0 s5, $0x0  }
0x1f: {  	s9 =	smul.u32 $0xF7A, s1;
	s8 =	simm.s32 @!p0 $0x1BF5;
	p2 =	por !p2, p0  }
0x20: {  	[sflag:s8] =	ssyncset.s32 @!p0 $0xFFFFF086;
	s6 =	sadd.s32 @!p0 s3, s7;
	s7 =	simm.s32 @!p0 $0x108  }
0x21: {  	s3 =	sadd.s32 s3, s9;
	s6 =	sadd.s32 @!p0 $0x88, s6;
	s7 =	simm.s32 @p2 $0x1082  }
0x22: {  	[simem:s7], [sflag:s8] =	dma.local @!p0 [hbm:s6], $0xF7A  }
0x23: {  	s9 =	sor.u32 $0xD0000000, s2;
	s6 =	simm.s32 $0x108;
	_ =	swait.ge @!p0 [sflag:s8], $0x0  }
0x24: {  	s3 =	sadd.s32 $0x88, s3;
	s6 =	simm.s32 @!p1 $0x1082;
	[sflag:s4] =	ssyncset.s32 $0xFFFFF086  }
0x25: {  	[simem:s6], [sflag:s4] =	dma.local [hbm:s3], $0xF7A  }
0x26: {  	[smem:$0x3F8F] =	sst s1;
	(tag) =	ssettag s2;
	_ =	strace s9  }
0x27: {  	s1 =	sld [smem:$0x3F9F]  }
0x28: {  	s2 =	sld [smem:$0x3FA0]  }
0x29: {  	s4 =	sld [smem:$0x3FA2]  }
0x2a: {  	p0 =	seq.s32 s5, $0x0;
	s5 =	sld [smem:$0x3FA3]  }
0x2b: {  	s6 =	sld [smem:$0x3FA4]  }
0x2c: {  	s7 =	sld [smem:$0x3FA5]  }
0x2d: {  	s3 =	simm.s32 $0x108;
	s8 =	sld [smem:$0x3FA6]  }
0x2e: {  	s3 =	simm.s32 @!p0 $0x1082;
	s9 =	sld [smem:$0x3FA7]  }
0x2f: {  	lr =	sadd.s32 s0, s3;
	s0 =	sld [smem:$0x3F9E]  }
0x30: {  	s3 =	sld [smem:$0x3FA1]  }
0x31: {  	[smem:$0x3FAA] =	sst s10  }
0x32: {  	s10 =	sld [smem:$0x3FA8];
	_ =	sdelay $0x3  }
0x33: {  	p0 =	seq.s32 s10, $0x1;
	s10 =	sld [smem:$0x3FAA];
	_ =	sdelay $0x3  }
0x34: {  	[smem:$0x3FAA] =	sst s10  }
0x35: {  	s10 =	sld [smem:$0x3FA9];
	_ =	sdelay $0x3  }
0x36: {  	p1 =	seq.s32 s10, $0x1;
	s10 =	sld [smem:$0x3FAA];
	_ =	sdelay $0x3  }
0x37: {  	[smem:$0x3FAA] =	sst s10  }
0x38: {  	s10 =	sld [smem:$0x3FAB]  }
0x39: {  	_ = 	snop;
	(pc) =	sbr.ind lr, $3  }
0x3a: {  	_ = 	snop  }
0x3b: {  	_ = 	snop  }
0x3c: {  	p2 =	seq.s32 s10, $0x1;
	s10 =	sld [smem:$0x3FAA]  }
0x3d: {  	_ =	shalt  }
0x3e: {  	_ =	shalt  }
0x3f: {  	_ =	shalt  }
0x40: {  	_ =	shalt  }
0x41: {  	_ =	shalt  }
0x42: {  	_ =	shalt  }
0x43: {  	_ =	shalt  }
0x44: {  	_ =	shalt  }
0x45: {  	_ =	shalt  }
0x46: {  	_ =	shalt  }
0x47: {  	_ =	shalt  }
0x48: {  	_ =	shalt  }
0x49: {  	_ =	shalt  }
0x4a: {  	_ =	shalt  }
0x4b: {  	_ =	shalt  }
0x4c: {  	_ =	shalt  }
0x4d: {  	_ =	shalt  }
0x4e: {  	_ =	shalt  }
0x4f: {  	_ =	shalt  }
0x50: {  	_ =	shalt  }
0x51: {  	_ =	shalt  }
0x52: {  	_ =	shalt  }
0x53: {  	_ =	shalt  }
0x54: {  	_ =	shalt  }
0x55: {  	_ =	shalt  }
0x56: {  	_ =	shalt  }
0x57: {  	_ =	shalt  }
0x58: {  	_ =	shalt  }
0x59: {  	_ =	shalt  }
0x5a: {  	_ =	shalt  }
0x5b: {  	_ =	shalt  }
0x5c: {  	_ =	shalt  }
0x5d: {  	_ =	shalt  }
0x5e: {  	_ =	shalt  }
0x5f: {  	_ =	shalt  }
0x60: {  	_ =	shalt  }
0x61: {  	_ =	shalt  }
0x62: {  	_ =	shalt  }
0x63: {  	_ =	shalt  }
0x64: {  	_ =	shalt  }
0x65: {  	_ =	shalt  }
0x66: {  	_ =	shalt  }
0x67: {  	_ =	shalt  }
0x68: {  	_ =	shalt  }
0x69: {  	_ =	shalt  }
0x6a: {  	_ =	shalt  }
0x6b: {  	_ =	shalt  }
0x6c: {  	_ =	shalt  }
0x6d: {  	_ =	shalt  }
0x6e: {  	_ =	shalt  }
0x6f: {  	_ =	shalt  }
0x70: {  	_ =	shalt  }
0x71: {  	_ =	shalt  }
0x72: {  	_ =	shalt  }
0x73: {  	_ =	shalt  }
0x74: {  	_ =	shalt  }
0x75: {  	_ =	shalt  }
0x76: {  	_ =	shalt  }
0x77: {  	_ =	shalt  }
0x78: {  	_ =	shalt  }
0x79: {  	_ =	shalt  }
0x7a: {  	_ =	shalt  }
0x7b: {  	_ =	shalt  }
0x7c: {  	_ =	shalt  }
0x7d: {  	_ =	shalt  }
0x7e: {  	_ =	shalt  }
0x7f: {  	_ =	shalt  }
0x80: {  	_ =	shalt  }
0x81: {  	_ =	shalt  }
0x82: {  	_ =	shalt  }
0x83: {  	_ =	shalt  }
0x84: {  	_ =	shalt  }
0x85: {  	_ =	shalt  }
0x86: {  	_ =	shalt  }
0x87: {  	_ =	shalt  }
.Lfunc_end0:
.L_simem_size_0:
called_computation.3_lowered:
.L_overlay_start_0:
0x88: {  	s2 =	sld [smem:$0x3FD9]  }
0x89: {  	s3 =	sld [smem:$0x3FFE];
	_ =	sdelay $0x1  }
0x8a: {  	s1 =	srdreg.scid  }
0x8b: {  	s0 =	sand.u32 $0x1, s1  }
0x8c: {  	s14 =	sshll.u32 s0, $0xA;
	s2 =	sadd.s32 s3, s2  }
0x8d: {  	s2 =	sadd.s32 s2, s14  }
0x8e: {  	[smem:$0x3FB6] =	sst s2  }
0x8f: {  	_ = 	snop  }
0x90: {  	s2 =	sld [smem:$0x3FD0];
	_ =	sdelay $0x2  }
0x91: {  	s15 =	simm.s32 $0xA;
	s4 =	simm.s32 $0x10  }
0x92: {  	[smem:s4], [sflag:s15] =	dma.local [hbm:s2], $0x1  }
0x93: {  	_ =	swait.eq [sflag:s15], $0x1  }
0x94: {  	[sflag:s15] =	ssyncset.done $0x0  }
0x95: {  	[sflag:s15] =	ssyncadd.s32 $0xFFFFFFFF  }
0x96: {  	s16 =	sld [smem:$0x10];
	(tm) =	ssettm $0x1  }
0x97: {  	s17 =	sld [smem:$0x3FFB];
	_ =	sdelay $0x3  }
0x98: {  	_ =	strace s17  }
0x99: {  	s3 =	sld [smem:$0x3FFC];
	_ =	sdelay $0x3  }
0x9a: {  	_ =	strace s3  }
0x9b: {  	s3 =	sld [smem:$0x3FFD];
	_ =	sdelay $0x3  }
0x9c: {  	_ =	strace s3  }
0x9d: {  	_ =	strace $0x8FFFFFFF  }
0x9e: {  	s18 =	sld [smem:$0x3FDB];
	_ =	sdelay $0x1  }
0x9f: {  	s19 =	simm.s32 $_scs_section_size  }
0xa0: {  	s5 =	simm.s32 $_size__tile_overlayer_lowered;
	s6 =	simm.s32 $_tile_overlayer_lowered  }
0xa1: {  	s22 =	simm.s32 $0x1BFF;
	s21 =	sshll.u32 s6, $0x1;
	s3 =	sadd.s32 s19, s18  }
0xa2: {  	s7 =	simm.s32 $0x0;
	s20 =	sshll.u32 s5, $0x1;
	s5 =	sadd.s32 s21, s3  }
0xa3: {  	[timem:s7], [sflag:s22] =	dma.local [hbm:s5], s20  }
0xa4: {  	_ =	swait.ge [sflag:s22], s20  }
0xa5: {  	s4 =	ssub.s32 $0x0, s20;
	[sflag:s22] =	ssyncset.done $0x0  }
0xa6: {  	[sflag:s22] =	ssyncadd.s32 s4;
	_ =	sdelay $0x1  }
0xa7: {  	s23 =	simm.s32 $0x1B8B  }
0xa8: {  	_ =	swait.ge [sflag:s23], $0x1  }
0xa9: {  	[sflag:s23] =	ssyncset.done $0x0  }
0xaa: {  	s25 =	simm.s32 $0x1B8E;
	s24 =	sld [smem:$0x3FFE];
	[sflag:s23] =	ssyncadd.s32 $0xFFFFFFFF  }
0xab: {  	s26 =	simm.s32 $execute0_lowered;
	[smem:$0x3FD2] =	sst s25  }
0xac: {  	s5 =	sshll.u32 s26, $0x1;
	_ =	strace $0x8000004F;
	[dreg:$0x1] =	wrdreg $0xFFFFFFFF  }
0xad: {  	s28 =	simm.s32 $_size_execute0_lowered;
	s3 =	sadd.s32 s3, s5;
	[dreg:$0x0] =	wrdreg $0x0  }
0xae: {  	s5 =	sshll.u32 s28, $0x1;
	[dreg:$0x2] =	wrdreg s3  }
0xaf: {  	[dreg:$0x3] =	wrdreg s5  }
0xb0: {  	[dreg:$0x4] =	wrdreg $0xC0  }
0xb1: {  	_ =	task [dreg:s7], $0x5FFFF  }
0xb2: {  	[dreg:$0x1] =	wrdreg $0xFFFFFFFF  }
0xb3: {  	[dreg:$0x0] =	wrdreg $0x60  }
0xb4: {  	[dreg:$0x2] =	wrdreg s24  }
0xb5: {  	[dreg:$0x3] =	wrdreg s16  }
0xb6: {  	[dreg:$0x4] =	wrdreg $0xA1400  }
0xb7: {  	[dreg:$0x5] =	wrdreg $0x9  }
0xb8: {  	_ =	task.clear_ibuf [dreg:s7], $0x6FFFF;
	_ =	strace $0x9000004F  }
0xb9: {  	s29 =	simm.s32 $0x9;
	_ =	strace $0x80000051  }
0xba: {  	_ =	swait.ge [sflag:s29], $0x1  }
0xbb: {  	[sflag:s29] =	ssyncadd.s32 $0xFFFFFFFF  }
0xbc: {  	_ =	strace $0x90000051  }
0xbd: {  	_ =	sfence  }
0xbe: {  	s30 =	sld [smem:$0x0];
	_ =	sdelay $0x2  }
0xbf: {  	s31 =	sshll.u32 s1, $0xD;
	s1 =	sshrl.u32 s1, $0x2  }
0xc0: {  	s3 =	sand.u32 $0x4000, s31;
	s1 =	sadd.s32 s1, s30  }
0xc1: {  	s0 =	sor.u32 s3, s0;
	s1 =	sshll.u32 s1, $0x11  }
0xc2: {  	s0 =	sor.u32 s1, s0  }
0xc3: {  	s0 =	sadd.s32 $0x8F2B, s0  }
0xc4: {  	[sflag:s0] =	ssyncadd.remote.s32 $0x1  }
0xc5: {  	_ =	sfence.sel $0xFFFF  }
0xc6: {  	[dreg:$0x0] =	wrdreg $0xFFFFFFFF;
	(pc) =	sbr.abs _section_cstart, $3  }
0xc7: {  	[dreg:$0x1] =	wrdreg $0xFFFFFFFF  }
0xc8: {  	_ =	task.clear_ibuf [dreg:s7], $0x2FFFF;
	_ =	strace $0x9FFFFFFF  }
0xc9: {  	(tm) =	ssettm $0x7FFFFFFF  }
tec
execute0_lowered:
.L_overlay_start_1:
0x0: {  	(tag) =	ssettag $0x1  }
0x1: {  	s30 =	rddreg [dreg:$0x0]  }
0x2: {  	s1 =	rddreg [dreg:$0x1]  }
0x3: {  	s0 =	stileid.u32;
	s2 =	rddreg [dreg:$0x2]  }
0x4: {  	s3 =	simm.s32 $0x0;
	s5 =	srdreg.scid;
	s31 =	smul.u32 $0x4E20, s0  }
0x5: {  	[smem:$0x7FF] =	sst s3;
	s22 =	sshll.u32 s0, $0x1;
	s24 =	sshll.u32 s0, $0x6  }
0x6: {  	_ =	strace $0x80000050;
	s4 =	sshrl.u32 s31, $0x3;
	s23 =	sadd.s32 s31, s2  }
0x7: {  	s4 =	sadd.s32 s1, s4;
	s1 =	sand.u32 $0x1, s5;
	s5 =	sor.u32 $0x1C01, s24  }
0x8: {  	s6 =	sshrl.u32 s23, $0x3;
	[dreg:$0x4] =	wrdreg s4;
	s7 =	sor.u32 s1, s22  }
0x9: {  	s4 =	simm.s32 $0x1;
	s8 =	rddreg [dreg:$0x4];
	s9 =	smul.u32 $0xA0, s7  }
0xa: {  	[spmem:s6], [sflag:s5] =	dma.local [hbm:s8], $0x9C4  }
0xb: {  	_ =	swait.ge [sflag:s4], $0x9C4  }
0xc: {  	s25 =	sadd.s32 s9, s30;
	[sflag:s4] =	ssyncset.done $0x0  }
0xd: {  	s26 =	smul.u32 $0x1388, s7;
	s7 =	sadd.s32 $0x12A600, s25;
	[sflag:s4] =	ssyncadd.s32 $0xFFFFF63C  }
0xe: {  	[tilespmem:s3], [sflag:$0x1] =	stream.linear.gather [hbm4b:s7+s3], $0x500, $0x38;
	[tilespmem:$0xEF60] =	vst v63  }
0xf: {  	_ =	swait.ge [sflag:s4], $0x500  }
0x10: {  	s0 =	sadd.s32 s26, s30;
	[sflag:s4] =	ssyncset.done $0x0  }
0x11: {  	s9 =	simm.s32 $0x500;
	s8 =	sadd.s32 $0x5400, s0;
	[sflag:s4] =	ssyncadd.s32 $0xFFFFFB00  }
0x12: {  	[tilespmem:s9], [sflag:$0x1] =	stream.linear.gather [hbm4b:s8+s3], $0x9C40, $0x38;
	[tilespmem:$0xEF60] =	vst v63  }
0x13: {  	_ =	swait.ge [sflag:s4], $0x9C40  }
0x14: {  	[sflag:s4] =	ssyncset.done $0x0  }
0x15: {  	[sflag:s4] =	ssyncadd.s32 $0xFFFF63C0  }
0x16: {  	s10 =	simm.s32 $0x7D;
	[bflag:$0x0] =	sbarrier.arrive $0xFFFF  }
0x17: {  	[spmem:s2] =	stream.indirect.scatter.add.f32 [tilespmem:s9], [sflag:$0x1], $0x20, s3, s10, $0xb8;
	[tilespmem:$0xEF60] =	vst v63  }
0x18: {  	_ =	swait.ge [sflag:s4], $0xFA0  }
0x19: {  	[sflag:s4] =	ssyncset.done $0x0  }
0x1a: {  	s11 =	simm.s32 $0x80;
	s12 =	simm.s32 $0x14A0;
	[sflag:s4] =	ssyncadd.s32 $0xFFFFF060  }
0x1b: {  	[spmem:s2] =	stream.indirect.scatter.add.f32 [tilespmem:s12], [sflag:$0x1], $0x20, s11, s10, $0xb8;
	[tilespmem:$0xEF60] =	vst v63  }
0x1c: {  	_ =	swait.ge [sflag:s4], $0xFA0  }
0x1d: {  	[sflag:s4] =	ssyncset.done $0x0  }
0x1e: {  	s13 =	simm.s32 $0x100;
	s14 =	simm.s32 $0x2440;
	[sflag:s4] =	ssyncadd.s32 $0xFFFFF060  }
0x1f: {  	[spmem:s2] =	stream.indirect.scatter.add.f32 [tilespmem:s14], [sflag:$0x1], $0x20, s13, s10, $0xb8;
	[tilespmem:$0xEF60] =	vst v63  }
0x20: {  	_ =	swait.ge [sflag:s4], $0xFA0  }
0x21: {  	[sflag:s4] =	ssyncset.done $0x0  }
0x22: {  	s15 =	simm.s32 $0x180;
	s16 =	simm.s32 $0x33E0;
	[sflag:s4] =	ssyncadd.s32 $0xFFFFF060  }
0x23: {  	[spmem:s2] =	stream.indirect.scatter.add.f32 [tilespmem:s16], [sflag:$0x1], $0x20, s15, s10, $0xb8;
	[tilespmem:$0xEF60] =	vst v63  }
0x24: {  	_ =	swait.ge [sflag:s4], $0xFA0  }
0x25: {  	[sflag:s4] =	ssyncset.done $0x0  }
0x26: {  	s17 =	simm.s32 $0x200;
	s18 =	simm.s32 $0x4380;
	[sflag:s4] =	ssyncadd.s32 $0xFFFFF060  }
0x27: {  	[spmem:s2] =	stream.indirect.scatter.add.f32 [tilespmem:s18], [sflag:$0x1], $0x20, s17, s10, $0xb8;
	[tilespmem:$0xEF60] =	vst v63  }
0x28: {  	_ =	swait.ge [sflag:s4], $0xFA0  }
0x29: {  	[sflag:s4] =	ssyncset.done $0x0  }
0x2a: {  	s19 =	simm.s32 $0x280;
	s20 =	simm.s32 $0x5320;
	[sflag:s4] =	ssyncadd.s32 $0xFFFFF060  }
0x2b: {  	[spmem:s2] =	stream.indirect.scatter.add.f32 [tilespmem:s20], [sflag:$0x1], $0x20, s19, s10, $0xb8;
	[tilespmem:$0xEF60] =	vst v63  }
0x2c: {  	_ =	swait.ge [sflag:s4], $0xFA0  }
0x2d: {  	[sflag:s4] =	ssyncset.done $0x0  }
0x2e: {  	s21 =	simm.s32 $0x300;
	s22 =	simm.s32 $0x62C0;
	[sflag:s4] =	ssyncadd.s32 $0xFFFFF060  }
0x2f: {  	[spmem:s2] =	stream.indirect.scatter.add.f32 [tilespmem:s22], [sflag:$0x1], $0x20, s21, s10, $0xb8;
	[tilespmem:$0xEF60] =	vst v63  }
0x30: {  	_ =	swait.ge [sflag:s4], $0xFA0  }
0x31: {  	[sflag:s4] =	ssyncset.done $0x0  }
0x32: {  	s23 =	simm.s32 $0x380;
	s24 =	simm.s32 $0x7260;
	[sflag:s4] =	ssyncadd.s32 $0xFFFFF060  }
0x33: {  	[spmem:s2] =	stream.indirect.scatter.add.f32 [tilespmem:s24], [sflag:$0x1], $0x20, s23, s10, $0xb8;
	[tilespmem:$0xEF60] =	vst v63  }
0x34: {  	_ =	swait.ge [sflag:s4], $0xFA0  }
0x35: {  	s26 =	simm.s32 $0x8200;
	s25 =	simm.s32 $0x400;
	[sflag:s4] =	ssyncset.done $0x0  }
0x36: {  	s0 =	smul.u32 $0x4E200, s1;
	s1 =	ssub.s32 $0x2, s1;
	[sflag:s4] =	ssyncadd.s32 $0xFFFFF060  }
0x37: {  	[spmem:s2] =	stream.indirect.scatter.add.f32 [tilespmem:s26], [sflag:$0x1], $0x20, s25, s10, $0xb8;
	[tilespmem:$0xEF60] =	vst v63  }
0x38: {  	s0 =	sadd.s32 s31, s0;
	s31 =	sshrl.u32 s1, $0x1;
	_ =	swait.ge [sflag:s4], $0xFA0  }
0x39: {  	s28 =	simm.s32 $0x480;
	s1 =	ssub.s32 s1, s31;
	[sflag:s4] =	ssyncset.done $0x0  }
0x3a: {  	s29 =	simm.s32 $0x91A0;
	s1 =	smax.u32 s1, $0x1;
	[sflag:s4] =	ssyncadd.s32 $0xFFFFF060  }
0x3b: {  	[spmem:s2] =	stream.indirect.scatter.add.f32 [tilespmem:s29], [sflag:$0x1], $0x20, s28, s10, $0xb8;
	[tilespmem:$0xEF60] =	vst v63  }
0x3c: {  	p0 =	sne.s32 s1, $0x1;
	_ =	swait.ge [sflag:s4], $0xFA0  }
.Ltmp0:
0x3d: {  	s0 =	sshrl.u32 s0, $0x3;
	[sflag:s4] =	ssyncset.done $0x0;
	(pc) =	sbr.rel @!p0 .LBB2_2-.Ltmp0, $4  }
0x3e: {  	s0 =	sadd.s32 s0, s30;
	[sflag:s4] =	ssyncadd.s32 $0xFFFFF060  }
0x3f: {  	s30 =	sadd.s32 $0x2C600, s0;
	[bflag:$0x0] =	sbarrier.arrive $0xFFFF  }
0x40: {  	[hbm:s30], [sflag:s5] =	dma.local [spmem:s6], $0x9C4  }
0x41: {  	s31 =	sadd.s32 $0xFFFFFFFF, s1;
	_ =	swait.ge [sflag:s4], $0x9C4  }
.LBB2_1:
0x42: {  	[sflag:s4] =	ssyncset.done $0x0  }
0x43: {  	s0 =	rddreg [dreg:$0x4];
	[sflag:s4] =	ssyncadd.s32 $0xFFFFF63C  }
0x44: {  	[spmem:s6], [sflag:s5] =	dma.local [hbm:s0], $0x9C4  }
0x45: {  	_ =	swait.ge [sflag:s4], $0x9C4  }
0x46: {  	[sflag:s4] =	ssyncset.done $0x0  }
0x47: {  	[sflag:s4] =	ssyncadd.s32 $0xFFFFF63C  }
0x48: {  	[tilespmem:s3], [sflag:$0x1] =	stream.linear.gather [hbm4b:s7+s3], $0x500, $0x38;
	[tilespmem:$0xEF60] =	vst v63  }
0x49: {  	_ =	swait.ge [sflag:s4], $0x500  }
0x4a: {  	[sflag:s4] =	ssyncset.done $0x0  }
0x4b: {  	[sflag:s4] =	ssyncadd.s32 $0xFFFFFB00  }
0x4c: {  	[tilespmem:s9], [sflag:$0x1] =	stream.linear.gather [hbm4b:s8+s3], $0x9C40, $0x38;
	[tilespmem:$0xEF60] =	vst v63  }
0x4d: {  	_ =	swait.ge [sflag:s4], $0x9C40  }
0x4e: {  	[sflag:s4] =	ssyncset.done $0x0  }
0x4f: {  	[sflag:s4] =	ssyncadd.s32 $0xFFFF63C0  }
0x50: {  	[bflag:$0x0] =	sbarrier.arrive $0xFFFF  }
0x51: {  	[spmem:s2] =	stream.indirect.scatter.add.f32 [tilespmem:s9], [sflag:$0x1], $0x20, s3, s10, $0xb8;
	[tilespmem:$0xEF60] =	vst v63  }
0x52: {  	_ =	swait.ge [sflag:s4], $0xFA0  }
0x53: {  	[sflag:s4] =	ssyncset.done $0x0  }
0x54: {  	[sflag:s4] =	ssyncadd.s32 $0xFFFFF060  }
0x55: {  	[spmem:s2] =	stream.indirect.scatter.add.f32 [tilespmem:s12], [sflag:$0x1], $0x20, s11, s10, $0xb8;
	[tilespmem:$0xEF60] =	vst v63  }
0x56: {  	_ =	swait.ge [sflag:s4], $0xFA0  }
0x57: {  	[sflag:s4] =	ssyncset.done $0x0  }
0x58: {  	[sflag:s4] =	ssyncadd.s32 $0xFFFFF060  }
0x59: {  	[spmem:s2] =	stream.indirect.scatter.add.f32 [tilespmem:s14], [sflag:$0x1], $0x20, s13, s10, $0xb8;
	[tilespmem:$0xEF60] =	vst v63  }
0x5a: {  	_ =	swait.ge [sflag:s4], $0xFA0  }
0x5b: {  	[sflag:s4] =	ssyncset.done $0x0  }
0x5c: {  	[sflag:s4] =	ssyncadd.s32 $0xFFFFF060  }
0x5d: {  	[spmem:s2] =	stream.indirect.scatter.add.f32 [tilespmem:s16], [sflag:$0x1], $0x20, s15, s10, $0xb8;
	[tilespmem:$0xEF60] =	vst v63  }
0x5e: {  	_ =	swait.ge [sflag:s4], $0xFA0  }
0x5f: {  	[sflag:s4] =	ssyncset.done $0x0  }
0x60: {  	[sflag:s4] =	ssyncadd.s32 $0xFFFFF060  }
0x61: {  	[spmem:s2] =	stream.indirect.scatter.add.f32 [tilespmem:s18], [sflag:$0x1], $0x20, s17, s10, $0xb8;
	[tilespmem:$0xEF60] =	vst v63  }
0x62: {  	_ =	swait.ge [sflag:s4], $0xFA0  }
0x63: {  	[sflag:s4] =	ssyncset.done $0x0  }
0x64: {  	[sflag:s4] =	ssyncadd.s32 $0xFFFFF060  }
0x65: {  	[spmem:s2] =	stream.indirect.scatter.add.f32 [tilespmem:s20], [sflag:$0x1], $0x20, s19, s10, $0xb8;
	[tilespmem:$0xEF60] =	vst v63  }
0x66: {  	_ =	swait.ge [sflag:s4], $0xFA0  }
0x67: {  	[sflag:s4] =	ssyncset.done $0x0  }
0x68: {  	[sflag:s4] =	ssyncadd.s32 $0xFFFFF060  }
0x69: {  	[spmem:s2] =	stream.indirect.scatter.add.f32 [tilespmem:s22], [sflag:$0x1], $0x20, s21, s10, $0xb8;
	[tilespmem:$0xEF60] =	vst v63  }
0x6a: {  	_ =	swait.ge [sflag:s4], $0xFA0  }
0x6b: {  	[sflag:s4] =	ssyncset.done $0x0  }
0x6c: {  	[sflag:s4] =	ssyncadd.s32 $0xFFFFF060  }
0x6d: {  	[spmem:s2] =	stream.indirect.scatter.add.f32 [tilespmem:s24], [sflag:$0x1], $0x20, s23, s10, $0xb8;
	[tilespmem:$0xEF60] =	vst v63  }
0x6e: {  	_ =	swait.ge [sflag:s4], $0xFA0  }
0x6f: {  	[sflag:s4] =	ssyncset.done $0x0  }
0x70: {  	[sflag:s4] =	ssyncadd.s32 $0xFFFFF060  }
0x71: {  	[spmem:s2] =	stream.indirect.scatter.add.f32 [tilespmem:s26], [sflag:$0x1], $0x20, s25, s10, $0xb8;
	[tilespmem:$0xEF60] =	vst v63  }
0x72: {  	_ =	swait.ge [sflag:s4], $0xFA0  }
0x73: {  	[sflag:s4] =	ssyncset.done $0x0  }
0x74: {  	[sflag:s4] =	ssyncadd.s32 $0xFFFFF060  }
0x75: {  	[spmem:s2] =	stream.indirect.scatter.add.f32 [tilespmem:s29], [sflag:$0x1], $0x20, s28, s10, $0xb8;
	[tilespmem:$0xEF60] =	vst v63  }
0x76: {  	p0 =	sne.s32 s31, $0x1;
	_ =	swait.ge [sflag:s4], $0xFA0  }
.Ltmp1:
0x77: {  	[sflag:s4] =	ssyncset.done $0x0;
	(pc) =	sbr.rel @p0 .LBB2_1-.Ltmp1, $4  }
0x78: {  	[sflag:s4] =	ssyncadd.s32 $0xFFFFF060  }
0x79: {  	[bflag:$0x0] =	sbarrier.arrive $0xFFFF  }
0x7a: {  	[hbm:s30], [sflag:s5] =	dma.local [spmem:s6], $0x9C4  }
0x7b: {  	s31 =	sadd.s32 $0xFFFFFFFF, s31;
	_ =	swait.ge [sflag:s4], $0x9C4  }
.LBB2_2:
0x7c: {  	[sflag:s4] =	ssyncset.done $0x0  }
0x7d: {  	[sflag:s4] =	ssyncadd.s32 $0xFFFFF63C  }
0x7e: {  	_ =	sfence.sel $0x180000  }
0x7f: {  	[bflag:$0x0] =	sbarrier.arrive $0xFFFF  }
0x80: {  	_ =	strace $0x90000050  }
0x81: {  	s0 =	stileid.u32;
	[bflag:$0x2] =	sbarrier.arrive $0xFFFF  }
0x82: {  	p0 =	sne.s32 s0, $0x0;
	s0 =	rddreg [dreg:$0x3]  }
0x83: {  	s0 =	sadd.s32 @!p0 $0x100000, s0  }
0x84: {  	[sflag:s0] =	ssyncadd.tile.s32 @!p0 $0x1;
	_ =	shalt  }
.Lfunc_end2:
_tile_overlayer_lowered:
.L_overlay_start_2:
0x85: {  	(tag) =	ssettag $0x2  }
0x86: {  	s0 =	rddreg [dreg:$0x0];
	s2 =	stileid.u32  }
0x87: {  	s1 =	rddreg [dreg:$0x1];
	p0 =	sne.s32 s2, $0x0  }
0x88: {  	s3 =	rddreg [dreg:$0x2];
	[bflag:$0x3] =	sbarrier.arrive $0xFFFF;
	s2 =	simm.s32 @!p0 $0x1C01  }
0x89: {  	[timem:s3], [sflag:s2] =	dma.local @!p0 [hbm:s0], s1  }
0x8a: {  	s0 =	simm.s32 @!p0 $0x1  }
0x8b: {  	_ =	swait.ge @!p0 [sflag:s0], s1  }
0x8c: {  	s1 =	ssub.s32 @!p0 $0x0, s1;
	[sflag:s0] =	ssyncset.done @!p0 $0x0  }
0x8d: {  	[sflag:s0] =	ssyncadd.s32 @!p0 s1  }
0x8e: {  	[bflag:$0x3] =	sbarrier.arrive $0xFFFF  }
0x8f: {  	_ =	shalt  }

// kernel: kernel.28.cloned.1.call-start
scs
__scs_entry_jumppad:
0x0: {  	(pc) =	sbr.rel $0x88, $3  }
0x1: {  	(tag) =	ssettag $0x0;
	lr =	simm.s32 $0x1  }
0x2: {  	[smem:$0x3F8F] =	sst lr;
	_ =	strace $0xD0000000  }
0x3: {  	_ = 	snop  }
0x4: {  	_ = 	snop  }
0x5: {  	_ = 	snop  }
0x6: {  	_ = 	snop  }
0x7: {  	_ = 	snop  }
__scs_overlays_trampoline_lowered:
0x8: {  	[smem:$0x3F9E] =	sst s0  }
0x9: {  	[smem:$0x3F9F] =	sst s1  }
0xa: {  	[smem:$0x3FA0] =	sst s2  }
0xb: {  	[smem:$0x3FA1] =	sst s3  }
0xc: {  	[smem:$0x3FA2] =	sst s4  }
0xd: {  	[smem:$0x3FA3] =	sst s5  }
0xe: {  	[smem:$0x3FA4] =	sst s6  }
0xf: {  	[smem:$0x3FA5] =	sst s7  }
0x10: {  	[smem:$0x3FA6] =	sst s8  }
0x11: {  	[smem:$0x3FA7] =	sst s9;
	s0 =	simm.s32 @!p0 $0x0  }
0x12: {  	s1 =	sld [smem:$0x3F8D];
	s0 =	simm.s32 @p0 $0x1  }
0x13: {  	[smem:$0x3FA8] =	sst s0;
	s0 =	simm.s32 @!p1 $0x0  }
0x14: {  	s2 =	sld [smem:$0x3F8C];
	s0 =	simm.s32 @p1 $0x1  }
0x15: {  	[smem:$0x3FA9] =	sst s0;
	s0 =	simm.s32 @!p2 $0x0  }
0x16: {  	s3 =	sld [smem:$0x3FDB];
	s0 =	simm.s32 @p2 $0x1  }
0x17: {  	s4 =	simm.s32 $0x1BF5;
	[smem:$0x3FAB] =	sst s0  }
0x18: {  	s0 =	sld [smem:$0x3F8E];
	_ =	swait.ge [sflag:s4], $0x0  }
0x19: {  	s7 =	sld [smem:$0x3F8F]  }
0x1a: {  	s8 =	sadd.s32 $0xFFFFE003, lr  }
0x1b: {  	s9 =	sadd.s32 $0xFFFFFEF7, lr;
	s5 =	simm.s32 $0xFFFFFFFF;
	p2 =	slt.u32 s8, $0xFFFFF086  }
0x1c: {  	p1 =	slt.u32 s9, $0xF7A;
	s5 =	simm.s32 @!p2 $0x0  }
0x1d: {  	s5 =	simm.s32 @p1 $0x1;
	p0 =	seq.s32 s7, s2  }
0x1e: {  	s7 =	smul.u32 @!p0 $0xF7A, s2;
	p2 =	seq.s32 @!p0 s5, $0x0  }
0x1f: {  	s9 =	smul.u32 $0xF7A, s1;
	s8 =	simm.s32 @!p0 $0x1BF5;
	p2 =	por !p2, p0  }
0x20: {  	[sflag:s8] =	ssyncset.s32 @!p0 $0xFFFFF086;
	s6 =	sadd.s32 @!p0 s3, s7;
	s7 =	simm.s32 @!p0 $0x108  }
0x21: {  	s3 =	sadd.s32 s3, s9;
	s6 =	sadd.s32 @!p0 $0x88, s6;
	s7 =	simm.s32 @p2 $0x1082  }
0x22: {  	[simem:s7], [sflag:s8] =	dma.local @!p0 [hbm:s6], $0xF7A  }
0x23: {  	s9 =	sor.u32 $0xD0000000, s2;
	s6 =	simm.s32 $0x108;
	_ =	swait.ge @!p0 [sflag:s8], $0x0  }
0x24: {  	s3 =	sadd.s32 $0x88, s3;
	s6 =	simm.s32 @!p1 $0x1082;
	[sflag:s4] =	ssyncset.s32 $0xFFFFF086  }
0x25: {  	[simem:s6], [sflag:s4] =	dma.local [hbm:s3], $0xF7A  }
0x26: {  	[smem:$0x3F8F] =	sst s1;
	(tag) =	ssettag s2;
	_ =	strace s9  }
0x27: {  	s1 =	sld [smem:$0x3F9F]  }
0x28: {  	s2 =	sld [smem:$0x3FA0]  }
0x29: {  	s4 =	sld [smem:$0x3FA2]  }
0x2a: {  	p0 =	seq.s32 s5, $0x0;
	s5 =	sld [smem:$0x3FA3]  }
0x2b: {  	s6 =	sld [smem:$0x3FA4]  }
0x2c: {  	s7 =	sld [smem:$0x3FA5]  }
0x2d: {  	s3 =	simm.s32 $0x108;
	s8 =	sld [smem:$0x3FA6]  }
0x2e: {  	s3 =	simm.s32 @!p0 $0x1082;
	s9 =	sld [smem:$0x3FA7]  }
0x2f: {  	lr =	sadd.s32 s0, s3;
	s0 =	sld [smem:$0x3F9E]  }
0x30: {  	s3 =	sld [smem:$0x3FA1]  }
0x31: {  	[smem:$0x3FAA] =	sst s10  }
0x32: {  	s10 =	sld [smem:$0x3FA8];
	_ =	sdelay $0x3  }
0x33: {  	p0 =	seq.s32 s10, $0x1;
	s10 =	sld [smem:$0x3FAA];
	_ =	sdelay $0x3  }
0x34: {  	[smem:$0x3FAA] =	sst s10  }
0x35: {  	s10 =	sld [smem:$0x3FA9];
	_ =	sdelay $0x3  }
0x36: {  	p1 =	seq.s32 s10, $0x1;
	s10 =	sld [smem:$0x3FAA];
	_ =	sdelay $0x3  }
0x37: {  	[smem:$0x3FAA] =	sst s10  }
0x38: {  	s10 =	sld [smem:$0x3FAB]  }
0x39: {  	_ = 	snop;
	(pc) =	sbr.ind lr, $3  }
0x3a: {  	_ = 	snop  }
0x3b: {  	_ = 	snop  }
0x3c: {  	p2 =	seq.s32 s10, $0x1;
	s10 =	sld [smem:$0x3FAA]  }
0x3d: {  	_ =	shalt  }
0x3e: {  	_ =	shalt  }
0x3f: {  	_ =	shalt  }
0x40: {  	_ =	shalt  }
0x41: {  	_ =	shalt  }
0x42: {  	_ =	shalt  }
0x43: {  	_ =	shalt  }
0x44: {  	_ =	shalt  }
0x45: {  	_ =	shalt  }
0x46: {  	_ =	shalt  }
0x47: {  	_ =	shalt  }
0x48: {  	_ =	shalt  }
0x49: {  	_ =	shalt  }
0x4a: {  	_ =	shalt  }
0x4b: {  	_ =	shalt  }
0x4c: {  	_ =	shalt  }
0x4d: {  	_ =	shalt  }
0x4e: {  	_ =	shalt  }
0x4f: {  	_ =	shalt  }
0x50: {  	_ =	shalt  }
0x51: {  	_ =	shalt  }
0x52: {  	_ =	shalt  }
0x53: {  	_ =	shalt  }
0x54: {  	_ =	shalt  }
0x55: {  	_ =	shalt  }
0x56: {  	_ =	shalt  }
0x57: {  	_ =	shalt  }
0x58: {  	_ =	shalt  }
0x59: {  	_ =	shalt  }
0x5a: {  	_ =	shalt  }
0x5b: {  	_ =	shalt  }
0x5c: {  	_ =	shalt  }
0x5d: {  	_ =	shalt  }
0x5e: {  	_ =	shalt  }
0x5f: {  	_ =	shalt  }
0x60: {  	_ =	shalt  }
0x61: {  	_ =	shalt  }
0x62: {  	_ =	shalt  }
0x63: {  	_ =	shalt  }
0x64: {  	_ =	shalt  }
0x65: {  	_ =	shalt  }
0x66: {  	_ =	shalt  }
0x67: {  	_ =	shalt  }
0x68: {  	_ =	shalt  }
0x69: {  	_ =	shalt  }
0x6a: {  	_ =	shalt  }
0x6b: {  	_ =	shalt  }
0x6c: {  	_ =	shalt  }
0x6d: {  	_ =	shalt  }
0x6e: {  	_ =	shalt  }
0x6f: {  	_ =	shalt  }
0x70: {  	_ =	shalt  }
0x71: {  	_ =	shalt  }
0x72: {  	_ =	shalt  }
0x73: {  	_ =	shalt  }
0x74: {  	_ =	shalt  }
0x75: {  	_ =	shalt  }
0x76: {  	_ =	shalt  }
0x77: {  	_ =	shalt  }
0x78: {  	_ =	shalt  }
0x79: {  	_ =	shalt  }
0x7a: {  	_ =	shalt  }
0x7b: {  	_ =	shalt  }
0x7c: {  	_ =	shalt  }
0x7d: {  	_ =	shalt  }
0x7e: {  	_ =	shalt  }
0x7f: {  	_ =	shalt  }
0x80: {  	_ =	shalt  }
0x81: {  	_ =	shalt  }
0x82: {  	_ =	shalt  }
0x83: {  	_ =	shalt  }
0x84: {  	_ =	shalt  }
0x85: {  	_ =	shalt  }
0x86: {  	_ =	shalt  }
0x87: {  	_ =	shalt  }
.Lfunc_end0:
.L_simem_size_0:
called_computation.4_lowered:
.L_overlay_start_0:
0x88: {  	s2 =	sld [smem:$0x3FD9]  }
0x89: {  	s3 =	sld [smem:$0x3FFE];
	_ =	sdelay $0x1  }
0x8a: {  	s1 =	srdreg.scid  }
0x8b: {  	s0 =	sand.u32 $0x1, s1  }
0x8c: {  	s16 =	sshll.u32 s0, $0xA;
	s2 =	sadd.s32 s3, s2  }
0x8d: {  	s2 =	sadd.s32 s2, s16  }
0x8e: {  	[smem:$0x3FB6] =	sst s2  }
0x8f: {  	_ = 	snop  }
0x90: {  	(tm) =	ssettm $0x1  }
0x91: {  	s17 =	sld [smem:$0x3FFB];
	_ =	sdelay $0x3  }
0x92: {  	_ =	strace s17  }
0x93: {  	s2 =	sld [smem:$0x3FFC];
	_ =	sdelay $0x3  }
0x94: {  	_ =	strace s2  }
0x95: {  	s2 =	sld [smem:$0x3FFD];
	_ =	sdelay $0x3  }
0x96: {  	_ =	strace s2  }
0x97: {  	_ =	strace $0x8FFFFFFF  }
0x98: {  	s18 =	sld [smem:$0x3FDB];
	_ =	sdelay $0x1  }
0x99: {  	s19 =	simm.s32 $_scs_section_size  }
0x9a: {  	s4 =	simm.s32 $_size__tile_overlayer_lowered;
	s5 =	simm.s32 $_tile_overlayer_lowered  }
0x9b: {  	s22 =	simm.s32 $0x1BFF;
	s21 =	sshll.u32 s5, $0x1;
	s2 =	sadd.s32 s19, s18  }
0x9c: {  	s6 =	simm.s32 $0x0;
	s20 =	sshll.u32 s4, $0x1;
	s4 =	sadd.s32 s21, s2  }
0x9d: {  	[timem:s6], [sflag:s22] =	dma.local [hbm:s4], s20  }
0x9e: {  	_ =	swait.ge [sflag:s22], s20  }
0x9f: {  	s3 =	ssub.s32 $0x0, s20;
	[sflag:s22] =	ssyncset.done $0x0  }
0xa0: {  	[sflag:s22] =	ssyncadd.s32 s3;
	_ =	sdelay $0x1  }
0xa1: {  	s23 =	simm.s32 $0x1B8B  }
0xa2: {  	_ =	swait.ge [sflag:s23], $0x1  }
0xa3: {  	[sflag:s23] =	ssyncset.done $0x0  }
0xa4: {  	s25 =	simm.s32 $0x1B8E;
	s24 =	sld [smem:$0x3FFE];
	[sflag:s23] =	ssyncadd.s32 $0xFFFFFFFF  }
0xa5: {  	s26 =	simm.s32 $execute0_lowered;
	[smem:$0x3FD2] =	sst s25  }
0xa6: {  	s4 =	sshll.u32 s26, $0x1;
	_ =	strace $0x80000052;
	[dreg:$0x1] =	wrdreg $0xFFFFFFFF  }
0xa7: {  	s28 =	simm.s32 $_size_execute0_lowered;
	s2 =	sadd.s32 s2, s4;
	[dreg:$0x0] =	wrdreg $0x0  }
0xa8: {  	s4 =	sshll.u32 s28, $0x1;
	[dreg:$0x2] =	wrdreg s2  }
0xa9: {  	[dreg:$0x3] =	wrdreg s4  }
0xaa: {  	[dreg:$0x4] =	wrdreg $0xC0  }
0xab: {  	_ =	task [dreg:s6], $0x5FFFF  }
0xac: {  	[dreg:$0x1] =	wrdreg $0xFFFFFFFF  }
0xad: {  	[dreg:$0x0] =	wrdreg $0x60  }
0xae: {  	[dreg:$0x2] =	wrdreg s24  }
0xaf: {  	[dreg:$0x3] =	wrdreg $0x9  }
0xb0: {  	_ =	task.clear_ibuf [dreg:s6], $0x4FFFF;
	_ =	strace $0x90000052  }
0xb1: {  	s29 =	simm.s32 $0x9;
	_ =	strace $0x80000054  }
0xb2: {  	_ =	swait.ge [sflag:s29], $0x1  }
0xb3: {  	[sflag:s29] =	ssyncadd.s32 $0xFFFFFFFF  }
0xb4: {  	_ =	strace $0x90000054  }
0xb5: {  	_ =	sfence  }
0xb6: {  	s30 =	sld [smem:$0x0];
	_ =	sdelay $0x2  }
0xb7: {  	s31 =	sshll.u32 s1, $0xD;
	s1 =	sshrl.u32 s1, $0x2  }
0xb8: {  	s3 =	sand.u32 $0x4000, s31;
	s1 =	sadd.s32 s1, s30  }
0xb9: {  	s0 =	sor.u32 s3, s0;
	s1 =	sshll.u32 s1, $0x11  }
0xba: {  	s0 =	sor.u32 s1, s0  }
0xbb: {  	s0 =	sadd.s32 $0x8F2B, s0  }
0xbc: {  	[sflag:s0] =	ssyncadd.remote.s32 $0x1  }
0xbd: {  	_ =	sfence.sel $0xFFFF  }
0xbe: {  	[dreg:$0x0] =	wrdreg $0xFFFFFFFF;
	(pc) =	sbr.abs _section_cstart, $3  }
0xbf: {  	[dreg:$0x1] =	wrdreg $0xFFFFFFFF  }
0xc0: {  	_ =	task.clear_ibuf [dreg:s6], $0x2FFFF;
	_ =	strace $0x9FFFFFFF  }
0xc1: {  	(tm) =	ssettm $0x7FFFFFFF  }
tec
execute0_lowered:
.L_overlay_start_1:
0x0: {  	(tag) =	ssettag $0x1  }
0x1: {  	s1 =	srdreg.scid;
	s0 =	stileid.u32  }
0x2: {  	s29 =	sand.u32 $0x1, s1;
	s31 =	sshll.u32 s0, $0x1  }
0x3: {  	s30 =	sor.u32 s29, s31  }
0x4: {  	s28 =	rddreg [dreg:$0x0];
	s3 =	smul.u32 $0xA0, s30  }
0x5: {  	s2 =	simm.s32 $0x0;
	s1 =	rddreg [dreg:$0x1]  }
0x6: {  	[smem:$0x7FF] =	sst s2;
	s3 =	sadd.s32 s3, s28  }
0x7: {  	_ =	strace $0x80000053;
	s4 =	sadd.s32 $0x4000, s3;
	s3 =	simm.s32 $0x2  }
0x8: {  	[tilespmem:s2], [sflag:$0x2] =	stream.linear.gather [hbm4b:s4+s2], $0x500, $0x38;
	[tilespmem:$0xA140] =	vst v63  }
0x9: {  	_ =	swait.ge [sflag:s3], $0x500  }
0xa: {  	s6 =	simm.s32 $0x7D;
	[sflag:s3] =	ssyncset.done $0x0  }
0xb: {  	s7 =	simm.s32 $0x500;
	s5 =	sadd.s32 $0x5400, s28;
	[sflag:s3] =	ssyncadd.s32 $0xFFFFFB00  }
0xc: {  	[tilespmem:s7], [sflag:$0x1] =	stream.indirect.gather [hbm4b:s5+s6], $0x20, s2, s6, $0xb8;
	[tilespmem:$0xA140] =	vst v63  }
0xd: {  	s8 =	simm.s32 $0x80;
	s9 =	simm.s32 $0x14A0  }
0xe: {  	[tilespmem:s9], [sflag:$0x1] =	stream.indirect.gather [hbm4b:s5+s6], $0x20, s8, s6, $0xb8;
	[tilespmem:$0xA140] =	vst v63  }
0xf: {  	s10 =	simm.s32 $0x100;
	s11 =	simm.s32 $0x2440  }
0x10: {  	[tilespmem:s11], [sflag:$0x1] =	stream.indirect.gather [hbm4b:s5+s6], $0x20, s10, s6, $0xb8;
	[tilespmem:$0xA140] =	vst v63  }
0x11: {  	s12 =	simm.s32 $0x180;
	s13 =	simm.s32 $0x33E0  }
0x12: {  	[tilespmem:s13], [sflag:$0x1] =	stream.indirect.gather [hbm4b:s5+s6], $0x20, s12, s6, $0xb8;
	[tilespmem:$0xA140] =	vst v63  }
0x13: {  	s14 =	simm.s32 $0x200;
	s15 =	simm.s32 $0x4380  }
0x14: {  	[tilespmem:s15], [sflag:$0x1] =	stream.indirect.gather [hbm4b:s5+s6], $0x20, s14, s6, $0xb8;
	[tilespmem:$0xA140] =	vst v63  }
0x15: {  	s16 =	simm.s32 $0x280;
	s17 =	simm.s32 $0x5320  }
0x16: {  	[tilespmem:s17], [sflag:$0x1] =	stream.indirect.gather [hbm4b:s5+s6], $0x20, s16, s6, $0xb8;
	[tilespmem:$0xA140] =	vst v63  }
0x17: {  	s18 =	simm.s32 $0x300;
	s19 =	simm.s32 $0x62C0  }
0x18: {  	[tilespmem:s19], [sflag:$0x1] =	stream.indirect.gather [hbm4b:s5+s6], $0x20, s18, s6, $0xb8;
	[tilespmem:$0xA140] =	vst v63  }
0x19: {  	s20 =	simm.s32 $0x380;
	s21 =	simm.s32 $0x7260  }
0x1a: {  	[tilespmem:s21], [sflag:$0x1] =	stream.indirect.gather [hbm4b:s5+s6], $0x20, s20, s6, $0xb8;
	[tilespmem:$0xA140] =	vst v63  }
0x1b: {  	s22 =	simm.s32 $0x400;
	s23 =	simm.s32 $0x8200  }
0x1c: {  	[tilespmem:s23], [sflag:$0x1] =	stream.indirect.gather [hbm4b:s5+s6], $0x20, s22, s6, $0xb8;
	[tilespmem:$0xA140] =	vst v63  }
0x1d: {  	s24 =	simm.s32 $0x480;
	s25 =	simm.s32 $0x91A0;
	s26 =	simm.s32 $0x1  }
0x1e: {  	[tilespmem:s25], [sflag:$0x1] =	stream.indirect.gather [hbm4b:s5+s6], $0x20, s24, s6, $0xb8;
	[tilespmem:$0xA140] =	vst v63  }
0x1f: {  	_ =	swait.ge [sflag:s26], $0xFA0  }
0x20: {  	[sflag:s26] =	ssyncset.done $0x0  }
0x21: {  	[sflag:s26] =	ssyncadd.s32 $0xFFFFF060  }
0x22: {  	_ =	swait.ge [sflag:s26], $0xFA0  }
0x23: {  	[sflag:s26] =	ssyncset.done $0x0  }
0x24: {  	[sflag:s26] =	ssyncadd.s32 $0xFFFFF060  }
0x25: {  	_ =	swait.ge [sflag:s26], $0xFA0  }
0x26: {  	[sflag:s26] =	ssyncset.done $0x0  }
0x27: {  	[sflag:s26] =	ssyncadd.s32 $0xFFFFF060  }
0x28: {  	_ =	swait.ge [sflag:s26], $0xFA0  }
0x29: {  	[sflag:s26] =	ssyncset.done $0x0  }
0x2a: {  	[sflag:s26] =	ssyncadd.s32 $0xFFFFF060  }
0x2b: {  	_ =	swait.ge [sflag:s26], $0xFA0  }
0x2c: {  	[sflag:s26] =	ssyncset.done $0x0  }
0x2d: {  	[sflag:s26] =	ssyncadd.s32 $0xFFFFF060  }
0x2e: {  	_ =	swait.ge [sflag:s26], $0xFA0  }
0x2f: {  	[sflag:s26] =	ssyncset.done $0x0  }
0x30: {  	[sflag:s26] =	ssyncadd.s32 $0xFFFFF060  }
0x31: {  	_ =	swait.ge [sflag:s26], $0xFA0  }
0x32: {  	[sflag:s26] =	ssyncset.done $0x0  }
0x33: {  	[sflag:s26] =	ssyncadd.s32 $0xFFFFF060  }
0x34: {  	_ =	swait.ge [sflag:s26], $0xFA0  }
0x35: {  	[sflag:s26] =	ssyncset.done $0x0  }
0x36: {  	s29 =	ssub.s32 $0x2, s29;
	[sflag:s26] =	ssyncadd.s32 $0xFFFFF060  }
0x37: {  	s31 =	sshrl.u32 s29, $0x1;
	_ =	swait.ge [sflag:s26], $0xFA0  }
0x38: {  	s29 =	ssub.s32 s29, s31;
	[sflag:s26] =	ssyncset.done $0x0  }
0x39: {  	s30 =	smul.u32 $0x1388, s30;
	s29 =	smax.u32 s29, $0x1;
	[sflag:s26] =	ssyncadd.s32 $0xFFFFF060  }
0x3a: {  	p0 =	sne.s32 s29, $0x1;
	_ =	swait.ge [sflag:s26], $0xFA0  }
.Ltmp0:
0x3b: {  	s28 =	sadd.s32 s30, s28;
	[sflag:s26] =	ssyncset.done $0x0;
	(pc) =	sbr.rel @!p0 .LBB2_2-.Ltmp0, $4  }
0x3c: {  	s28 =	sadd.s32 $0xF200, s28;
	[sflag:s26] =	ssyncadd.s32 $0xFFFFF060  }
0x3d: {  	[hbm4b:s28+s2] =	stream.linear.scatter [tilespmem:s7], [sflag:$0x2], $0x9C40, $0x38;
	[tilespmem:$0xA140] =	vst v63  }
0x3e: {  	_ =	swait.ge [sflag:s3], $0x9C40  }
0x3f: {  	s29 =	sadd.s32 $0xFFFFFFFF, s29;
	[sflag:s3] =	ssyncset.done $0x0  }
.LBB2_1:
0x40: {  	p0 =	sne.s32 s29, $0x1;
	s29 =	sadd.s32 $0xFFFFFFFF, s29;
	[sflag:s3] =	ssyncadd.s32 $0xFFFF63C0  }
0x41: {  	[tilespmem:s2], [sflag:$0x2] =	stream.linear.gather [hbm4b:s4+s2], $0x500, $0x38;
	[tilespmem:$0xA140] =	vst v63  }
0x42: {  	_ =	swait.ge [sflag:s3], $0x500  }
0x43: {  	[sflag:s3] =	ssyncset.done $0x0  }
0x44: {  	[sflag:s3] =	ssyncadd.s32 $0xFFFFFB00  }
0x45: {  	[tilespmem:s7], [sflag:$0x1] =	stream.indirect.gather [hbm4b:s5+s6], $0x20, s2, s6, $0xb8;
	[tilespmem:$0xA140] =	vst v63  }
0x46: {  	_ = 	snop  }
0x47: {  	[tilespmem:s9], [sflag:$0x1] =	stream.indirect.gather [hbm4b:s5+s6], $0x20, s8, s6, $0xb8;
	[tilespmem:$0xA140] =	vst v63  }
0x48: {  	_ = 	snop  }
0x49: {  	[tilespmem:s11], [sflag:$0x1] =	stream.indirect.gather [hbm4b:s5+s6], $0x20, s10, s6, $0xb8;
	[tilespmem:$0xA140] =	vst v63  }
0x4a: {  	_ = 	snop  }
0x4b: {  	[tilespmem:s13], [sflag:$0x1] =	stream.indirect.gather [hbm4b:s5+s6], $0x20, s12, s6, $0xb8;
	[tilespmem:$0xA140] =	vst v63  }
0x4c: {  	_ = 	snop  }
0x4d: {  	[tilespmem:s15], [sflag:$0x1] =	stream.indirect.gather [hbm4b:s5+s6], $0x20, s14, s6, $0xb8;
	[tilespmem:$0xA140] =	vst v63  }
0x4e: {  	_ = 	snop  }
0x4f: {  	[tilespmem:s17], [sflag:$0x1] =	stream.indirect.gather [hbm4b:s5+s6], $0x20, s16, s6, $0xb8;
	[tilespmem:$0xA140] =	vst v63  }
0x50: {  	_ = 	snop  }
0x51: {  	[tilespmem:s19], [sflag:$0x1] =	stream.indirect.gather [hbm4b:s5+s6], $0x20, s18, s6, $0xb8;
	[tilespmem:$0xA140] =	vst v63  }
0x52: {  	_ = 	snop  }
0x53: {  	[tilespmem:s21], [sflag:$0x1] =	stream.indirect.gather [hbm4b:s5+s6], $0x20, s20, s6, $0xb8;
	[tilespmem:$0xA140] =	vst v63  }
0x54: {  	_ = 	snop  }
0x55: {  	[tilespmem:s23], [sflag:$0x1] =	stream.indirect.gather [hbm4b:s5+s6], $0x20, s22, s6, $0xb8;
	[tilespmem:$0xA140] =	vst v63  }
0x56: {  	_ = 	snop  }
0x57: {  	[tilespmem:s25], [sflag:$0x1] =	stream.indirect.gather [hbm4b:s5+s6], $0x20, s24, s6, $0xb8;
	[tilespmem:$0xA140] =	vst v63  }
0x58: {  	_ =	swait.ge [sflag:s26], $0xFA0  }
0x59: {  	[sflag:s26] =	ssyncset.done $0x0  }
0x5a: {  	[sflag:s26] =	ssyncadd.s32 $0xFFFFF060  }
0x5b: {  	_ =	swait.ge [sflag:s26], $0xFA0  }
0x5c: {  	[sflag:s26] =	ssyncset.done $0x0  }
0x5d: {  	[sflag:s26] =	ssyncadd.s32 $0xFFFFF060  }
0x5e: {  	_ =	swait.ge [sflag:s26], $0xFA0  }
0x5f: {  	[sflag:s26] =	ssyncset.done $0x0  }
0x60: {  	[sflag:s26] =	ssyncadd.s32 $0xFFFFF060  }
0x61: {  	_ =	swait.ge [sflag:s26], $0xFA0  }
0x62: {  	[sflag:s26] =	ssyncset.done $0x0  }
0x63: {  	[sflag:s26] =	ssyncadd.s32 $0xFFFFF060  }
0x64: {  	_ =	swait.ge [sflag:s26], $0xFA0  }
0x65: {  	[sflag:s26] =	ssyncset.done $0x0  }
0x66: {  	[sflag:s26] =	ssyncadd.s32 $0xFFFFF060  }
0x67: {  	_ =	swait.ge [sflag:s26], $0xFA0  }
0x68: {  	[sflag:s26] =	ssyncset.done $0x0  }
0x69: {  	[sflag:s26] =	ssyncadd.s32 $0xFFFFF060  }
0x6a: {  	_ =	swait.ge [sflag:s26], $0xFA0  }
0x6b: {  	[sflag:s26] =	ssyncset.done $0x0  }
0x6c: {  	[sflag:s26] =	ssyncadd.s32 $0xFFFFF060  }
0x6d: {  	_ =	swait.ge [sflag:s26], $0xFA0  }
0x6e: {  	[sflag:s26] =	ssyncset.done $0x0  }
0x6f: {  	[sflag:s26] =	ssyncadd.s32 $0xFFFFF060  }
0x70: {  	_ =	swait.ge [sflag:s26], $0xFA0  }
0x71: {  	[sflag:s26] =	ssyncset.done $0x0  }
0x72: {  	[sflag:s26] =	ssyncadd.s32 $0xFFFFF060  }
0x73: {  	_ =	swait.ge [sflag:s26], $0xFA0  }
.Ltmp1:
0x74: {  	[sflag:s26] =	ssyncset.done $0x0;
	(pc) =	sbr.rel @p0 .LBB2_1-.Ltmp1, $4  }
0x75: {  	[sflag:s26] =	ssyncadd.s32 $0xFFFFF060  }
0x76: {  	[hbm4b:s28+s2] =	stream.linear.scatter [tilespmem:s7], [sflag:$0x2], $0x9C40, $0x38;
	[tilespmem:$0xA140] =	vst v63  }
0x77: {  	_ =	swait.ge [sflag:s3], $0x9C40  }
0x78: {  	[sflag:s3] =	ssyncset.done $0x0  }
.LBB2_2:
0x79: {  	[sflag:s3] =	ssyncadd.s32 $0xFFFF63C0  }
0x7a: {  	_ =	sfence.sel $0x180000  }
0x7b: {  	[bflag:$0x0] =	sbarrier.arrive $0xFFFF  }
0x7c: {  	p0 =	sne.s32 s0, $0x0;
	_ =	strace $0x90000053  }
0x7d: {  	s0 =	sadd.s32 @!p0 $0x100000, s1;
	[bflag:$0x2] =	sbarrier.arrive $0xFFFF  }
0x7e: {  	[sflag:s0] =	ssyncadd.tile.s32 @!p0 $0x1;
	_ =	shalt  }
.Lfunc_end2:
_tile_overlayer_lowered:
.L_overlay_start_2:
0x7f: {  	(tag) =	ssettag $0x2  }
0x80: {  	s0 =	rddreg [dreg:$0x0];
	s2 =	stileid.u32  }
0x81: {  	s1 =	rddreg [dreg:$0x1];
	p0 =	sne.s32 s2, $0x0  }
0x82: {  	s3 =	rddreg [dreg:$0x2];
	[bflag:$0x3] =	sbarrier.arrive $0xFFFF;
	s2 =	simm.s32 @!p0 $0x1C02  }
0x83: {  	[timem:s3], [sflag:s2] =	dma.local @!p0 [hbm:s0], s1  }
0x84: {  	s0 =	simm.s32 @!p0 $0x2  }
0x85: {  	_ =	swait.ge @!p0 [sflag:s0], s1  }
0x86: {  	s1 =	ssub.s32 @!p0 $0x0, s1;
	[sflag:s0] =	ssyncset.done @!p0 $0x0  }
0x87: {  	[sflag:s0] =	ssyncadd.s32 @!p0 s1  }
0x88: {  	[bflag:$0x3] =	sbarrier.arrive $0xFFFF  }
0x89: {  	_ =	shalt  }

// kernel: kernel.31.cloned.1.call-start
scs
__scs_entry_jumppad:
0x0: {  	(pc) =	sbr.rel $0x88, $3  }
0x1: {  	(tag) =	ssettag $0x0;
	lr =	simm.s32 $0x1  }
0x2: {  	[smem:$0x3F8F] =	sst lr;
	_ =	strace $0xD0000000  }
0x3: {  	_ = 	snop  }
0x4: {  	_ = 	snop  }
0x5: {  	_ = 	snop  }
0x6: {  	_ = 	snop  }
0x7: {  	_ = 	snop  }
__scs_overlays_trampoline_lowered:
0x8: {  	[smem:$0x3F9E] =	sst s0  }
0x9: {  	[smem:$0x3F9F] =	sst s1  }
0xa: {  	[smem:$0x3FA0] =	sst s2  }
0xb: {  	[smem:$0x3FA1] =	sst s3  }
0xc: {  	[smem:$0x3FA2] =	sst s4  }
0xd: {  	[smem:$0x3FA3] =	sst s5  }
0xe: {  	[smem:$0x3FA4] =	sst s6  }
0xf: {  	[smem:$0x3FA5] =	sst s7  }
0x10: {  	[smem:$0x3FA6] =	sst s8  }
0x11: {  	[smem:$0x3FA7] =	sst s9;
	s0 =	simm.s32 @!p0 $0x0  }
0x12: {  	s1 =	sld [smem:$0x3F8D];
	s0 =	simm.s32 @p0 $0x1  }
0x13: {  	[smem:$0x3FA8] =	sst s0;
	s0 =	simm.s32 @!p1 $0x0  }
0x14: {  	s2 =	sld [smem:$0x3F8C];
	s0 =	simm.s32 @p1 $0x1  }
0x15: {  	[smem:$0x3FA9] =	sst s0;
	s0 =	simm.s32 @!p2 $0x0  }
0x16: {  	s3 =	sld [smem:$0x3FDB];
	s0 =	simm.s32 @p2 $0x1  }
0x17: {  	s4 =	simm.s32 $0x1BF5;
	[smem:$0x3FAB] =	sst s0  }
0x18: {  	s0 =	sld [smem:$0x3F8E];
	_ =	swait.ge [sflag:s4], $0x0  }
0x19: {  	s7 =	sld [smem:$0x3F8F]  }
0x1a: {  	s8 =	sadd.s32 $0xFFFFE003, lr  }
0x1b: {  	s9 =	sadd.s32 $0xFFFFFEF7, lr;
	s5 =	simm.s32 $0xFFFFFFFF;
	p2 =	slt.u32 s8, $0xFFFFF086  }
0x1c: {  	p1 =	slt.u32 s9, $0xF7A;
	s5 =	simm.s32 @!p2 $0x0  }
0x1d: {  	s5 =	simm.s32 @p1 $0x1;
	p0 =	seq.s32 s7, s2  }
0x1e: {  	s7 =	smul.u32 @!p0 $0xF7A, s2;
	p2 =	seq.s32 @!p0 s5, $0x0  }
0x1f: {  	s9 =	smul.u32 $0xF7A, s1;
	s8 =	simm.s32 @!p0 $0x1BF5;
	p2 =	por !p2, p0  }
0x20: {  	[sflag:s8] =	ssyncset.s32 @!p0 $0xFFFFF086;
	s6 =	sadd.s32 @!p0 s3, s7;
	s7 =	simm.s32 @!p0 $0x108  }
0x21: {  	s3 =	sadd.s32 s3, s9;
	s6 =	sadd.s32 @!p0 $0x88, s6;
	s7 =	simm.s32 @p2 $0x1082  }
0x22: {  	[simem:s7], [sflag:s8] =	dma.local @!p0 [hbm:s6], $0xF7A  }
0x23: {  	s9 =	sor.u32 $0xD0000000, s2;
	s6 =	simm.s32 $0x108;
	_ =	swait.ge @!p0 [sflag:s8], $0x0  }
0x24: {  	s3 =	sadd.s32 $0x88, s3;
	s6 =	simm.s32 @!p1 $0x1082;
	[sflag:s4] =	ssyncset.s32 $0xFFFFF086  }
0x25: {  	[simem:s6], [sflag:s4] =	dma.local [hbm:s3], $0xF7A  }
0x26: {  	[smem:$0x3F8F] =	sst s1;
	(tag) =	ssettag s2;
	_ =	strace s9  }
0x27: {  	s1 =	sld [smem:$0x3F9F]  }
0x28: {  	s2 =	sld [smem:$0x3FA0]  }
0x29: {  	s4 =	sld [smem:$0x3FA2]  }
0x2a: {  	p0 =	seq.s32 s5, $0x0;
	s5 =	sld [smem:$0x3FA3]  }
0x2b: {  	s6 =	sld [smem:$0x3FA4]  }
0x2c: {  	s7 =	sld [smem:$0x3FA5]  }
0x2d: {  	s3 =	simm.s32 $0x108;
	s8 =	sld [smem:$0x3FA6]  }
0x2e: {  	s3 =	simm.s32 @!p0 $0x1082;
	s9 =	sld [smem:$0x3FA7]  }
0x2f: {  	lr =	sadd.s32 s0, s3;
	s0 =	sld [smem:$0x3F9E]  }
0x30: {  	s3 =	sld [smem:$0x3FA1]  }
0x31: {  	[smem:$0x3FAA] =	sst s10  }
0x32: {  	s10 =	sld [smem:$0x3FA8];
	_ =	sdelay $0x3  }
0x33: {  	p0 =	seq.s32 s10, $0x1;
	s10 =	sld [smem:$0x3FAA];
	_ =	sdelay $0x3  }
0x34: {  	[smem:$0x3FAA] =	sst s10  }
0x35: {  	s10 =	sld [smem:$0x3FA9];
	_ =	sdelay $0x3  }
0x36: {  	p1 =	seq.s32 s10, $0x1;
	s10 =	sld [smem:$0x3FAA];
	_ =	sdelay $0x3  }
0x37: {  	[smem:$0x3FAA] =	sst s10  }
0x38: {  	s10 =	sld [smem:$0x3FAB]  }
0x39: {  	_ = 	snop;
	(pc) =	sbr.ind lr, $3  }
0x3a: {  	_ = 	snop  }
0x3b: {  	_ = 	snop  }
0x3c: {  	p2 =	seq.s32 s10, $0x1;
	s10 =	sld [smem:$0x3FAA]  }
0x3d: {  	_ =	shalt  }
0x3e: {  	_ =	shalt  }
0x3f: {  	_ =	shalt  }
0x40: {  	_ =	shalt  }
0x41: {  	_ =	shalt  }
0x42: {  	_ =	shalt  }
0x43: {  	_ =	shalt  }
0x44: {  	_ =	shalt  }
0x45: {  	_ =	shalt  }
0x46: {  	_ =	shalt  }
0x47: {  	_ =	shalt  }
0x48: {  	_ =	shalt  }
0x49: {  	_ =	shalt  }
0x4a: {  	_ =	shalt  }
0x4b: {  	_ =	shalt  }
0x4c: {  	_ =	shalt  }
0x4d: {  	_ =	shalt  }
0x4e: {  	_ =	shalt  }
0x4f: {  	_ =	shalt  }
0x50: {  	_ =	shalt  }
0x51: {  	_ =	shalt  }
0x52: {  	_ =	shalt  }
0x53: {  	_ =	shalt  }
0x54: {  	_ =	shalt  }
0x55: {  	_ =	shalt  }
0x56: {  	_ =	shalt  }
0x57: {  	_ =	shalt  }
0x58: {  	_ =	shalt  }
0x59: {  	_ =	shalt  }
0x5a: {  	_ =	shalt  }
0x5b: {  	_ =	shalt  }
0x5c: {  	_ =	shalt  }
0x5d: {  	_ =	shalt  }
0x5e: {  	_ =	shalt  }
0x5f: {  	_ =	shalt  }
0x60: {  	_ =	shalt  }
0x61: {  	_ =	shalt  }
0x62: {  	_ =	shalt  }
0x63: {  	_ =	shalt  }
0x64: {  	_ =	shalt  }
0x65: {  	_ =	shalt  }
0x66: {  	_ =	shalt  }
0x67: {  	_ =	shalt  }
0x68: {  	_ =	shalt  }
0x69: {  	_ =	shalt  }
0x6a: {  	_ =	shalt  }
0x6b: {  	_ =	shalt  }
0x6c: {  	_ =	shalt  }
0x6d: {  	_ =	shalt  }
0x6e: {  	_ =	shalt  }
0x6f: {  	_ =	shalt  }
0x70: {  	_ =	shalt  }
0x71: {  	_ =	shalt  }
0x72: {  	_ =	shalt  }
0x73: {  	_ =	shalt  }
0x74: {  	_ =	shalt  }
0x75: {  	_ =	shalt  }
0x76: {  	_ =	shalt  }
0x77: {  	_ =	shalt  }
0x78: {  	_ =	shalt  }
0x79: {  	_ =	shalt  }
0x7a: {  	_ =	shalt  }
0x7b: {  	_ =	shalt  }
0x7c: {  	_ =	shalt  }
0x7d: {  	_ =	shalt  }
0x7e: {  	_ =	shalt  }
0x7f: {  	_ =	shalt  }
0x80: {  	_ =	shalt  }
0x81: {  	_ =	shalt  }
0x82: {  	_ =	shalt  }
0x83: {  	_ =	shalt  }
0x84: {  	_ =	shalt  }
0x85: {  	_ =	shalt  }
0x86: {  	_ =	shalt  }
0x87: {  	_ =	shalt  }
.Lfunc_end0:
.L_simem_size_0:
called_computation.5_lowered:
.L_overlay_start_0:
0x88: {  	s2 =	sld [smem:$0x3FD9]  }
0x89: {  	s3 =	sld [smem:$0x3FFE];
	_ =	sdelay $0x1  }
0x8a: {  	s1 =	srdreg.scid  }
0x8b: {  	s0 =	sand.u32 $0x1, s1  }
0x8c: {  	s14 =	sshll.u32 s0, $0xA;
	s2 =	sadd.s32 s3, s2  }
0x8d: {  	s2 =	sadd.s32 s2, s14  }
0x8e: {  	[smem:$0x3FB6] =	sst s2  }
0x8f: {  	_ = 	snop  }
0x90: {  	s2 =	sld [smem:$0x3FD0];
	_ =	sdelay $0x2  }
0x91: {  	s15 =	simm.s32 $0xA;
	s4 =	simm.s32 $0x10  }
0x92: {  	[smem:s4], [sflag:s15] =	dma.local [hbm:s2], $0x1  }
0x93: {  	_ =	swait.eq [sflag:s15], $0x1  }
0x94: {  	[sflag:s15] =	ssyncset.done $0x0  }
0x95: {  	[sflag:s15] =	ssyncadd.s32 $0xFFFFFFFF  }
0x96: {  	s16 =	sld [smem:$0x10];
	(tm) =	ssettm $0x1  }
0x97: {  	s17 =	sld [smem:$0x3FFB];
	_ =	sdelay $0x3  }
0x98: {  	_ =	strace s17  }
0x99: {  	s3 =	sld [smem:$0x3FFC];
	_ =	sdelay $0x3  }
0x9a: {  	_ =	strace s3  }
0x9b: {  	s3 =	sld [smem:$0x3FFD];
	_ =	sdelay $0x3  }
0x9c: {  	_ =	strace s3  }
0x9d: {  	_ =	strace $0x8FFFFFFF  }
0x9e: {  	s18 =	sld [smem:$0x3FDB];
	_ =	sdelay $0x1  }
0x9f: {  	s19 =	simm.s32 $_scs_section_size  }
0xa0: {  	s5 =	simm.s32 $_size__tile_overlayer_lowered;
	s6 =	simm.s32 $_tile_overlayer_lowered  }
0xa1: {  	s22 =	simm.s32 $0x1BFF;
	s21 =	sshll.u32 s6, $0x1;
	s3 =	sadd.s32 s19, s18  }
0xa2: {  	s7 =	simm.s32 $0x0;
	s20 =	sshll.u32 s5, $0x1;
	s5 =	sadd.s32 s21, s3  }
0xa3: {  	[timem:s7], [sflag:s22] =	dma.local [hbm:s5], s20  }
0xa4: {  	_ =	swait.ge [sflag:s22], s20  }
0xa5: {  	s4 =	ssub.s32 $0x0, s20;
	[sflag:s22] =	ssyncset.done $0x0  }
0xa6: {  	[sflag:s22] =	ssyncadd.s32 s4;
	_ =	sdelay $0x1  }
0xa7: {  	s23 =	simm.s32 $0x1B8B  }
0xa8: {  	_ =	swait.ge [sflag:s23], $0x1  }
0xa9: {  	[sflag:s23] =	ssyncset.done $0x0  }
0xaa: {  	s25 =	simm.s32 $0x1B8E;
	s24 =	sld [smem:$0x3FFE];
	[sflag:s23] =	ssyncadd.s32 $0xFFFFFFFF  }
0xab: {  	s26 =	simm.s32 $execute0_lowered;
	[smem:$0x3FD2] =	sst s25  }
0xac: {  	s5 =	sshll.u32 s26, $0x1;
	_ =	strace $0x80000055;
	[dreg:$0x1] =	wrdreg $0xFFFFFFFF  }
0xad: {  	s28 =	simm.s32 $_size_execute0_lowered;
	s3 =	sadd.s32 s3, s5;
	[dreg:$0x0] =	wrdreg $0x0  }
0xae: {  	s5 =	sshll.u32 s28, $0x1;
	[dreg:$0x2] =	wrdreg s3  }
0xaf: {  	[dreg:$0x3] =	wrdreg s5  }
0xb0: {  	[dreg:$0x4] =	wrdreg $0xC0  }
0xb1: {  	_ =	task [dreg:s7], $0x5FFFF  }
0xb2: {  	[dreg:$0x1] =	wrdreg $0xFFFFFFFF  }
0xb3: {  	[dreg:$0x0] =	wrdreg $0x60  }
0xb4: {  	[dreg:$0x2] =	wrdreg s24  }
0xb5: {  	[dreg:$0x3] =	wrdreg s16  }
0xb6: {  	[dreg:$0x4] =	wrdreg $0xA1400  }
0xb7: {  	[dreg:$0x5] =	wrdreg $0x9  }
0xb8: {  	_ =	task.clear_ibuf [dreg:s7], $0x6FFFF;
	_ =	strace $0x90000055  }
0xb9: {  	s29 =	simm.s32 $0x9;
	_ =	strace $0x80000057  }
0xba: {  	_ =	swait.ge [sflag:s29], $0x1  }
0xbb: {  	[sflag:s29] =	ssyncadd.s32 $0xFFFFFFFF  }
0xbc: {  	_ =	strace $0x90000057  }
0xbd: {  	_ =	sfence  }
0xbe: {  	s30 =	sld [smem:$0x0];
	_ =	sdelay $0x2  }
0xbf: {  	s31 =	sshll.u32 s1, $0xD;
	s1 =	sshrl.u32 s1, $0x2  }
0xc0: {  	s3 =	sand.u32 $0x4000, s31;
	s1 =	sadd.s32 s1, s30  }
0xc1: {  	s0 =	sor.u32 s3, s0;
	s1 =	sshll.u32 s1, $0x11  }
0xc2: {  	s0 =	sor.u32 s1, s0  }
0xc3: {  	s0 =	sadd.s32 $0x8F2B, s0  }
0xc4: {  	[sflag:s0] =	ssyncadd.remote.s32 $0x1  }
0xc5: {  	_ =	sfence.sel $0xFFFF  }
0xc6: {  	[dreg:$0x0] =	wrdreg $0xFFFFFFFF;
	(pc) =	sbr.abs _section_cstart, $3  }
0xc7: {  	[dreg:$0x1] =	wrdreg $0xFFFFFFFF  }
0xc8: {  	_ =	task.clear_ibuf [dreg:s7], $0x2FFFF;
	_ =	strace $0x9FFFFFFF  }
0xc9: {  	(tm) =	ssettm $0x7FFFFFFF  }
tec
execute0_lowered:
.L_overlay_start_1:
0x0: {  	(tag) =	ssettag $0x1  }
0x1: {  	s30 =	rddreg [dreg:$0x0]  }
0x2: {  	s1 =	rddreg [dreg:$0x1]  }
0x3: {  	s0 =	stileid.u32;
	s2 =	rddreg [dreg:$0x2]  }
0x4: {  	s3 =	simm.s32 $0x0;
	s5 =	srdreg.scid;
	s31 =	smul.u32 $0x4E20, s0  }
0x5: {  	[smem:$0x7FF] =	sst s3;
	s22 =	sshll.u32 s0, $0x1;
	s24 =	sshll.u32 s0, $0x6  }
0x6: {  	_ =	strace $0x80000056;
	s4 =	sshrl.u32 s31, $0x3;
	s23 =	sadd.s32 s31, s2  }
0x7: {  	s4 =	sadd.s32 s1, s4;
	s1 =	sand.u32 $0x1, s5;
	s5 =	sor.u32 $0x1C01, s24  }
0x8: {  	s6 =	sshrl.u32 s23, $0x3;
	[dreg:$0x4] =	wrdreg s4;
	s7 =	sor.u32 s1, s22  }
0x9: {  	s4 =	simm.s32 $0x1;
	s8 =	rddreg [dreg:$0x4];
	s9 =	smul.u32 $0xA0, s7  }
0xa: {  	[spmem:s6], [sflag:s5] =	dma.local [hbm:s8], $0x9C4  }
0xb: {  	_ =	swait.ge [sflag:s4], $0x9C4  }
0xc: {  	s25 =	sadd.s32 s9, s30;
	[sflag:s4] =	ssyncset.done $0x0  }
0xd: {  	s26 =	smul.u32 $0x1388, s7;
	s7 =	sadd.s32 $0x12A600, s25;
	[sflag:s4] =	ssyncadd.s32 $0xFFFFF63C  }
0xe: {  	[tilespmem:s3], [sflag:$0x1] =	stream.linear.gather [hbm4b:s7+s3], $0x500, $0x38;
	[tilespmem:$0xEF60] =	vst v63  }
0xf: {  	_ =	swait.ge [sflag:s4], $0x500  }
0x10: {  	s0 =	sadd.s32 s26, s30;
	[sflag:s4] =	ssyncset.done $0x0  }
0x11: {  	s9 =	simm.s32 $0x500;
	s8 =	sadd.s32 $0x4000, s0;
	[sflag:s4] =	ssyncadd.s32 $0xFFFFFB00  }
0x12: {  	[tilespmem:s9], [sflag:$0x1] =	stream.linear.gather [hbm4b:s8+s3], $0x9C40, $0x38;
	[tilespmem:$0xEF60] =	vst v63  }
0x13: {  	_ =	swait.ge [sflag:s4], $0x9C40  }
0x14: {  	[sflag:s4] =	ssyncset.done $0x0  }
0x15: {  	[sflag:s4] =	ssyncadd.s32 $0xFFFF63C0  }
0x16: {  	s10 =	simm.s32 $0x7D;
	[bflag:$0x0] =	sbarrier.arrive $0xFFFF  }
0x17: {  	[spmem:s2] =	stream.indirect.scatter.add.f32 [tilespmem:s9], [sflag:$0x1], $0x20, s3, s10, $0xb8;
	[tilespmem:$0xEF60] =	vst v63  }
0x18: {  	_ =	swait.ge [sflag:s4], $0xFA0  }
0x19: {  	[sflag:s4] =	ssyncset.done $0x0  }
0x1a: {  	s11 =	simm.s32 $0x80;
	s12 =	simm.s32 $0x14A0;
	[sflag:s4] =	ssyncadd.s32 $0xFFFFF060  }
0x1b: {  	[spmem:s2] =	stream.indirect.scatter.add.f32 [tilespmem:s12], [sflag:$0x1], $0x20, s11, s10, $0xb8;
	[tilespmem:$0xEF60] =	vst v63  }
0x1c: {  	_ =	swait.ge [sflag:s4], $0xFA0  }
0x1d: {  	[sflag:s4] =	ssyncset.done $0x0  }
0x1e: {  	s13 =	simm.s32 $0x100;
	s14 =	simm.s32 $0x2440;
	[sflag:s4] =	ssyncadd.s32 $0xFFFFF060  }
0x1f: {  	[spmem:s2] =	stream.indirect.scatter.add.f32 [tilespmem:s14], [sflag:$0x1], $0x20, s13, s10, $0xb8;
	[tilespmem:$0xEF60] =	vst v63  }
0x20: {  	_ =	swait.ge [sflag:s4], $0xFA0  }
0x21: {  	[sflag:s4] =	ssyncset.done $0x0  }
0x22: {  	s15 =	simm.s32 $0x180;
	s16 =	simm.s32 $0x33E0;
	[sflag:s4] =	ssyncadd.s32 $0xFFFFF060  }
0x23: {  	[spmem:s2] =	stream.indirect.scatter.add.f32 [tilespmem:s16], [sflag:$0x1], $0x20, s15, s10, $0xb8;
	[tilespmem:$0xEF60] =	vst v63  }
0x24: {  	_ =	swait.ge [sflag:s4], $0xFA0  }
0x25: {  	[sflag:s4] =	ssyncset.done $0x0  }
0x26: {  	s17 =	simm.s32 $0x200;
	s18 =	simm.s32 $0x4380;
	[sflag:s4] =	ssyncadd.s32 $0xFFFFF060  }
0x27: {  	[spmem:s2] =	stream.indirect.scatter.add.f32 [tilespmem:s18], [sflag:$0x1], $0x20, s17, s10, $0xb8;
	[tilespmem:$0xEF60] =	vst v63  }
0x28: {  	_ =	swait.ge [sflag:s4], $0xFA0  }
0x29: {  	[sflag:s4] =	ssyncset.done $0x0  }
0x2a: {  	s19 =	simm.s32 $0x280;
	s20 =	simm.s32 $0x5320;
	[sflag:s4] =	ssyncadd.s32 $0xFFFFF060  }
0x2b: {  	[spmem:s2] =	stream.indirect.scatter.add.f32 [tilespmem:s20], [sflag:$0x1], $0x20, s19, s10, $0xb8;
	[tilespmem:$0xEF60] =	vst v63  }
0x2c: {  	_ =	swait.ge [sflag:s4], $0xFA0  }
0x2d: {  	[sflag:s4] =	ssyncset.done $0x0  }
0x2e: {  	s21 =	simm.s32 $0x300;
	s22 =	simm.s32 $0x62C0;
	[sflag:s4] =	ssyncadd.s32 $0xFFFFF060  }
0x2f: {  	[spmem:s2] =	stream.indirect.scatter.add.f32 [tilespmem:s22], [sflag:$0x1], $0x20, s21, s10, $0xb8;
	[tilespmem:$0xEF60] =	vst v63  }
0x30: {  	_ =	swait.ge [sflag:s4], $0xFA0  }
0x31: {  	[sflag:s4] =	ssyncset.done $0x0  }
0x32: {  	s23 =	simm.s32 $0x380;
	s24 =	simm.s32 $0x7260;
	[sflag:s4] =	ssyncadd.s32 $0xFFFFF060  }
0x33: {  	[spmem:s2] =	stream.indirect.scatter.add.f32 [tilespmem:s24], [sflag:$0x1], $0x20, s23, s10, $0xb8;
	[tilespmem:$0xEF60] =	vst v63  }
0x34: {  	_ =	swait.ge [sflag:s4], $0xFA0  }
0x35: {  	s26 =	simm.s32 $0x8200;
	s25 =	simm.s32 $0x400;
	[sflag:s4] =	ssyncset.done $0x0  }
0x36: {  	s0 =	smul.u32 $0x4E200, s1;
	s1 =	ssub.s32 $0x2, s1;
	[sflag:s4] =	ssyncadd.s32 $0xFFFFF060  }
0x37: {  	[spmem:s2] =	stream.indirect.scatter.add.f32 [tilespmem:s26], [sflag:$0x1], $0x20, s25, s10, $0xb8;
	[tilespmem:$0xEF60] =	vst v63  }
0x38: {  	s0 =	sadd.s32 s31, s0;
	s31 =	sshrl.u32 s1, $0x1;
	_ =	swait.ge [sflag:s4], $0xFA0  }
0x39: {  	s28 =	simm.s32 $0x480;
	s1 =	ssub.s32 s1, s31;
	[sflag:s4] =	ssyncset.done $0x0  }
0x3a: {  	s29 =	simm.s32 $0x91A0;
	s1 =	smax.u32 s1, $0x1;
	[sflag:s4] =	ssyncadd.s32 $0xFFFFF060  }
0x3b: {  	[spmem:s2] =	stream.indirect.scatter.add.f32 [tilespmem:s29], [sflag:$0x1], $0x20, s28, s10, $0xb8;
	[tilespmem:$0xEF60] =	vst v63  }
0x3c: {  	p0 =	sne.s32 s1, $0x1;
	_ =	swait.ge [sflag:s4], $0xFA0  }
.Ltmp0:
0x3d: {  	s0 =	sshrl.u32 s0, $0x3;
	[sflag:s4] =	ssyncset.done $0x0;
	(pc) =	sbr.rel @!p0 .LBB2_2-.Ltmp0, $4  }
0x3e: {  	s0 =	sadd.s32 s0, s30;
	[sflag:s4] =	ssyncadd.s32 $0xFFFFF060  }
0x3f: {  	s30 =	sadd.s32 $0x2B200, s0;
	[bflag:$0x0] =	sbarrier.arrive $0xFFFF  }
0x40: {  	[hbm:s30], [sflag:s5] =	dma.local [spmem:s6], $0x9C4  }
0x41: {  	s31 =	sadd.s32 $0xFFFFFFFF, s1;
	_ =	swait.ge [sflag:s4], $0x9C4  }
.LBB2_1:
0x42: {  	[sflag:s4] =	ssyncset.done $0x0  }
0x43: {  	s0 =	rddreg [dreg:$0x4];
	[sflag:s4] =	ssyncadd.s32 $0xFFFFF63C  }
0x44: {  	[spmem:s6], [sflag:s5] =	dma.local [hbm:s0], $0x9C4  }
0x45: {  	_ =	swait.ge [sflag:s4], $0x9C4  }
0x46: {  	[sflag:s4] =	ssyncset.done $0x0  }
0x47: {  	[sflag:s4] =	ssyncadd.s32 $0xFFFFF63C  }
0x48: {  	[tilespmem:s3], [sflag:$0x1] =	stream.linear.gather [hbm4b:s7+s3], $0x500, $0x38;
	[tilespmem:$0xEF60] =	vst v63  }
0x49: {  	_ =	swait.ge [sflag:s4], $0x500  }
0x4a: {  	[sflag:s4] =	ssyncset.done $0x0  }
0x4b: {  	[sflag:s4] =	ssyncadd.s32 $0xFFFFFB00  }
0x4c: {  	[tilespmem:s9], [sflag:$0x1] =	stream.linear.gather [hbm4b:s8+s3], $0x9C40, $0x38;
	[tilespmem:$0xEF60] =	vst v63  }
0x4d: {  	_ =	swait.ge [sflag:s4], $0x9C40  }
0x4e: {  	[sflag:s4] =	ssyncset.done $0x0  }
0x4f: {  	[sflag:s4] =	ssyncadd.s32 $0xFFFF63C0  }
0x50: {  	[bflag:$0x0] =	sbarrier.arrive $0xFFFF  }
0x51: {  	[spmem:s2] =	stream.indirect.scatter.add.f32 [tilespmem:s9], [sflag:$0x1], $0x20, s3, s10, $0xb8;
	[tilespmem:$0xEF60] =	vst v63  }
0x52: {  	_ =	swait.ge [sflag:s4], $0xFA0  }
0x53: {  	[sflag:s4] =	ssyncset.done $0x0  }
0x54: {  	[sflag:s4] =	ssyncadd.s32 $0xFFFFF060  }
0x55: {  	[spmem:s2] =	stream.indirect.scatter.add.f32 [tilespmem:s12], [sflag:$0x1], $0x20, s11, s10, $0xb8;
	[tilespmem:$0xEF60] =	vst v63  }
0x56: {  	_ =	swait.ge [sflag:s4], $0xFA0  }
0x57: {  	[sflag:s4] =	ssyncset.done $0x0  }
0x58: {  	[sflag:s4] =	ssyncadd.s32 $0xFFFFF060  }
0x59: {  	[spmem:s2] =	stream.indirect.scatter.add.f32 [tilespmem:s14], [sflag:$0x1], $0x20, s13, s10, $0xb8;
	[tilespmem:$0xEF60] =	vst v63  }
0x5a: {  	_ =	swait.ge [sflag:s4], $0xFA0  }
0x5b: {  	[sflag:s4] =	ssyncset.done $0x0  }
0x5c: {  	[sflag:s4] =	ssyncadd.s32 $0xFFFFF060  }
0x5d: {  	[spmem:s2] =	stream.indirect.scatter.add.f32 [tilespmem:s16], [sflag:$0x1], $0x20, s15, s10, $0xb8;
	[tilespmem:$0xEF60] =	vst v63  }
0x5e: {  	_ =	swait.ge [sflag:s4], $0xFA0  }
0x5f: {  	[sflag:s4] =	ssyncset.done $0x0  }
0x60: {  	[sflag:s4] =	ssyncadd.s32 $0xFFFFF060  }
0x61: {  	[spmem:s2] =	stream.indirect.scatter.add.f32 [tilespmem:s18], [sflag:$0x1], $0x20, s17, s10, $0xb8;
	[tilespmem:$0xEF60] =	vst v63  }
0x62: {  	_ =	swait.ge [sflag:s4], $0xFA0  }
0x63: {  	[sflag:s4] =	ssyncset.done $0x0  }
0x64: {  	[sflag:s4] =	ssyncadd.s32 $0xFFFFF060  }
0x65: {  	[spmem:s2] =	stream.indirect.scatter.add.f32 [tilespmem:s20], [sflag:$0x1], $0x20, s19, s10, $0xb8;
	[tilespmem:$0xEF60] =	vst v63  }
0x66: {  	_ =	swait.ge [sflag:s4], $0xFA0  }
0x67: {  	[sflag:s4] =	ssyncset.done $0x0  }
0x68: {  	[sflag:s4] =	ssyncadd.s32 $0xFFFFF060  }
0x69: {  	[spmem:s2] =	stream.indirect.scatter.add.f32 [tilespmem:s22], [sflag:$0x1], $0x20, s21, s10, $0xb8;
	[tilespmem:$0xEF60] =	vst v63  }
0x6a: {  	_ =	swait.ge [sflag:s4], $0xFA0  }
0x6b: {  	[sflag:s4] =	ssyncset.done $0x0  }
0x6c: {  	[sflag:s4] =	ssyncadd.s32 $0xFFFFF060  }
0x6d: {  	[spmem:s2] =	stream.indirect.scatter.add.f32 [tilespmem:s24], [sflag:$0x1], $0x20, s23, s10, $0xb8;
	[tilespmem:$0xEF60] =	vst v63  }
0x6e: {  	_ =	swait.ge [sflag:s4], $0xFA0  }
0x6f: {  	[sflag:s4] =	ssyncset.done $0x0  }
0x70: {  	[sflag:s4] =	ssyncadd.s32 $0xFFFFF060  }
0x71: {  	[spmem:s2] =	stream.indirect.scatter.add.f32 [tilespmem:s26], [sflag:$0x1], $0x20, s25, s10, $0xb8;
	[tilespmem:$0xEF60] =	vst v63  }
0x72: {  	_ =	swait.ge [sflag:s4], $0xFA0  }
0x73: {  	[sflag:s4] =	ssyncset.done $0x0  }
0x74: {  	[sflag:s4] =	ssyncadd.s32 $0xFFFFF060  }
0x75: {  	[spmem:s2] =	stream.indirect.scatter.add.f32 [tilespmem:s29], [sflag:$0x1], $0x20, s28, s10, $0xb8;
	[tilespmem:$0xEF60] =	vst v63  }
0x76: {  	p0 =	sne.s32 s31, $0x1;
	_ =	swait.ge [sflag:s4], $0xFA0  }
.Ltmp1:
0x77: {  	[sflag:s4] =	ssyncset.done $0x0;
	(pc) =	sbr.rel @p0 .LBB2_1-.Ltmp1, $4  }
0x78: {  	[sflag:s4] =	ssyncadd.s32 $0xFFFFF060  }
0x79: {  	[bflag:$0x0] =	sbarrier.arrive $0xFFFF  }
0x7a: {  	[hbm:s30], [sflag:s5] =	dma.local [spmem:s6], $0x9C4  }
0x7b: {  	s31 =	sadd.s32 $0xFFFFFFFF, s31;
	_ =	swait.ge [sflag:s4], $0x9C4  }
.LBB2_2:
0x7c: {  	[sflag:s4] =	ssyncset.done $0x0  }
0x7d: {  	[sflag:s4] =	ssyncadd.s32 $0xFFFFF63C  }
0x7e: {  	_ =	sfence.sel $0x180000  }
0x7f: {  	[bflag:$0x0] =	sbarrier.arrive $0xFFFF  }
0x80: {  	_ =	strace $0x90000056  }
0x81: {  	s0 =	stileid.u32;
	[bflag:$0x2] =	sbarrier.arrive $0xFFFF  }
0x82: {  	p0 =	sne.s32 s0, $0x0;
	s0 =	rddreg [dreg:$0x3]  }
0x83: {  	s0 =	sadd.s32 @!p0 $0x100000, s0  }
0x84: {  	[sflag:s0] =	ssyncadd.tile.s32 @!p0 $0x1;
	_ =	shalt  }
.Lfunc_end2:
_tile_overlayer_lowered:
.L_overlay_start_2:
0x85: {  	(tag) =	ssettag $0x2  }
0x86: {  	s0 =	rddreg [dreg:$0x0];
	s2 =	stileid.u32  }
0x87: {  	s1 =	rddreg [dreg:$0x1];
	p0 =	sne.s32 s2, $0x0  }
0x88: {  	s3 =	rddreg [dreg:$0x2];
	[bflag:$0x3] =	sbarrier.arrive $0xFFFF;
	s2 =	simm.s32 @!p0 $0x1C01  }
0x89: {  	[timem:s3], [sflag:s2] =	dma.local @!p0 [hbm:s0], s1  }
0x8a: {  	s0 =	simm.s32 @!p0 $0x1  }
0x8b: {  	_ =	swait.ge @!p0 [sflag:s0], s1  }
0x8c: {  	s1 =	ssub.s32 @!p0 $0x0, s1;
	[sflag:s0] =	ssyncset.done @!p0 $0x0  }
0x8d: {  	[sflag:s0] =	ssyncadd.s32 @!p0 s1  }
0x8e: {  	[bflag:$0x3] =	sbarrier.arrive $0xFFFF  }
0x8f: {  	_ =	shalt  }

// kernel: kernel.34.cloned.1.call-start
scs
__scs_entry_jumppad:
0x0: {  	(pc) =	sbr.rel $0x88, $3  }
0x1: {  	(tag) =	ssettag $0x0;
	lr =	simm.s32 $0x1  }
0x2: {  	[smem:$0x3F8F] =	sst lr;
	_ =	strace $0xD0000000  }
0x3: {  	_ = 	snop  }
0x4: {  	_ = 	snop  }
0x5: {  	_ = 	snop  }
0x6: {  	_ = 	snop  }
0x7: {  	_ = 	snop  }
__scs_overlays_trampoline_lowered:
0x8: {  	[smem:$0x3F9E] =	sst s0  }
0x9: {  	[smem:$0x3F9F] =	sst s1  }
0xa: {  	[smem:$0x3FA0] =	sst s2  }
0xb: {  	[smem:$0x3FA1] =	sst s3  }
0xc: {  	[smem:$0x3FA2] =	sst s4  }
0xd: {  	[smem:$0x3FA3] =	sst s5  }
0xe: {  	[smem:$0x3FA4] =	sst s6  }
0xf: {  	[smem:$0x3FA5] =	sst s7  }
0x10: {  	[smem:$0x3FA6] =	sst s8  }
0x11: {  	[smem:$0x3FA7] =	sst s9;
	s0 =	simm.s32 @!p0 $0x0  }
0x12: {  	s1 =	sld [smem:$0x3F8D];
	s0 =	simm.s32 @p0 $0x1  }
0x13: {  	[smem:$0x3FA8] =	sst s0;
	s0 =	simm.s32 @!p1 $0x0  }
0x14: {  	s2 =	sld [smem:$0x3F8C];
	s0 =	simm.s32 @p1 $0x1  }
0x15: {  	[smem:$0x3FA9] =	sst s0;
	s0 =	simm.s32 @!p2 $0x0  }
0x16: {  	s3 =	sld [smem:$0x3FDB];
	s0 =	simm.s32 @p2 $0x1  }
0x17: {  	s4 =	simm.s32 $0x1BF5;
	[smem:$0x3FAB] =	sst s0  }
0x18: {  	s0 =	sld [smem:$0x3F8E];
	_ =	swait.ge [sflag:s4], $0x0  }
0x19: {  	s7 =	sld [smem:$0x3F8F]  }
0x1a: {  	s8 =	sadd.s32 $0xFFFFE003, lr  }
0x1b: {  	s9 =	sadd.s32 $0xFFFFFEF7, lr;
	s5 =	simm.s32 $0xFFFFFFFF;
	p2 =	slt.u32 s8, $0xFFFFF086  }
0x1c: {  	p1 =	slt.u32 s9, $0xF7A;
	s5 =	simm.s32 @!p2 $0x0  }
0x1d: {  	s5 =	simm.s32 @p1 $0x1;
	p0 =	seq.s32 s7, s2  }
0x1e: {  	s7 =	smul.u32 @!p0 $0xF7A, s2;
	p2 =	seq.s32 @!p0 s5, $0x0  }
0x1f: {  	s9 =	smul.u32 $0xF7A, s1;
	s8 =	simm.s32 @!p0 $0x1BF5;
	p2 =	por !p2, p0  }
0x20: {  	[sflag:s8] =	ssyncset.s32 @!p0 $0xFFFFF086;
	s6 =	sadd.s32 @!p0 s3, s7;
	s7 =	simm.s32 @!p0 $0x108  }
0x21: {  	s3 =	sadd.s32 s3, s9;
	s6 =	sadd.s32 @!p0 $0x88, s6;
	s7 =	simm.s32 @p2 $0x1082  }
0x22: {  	[simem:s7], [sflag:s8] =	dma.local @!p0 [hbm:s6], $0xF7A  }
0x23: {  	s9 =	sor.u32 $0xD0000000, s2;
	s6 =	simm.s32 $0x108;
	_ =	swait.ge @!p0 [sflag:s8], $0x0  }
0x24: {  	s3 =	sadd.s32 $0x88, s3;
	s6 =	simm.s32 @!p1 $0x1082;
	[sflag:s4] =	ssyncset.s32 $0xFFFFF086  }
0x25: {  	[simem:s6], [sflag:s4] =	dma.local [hbm:s3], $0xF7A  }
0x26: {  	[smem:$0x3F8F] =	sst s1;
	(tag) =	ssettag s2;
	_ =	strace s9  }
0x27: {  	s1 =	sld [smem:$0x3F9F]  }
0x28: {  	s2 =	sld [smem:$0x3FA0]  }
0x29: {  	s4 =	sld [smem:$0x3FA2]  }
0x2a: {  	p0 =	seq.s32 s5, $0x0;
	s5 =	sld [smem:$0x3FA3]  }
0x2b: {  	s6 =	sld [smem:$0x3FA4]  }
0x2c: {  	s7 =	sld [smem:$0x3FA5]  }
0x2d: {  	s3 =	simm.s32 $0x108;
	s8 =	sld [smem:$0x3FA6]  }
0x2e: {  	s3 =	simm.s32 @!p0 $0x1082;
	s9 =	sld [smem:$0x3FA7]  }
0x2f: {  	lr =	sadd.s32 s0, s3;
	s0 =	sld [smem:$0x3F9E]  }
0x30: {  	s3 =	sld [smem:$0x3FA1]  }
0x31: {  	[smem:$0x3FAA] =	sst s10  }
0x32: {  	s10 =	sld [smem:$0x3FA8];
	_ =	sdelay $0x3  }
0x33: {  	p0 =	seq.s32 s10, $0x1;
	s10 =	sld [smem:$0x3FAA];
	_ =	sdelay $0x3  }
0x34: {  	[smem:$0x3FAA] =	sst s10  }
0x35: {  	s10 =	sld [smem:$0x3FA9];
	_ =	sdelay $0x3  }
0x36: {  	p1 =	seq.s32 s10, $0x1;
	s10 =	sld [smem:$0x3FAA];
	_ =	sdelay $0x3  }
0x37: {  	[smem:$0x3FAA] =	sst s10  }
0x38: {  	s10 =	sld [smem:$0x3FAB]  }
0x39: {  	_ = 	snop;
	(pc) =	sbr.ind lr, $3  }
0x3a: {  	_ = 	snop  }
0x3b: {  	_ = 	snop  }
0x3c: {  	p2 =	seq.s32 s10, $0x1;
	s10 =	sld [smem:$0x3FAA]  }
0x3d: {  	_ =	shalt  }
0x3e: {  	_ =	shalt  }
0x3f: {  	_ =	shalt  }
0x40: {  	_ =	shalt  }
0x41: {  	_ =	shalt  }
0x42: {  	_ =	shalt  }
0x43: {  	_ =	shalt  }
0x44: {  	_ =	shalt  }
0x45: {  	_ =	shalt  }
0x46: {  	_ =	shalt  }
0x47: {  	_ =	shalt  }
0x48: {  	_ =	shalt  }
0x49: {  	_ =	shalt  }
0x4a: {  	_ =	shalt  }
0x4b: {  	_ =	shalt  }
0x4c: {  	_ =	shalt  }
0x4d: {  	_ =	shalt  }
0x4e: {  	_ =	shalt  }
0x4f: {  	_ =	shalt  }
0x50: {  	_ =	shalt  }
0x51: {  	_ =	shalt  }
0x52: {  	_ =	shalt  }
0x53: {  	_ =	shalt  }
0x54: {  	_ =	shalt  }
0x55: {  	_ =	shalt  }
0x56: {  	_ =	shalt  }
0x57: {  	_ =	shalt  }
0x58: {  	_ =	shalt  }
0x59: {  	_ =	shalt  }
0x5a: {  	_ =	shalt  }
0x5b: {  	_ =	shalt  }
0x5c: {  	_ =	shalt  }
0x5d: {  	_ =	shalt  }
0x5e: {  	_ =	shalt  }
0x5f: {  	_ =	shalt  }
0x60: {  	_ =	shalt  }
0x61: {  	_ =	shalt  }
0x62: {  	_ =	shalt  }
0x63: {  	_ =	shalt  }
0x64: {  	_ =	shalt  }
0x65: {  	_ =	shalt  }
0x66: {  	_ =	shalt  }
0x67: {  	_ =	shalt  }
0x68: {  	_ =	shalt  }
0x69: {  	_ =	shalt  }
0x6a: {  	_ =	shalt  }
0x6b: {  	_ =	shalt  }
0x6c: {  	_ =	shalt  }
0x6d: {  	_ =	shalt  }
0x6e: {  	_ =	shalt  }
0x6f: {  	_ =	shalt  }
0x70: {  	_ =	shalt  }
0x71: {  	_ =	shalt  }
0x72: {  	_ =	shalt  }
0x73: {  	_ =	shalt  }
0x74: {  	_ =	shalt  }
0x75: {  	_ =	shalt  }
0x76: {  	_ =	shalt  }
0x77: {  	_ =	shalt  }
0x78: {  	_ =	shalt  }
0x79: {  	_ =	shalt  }
0x7a: {  	_ =	shalt  }
0x7b: {  	_ =	shalt  }
0x7c: {  	_ =	shalt  }
0x7d: {  	_ =	shalt  }
0x7e: {  	_ =	shalt  }
0x7f: {  	_ =	shalt  }
0x80: {  	_ =	shalt  }
0x81: {  	_ =	shalt  }
0x82: {  	_ =	shalt  }
0x83: {  	_ =	shalt  }
0x84: {  	_ =	shalt  }
0x85: {  	_ =	shalt  }
0x86: {  	_ =	shalt  }
0x87: {  	_ =	shalt  }
.Lfunc_end0:
.L_simem_size_0:
called_computation.6_lowered:
.L_overlay_start_0:
0x88: {  	s2 =	sld [smem:$0x3FD9]  }
0x89: {  	s3 =	sld [smem:$0x3FFE];
	_ =	sdelay $0x1  }
0x8a: {  	s1 =	srdreg.scid  }
0x8b: {  	s0 =	sand.u32 $0x1, s1  }
0x8c: {  	s16 =	sshll.u32 s0, $0xA;
	s2 =	sadd.s32 s3, s2  }
0x8d: {  	s2 =	sadd.s32 s2, s16  }
0x8e: {  	[smem:$0x3FB6] =	sst s2  }
0x8f: {  	_ = 	snop  }
0x90: {  	(tm) =	ssettm $0x1  }
0x91: {  	s17 =	sld [smem:$0x3FFB];
	_ =	sdelay $0x3  }
0x92: {  	_ =	strace s17  }
0x93: {  	s2 =	sld [smem:$0x3FFC];
	_ =	sdelay $0x3  }
0x94: {  	_ =	strace s2  }
0x95: {  	s2 =	sld [smem:$0x3FFD];
	_ =	sdelay $0x3  }
0x96: {  	_ =	strace s2  }
0x97: {  	_ =	strace $0x8FFFFFFF  }
0x98: {  	s18 =	sld [smem:$0x3FDB];
	_ =	sdelay $0x1  }
0x99: {  	s19 =	simm.s32 $_scs_section_size  }
0x9a: {  	s4 =	simm.s32 $_size__tile_overlayer_lowered;
	s5 =	simm.s32 $_tile_overlayer_lowered  }
0x9b: {  	s22 =	simm.s32 $0x1BFF;
	s21 =	sshll.u32 s5, $0x1;
	s2 =	sadd.s32 s19, s18  }
0x9c: {  	s6 =	simm.s32 $0x0;
	s20 =	sshll.u32 s4, $0x1;
	s4 =	sadd.s32 s21, s2  }
0x9d: {  	[timem:s6], [sflag:s22] =	dma.local [hbm:s4], s20  }
0x9e: {  	_ =	swait.ge [sflag:s22], s20  }
0x9f: {  	s3 =	ssub.s32 $0x0, s20;
	[sflag:s22] =	ssyncset.done $0x0  }
0xa0: {  	[sflag:s22] =	ssyncadd.s32 s3;
	_ =	sdelay $0x1  }
0xa1: {  	s23 =	simm.s32 $0x1B8B  }
0xa2: {  	_ =	swait.ge [sflag:s23], $0x1  }
0xa3: {  	[sflag:s23] =	ssyncset.done $0x0  }
0xa4: {  	s25 =	simm.s32 $0x1B8E;
	s24 =	sld [smem:$0x3FFE];
	[sflag:s23] =	ssyncadd.s32 $0xFFFFFFFF  }
0xa5: {  	s26 =	simm.s32 $execute0_lowered;
	[smem:$0x3FD2] =	sst s25  }
0xa6: {  	s4 =	sshll.u32 s26, $0x1;
	_ =	strace $0x80000058;
	[dreg:$0x1] =	wrdreg $0xFFFFFFFF  }
0xa7: {  	s28 =	simm.s32 $_size_execute0_lowered;
	s2 =	sadd.s32 s2, s4;
	[dreg:$0x0] =	wrdreg $0x0  }
0xa8: {  	s4 =	sshll.u32 s28, $0x1;
	[dreg:$0x2] =	wrdreg s2  }
0xa9: {  	[dreg:$0x3] =	wrdreg s4  }
0xaa: {  	[dreg:$0x4] =	wrdreg $0xC0  }
0xab: {  	_ =	task [dreg:s6], $0x5FFFF  }
0xac: {  	[dreg:$0x1] =	wrdreg $0xFFFFFFFF  }
0xad: {  	[dreg:$0x0] =	wrdreg $0x60  }
0xae: {  	[dreg:$0x2] =	wrdreg s24  }
0xaf: {  	[dreg:$0x3] =	wrdreg $0x49800  }
0xb0: {  	[dreg:$0x4] =	wrdreg $0x9  }
0xb1: {  	_ =	task.clear_ibuf [dreg:s6], $0x5FFFF;
	_ =	strace $0x90000058  }
0xb2: {  	s29 =	simm.s32 $0x9;
	_ =	strace $0x8000005A  }
0xb3: {  	_ =	swait.ge [sflag:s29], $0x1  }
0xb4: {  	[sflag:s29] =	ssyncadd.s32 $0xFFFFFFFF  }
0xb5: {  	_ =	strace $0x9000005A  }
0xb6: {  	_ =	sfence  }
0xb7: {  	s30 =	sld [smem:$0x0];
	_ =	sdelay $0x2  }
0xb8: {  	s31 =	sshll.u32 s1, $0xD;
	s1 =	sshrl.u32 s1, $0x2  }
0xb9: {  	s3 =	sand.u32 $0x4000, s31;
	s1 =	sadd.s32 s1, s30  }
0xba: {  	s0 =	sor.u32 s3, s0;
	s1 =	sshll.u32 s1, $0x11  }
0xbb: {  	s0 =	sor.u32 s1, s0  }
0xbc: {  	s0 =	sadd.s32 $0x8F2B, s0  }
0xbd: {  	[sflag:s0] =	ssyncadd.remote.s32 $0x1  }
0xbe: {  	_ =	sfence.sel $0xFFFF  }
0xbf: {  	[dreg:$0x0] =	wrdreg $0xFFFFFFFF;
	(pc) =	sbr.abs _section_cstart, $3  }
0xc0: {  	[dreg:$0x1] =	wrdreg $0xFFFFFFFF  }
0xc1: {  	_ =	task.clear_ibuf [dreg:s6], $0x2FFFF;
	_ =	strace $0x9FFFFFFF  }
0xc2: {  	(tm) =	ssettm $0x7FFFFFFF  }
0xc3: {  	_ =	shalt  }
tec
execute0_lowered:
.L_overlay_start_1:
0x0: {  	(tag) =	ssettag $0x1  }
0x1: {  	s15 =	rddreg [dreg:$0x0]  }
0x2: {  	s2 =	rddreg [dreg:$0x1]  }
0x3: {  	s0 =	rddreg [dreg:$0x2]  }
0x4: {  	s1 =	stileid.u32;
	s4 =	srdreg.scid;
	s3 =	simm.s32 $0x0  }
0x5: {  	s16 =	smul.u32 $0x600, s1;
	s17 =	sand.u32 $0x1, s4;
	s26 =	sshll.u32 s1, $0x1  }
0x6: {  	[smem:$0x7FF] =	sst s3;
	s5 =	sshll.u32 s1, $0x6;
	s8 =	sor.u32 s17, s26  }
0x7: {  	_ =	strace $0x80000059;
	s5 =	sor.u32 $0x1C01, s5;
	s28 =	sshrl.u32 s16, $0x3  }
0x8: {  	s9 =	smul.u32 $0x30, s8;
	s6 =	sadd.s32 s16, s2;
	s4 =	sadd.s32 s28, s15  }
0x9: {  	s7 =	sshrl.u32 s6, $0x3;
	s6 =	simm.s32 $0x1;
	s4 =	sadd.s32 $0x12C00, s4  }
0xa: {  	[spmem:s7], [sflag:s5] =	dma.local [hbm:s4], $0xC0  }
0xb: {  	_ =	swait.ge [sflag:s6], $0xC0  }
0xc: {  	s9 =	sadd.s32 s9, s15;
	[sflag:s6] =	ssyncset.done $0x0  }
0xd: {  	s10 =	smul.u32 $0x756, s8;
	s8 =	sadd.s32 $0x3EC00, s9;
	[sflag:s6] =	ssyncadd.s32 $0xFFFFFF40  }
0xe: {  	[tilespmem:s3], [sflag:$0x1] =	stream.linear.gather [hbm4b:s8+s3], $0x180, $0x38;
	[tilespmem:$0x4F80] =	vst v63  }
0xf: {  	_ =	swait.ge [sflag:s6], $0x180  }
0x10: {  	s29 =	sadd.s32 s10, s15;
	[sflag:s6] =	ssyncset.done $0x0  }
0x11: {  	s10 =	simm.s32 $0x180;
	s9 =	sadd.s32 $0x4000, s29;
	[sflag:s6] =	ssyncadd.s32 $0xFFFFFE80  }
0x12: {  	[tilespmem:s10], [sflag:$0x1] =	stream.linear.gather [hbm4b:s9+s3], $0x3AB0, $0x38;
	[tilespmem:$0x4F80] =	vst v63  }
0x13: {  	_ =	swait.ge [sflag:s6], $0x3AB0  }
0x14: {  	[sflag:s6] =	ssyncset.done $0x0  }
0x15: {  	[sflag:s6] =	ssyncadd.s32 $0xFFFFC550  }
0x16: {  	s11 =	simm.s32 $0x80;
	[bflag:$0x0] =	sbarrier.arrive $0xFFFF  }
0x17: {  	[spmem:s2] =	stream.indirect.scatter.add.f32 [tilespmem:s10], [sflag:$0x1], $0x30, s3, s11, $0xb8;
	[tilespmem:$0x4F80] =	vst v63  }
0x18: {  	_ =	swait.ge [sflag:s6], $0x1800  }
0x19: {  	s12 =	simm.s32 $0x1980;
	[sflag:s6] =	ssyncset.done $0x0  }
0x1a: {  	s13 =	simm.s32 $0x100;
	s18 =	smul.u32 $0x6000, s17;
	[sflag:s6] =	ssyncadd.s32 $0xFFFFE800  }
0x1b: {  	[spmem:s2] =	stream.indirect.scatter.add.f32 [tilespmem:s12], [sflag:$0x1], $0x30, s11, s11, $0xb8;
	[tilespmem:$0x4F80] =	vst v63  }
0x1c: {  	s14 =	simm.s32 $0x3180;
	s17 =	ssub.s32 $0x2, s17;
	_ =	swait.ge [sflag:s6], $0x1800  }
0x1d: {  	s30 =	sshrl.u32 s17, $0x1;
	s16 =	sadd.s32 s16, s18;
	[sflag:s6] =	ssyncset.done $0x0  }
0x1e: {  	s31 =	ssub.s32 s17, s30;
	s16 =	sshrl.u32 s16, $0x3;
	[sflag:s6] =	ssyncadd.s32 $0xFFFFE800  }
0x1f: {  	[spmem:s2] =	stream.indirect.scatter.add.f32 [tilespmem:s14], [sflag:$0x1], $0x30, s13, s11, $0xb8;
	[tilespmem:$0x4F80] =	vst v63  }
0x20: {  	s15 =	sadd.s32 s16, s15;
	s16 =	smax.u32 s31, $0x1;
	_ =	swait.ge [sflag:s6], $0x1800  }
0x21: {  	p0 =	sne.s32 s16, $0x1;
	[sflag:s6] =	ssyncset.done $0x0  }
.Ltmp0:
0x22: {  	[sflag:s6] =	ssyncadd.s32 $0xFFFFE800;
	(pc) =	sbr.rel @!p0 .LBB2_2-.Ltmp0, $4  }
0x23: {  	s15 =	sadd.s32 $0x13800, s15;
	[bflag:$0x0] =	sbarrier.arrive $0xFFFF  }
0x24: {  	[hbm:s15], [sflag:s5] =	dma.local [spmem:s7], $0xC0  }
0x25: {  	_ =	swait.ge [sflag:s6], $0xC0  }
0x26: {  	s16 =	sadd.s32 $0xFFFFFFFF, s16;
	[sflag:s6] =	ssyncset.done $0x0  }
.LBB2_1:
0x27: {  	p0 =	sne.s32 s16, $0x1;
	s16 =	sadd.s32 $0xFFFFFFFF, s16;
	[sflag:s6] =	ssyncadd.s32 $0xFFFFFF40  }
0x28: {  	[spmem:s7], [sflag:s5] =	dma.local [hbm:s4], $0xC0  }
0x29: {  	_ =	swait.ge [sflag:s6], $0xC0  }
0x2a: {  	[sflag:s6] =	ssyncset.done $0x0  }
0x2b: {  	[sflag:s6] =	ssyncadd.s32 $0xFFFFFF40  }
0x2c: {  	[tilespmem:s3], [sflag:$0x1] =	stream.linear.gather [hbm4b:s8+s3], $0x180, $0x38;
	[tilespmem:$0x4F80] =	vst v63  }
0x2d: {  	_ =	swait.ge [sflag:s6], $0x180  }
0x2e: {  	[sflag:s6] =	ssyncset.done $0x0  }
0x2f: {  	[sflag:s6] =	ssyncadd.s32 $0xFFFFFE80  }
0x30: {  	[tilespmem:s10], [sflag:$0x1] =	stream.linear.gather [hbm4b:s9+s3], $0x3AB0, $0x38;
	[tilespmem:$0x4F80] =	vst v63  }
0x31: {  	_ =	swait.ge [sflag:s6], $0x3AB0  }
0x32: {  	[sflag:s6] =	ssyncset.done $0x0  }
0x33: {  	[sflag:s6] =	ssyncadd.s32 $0xFFFFC550  }
0x34: {  	[bflag:$0x0] =	sbarrier.arrive $0xFFFF  }
0x35: {  	[spmem:s2] =	stream.indirect.scatter.add.f32 [tilespmem:s10], [sflag:$0x1], $0x30, s3, s11, $0xb8;
	[tilespmem:$0x4F80] =	vst v63  }
0x36: {  	_ =	swait.ge [sflag:s6], $0x1800  }
0x37: {  	[sflag:s6] =	ssyncset.done $0x0  }
0x38: {  	[sflag:s6] =	ssyncadd.s32 $0xFFFFE800  }
0x39: {  	[spmem:s2] =	stream.indirect.scatter.add.f32 [tilespmem:s12], [sflag:$0x1], $0x30, s11, s11, $0xb8;
	[tilespmem:$0x4F80] =	vst v63  }
0x3a: {  	_ =	swait.ge [sflag:s6], $0x1800  }
0x3b: {  	[sflag:s6] =	ssyncset.done $0x0  }
0x3c: {  	[sflag:s6] =	ssyncadd.s32 $0xFFFFE800  }
0x3d: {  	[spmem:s2] =	stream.indirect.scatter.add.f32 [tilespmem:s14], [sflag:$0x1], $0x30, s13, s11, $0xb8;
	[tilespmem:$0x4F80] =	vst v63  }
0x3e: {  	_ =	swait.ge [sflag:s6], $0x1800  }
0x3f: {  	[sflag:s6] =	ssyncset.done $0x0  }
.Ltmp1:
0x40: {  	[sflag:s6] =	ssyncadd.s32 $0xFFFFE800;
	(pc) =	sbr.rel @p0 .LBB2_1-.Ltmp1, $4  }
0x41: {  	[bflag:$0x0] =	sbarrier.arrive $0xFFFF  }
0x42: {  	[hbm:s15], [sflag:s5] =	dma.local [spmem:s7], $0xC0  }
0x43: {  	_ =	swait.ge [sflag:s6], $0xC0  }
0x44: {  	[sflag:s6] =	ssyncset.done $0x0  }
.LBB2_2:
0x45: {  	[sflag:s6] =	ssyncadd.s32 $0xFFFFFF40  }
0x46: {  	_ =	sfence.sel $0x180000  }
0x47: {  	[bflag:$0x0] =	sbarrier.arrive $0xFFFF  }
0x48: {  	p0 =	sne.s32 s1, $0x0;
	_ =	strace $0x90000059  }
0x49: {  	s0 =	sadd.s32 @!p0 $0x100000, s0;
	[bflag:$0x2] =	sbarrier.arrive $0xFFFF  }
0x4a: {  	[sflag:s0] =	ssyncadd.tile.s32 @!p0 $0x1;
	_ =	shalt  }
.Lfunc_end2:
_tile_overlayer_lowered:
.L_overlay_start_2:
0x4b: {  	(tag) =	ssettag $0x2  }
0x4c: {  	s0 =	rddreg [dreg:$0x0];
	s2 =	stileid.u32  }
0x4d: {  	s1 =	rddreg [dreg:$0x1];
	p0 =	sne.s32 s2, $0x0  }
0x4e: {  	s3 =	rddreg [dreg:$0x2];
	[bflag:$0x3] =	sbarrier.arrive $0xFFFF;
	s2 =	simm.s32 @!p0 $0x1C01  }
0x4f: {  	[timem:s3], [sflag:s2] =	dma.local @!p0 [hbm:s0], s1  }
0x50: {  	s0 =	simm.s32 @!p0 $0x1  }
0x51: {  	_ =	swait.ge @!p0 [sflag:s0], s1  }
0x52: {  	s1 =	ssub.s32 @!p0 $0x0, s1;
	[sflag:s0] =	ssyncset.done @!p0 $0x0  }
0x53: {  	[sflag:s0] =	ssyncadd.s32 @!p0 s1  }
0x54: {  	[bflag:$0x3] =	sbarrier.arrive $0xFFFF  }
0x55: {  	_ =	shalt  }

</sc_bundles>
